<compile_context>
chip_gen: v7x
topology: tpu7x:2x2x1
jax: 0.10.2.dev20260603
libtpu: 0.0.44.dev20260713+nightly
codegen_flags: <defaults>
</compile_context>

<pallas_src>
import functools

import jax
import jax.numpy as jnp
from jax import lax
from jax.experimental import pallas as pl
from jax.experimental.pallas import tpu as pltpu
from jax.experimental.pallas import tpu_sc as plsc

N = 10000
E = 320000
NS = 16
K = 80
NCH = E // (NS * K)
ROWS_A = 624
TAIL = N - NS * ROWS_A


def _make_propagate(fsc, nbuf):
    mesh = plsc.VectorSubcoreMesh(core_axis_name="c", subcore_axis_name="s")

    @functools.partial(
        pl.kernel,
        mesh=mesh,
        compiler_params=pltpu.CompilerParams(use_tc_tiling_on_sc=False),
        out_type=jax.ShapeDtypeStruct((2 * N, fsc), jnp.float32),
        scratch_types=[
            pltpu.VMEM((NCH, K), jnp.int32),
            pltpu.VMEM((NCH, K), jnp.int32),
        ]
        + [pltpu.VMEM((K, fsc), jnp.float32) for _ in range(nbuf)]
        + [pltpu.VMEM_SHARED((N, fsc), jnp.float32)]
        + [pltpu.SemaphoreType.DMA for _ in range(nbuf)],
    )
    def prop(z_hbm, gsrc_hbm, gdst_hbm, out_hbm, src_v, dst_v, *rest):
        bufs = rest[:nbuf]
        acc = rest[nbuf]
        sems = rest[nbuf + 1:]
        c = lax.axis_index("c")
        s = lax.axis_index("s")
        pltpu.sync_copy(gsrc_hbm.at[s], src_v)
        pltpu.sync_copy(gdst_hbm.at[s], dst_v)
        base = c * N

        def _off(j, carry):
            for k in range(K // 16):
                src_v[j, pl.ds(k * 16, 16)] = src_v[j, pl.ds(k * 16, 16)] + base
            return carry

        lax.fori_loop(0, NCH, _off, 0)
        pltpu.sync_copy(z_hbm.at[pl.ds(c * N + s * ROWS_A, ROWS_A)],
                        acc.at[pl.ds(s * ROWS_A, ROWS_A)])

        @pl.when(s == 0)
        def _():
            pltpu.sync_copy(z_hbm.at[pl.ds(c * N + NS * ROWS_A, TAIL)],
                            acc.at[pl.ds(NS * ROWS_A, TAIL)])

        plsc.subcore_barrier()

        def gather(j, b):
            pltpu.make_async_copy(z_hbm.at[src_v.at[j]], bufs[b], sems[b]).start()

        def gwait(b):
            pltpu.make_async_copy(z_hbm.at[src_v.at[0]], bufs[b], sems[b]).wait()

        for b in range(nbuf - 1):
            gather(b, b)

        def body(j0, carry):
            j = j0 * nbuf
            for b in range(nbuf):
                gwait(b)

                @pl.when(j + b + nbuf - 1 < NCH)
                def _():
                    gather(j + b + nbuf - 1, (b + nbuf - 1) % nbuf)

                pltpu.sync_copy(bufs[b], acc.at[dst_v.at[j + b]], add=True)
            return carry

        lax.fori_loop(0, NCH // nbuf, body, 0)
        plsc.subcore_barrier()
        pltpu.sync_copy(acc.at[pl.ds(s * ROWS_A, ROWS_A)],
                        out_hbm.at[pl.ds(c * N + s * ROWS_A, ROWS_A)])

        @pl.when(s == 0)
        def _():
            pltpu.sync_copy(acc.at[pl.ds(NS * ROWS_A, TAIL)],
                            out_hbm.at[pl.ds(c * N + NS * ROWS_A, TAIL)])

    return prop


def _make_layer2():
    mesh = plsc.VectorSubcoreMesh(core_axis_name="c", subcore_axis_name="s")
    nbuf = 5
    nbuf16 = 5

    @functools.partial(
        pl.kernel,
        mesh=mesh,
        compiler_params=pltpu.CompilerParams(use_tc_tiling_on_sc=False),
        out_type=(jax.ShapeDtypeStruct((6 * N, 64), jnp.float32),
                  jax.ShapeDtypeStruct((2 * N, 16), jnp.float32)),
        scratch_types=[
            pltpu.VMEM((NCH, K), jnp.int32),
            pltpu.VMEM((NCH, K), jnp.int32),
        ]
        + [pltpu.VMEM((K, 64), jnp.float32) for _ in range(nbuf)]
        + [pltpu.VMEM((K, 16), jnp.float32) for _ in range(nbuf16)]
        + [pltpu.VMEM_SHARED((N, 64), jnp.float32),
           pltpu.VMEM_SHARED((N, 16), jnp.float32)]
        + [pltpu.SemaphoreType.DMA for _ in range(nbuf)],
    )
    def l2(za_hbm, zb_hbm, zc_hbm, zt_hbm, gsrc_hbm, gdst_hbm,
           out6_hbm, outt_hbm, src_v, dst_v, *rest):
        bufs64 = rest[:nbuf]
        bufs16 = rest[nbuf:nbuf + nbuf16]
        acc64 = rest[nbuf + nbuf16]
        acc16 = rest[nbuf + nbuf16 + 1]
        sems = rest[nbuf + nbuf16 + 2:]
        c = lax.axis_index("c")
        s = lax.axis_index("s")
        pltpu.sync_copy(gsrc_hbm.at[s], src_v)
        pltpu.sync_copy(gdst_hbm.at[s], dst_v)
        base = c * N

        def _off(j, carry):
            for k in range(K // 16):
                src_v[j, pl.ds(k * 16, 16)] = src_v[j, pl.ds(k * 16, 16)] + base
            return carry

        lax.fori_loop(0, NCH, _off, 0)

        def round_(q, z_hbm, out_hbm, bufs, acc, obase):
            nb = len(bufs)
            zbase = c * N
            pltpu.sync_copy(z_hbm.at[pl.ds(zbase + s * ROWS_A, ROWS_A)],
                            acc.at[pl.ds(s * ROWS_A, ROWS_A)])

            @pl.when(s == 0)
            def _():
                pltpu.sync_copy(z_hbm.at[pl.ds(zbase + NS * ROWS_A, TAIL)],
                                acc.at[pl.ds(NS * ROWS_A, TAIL)])

            plsc.subcore_barrier()

            def gather(j, b):
                pltpu.make_async_copy(z_hbm.at[src_v.at[j]], bufs[b],
                                      sems[b]).start()

            def gwait(b):
                pltpu.make_async_copy(z_hbm.at[src_v.at[0]], bufs[b],
                                      sems[b]).wait()

            for b in range(nb - 1):
                gather(b, b)

            def body(j0, carry):
                j = j0 * nb
                for b in range(nb):
                    gwait(b)

                    @pl.when(j + b + nb - 1 < NCH)
                    def _():
                        gather(j + b + nb - 1, (b + nb - 1) % nb)

                    pltpu.sync_copy(bufs[b], acc.at[dst_v.at[j + b]], add=True)
                return carry

            lax.fori_loop(0, NCH // nb, body, 0)
            plsc.subcore_barrier()
            pltpu.sync_copy(acc.at[pl.ds(s * ROWS_A, ROWS_A)],
                            out_hbm.at[pl.ds(obase + s * ROWS_A, ROWS_A)])

            @pl.when(s == 0)
            def _():
                pltpu.sync_copy(acc.at[pl.ds(NS * ROWS_A, TAIL)],
                                out_hbm.at[pl.ds(obase + NS * ROWS_A, TAIL)])

        for q, z_hbm in enumerate([za_hbm, zb_hbm, zc_hbm]):
            round_(q, z_hbm, out6_hbm, bufs64, acc64, (2 * q + c) * N)
        round_(3, zt_hbm, outt_hbm, bufs16, acc16, c * N)

    return l2


def _make_degree():
    mesh = plsc.VectorSubcoreMesh(core_axis_name="c", subcore_axis_name="s")

    @functools.partial(
        pl.kernel,
        mesh=mesh,
        compiler_params=pltpu.CompilerParams(use_tc_tiling_on_sc=False),
        out_type=jax.ShapeDtypeStruct((2 * N, 16), jnp.float32),
        scratch_types=[
            pltpu.VMEM((NCH, K), jnp.int32),
            pltpu.VMEM((K, 16), jnp.float32),
            pltpu.VMEM_SHARED((N, 16), jnp.float32),
        ],
    )
    def deg(ones_hbm, gdst_hbm, out_hbm, dst_v, ones_v, acc):
        c = lax.axis_index("c")
        s = lax.axis_index("s")
        pltpu.sync_copy(gdst_hbm.at[s], dst_v)
        pltpu.sync_copy(ones_hbm.at[pl.ds(0, K)], ones_v)
        pltpu.sync_copy(ones_hbm.at[pl.ds(s * ROWS_A, ROWS_A)],
                        acc.at[pl.ds(s * ROWS_A, ROWS_A)])

        @pl.when(s == 0)
        def _():
            pltpu.sync_copy(ones_hbm.at[pl.ds(NS * ROWS_A, TAIL)],
                            acc.at[pl.ds(NS * ROWS_A, TAIL)])

        plsc.subcore_barrier()

        def body(j, carry):
            pltpu.sync_copy(ones_v, acc.at[dst_v.at[j]], add=True)
            return carry

        lax.fori_loop(0, NCH, body, 0)
        plsc.subcore_barrier()
        pltpu.sync_copy(acc.at[pl.ds(s * ROWS_A, ROWS_A)],
                        out_hbm.at[pl.ds(c * N + s * ROWS_A, ROWS_A)])

        @pl.when(s == 0)
        def _():
            pltpu.sync_copy(acc.at[pl.ds(NS * ROWS_A, TAIL)],
                            out_hbm.at[pl.ds(c * N + NS * ROWS_A, TAIL)])

    return deg


_B = 1000


def _scale_body(x_ref, deg_ref, u_ref):
    dinv = lax.rsqrt(deg_ref[...])
    u = x_ref[...] * dinv
    u_ref[0] = u[:, :64]
    u_ref[1] = u[:, 64:]


def _scale_x(x, indeg):
    return pl.pallas_call(
        _scale_body,
        grid=(N // _B,),
        in_specs=[
            pl.BlockSpec((_B, 128), lambda i: (i, 0)),
            pl.BlockSpec((_B, 1), lambda i: (i, 0)),
        ],
        out_specs=pl.BlockSpec((2, _B, 64), lambda i: (0, i, 0)),
        out_shape=jax.ShapeDtypeStruct((2, N, 64), jnp.float32),
    )(x, indeg)


def _layer12_body(s1_ref, deg_ref, w1_ref, b1_ref, w2_ref, z2s_ref, z2t_ref):
    dinv = lax.rsqrt(deg_ref[...])
    s1 = jnp.concatenate([s1_ref[0], s1_ref[1]], axis=1)
    h = jnp.dot(s1 * dinv, w1_ref[...], preferred_element_type=jnp.float32)
    h = jnp.maximum(h + b1_ref[...], 0.0)
    z2 = jnp.dot(h, w2_ref[...], preferred_element_type=jnp.float32) * dinv
    for k in range(6):
        z2s_ref[k] = z2[:, k * 64:(k + 1) * 64]
    pad = jnp.zeros((z2.shape[0], 8), jnp.float32)
    z2t_ref[0] = jnp.concatenate([z2[:, 384:392], pad], axis=1)
    z2t_ref[1] = jnp.concatenate([z2[:, 392:400], pad], axis=1)


def _layer12(s1, indeg, W1, b1, W2):
    return pl.pallas_call(
        _layer12_body,
        grid=(N // _B,),
        in_specs=[
            pl.BlockSpec((2, _B, 64), lambda i: (0, i, 0)),
            pl.BlockSpec((_B, 1), lambda i: (i, 0)),
            pl.BlockSpec((128, 800), lambda i: (0, 0)),
            pl.BlockSpec((1, 800), lambda i: (0, 0)),
            pl.BlockSpec((800, 400), lambda i: (0, 0)),
        ],
        out_specs=[pl.BlockSpec((6, _B, 64), lambda i: (0, i, 0)),
                   pl.BlockSpec((2, _B, 16), lambda i: (0, i, 0))],
        out_shape=[jax.ShapeDtypeStruct((6, N, 64), jnp.float32),
                   jax.ShapeDtypeStruct((2, N, 16), jnp.float32)],
    )(s1, indeg, W1, b1, W2)


def _layer23_body(s2s_ref, s2t_ref, deg_ref, b2_ref, w3_ref, z3_ref):
    dinv = lax.rsqrt(deg_ref[...])
    s2 = jnp.concatenate([s2s_ref[k] for k in range(6)]
                         + [s2t_ref[0][:, 0:8], s2t_ref[1][:, 0:8]], axis=1)
    t2 = jnp.maximum(s2 * dinv + b2_ref[...], 0.0)
    z3 = jnp.dot(t2, w3_ref[...], preferred_element_type=jnp.float32) * dinv
    pad = jnp.zeros((z3.shape[0], 12), jnp.float32)
    z3_ref[0] = jnp.concatenate([z3[:, :4], pad], axis=1)
    z3_ref[1] = jnp.concatenate([z3[:, 4:], pad], axis=1)


def _layer23(s2s, s2t, indeg, b2, W3):
    return pl.pallas_call(
        _layer23_body,
        grid=(N // _B,),
        in_specs=[
            pl.BlockSpec((6, _B, 64), lambda i: (0, i, 0)),
            pl.BlockSpec((2, _B, 16), lambda i: (0, i, 0)),
            pl.BlockSpec((_B, 1), lambda i: (i, 0)),
            pl.BlockSpec((1, 400), lambda i: (0, 0)),
            pl.BlockSpec((400, 8), lambda i: (0, 0)),
        ],
        out_specs=pl.BlockSpec((2, _B, 16), lambda i: (0, i, 0)),
        out_shape=jax.ShapeDtypeStruct((2, N, 16), jnp.float32),
    )(s2s, s2t, indeg, b2, W3)


def _final_body(s3_ref, deg_ref, b3_ref, out_ref):
    dinv = lax.rsqrt(deg_ref[...])
    s3 = jnp.concatenate([s3_ref[0][:, 0:4], s3_ref[1][:, 0:4]], axis=1)
    out_ref[...] = jnp.maximum(s3 * dinv + b3_ref[...], 0.0)


def _final(s3, indeg, b3):
    return pl.pallas_call(
        _final_body,
        grid=(N // _B,),
        in_specs=[
            pl.BlockSpec((2, _B, 16), lambda i: (0, i, 0)),
            pl.BlockSpec((_B, 1), lambda i: (i, 0)),
            pl.BlockSpec((1, 8), lambda i: (0, 0)),
        ],
        out_specs=pl.BlockSpec((_B, 8), lambda i: (i, 0)),
        out_shape=jax.ShapeDtypeStruct((N, 8), jnp.float32),
    )(s3, indeg, b3)


_prop64 = _make_propagate(64, 5)
_prop16 = _make_propagate(16, 5)
_l2_kernel = _make_layer2()
_deg_kernel = _make_degree()


def kernel(x, edge_index, W1, b1, W2, b2, W3, b3):
    src = edge_index[0].astype(jnp.int32)
    dst = edge_index[1].astype(jnp.int32)
    gsrc = src.reshape(NS, NCH, K)
    gdst = dst.reshape(NS, NCH, K)

    ones16 = jnp.ones((N, 16), jnp.float32)
    deg = _deg_kernel(ones16, gdst)[:N, 0:1]

    u = _scale_x(x, deg)
    s1 = _prop64(u.reshape(2 * N, 64), gsrc, gdst)
    z2s, z2t = _layer12(s1.reshape(2, N, 64), deg, W1, b1.reshape(1, 800), W2)
    s2s, s2t = _l2_kernel(z2s[0:2].reshape(2 * N, 64),
                          z2s[2:4].reshape(2 * N, 64),
                          z2s[4:6].reshape(2 * N, 64),
                          z2t.reshape(2 * N, 16), gsrc, gdst)
    z3 = _layer23(s2s.reshape(6, N, 64), s2t.reshape(2, N, 16), deg,
                  b2.reshape(1, 400), W3)
    s3 = _prop16(z3.reshape(2 * N, 16), gsrc, gdst)
    return _final(s3.reshape(2, N, 16), deg, b3.reshape(1, 8))

# --- scband reference (transcript-rebuilt; emitter-appended) ---
"""Pipeline reference for scband-l3-gcnconv-84859963834405 (READ-ONLY COPY).

The authoritative reference and input builder live on the scoring server;
editing this copy changes nothing except your own understanding.
"""

import jax, jax.numpy as jnp
import numpy as np

N_NODES = 10000
N_EDGES = 320000
IN_CH = 128
OUT_CH = 8
H1 = 100 * OUT_CH   # 800
H2 = 50 * OUT_CH    # 400


def glorot(key, shape):
    fan_in, fan_out = shape[0], shape[1]
    limit = float(np.sqrt(6.0 / (fan_in + fan_out)))
    return jax.random.uniform(key, shape, minval=-limit, maxval=limit, dtype=jnp.float32)


def gcn_conv(x, edge_index, W, b):
    """PyG-style GCNConv: add self-loops, symmetric normalization, scatter-add."""
    n = x.shape[0]
    src = edge_index[0]
    dst = edge_index[1]
    loop = jnp.arange(n, dtype=src.dtype)
    src = jnp.concatenate([src, loop])
    dst = jnp.concatenate([dst, loop])
    xw = x @ W
    deg = jax.ops.segment_sum(jnp.ones(src.shape[0], dtype=x.dtype), dst, num_segments=n)
    deg_inv_sqrt = jnp.where(deg > 0, deg ** -0.5, 0.0)
    norm = deg_inv_sqrt[src] * deg_inv_sqrt[dst]
    msg = xw[src] * norm[:, None]
    out = jax.ops.segment_sum(msg, dst, num_segments=n)
    return out + b


def setup_inputs(seed: int = 0) -> dict:
    key = jax.random.key(seed)
    ks = jax.random.split(key, 8)
    x = jax.random.normal(ks[0], (N_NODES, IN_CH), dtype=jnp.float32)
    edge_index = jax.random.randint(ks[1], (2, N_EDGES), 0, N_NODES, dtype=jnp.int32)
    W1 = glorot(ks[2], (IN_CH, H1))
    b1 = jnp.zeros((H1,), dtype=jnp.float32)
    W2 = glorot(ks[3], (H1, H2))
    b2 = jnp.zeros((H2,), dtype=jnp.float32)
    W3 = glorot(ks[4], (H2, OUT_CH))
    b3 = jnp.zeros((OUT_CH,), dtype=jnp.float32)
    return {"x": x, "edge_index": edge_index, "W1": W1, "b1": b1, "W2": W2, "b2": b2, "W3": W3, "b3": b3}


def reference(x, edge_index, W1, b1, W2, b2, W3, b3):
    # Dropout(p=0.1) is identity in eval/inference mode.
    h = jax.nn.relu(gcn_conv(x, edge_index, W1, b1))
    h = jax.nn.relu(gcn_conv(h, edge_index, W2, b2))
    h = jax.nn.relu(gcn_conv(h, edge_index, W3, b3))
    return h

if __name__ == "__main__":
    import jax
    _d = setup_inputs()
    print(jax.jit(kernel)(*tuple(_d.values())))

</pallas_src>

<mosaic_0001>
#map = affine_map<(d0, d1) -> (0, 0)>
#map1 = affine_map<(d0, d1) -> (0, 0, 0)>
module attributes {stable_mosaic.version = 14 : i64} {
  func.func @prop(%arg0: i32, %arg1: i32, %arg2: memref<20000x64xf32, #tpu.memory_space<hbm>>, %arg3: memref<16x250x80xi32, #tpu.memory_space<hbm>>, %arg4: memref<16x250x80xi32, #tpu.memory_space<hbm>>, %arg5: memref<20000x64xf32, #tpu.memory_space<hbm>>, %arg6: memref<250x80xi32, #tpu.memory_space<vmem>>, %arg7: memref<250x80xi32, #tpu.memory_space<vmem>>, %arg8: memref<80x64xf32, #tpu.memory_space<vmem>>, %arg9: memref<80x64xf32, #tpu.memory_space<vmem>>, %arg10: memref<80x64xf32, #tpu.memory_space<vmem>>, %arg11: memref<80x64xf32, #tpu.memory_space<vmem>>, %arg12: memref<80x64xf32, #tpu.memory_space<vmem>>, %arg13: memref<10000x64xf32, #tpu.memory_space<vmem_shared>>, %arg14: memref<!tpu.dma_semaphore, #tpu.memory_space<semaphore_mem>>, %arg15: memref<!tpu.dma_semaphore, #tpu.memory_space<semaphore_mem>>, %arg16: memref<!tpu.dma_semaphore, #tpu.memory_space<semaphore_mem>>, %arg17: memref<!tpu.dma_semaphore, #tpu.memory_space<semaphore_mem>>, %arg18: memref<!tpu.dma_semaphore, #tpu.memory_space<semaphore_mem>>) attributes {dimension_semantics = [#tpu.dimension_semantics<core_parallel>, #tpu.dimension_semantics<subcore_parallel>], iteration_bounds = array<i64: 2, 16>, scalar_prefetch = 0 : i64, scratch_operands = 13 : i64, tpu.core_type = #tpu.core_type<sc_vector_subcore>, window_params = [{transform_indices = #map}, {transform_indices = #map1}, {transform_indices = #map1}, {transform_indices = #map}]} {
    "tpu.region"() ({
      %run_scoped3A = tpu.sem_alloc : memref<!tpu.dma_semaphore, #tpu.memory_space<semaphore_mem>>
      %dma_start3A_60 = arith.constant 0 : i32
      %dma_start3A_61 = arith.constant 0 : i32
      %dma_start3A_62 = tpu.memref_slice %arg3[%arg1, %dma_start3A_60, %dma_start3A_61] : memref<16x250x80xi32, #tpu.memory_space<hbm>> -> memref<1x250x80xi32, #tpu.memory_space<hbm>>
      %dma_start3A_63 = tpu.memref_squeeze %dma_start3A_62 : memref<1x250x80xi32, #tpu.memory_space<hbm>> -> memref<250x80xi32, #tpu.memory_space<hbm>>
      %dma_start3A_64 = arith.constant 0 : i32
      %dma_start3A_65 = arith.constant 0 : i32
      %dma_start3A_66 = tpu.memref_slice %arg3[%arg1, %dma_start3A_64, %dma_start3A_65] : memref<16x250x80xi32, #tpu.memory_space<hbm>> -> memref<1x250x80xi32, #tpu.memory_space<hbm>>
      %dma_start3A_67 = tpu.memref_squeeze %dma_start3A_66 : memref<1x250x80xi32, #tpu.memory_space<hbm>> -> memref<250x80xi32, #tpu.memory_space<hbm>>
      tpu.enqueue_dma source(%dma_start3A_67 : memref<250x80xi32, #tpu.memory_space<hbm>>) target(%arg6 : memref<250x80xi32, #tpu.memory_space<vmem>>) target_semaphore(%run_scoped3A : memref<!tpu.dma_semaphore, #tpu.memory_space<semaphore_mem>>)
      %dma_wait3A = arith.constant 0 : i32
      %dma_wait3A_68 = arith.constant 0 : i32
      %dma_wait3A_69 = tpu.memref_slice %arg3[%arg1, %dma_wait3A, %dma_wait3A_68] : memref<16x250x80xi32, #tpu.memory_space<hbm>> -> memref<1x250x80xi32, #tpu.memory_space<hbm>>
      %dma_wait3A_70 = tpu.memref_squeeze %dma_wait3A_69 : memref<1x250x80xi32, #tpu.memory_space<hbm>> -> memref<250x80xi32, #tpu.memory_space<hbm>>
      %dma_wait3A_71 = arith.constant 0 : i32
      %dma_wait3A_72 = arith.constant 0 : i32
      %dma_wait3A_73 = tpu.memref_slice %arg3[%arg1, %dma_wait3A_71, %dma_wait3A_72] : memref<16x250x80xi32, #tpu.memory_space<hbm>> -> memref<1x250x80xi32, #tpu.memory_space<hbm>>
      %dma_wait3A_74 = tpu.memref_squeeze %dma_wait3A_73 : memref<1x250x80xi32, #tpu.memory_space<hbm>> -> memref<250x80xi32, #tpu.memory_space<hbm>>
      tpu.wait_dma2 semaphore(%run_scoped3A : memref<!tpu.dma_semaphore, #tpu.memory_space<semaphore_mem>>) src(%dma_wait3A_74 : memref<250x80xi32, #tpu.memory_space<hbm>>) dst(%arg6 : memref<250x80xi32, #tpu.memory_space<vmem>>)
      tpu.yield
    }) : () -> ()
    "tpu.region"() ({
      %run_scoped3A = tpu.sem_alloc : memref<!tpu.dma_semaphore, #tpu.memory_space<semaphore_mem>>
      %dma_start3A_60 = arith.constant 0 : i32
      %dma_start3A_61 = arith.constant 0 : i32
      %dma_start3A_62 = tpu.memref_slice %arg4[%arg1, %dma_start3A_60, %dma_start3A_61] : memref<16x250x80xi32, #tpu.memory_space<hbm>> -> memref<1x250x80xi32, #tpu.memory_space<hbm>>
      %dma_start3A_63 = tpu.memref_squeeze %dma_start3A_62 : memref<1x250x80xi32, #tpu.memory_space<hbm>> -> memref<250x80xi32, #tpu.memory_space<hbm>>
      %dma_start3A_64 = arith.constant 0 : i32
      %dma_start3A_65 = arith.constant 0 : i32
      %dma_start3A_66 = tpu.memref_slice %arg4[%arg1, %dma_start3A_64, %dma_start3A_65] : memref<16x250x80xi32, #tpu.memory_space<hbm>> -> memref<1x250x80xi32, #tpu.memory_space<hbm>>
      %dma_start3A_67 = tpu.memref_squeeze %dma_start3A_66 : memref<1x250x80xi32, #tpu.memory_space<hbm>> -> memref<250x80xi32, #tpu.memory_space<hbm>>
      tpu.enqueue_dma source(%dma_start3A_67 : memref<250x80xi32, #tpu.memory_space<hbm>>) target(%arg7 : memref<250x80xi32, #tpu.memory_space<vmem>>) target_semaphore(%run_scoped3A : memref<!tpu.dma_semaphore, #tpu.memory_space<semaphore_mem>>)
      %dma_wait3A = arith.constant 0 : i32
      %dma_wait3A_68 = arith.constant 0 : i32
      %dma_wait3A_69 = tpu.memref_slice %arg4[%arg1, %dma_wait3A, %dma_wait3A_68] : memref<16x250x80xi32, #tpu.memory_space<hbm>> -> memref<1x250x80xi32, #tpu.memory_space<hbm>>
      %dma_wait3A_70 = tpu.memref_squeeze %dma_wait3A_69 : memref<1x250x80xi32, #tpu.memory_space<hbm>> -> memref<250x80xi32, #tpu.memory_space<hbm>>
      %dma_wait3A_71 = arith.constant 0 : i32
      %dma_wait3A_72 = arith.constant 0 : i32
      %dma_wait3A_73 = tpu.memref_slice %arg4[%arg1, %dma_wait3A_71, %dma_wait3A_72] : memref<16x250x80xi32, #tpu.memory_space<hbm>> -> memref<1x250x80xi32, #tpu.memory_space<hbm>>
      %dma_wait3A_74 = tpu.memref_squeeze %dma_wait3A_73 : memref<1x250x80xi32, #tpu.memory_space<hbm>> -> memref<250x80xi32, #tpu.memory_space<hbm>>
      tpu.wait_dma2 semaphore(%run_scoped3A : memref<!tpu.dma_semaphore, #tpu.memory_space<semaphore_mem>>) src(%dma_wait3A_74 : memref<250x80xi32, #tpu.memory_space<hbm>>) dst(%arg7 : memref<250x80xi32, #tpu.memory_space<vmem>>)
      tpu.yield
    }) : () -> ()
    %mul3A = arith.constant 10000 : i32
    %mul3A_0 = arith.muli %arg0, %mul3A : i32
    %scan3A = arith.constant 0 : i32
    %scan3A_1 = arith.constant 0 : i32
    %scan3A_2 = arith.constant 250 : i32
    %scan3A_3 = arith.addi %scan3A_1, %scan3A_2 : i32
    %scan3A_4 = arith.constant 1 : i32
    scf.for %scan3A_60 = %scan3A_1 to %scan3A_3 step %scan3A_4  : i32 {
      %get3A = arith.index_cast %scan3A_60 : i32 to index
      %get3A_61 = arith.constant 0 : index
      %get3A_62 = tpu.vector_load %arg6[%get3A, %get3A_61] {strides = array<i32>} : memref<250x80xi32, #tpu.memory_space<vmem>>, vector<1x16xi32>,
      %get3A_63 = vector.shape_cast %get3A_62 : vector<1x16xi32> to vector<16xi32>
      %add3A_64 = vector.broadcast %mul3A_0 : i32 to vector<16xi32>
      %add3A_65 = arith.addi %get3A_63, %add3A_64 : vector<16xi32>
      %swap3A = arith.index_cast %scan3A_60 : i32 to index
      %swap3A_66 = arith.constant 0 : index
      %swap3A_67 = tpu.vector_load %arg6[%swap3A, %swap3A_66] {strides = array<i32>} : memref<250x80xi32, #tpu.memory_space<vmem>>, vector<1x16xi32>,
      %swap3A_68 = vector.shape_cast %swap3A_67 : vector<1x16xi32> to vector<16xi32>
      %swap3A_69 = vector.shape_cast %add3A_65 : vector<16xi32> to vector<1x16xi32>
      tpu.vector_store %arg6[%swap3A, %swap3A_66], %swap3A_69 {strides = array<i32>} : memref<250x80xi32, #tpu.memory_space<vmem>>, vector<1x16xi32>,
      %get3A_70 = arith.index_cast %scan3A_60 : i32 to index
      %get3A_71 = arith.constant 16 : index
      %get3A_72 = tpu.vector_load %arg6[%get3A_70, %get3A_71] {strides = array<i32>} : memref<250x80xi32, #tpu.memory_space<vmem>>, vector<1x16xi32>,
      %get3A_73 = vector.shape_cast %get3A_72 : vector<1x16xi32> to vector<16xi32>
      %add3A_74 = vector.broadcast %mul3A_0 : i32 to vector<16xi32>
      %add3A_75 = arith.addi %get3A_73, %add3A_74 : vector<16xi32>
      %swap3A_76 = arith.index_cast %scan3A_60 : i32 to index
      %swap3A_77 = arith.constant 16 : index
      %swap3A_78 = tpu.vector_load %arg6[%swap3A_76, %swap3A_77] {strides = array<i32>} : memref<250x80xi32, #tpu.memory_space<vmem>>, vector<1x16xi32>,
      %swap3A_79 = vector.shape_cast %swap3A_78 : vector<1x16xi32> to vector<16xi32>
      %swap3A_80 = vector.shape_cast %add3A_75 : vector<16xi32> to vector<1x16xi32>
      tpu.vector_store %arg6[%swap3A_76, %swap3A_77], %swap3A_80 {strides = array<i32>} : memref<250x80xi32, #tpu.memory_space<vmem>>, vector<1x16xi32>,
      %get3A_81 = arith.index_cast %scan3A_60 : i32 to index
      %get3A_82 = arith.constant 32 : index
      %get3A_83 = tpu.vector_load %arg6[%get3A_81, %get3A_82] {strides = array<i32>} : memref<250x80xi32, #tpu.memory_space<vmem>>, vector<1x16xi32>,
      %get3A_84 = vector.shape_cast %get3A_83 : vector<1x16xi32> to vector<16xi32>
      %add3A_85 = vector.broadcast %mul3A_0 : i32 to vector<16xi32>
      %add3A_86 = arith.addi %get3A_84, %add3A_85 : vector<16xi32>
      %swap3A_87 = arith.index_cast %scan3A_60 : i32 to index
      %swap3A_88 = arith.constant 32 : index
      %swap3A_89 = tpu.vector_load %arg6[%swap3A_87, %swap3A_88] {strides = array<i32>} : memref<250x80xi32, #tpu.memory_space<vmem>>, vector<1x16xi32>,
      %swap3A_90 = vector.shape_cast %swap3A_89 : vector<1x16xi32> to vector<16xi32>
      %swap3A_91 = vector.shape_cast %add3A_86 : vector<16xi32> to vector<1x16xi32>
      tpu.vector_store %arg6[%swap3A_87, %swap3A_88], %swap3A_91 {strides = array<i32>} : memref<250x80xi32, #tpu.memory_space<vmem>>, vector<1x16xi32>,
      %get3A_92 = arith.index_cast %scan3A_60 : i32 to index
      %get3A_93 = arith.constant 48 : index
      %get3A_94 = tpu.vector_load %arg6[%get3A_92, %get3A_93] {strides = array<i32>} : memref<250x80xi32, #tpu.memory_space<vmem>>, vector<1x16xi32>,
      %get3A_95 = vector.shape_cast %get3A_94 : vector<1x16xi32> to vector<16xi32>
      %add3A_96 = vector.broadcast %mul3A_0 : i32 to vector<16xi32>
      %add3A_97 = arith.addi %get3A_95, %add3A_96 : vector<16xi32>
      %swap3A_98 = arith.index_cast %scan3A_60 : i32 to index
      %swap3A_99 = arith.constant 48 : index
      %swap3A_100 = tpu.vector_load %arg6[%swap3A_98, %swap3A_99] {strides = array<i32>} : memref<250x80xi32, #tpu.memory_space<vmem>>, vector<1x16xi32>,
      %swap3A_101 = vector.shape_cast %swap3A_100 : vector<1x16xi32> to vector<16xi32>
      %swap3A_102 = vector.shape_cast %add3A_97 : vector<16xi32> to vector<1x16xi32>
      tpu.vector_store %arg6[%swap3A_98, %swap3A_99], %swap3A_102 {strides = array<i32>} : memref<250x80xi32, #tpu.memory_space<vmem>>, vector<1x16xi32>,
      %get3A_103 = arith.index_cast %scan3A_60 : i32 to index
      %get3A_104 = arith.constant 64 : index
      %get3A_105 = tpu.vector_load %arg6[%get3A_103, %get3A_104] {strides = array<i32>} : memref<250x80xi32, #tpu.memory_space<vmem>>, vector<1x16xi32>,
      %get3A_106 = vector.shape_cast %get3A_105 : vector<1x16xi32> to vector<16xi32>
      %add3A_107 = vector.broadcast %mul3A_0 : i32 to vector<16xi32>
      %add3A_108 = arith.addi %get3A_106, %add3A_107 : vector<16xi32>
      %swap3A_109 = arith.index_cast %scan3A_60 : i32 to index
      %swap3A_110 = arith.constant 64 : index
      %swap3A_111 = tpu.vector_load %arg6[%swap3A_109, %swap3A_110] {strides = array<i32>} : memref<250x80xi32, #tpu.memory_space<vmem>>, vector<1x16xi32>,
      %swap3A_112 = vector.shape_cast %swap3A_111 : vector<1x16xi32> to vector<16xi32>
      %swap3A_113 = vector.shape_cast %add3A_108 : vector<16xi32> to vector<1x16xi32>
      tpu.vector_store %arg6[%swap3A_109, %swap3A_110], %swap3A_113 {strides = array<i32>} : memref<250x80xi32, #tpu.memory_space<vmem>>, vector<1x16xi32>,
    }
    %scan3A_5 = arith.constant 250 : i32
    %mul3A_6 = arith.constant 10000 : i32
    %mul3A_7 = arith.muli %arg0, %mul3A_6 : i32
    %mul3A_8 = arith.constant 624 : i32
    %mul3A_9 = arith.muli %arg1, %mul3A_8 : i32
    %add3A = arith.addi %mul3A_7, %mul3A_9 : i32
    %mul3A_10 = arith.constant 624 : i32
    %mul3A_11 = arith.muli %arg1, %mul3A_10 : i32
    "tpu.region"() ({
      %run_scoped3A = tpu.sem_alloc : memref<!tpu.dma_semaphore, #tpu.memory_space<semaphore_mem>>
      %dma_start3A_60 = arith.constant 0 : i32
      %dma_start3A_61 = tpu.memref_slice %arg13[%mul3A_11, %dma_start3A_60] : memref<10000x64xf32, #tpu.memory_space<vmem_shared>> -> memref<624x64xf32, #tpu.memory_space<vmem_shared>>
      %dma_start3A_62 = arith.constant 0 : i32
      %dma_start3A_63 = tpu.memref_slice %arg2[%add3A, %dma_start3A_62] : memref<20000x64xf32, #tpu.memory_space<hbm>> -> memref<624x64xf32, #tpu.memory_space<hbm>>
      tpu.enqueue_dma source(%dma_start3A_63 : memref<624x64xf32, #tpu.memory_space<hbm>>) target(%dma_start3A_61 : memref<624x64xf32, #tpu.memory_space<vmem_shared>>) target_semaphore(%run_scoped3A : memref<!tpu.dma_semaphore, #tpu.memory_space<semaphore_mem>>)
      %dma_wait3A = arith.constant 0 : i32
      %dma_wait3A_64 = tpu.memref_slice %arg13[%mul3A_11, %dma_wait3A] : memref<10000x64xf32, #tpu.memory_space<vmem_shared>> -> memref<624x64xf32, #tpu.memory_space<vmem_shared>>
      %dma_wait3A_65 = arith.constant 0 : i32
      %dma_wait3A_66 = tpu.memref_slice %arg2[%add3A, %dma_wait3A_65] : memref<20000x64xf32, #tpu.memory_space<hbm>> -> memref<624x64xf32, #tpu.memory_space<hbm>>
      tpu.wait_dma2 semaphore(%run_scoped3A : memref<!tpu.dma_semaphore, #tpu.memory_space<semaphore_mem>>) src(%dma_wait3A_66 : memref<624x64xf32, #tpu.memory_space<hbm>>) dst(%dma_wait3A_64 : memref<624x64xf32, #tpu.memory_space<vmem_shared>>)
      tpu.yield
    }) : () -> ()
    %eq3A = arith.constant 0 : i32
    %eq3A_12 = arith.cmpi eq, %arg1, %eq3A : i32
    %convert_element_type3A = arith.extui %eq3A_12 : i1 to i32
    %cond3A = arith.constant 0 : i32
    %cond3A_13 = arith.cmpi ne, %convert_element_type3A, %cond3A : i32
    scf.if %cond3A_13 {
      %mul3A_60 = arith.constant 10000 : i32
      %mul3A_61 = arith.muli %arg0, %mul3A_60 : i32
      %add3A_62 = arith.constant 9984 : i32
      %add3A_63 = arith.addi %mul3A_61, %add3A_62 : i32
      "tpu.region"() ({
        %run_scoped3A = tpu.sem_alloc : memref<!tpu.dma_semaphore, #tpu.memory_space<semaphore_mem>>
        %dma_start3A_64 = arith.constant 9984 : i32
        %dma_start3A_65 = arith.constant 0 : i32
        %dma_start3A_66 = tpu.memref_slice %arg13[%dma_start3A_64, %dma_start3A_65] : memref<10000x64xf32, #tpu.memory_space<vmem_shared>> -> memref<16x64xf32, #tpu.memory_space<vmem_shared>>
        %dma_start3A_67 = arith.constant 0 : i32
        %dma_start3A_68 = tpu.memref_slice %arg2[%add3A_63, %dma_start3A_67] : memref<20000x64xf32, #tpu.memory_space<hbm>> -> memref<16x64xf32, #tpu.memory_space<hbm>>
        tpu.enqueue_dma source(%dma_start3A_68 : memref<16x64xf32, #tpu.memory_space<hbm>>) target(%dma_start3A_66 : memref<16x64xf32, #tpu.memory_space<vmem_shared>>) target_semaphore(%run_scoped3A : memref<!tpu.dma_semaphore, #tpu.memory_space<semaphore_mem>>)
        %dma_wait3A = arith.constant 9984 : i32
        %dma_wait3A_69 = arith.constant 0 : i32
        %dma_wait3A_70 = tpu.memref_slice %arg13[%dma_wait3A, %dma_wait3A_69] : memref<10000x64xf32, #tpu.memory_space<vmem_shared>> -> memref<16x64xf32, #tpu.memory_space<vmem_shared>>
        %dma_wait3A_71 = arith.constant 0 : i32
        %dma_wait3A_72 = tpu.memref_slice %arg2[%add3A_63, %dma_wait3A_71] : memref<20000x64xf32, #tpu.memory_space<hbm>> -> memref<16x64xf32, #tpu.memory_space<hbm>>
        tpu.wait_dma2 semaphore(%run_scoped3A : memref<!tpu.dma_semaphore, #tpu.memory_space<semaphore_mem>>) src(%dma_wait3A_72 : memref<16x64xf32, #tpu.memory_space<hbm>>) dst(%dma_wait3A_70 : memref<16x64xf32, #tpu.memory_space<vmem_shared>>)
        tpu.yield
      }) : () -> ()
    } else {
    }
    %barrier3A = arith.constant 0 : index
    tpu.barrier barrier_id(%barrier3A)
    %dma_start3A = arith.constant 0 : i32
    %dma_start3A_14 = arith.constant 0 : i32
    %dma_start3A_15 = tpu.memref_slice %arg6[%dma_start3A, %dma_start3A_14] : memref<250x80xi32, #tpu.memory_space<vmem>> -> memref<1x80xi32, #tpu.memory_space<vmem>>
    %dma_start3A_16 = tpu.memref_squeeze %dma_start3A_15 : memref<1x80xi32, #tpu.memory_space<vmem>> -> memref<80xi32, #tpu.memory_space<vmem>>
    %dma_start3A_17 = arith.constant 0 : i32
    %dma_start3A_18 = arith.constant 0 : i32
    %dma_start3A_19 = tpu.memref_slice %arg2[%dma_start3A_17, %dma_start3A_18] : memref<20000x64xf32, #tpu.memory_space<hbm>> -> memref<20000x64xf32, #tpu.memory_space<hbm>>
    tpu.enqueue_indirect_dma source(%dma_start3A_19 : memref<20000x64xf32, #tpu.memory_space<hbm>>) target(%arg8 : memref<80x64xf32, #tpu.memory_space<vmem>>) offsets(%dma_start3A_16 : memref<80xi32, #tpu.memory_space<vmem>>) semaphore(%arg14 : memref<!tpu.dma_semaphore, #tpu.memory_space<semaphore_mem>>)
    %dma_start3A_20 = arith.constant 1 : i32
    %dma_start3A_21 = arith.constant 0 : i32
    %dma_start3A_22 = tpu.memref_slice %arg6[%dma_start3A_20, %dma_start3A_21] : memref<250x80xi32, #tpu.memory_space<vmem>> -> memref<1x80xi32, #tpu.memory_space<vmem>>
    %dma_start3A_23 = tpu.memref_squeeze %dma_start3A_22 : memref<1x80xi32, #tpu.memory_space<vmem>> -> memref<80xi32, #tpu.memory_space<vmem>>
    %dma_start3A_24 = arith.constant 0 : i32
    %dma_start3A_25 = arith.constant 0 : i32
    %dma_start3A_26 = tpu.memref_slice %arg2[%dma_start3A_24, %dma_start3A_25] : memref<20000x64xf32, #tpu.memory_space<hbm>> -> memref<20000x64xf32, #tpu.memory_space<hbm>>
    tpu.enqueue_indirect_dma source(%dma_start3A_26 : memref<20000x64xf32, #tpu.memory_space<hbm>>) target(%arg9 : memref<80x64xf32, #tpu.memory_space<vmem>>) offsets(%dma_start3A_23 : memref<80xi32, #tpu.memory_space<vmem>>) semaphore(%arg15 : memref<!tpu.dma_semaphore, #tpu.memory_space<semaphore_mem>>)
    %dma_start3A_27 = arith.constant 2 : i32
    %dma_start3A_28 = arith.constant 0 : i32
    %dma_start3A_29 = tpu.memref_slice %arg6[%dma_start3A_27, %dma_start3A_28] : memref<250x80xi32, #tpu.memory_space<vmem>> -> memref<1x80xi32, #tpu.memory_space<vmem>>
    %dma_start3A_30 = tpu.memref_squeeze %dma_start3A_29 : memref<1x80xi32, #tpu.memory_space<vmem>> -> memref<80xi32, #tpu.memory_space<vmem>>
    %dma_start3A_31 = arith.constant 0 : i32
    %dma_start3A_32 = arith.constant 0 : i32
    %dma_start3A_33 = tpu.memref_slice %arg2[%dma_start3A_31, %dma_start3A_32] : memref<20000x64xf32, #tpu.memory_space<hbm>> -> memref<20000x64xf32, #tpu.memory_space<hbm>>
    tpu.enqueue_indirect_dma source(%dma_start3A_33 : memref<20000x64xf32, #tpu.memory_space<hbm>>) target(%arg10 : memref<80x64xf32, #tpu.memory_space<vmem>>) offsets(%dma_start3A_30 : memref<80xi32, #tpu.memory_space<vmem>>) semaphore(%arg16 : memref<!tpu.dma_semaphore, #tpu.memory_space<semaphore_mem>>)
    %dma_start3A_34 = arith.constant 3 : i32
    %dma_start3A_35 = arith.constant 0 : i32
    %dma_start3A_36 = tpu.memref_slice %arg6[%dma_start3A_34, %dma_start3A_35] : memref<250x80xi32, #tpu.memory_space<vmem>> -> memref<1x80xi32, #tpu.memory_space<vmem>>
    %dma_start3A_37 = tpu.memref_squeeze %dma_start3A_36 : memref<1x80xi32, #tpu.memory_space<vmem>> -> memref<80xi32, #tpu.memory_space<vmem>>
    %dma_start3A_38 = arith.constant 0 : i32
    %dma_start3A_39 = arith.constant 0 : i32
    %dma_start3A_40 = tpu.memref_slice %arg2[%dma_start3A_38, %dma_start3A_39] : memref<20000x64xf32, #tpu.memory_space<hbm>> -> memref<20000x64xf32, #tpu.memory_space<hbm>>
    tpu.enqueue_indirect_dma source(%dma_start3A_40 : memref<20000x64xf32, #tpu.memory_space<hbm>>) target(%arg11 : memref<80x64xf32, #tpu.memory_space<vmem>>) offsets(%dma_start3A_37 : memref<80xi32, #tpu.memory_space<vmem>>) semaphore(%arg17 : memref<!tpu.dma_semaphore, #tpu.memory_space<semaphore_mem>>)
    %scan3A_41 = arith.constant 0 : i32
    %scan3A_42 = arith.constant 0 : i32
    %scan3A_43 = arith.constant 50 : i32
    %scan3A_44 = arith.addi %scan3A_42, %scan3A_43 : i32
    %scan3A_45 = arith.constant 1 : i32
    scf.for %scan3A_60 = %scan3A_42 to %scan3A_44 step %scan3A_45  : i32 {
      %mul3A_61 = arith.constant 5 : i32
      %mul3A_62 = arith.muli %scan3A_60, %mul3A_61 : i32
      %dma_wait3A = arith.constant 0 : i32
      %dma_wait3A_63 = arith.constant 0 : i32
      %dma_wait3A_64 = tpu.memref_slice %arg6[%dma_wait3A, %dma_wait3A_63] : memref<250x80xi32, #tpu.memory_space<vmem>> -> memref<1x80xi32, #tpu.memory_space<vmem>>
      %dma_wait3A_65 = tpu.memref_squeeze %dma_wait3A_64 : memref<1x80xi32, #tpu.memory_space<vmem>> -> memref<80xi32, #tpu.memory_space<vmem>>
      %dma_wait3A_66 = arith.constant 0 : i32
      %dma_wait3A_67 = arith.constant 0 : i32
      %dma_wait3A_68 = tpu.memref_slice %arg2[%dma_wait3A_66, %dma_wait3A_67] : memref<20000x64xf32, #tpu.memory_space<hbm>> -> memref<20000x64xf32, #tpu.memory_space<hbm>>
      tpu.wait_indirect_dma semaphore(%arg14 : memref<!tpu.dma_semaphore, #tpu.memory_space<semaphore_mem>>) src(%dma_wait3A_68 : memref<20000x64xf32, #tpu.memory_space<hbm>>) dst(%arg8 : memref<80x64xf32, #tpu.memory_space<vmem>>)
      %add3A_69 = arith.constant 0 : i32
      %add3A_70 = arith.addi %mul3A_62, %add3A_69 : i32
      %add3A_71 = arith.constant 5 : i32
      %add3A_72 = arith.addi %add3A_70, %add3A_71 : i32
      %sub3A = arith.constant 1 : i32
      %sub3A_73 = arith.subi %add3A_72, %sub3A : i32
      %lt3A = arith.constant 250 : i32
      %lt3A_74 = arith.cmpi slt, %sub3A_73, %lt3A : i32
      %convert_element_type3A_75 = arith.extui %lt3A_74 : i1 to i32
      %cond3A_76 = arith.constant 0 : i32
      %cond3A_77 = arith.cmpi ne, %convert_element_type3A_75, %cond3A_76 : i32
      scf.if %cond3A_77 {
        %add3A_160 = arith.constant 0 : i32
        %add3A_161 = arith.addi %mul3A_62, %add3A_160 : i32
        %add3A_162 = arith.constant 5 : i32
        %add3A_163 = arith.addi %add3A_161, %add3A_162 : i32
        %sub3A_164 = arith.constant 1 : i32
        %sub3A_165 = arith.subi %add3A_163, %sub3A_164 : i32
        %dma_start3A_166 = arith.constant 0 : i32
        %dma_start3A_167 = tpu.memref_slice %arg6[%sub3A_165, %dma_start3A_166] : memref<250x80xi32, #tpu.memory_space<vmem>> -> memref<1x80xi32, #tpu.memory_space<vmem>>
        %dma_start3A_168 = tpu.memref_squeeze %dma_start3A_167 : memref<1x80xi32, #tpu.memory_space<vmem>> -> memref<80xi32, #tpu.memory_space<vmem>>
        %dma_start3A_169 = arith.constant 0 : i32
        %dma_start3A_170 = arith.constant 0 : i32
        %dma_start3A_171 = tpu.memref_slice %arg2[%dma_start3A_169, %dma_start3A_170] : memref<20000x64xf32, #tpu.memory_space<hbm>> -> memref<20000x64xf32, #tpu.memory_space<hbm>>
        tpu.enqueue_indirect_dma source(%dma_start3A_171 : memref<20000x64xf32, #tpu.memory_space<hbm>>) target(%arg12 : memref<80x64xf32, #tpu.memory_space<vmem>>) offsets(%dma_start3A_168 : memref<80xi32, #tpu.memory_space<vmem>>) semaphore(%arg18 : memref<!tpu.dma_semaphore, #tpu.memory_space<semaphore_mem>>)
      } else {
      }
      %add3A_78 = arith.constant 0 : i32
      %add3A_79 = arith.addi %mul3A_62, %add3A_78 : i32
      "tpu.region"() ({
        %run_scoped3A = tpu.sem_alloc : memref<!tpu.dma_semaphore, #tpu.memory_space<semaphore_mem>>
        %dma_start3A_160 = arith.constant 0 : i32
        %dma_start3A_161 = tpu.memref_slice %arg7[%add3A_79, %dma_start3A_160] : memref<250x80xi32, #tpu.memory_space<vmem>> -> memref<1x80xi32, #tpu.memory_space<vmem>>
        %dma_start3A_162 = tpu.memref_squeeze %dma_start3A_161 : memref<1x80xi32, #tpu.memory_space<vmem>> -> memref<80xi32, #tpu.memory_space<vmem>>
        %dma_start3A_163 = arith.constant 0 : i32
        %dma_start3A_164 = arith.constant 0 : i32
        %dma_start3A_165 = tpu.memref_slice %arg13[%dma_start3A_163, %dma_start3A_164] : memref<10000x64xf32, #tpu.memory_space<vmem_shared>> -> memref<10000x64xf32, #tpu.memory_space<vmem_shared>>
        tpu.enqueue_indirect_dma source(%arg8 : memref<80x64xf32, #tpu.memory_space<vmem>>) target(%dma_start3A_165 : memref<10000x64xf32, #tpu.memory_space<vmem_shared>>) offsets(%dma_start3A_162 : memref<80xi32, #tpu.memory_space<vmem>>) semaphore(%run_scoped3A : memref<!tpu.dma_semaphore, #tpu.memory_space<semaphore_mem>>) {add = true}
        %dma_wait3A_166 = arith.constant 0 : i32
        %dma_wait3A_167 = tpu.memref_slice %arg7[%add3A_79, %dma_wait3A_166] : memref<250x80xi32, #tpu.memory_space<vmem>> -> memref<1x80xi32, #tpu.memory_space<vmem>>
        %dma_wait3A_168 = tpu.memref_squeeze %dma_wait3A_167 : memref<1x80xi32, #tpu.memory_space<vmem>> -> memref<80xi32, #tpu.memory_space<vmem>>
        %dma_wait3A_169 = arith.constant 0 : i32
        %dma_wait3A_170 = arith.constant 0 : i32
        %dma_wait3A_171 = tpu.memref_slice %arg13[%dma_wait3A_169, %dma_wait3A_170] : memref<10000x64xf32, #tpu.memory_space<vmem_shared>> -> memref<10000x64xf32, #tpu.memory_space<vmem_shared>>
        tpu.wait_indirect_dma semaphore(%run_scoped3A : memref<!tpu.dma_semaphore, #tpu.memory_space<semaphore_mem>>) src(%arg8 : memref<80x64xf32, #tpu.memory_space<vmem>>) dst(%dma_wait3A_171 : memref<10000x64xf32, #tpu.memory_space<vmem_shared>>)
        tpu.yield
      }) : () -> ()
      %dma_wait3A_80 = arith.constant 0 : i32
      %dma_wait3A_81 = arith.constant 0 : i32
      %dma_wait3A_82 = tpu.memref_slice %arg6[%dma_wait3A_80, %dma_wait3A_81] : memref<250x80xi32, #tpu.memory_space<vmem>> -> memref<1x80xi32, #tpu.memory_space<vmem>>
      %dma_wait3A_83 = tpu.memref_squeeze %dma_wait3A_82 : memref<1x80xi32, #tpu.memory_space<vmem>> -> memref<80xi32, #tpu.memory_space<vmem>>
      %dma_wait3A_84 = arith.constant 0 : i32
      %dma_wait3A_85 = arith.constant 0 : i32
      %dma_wait3A_86 = tpu.memref_slice %arg2[%dma_wait3A_84, %dma_wait3A_85] : memref<20000x64xf32, #tpu.memory_space<hbm>> -> memref<20000x64xf32, #tpu.memory_space<hbm>>
      tpu.wait_indirect_dma semaphore(%arg15 : memref<!tpu.dma_semaphore, #tpu.memory_space<semaphore_mem>>) src(%dma_wait3A_86 : memref<20000x64xf32, #tpu.memory_space<hbm>>) dst(%arg9 : memref<80x64xf32, #tpu.memory_space<vmem>>)
      %add3A_87 = arith.constant 1 : i32
      %add3A_88 = arith.addi %mul3A_62, %add3A_87 : i32
      %add3A_89 = arith.constant 5 : i32
      %add3A_90 = arith.addi %add3A_88, %add3A_89 : i32
      %sub3A_91 = arith.constant 1 : i32
      %sub3A_92 = arith.subi %add3A_90, %sub3A_91 : i32
      %lt3A_93 = arith.constant 250 : i32
      %lt3A_94 = arith.cmpi slt, %sub3A_92, %lt3A_93 : i32
      %convert_element_type3A_95 = arith.extui %lt3A_94 : i1 to i32
      %cond3A_96 = arith.constant 0 : i32
      %cond3A_97 = arith.cmpi ne, %convert_element_type3A_95, %cond3A_96 : i32
      scf.if %cond3A_97 {
        %add3A_160 = arith.constant 1 : i32
        %add3A_161 = arith.addi %mul3A_62, %add3A_160 : i32
        %add3A_162 = arith.constant 5 : i32
        %add3A_163 = arith.addi %add3A_161, %add3A_162 : i32
        %sub3A_164 = arith.constant 1 : i32
        %sub3A_165 = arith.subi %add3A_163, %sub3A_164 : i32
        %dma_start3A_166 = arith.constant 0 : i32
        %dma_start3A_167 = tpu.memref_slice %arg6[%sub3A_165, %dma_start3A_166] : memref<250x80xi32, #tpu.memory_space<vmem>> -> memref<1x80xi32, #tpu.memory_space<vmem>>
        %dma_start3A_168 = tpu.memref_squeeze %dma_start3A_167 : memref<1x80xi32, #tpu.memory_space<vmem>> -> memref<80xi32, #tpu.memory_space<vmem>>
        %dma_start3A_169 = arith.constant 0 : i32
        %dma_start3A_170 = arith.constant 0 : i32
        %dma_start3A_171 = tpu.memref_slice %arg2[%dma_start3A_169, %dma_start3A_170] : memref<20000x64xf32, #tpu.memory_space<hbm>> -> memref<20000x64xf32, #tpu.memory_space<hbm>>
        tpu.enqueue_indirect_dma source(%dma_start3A_171 : memref<20000x64xf32, #tpu.memory_space<hbm>>) target(%arg8 : memref<80x64xf32, #tpu.memory_space<vmem>>) offsets(%dma_start3A_168 : memref<80xi32, #tpu.memory_space<vmem>>) semaphore(%arg14 : memref<!tpu.dma_semaphore, #tpu.memory_space<semaphore_mem>>)
      } else {
      }
      %add3A_98 = arith.constant 1 : i32
      %add3A_99 = arith.addi %mul3A_62, %add3A_98 : i32
      "tpu.region"() ({
        %run_scoped3A = tpu.sem_alloc : memref<!tpu.dma_semaphore, #tpu.memory_space<semaphore_mem>>
        %dma_start3A_160 = arith.constant 0 : i32
        %dma_start3A_161 = tpu.memref_slice %arg7[%add3A_99, %dma_start3A_160] : memref<250x80xi32, #tpu.memory_space<vmem>> -> memref<1x80xi32, #tpu.memory_space<vmem>>
        %dma_start3A_162 = tpu.memref_squeeze %dma_start3A_161 : memref<1x80xi32, #tpu.memory_space<vmem>> -> memref<80xi32, #tpu.memory_space<vmem>>
        %dma_start3A_163 = arith.constant 0 : i32
        %dma_start3A_164 = arith.constant 0 : i32
        %dma_start3A_165 = tpu.memref_slice %arg13[%dma_start3A_163, %dma_start3A_164] : memref<10000x64xf32, #tpu.memory_space<vmem_shared>> -> memref<10000x64xf32, #tpu.memory_space<vmem_shared>>
        tpu.enqueue_indirect_dma source(%arg9 : memref<80x64xf32, #tpu.memory_space<vmem>>) target(%dma_start3A_165 : memref<10000x64xf32, #tpu.memory_space<vmem_shared>>) offsets(%dma_start3A_162 : memref<80xi32, #tpu.memory_space<vmem>>) semaphore(%run_scoped3A : memref<!tpu.dma_semaphore, #tpu.memory_space<semaphore_mem>>) {add = true}
        %dma_wait3A_166 = arith.constant 0 : i32
        %dma_wait3A_167 = tpu.memref_slice %arg7[%add3A_99, %dma_wait3A_166] : memref<250x80xi32, #tpu.memory_space<vmem>> -> memref<1x80xi32, #tpu.memory_space<vmem>>
        %dma_wait3A_168 = tpu.memref_squeeze %dma_wait3A_167 : memref<1x80xi32, #tpu.memory_space<vmem>> -> memref<80xi32, #tpu.memory_space<vmem>>
        %dma_wait3A_169 = arith.constant 0 : i32
        %dma_wait3A_170 = arith.constant 0 : i32
        %dma_wait3A_171 = tpu.memref_slice %arg13[%dma_wait3A_169, %dma_wait3A_170] : memref<10000x64xf32, #tpu.memory_space<vmem_shared>> -> memref<10000x64xf32, #tpu.memory_space<vmem_shared>>
        tpu.wait_indirect_dma semaphore(%run_scoped3A : memref<!tpu.dma_semaphore, #tpu.memory_space<semaphore_mem>>) src(%arg9 : memref<80x64xf32, #tpu.memory_space<vmem>>) dst(%dma_wait3A_171 : memref<10000x64xf32, #tpu.memory_space<vmem_shared>>)
        tpu.yield
      }) : () -> ()
      %dma_wait3A_100 = arith.constant 0 : i32
      %dma_wait3A_101 = arith.constant 0 : i32
      %dma_wait3A_102 = tpu.memref_slice %arg6[%dma_wait3A_100, %dma_wait3A_101] : memref<250x80xi32, #tpu.memory_space<vmem>> -> memref<1x80xi32, #tpu.memory_space<vmem>>
      %dma_wait3A_103 = tpu.memref_squeeze %dma_wait3A_102 : memref<1x80xi32, #tpu.memory_space<vmem>> -> memref<80xi32, #tpu.memory_space<vmem>>
      %dma_wait3A_104 = arith.constant 0 : i32
      %dma_wait3A_105 = arith.constant 0 : i32
      %dma_wait3A_106 = tpu.memref_slice %arg2[%dma_wait3A_104, %dma_wait3A_105] : memref<20000x64xf32, #tpu.memory_space<hbm>> -> memref<20000x64xf32, #tpu.memory_space<hbm>>
      tpu.wait_indirect_dma semaphore(%arg16 : memref<!tpu.dma_semaphore, #tpu.memory_space<semaphore_mem>>) src(%dma_wait3A_106 : memref<20000x64xf32, #tpu.memory_space<hbm>>) dst(%arg10 : memref<80x64xf32, #tpu.memory_space<vmem>>)
      %add3A_107 = arith.constant 2 : i32
      %add3A_108 = arith.addi %mul3A_62, %add3A_107 : i32
      %add3A_109 = arith.constant 5 : i32
      %add3A_110 = arith.addi %add3A_108, %add3A_109 : i32
      %sub3A_111 = arith.constant 1 : i32
      %sub3A_112 = arith.subi %add3A_110, %sub3A_111 : i32
      %lt3A_113 = arith.constant 250 : i32
      %lt3A_114 = arith.cmpi slt, %sub3A_112, %lt3A_113 : i32
      %convert_element_type3A_115 = arith.extui %lt3A_114 : i1 to i32
      %cond3A_116 = arith.constant 0 : i32
      %cond3A_117 = arith.cmpi ne, %convert_element_type3A_115, %cond3A_116 : i32
      scf.if %cond3A_117 {
        %add3A_160 = arith.constant 2 : i32
        %add3A_161 = arith.addi %mul3A_62, %add3A_160 : i32
        %add3A_162 = arith.constant 5 : i32
        %add3A_163 = arith.addi %add3A_161, %add3A_162 : i32
        %sub3A_164 = arith.constant 1 : i32
        %sub3A_165 = arith.subi %add3A_163, %sub3A_164 : i32
        %dma_start3A_166 = arith.constant 0 : i32
        %dma_start3A_167 = tpu.memref_slice %arg6[%sub3A_165, %dma_start3A_166] : memref<250x80xi32, #tpu.memory_space<vmem>> -> memref<1x80xi32, #tpu.memory_space<vmem>>
        %dma_start3A_168 = tpu.memref_squeeze %dma_start3A_167 : memref<1x80xi32, #tpu.memory_space<vmem>> -> memref<80xi32, #tpu.memory_space<vmem>>
        %dma_start3A_169 = arith.constant 0 : i32
        %dma_start3A_170 = arith.constant 0 : i32
        %dma_start3A_171 = tpu.memref_slice %arg2[%dma_start3A_169, %dma_start3A_170] : memref<20000x64xf32, #tpu.memory_space<hbm>> -> memref<20000x64xf32, #tpu.memory_space<hbm>>
        tpu.enqueue_indirect_dma source(%dma_start3A_171 : memref<20000x64xf32, #tpu.memory_space<hbm>>) target(%arg9 : memref<80x64xf32, #tpu.memory_space<vmem>>) offsets(%dma_start3A_168 : memref<80xi32, #tpu.memory_space<vmem>>) semaphore(%arg15 : memref<!tpu.dma_semaphore, #tpu.memory_space<semaphore_mem>>)
      } else {
      }
      %add3A_118 = arith.constant 2 : i32
      %add3A_119 = arith.addi %mul3A_62, %add3A_118 : i32
      "tpu.region"() ({
        %run_scoped3A = tpu.sem_alloc : memref<!tpu.dma_semaphore, #tpu.memory_space<semaphore_mem>>
        %dma_start3A_160 = arith.constant 0 : i32
        %dma_start3A_161 = tpu.memref_slice %arg7[%add3A_119, %dma_start3A_160] : memref<250x80xi32, #tpu.memory_space<vmem>> -> memref<1x80xi32, #tpu.memory_space<vmem>>
        %dma_start3A_162 = tpu.memref_squeeze %dma_start3A_161 : memref<1x80xi32, #tpu.memory_space<vmem>> -> memref<80xi32, #tpu.memory_space<vmem>>
        %dma_start3A_163 = arith.constant 0 : i32
        %dma_start3A_164 = arith.constant 0 : i32
        %dma_start3A_165 = tpu.memref_slice %arg13[%dma_start3A_163, %dma_start3A_164] : memref<10000x64xf32, #tpu.memory_space<vmem_shared>> -> memref<10000x64xf32, #tpu.memory_space<vmem_shared>>
        tpu.enqueue_indirect_dma source(%arg10 : memref<80x64xf32, #tpu.memory_space<vmem>>) target(%dma_start3A_165 : memref<10000x64xf32, #tpu.memory_space<vmem_shared>>) offsets(%dma_start3A_162 : memref<80xi32, #tpu.memory_space<vmem>>) semaphore(%run_scoped3A : memref<!tpu.dma_semaphore, #tpu.memory_space<semaphore_mem>>) {add = true}
        %dma_wait3A_166 = arith.constant 0 : i32
        %dma_wait3A_167 = tpu.memref_slice %arg7[%add3A_119, %dma_wait3A_166] : memref<250x80xi32, #tpu.memory_space<vmem>> -> memref<1x80xi32, #tpu.memory_space<vmem>>
        %dma_wait3A_168 = tpu.memref_squeeze %dma_wait3A_167 : memref<1x80xi32, #tpu.memory_space<vmem>> -> memref<80xi32, #tpu.memory_space<vmem>>
        %dma_wait3A_169 = arith.constant 0 : i32
        %dma_wait3A_170 = arith.constant 0 : i32
        %dma_wait3A_171 = tpu.memref_slice %arg13[%dma_wait3A_169, %dma_wait3A_170] : memref<10000x64xf32, #tpu.memory_space<vmem_shared>> -> memref<10000x64xf32, #tpu.memory_space<vmem_shared>>
        tpu.wait_indirect_dma semaphore(%run_scoped3A : memref<!tpu.dma_semaphore, #tpu.memory_space<semaphore_mem>>) src(%arg10 : memref<80x64xf32, #tpu.memory_space<vmem>>) dst(%dma_wait3A_171 : memref<10000x64xf32, #tpu.memory_space<vmem_shared>>)
        tpu.yield
      }) : () -> ()
      %dma_wait3A_120 = arith.constant 0 : i32
      %dma_wait3A_121 = arith.constant 0 : i32
      %dma_wait3A_122 = tpu.memref_slice %arg6[%dma_wait3A_120, %dma_wait3A_121] : memref<250x80xi32, #tpu.memory_space<vmem>> -> memref<1x80xi32, #tpu.memory_space<vmem>>
      %dma_wait3A_123 = tpu.memref_squeeze %dma_wait3A_122 : memref<1x80xi32, #tpu.memory_space<vmem>> -> memref<80xi32, #tpu.memory_space<vmem>>
      %dma_wait3A_124 = arith.constant 0 : i32
      %dma_wait3A_125 = arith.constant 0 : i32
      %dma_wait3A_126 = tpu.memref_slice %arg2[%dma_wait3A_124, %dma_wait3A_125] : memref<20000x64xf32, #tpu.memory_space<hbm>> -> memref<20000x64xf32, #tpu.memory_space<hbm>>
      tpu.wait_indirect_dma semaphore(%arg17 : memref<!tpu.dma_semaphore, #tpu.memory_space<semaphore_mem>>) src(%dma_wait3A_126 : memref<20000x64xf32, #tpu.memory_space<hbm>>) dst(%arg11 : memref<80x64xf32, #tpu.memory_space<vmem>>)
      %add3A_127 = arith.constant 3 : i32
      %add3A_128 = arith.addi %mul3A_62, %add3A_127 : i32
      %add3A_129 = arith.constant 5 : i32
      %add3A_130 = arith.addi %add3A_128, %add3A_129 : i32
      %sub3A_131 = arith.constant 1 : i32
      %sub3A_132 = arith.subi %add3A_130, %sub3A_131 : i32
      %lt3A_133 = arith.constant 250 : i32
      %lt3A_134 = arith.cmpi slt, %sub3A_132, %lt3A_133 : i32
      %convert_element_type3A_135 = arith.extui %lt3A_134 : i1 to i32
      %cond3A_136 = arith.constant 0 : i32
      %cond3A_137 = arith.cmpi ne, %convert_element_type3A_135, %cond3A_136 : i32
      scf.if %cond3A_137 {
        %add3A_160 = arith.constant 3 : i32
        %add3A_161 = arith.addi %mul3A_62, %add3A_160 : i32
        %add3A_162 = arith.constant 5 : i32
        %add3A_163 = arith.addi %add3A_161, %add3A_162 : i32
        %sub3A_164 = arith.constant 1 : i32
        %sub3A_165 = arith.subi %add3A_163, %sub3A_164 : i32
        %dma_start3A_166 = arith.constant 0 : i32
        %dma_start3A_167 = tpu.memref_slice %arg6[%sub3A_165, %dma_start3A_166] : memref<250x80xi32, #tpu.memory_space<vmem>> -> memref<1x80xi32, #tpu.memory_space<vmem>>
        %dma_start3A_168 = tpu.memref_squeeze %dma_start3A_167 : memref<1x80xi32, #tpu.memory_space<vmem>> -> memref<80xi32, #tpu.memory_space<vmem>>
        %dma_start3A_169 = arith.constant 0 : i32
        %dma_start3A_170 = arith.constant 0 : i32
        %dma_start3A_171 = tpu.memref_slice %arg2[%dma_start3A_169, %dma_start3A_170] : memref<20000x64xf32, #tpu.memory_space<hbm>> -> memref<20000x64xf32, #tpu.memory_space<hbm>>
        tpu.enqueue_indirect_dma source(%dma_start3A_171 : memref<20000x64xf32, #tpu.memory_space<hbm>>) target(%arg10 : memref<80x64xf32, #tpu.memory_space<vmem>>) offsets(%dma_start3A_168 : memref<80xi32, #tpu.memory_space<vmem>>) semaphore(%arg16 : memref<!tpu.dma_semaphore, #tpu.memory_space<semaphore_mem>>)
      } else {
      }
      %add3A_138 = arith.constant 3 : i32
      %add3A_139 = arith.addi %mul3A_62, %add3A_138 : i32
      "tpu.region"() ({
        %run_scoped3A = tpu.sem_alloc : memref<!tpu.dma_semaphore, #tpu.memory_space<semaphore_mem>>
        %dma_start3A_160 = arith.constant 0 : i32
        %dma_start3A_161 = tpu.memref_slice %arg7[%add3A_139, %dma_start3A_160] : memref<250x80xi32, #tpu.memory_space<vmem>> -> memref<1x80xi32, #tpu.memory_space<vmem>>
        %dma_start3A_162 = tpu.memref_squeeze %dma_start3A_161 : memref<1x80xi32, #tpu.memory_space<vmem>> -> memref<80xi32, #tpu.memory_space<vmem>>
        %dma_start3A_163 = arith.constant 0 : i32
        %dma_start3A_164 = arith.constant 0 : i32
        %dma_start3A_165 = tpu.memref_slice %arg13[%dma_start3A_163, %dma_start3A_164] : memref<10000x64xf32, #tpu.memory_space<vmem_shared>> -> memref<10000x64xf32, #tpu.memory_space<vmem_shared>>
        tpu.enqueue_indirect_dma source(%arg11 : memref<80x64xf32, #tpu.memory_space<vmem>>) target(%dma_start3A_165 : memref<10000x64xf32, #tpu.memory_space<vmem_shared>>) offsets(%dma_start3A_162 : memref<80xi32, #tpu.memory_space<vmem>>) semaphore(%run_scoped3A : memref<!tpu.dma_semaphore, #tpu.memory_space<semaphore_mem>>) {add = true}
        %dma_wait3A_166 = arith.constant 0 : i32
        %dma_wait3A_167 = tpu.memref_slice %arg7[%add3A_139, %dma_wait3A_166] : memref<250x80xi32, #tpu.memory_space<vmem>> -> memref<1x80xi32, #tpu.memory_space<vmem>>
        %dma_wait3A_168 = tpu.memref_squeeze %dma_wait3A_167 : memref<1x80xi32, #tpu.memory_space<vmem>> -> memref<80xi32, #tpu.memory_space<vmem>>
        %dma_wait3A_169 = arith.constant 0 : i32
        %dma_wait3A_170 = arith.constant 0 : i32
        %dma_wait3A_171 = tpu.memref_slice %arg13[%dma_wait3A_169, %dma_wait3A_170] : memref<10000x64xf32, #tpu.memory_space<vmem_shared>> -> memref<10000x64xf32, #tpu.memory_space<vmem_shared>>
        tpu.wait_indirect_dma semaphore(%run_scoped3A : memref<!tpu.dma_semaphore, #tpu.memory_space<semaphore_mem>>) src(%arg11 : memref<80x64xf32, #tpu.memory_space<vmem>>) dst(%dma_wait3A_171 : memref<10000x64xf32, #tpu.memory_space<vmem_shared>>)
        tpu.yield
      }) : () -> ()
      %dma_wait3A_140 = arith.constant 0 : i32
      %dma_wait3A_141 = arith.constant 0 : i32
      %dma_wait3A_142 = tpu.memref_slice %arg6[%dma_wait3A_140, %dma_wait3A_141] : memref<250x80xi32, #tpu.memory_space<vmem>> -> memref<1x80xi32, #tpu.memory_space<vmem>>
      %dma_wait3A_143 = tpu.memref_squeeze %dma_wait3A_142 : memref<1x80xi32, #tpu.memory_space<vmem>> -> memref<80xi32, #tpu.memory_space<vmem>>
      %dma_wait3A_144 = arith.constant 0 : i32
      %dma_wait3A_145 = arith.constant 0 : i32
      %dma_wait3A_146 = tpu.memref_slice %arg2[%dma_wait3A_144, %dma_wait3A_145] : memref<20000x64xf32, #tpu.memory_space<hbm>> -> memref<20000x64xf32, #tpu.memory_space<hbm>>
      tpu.wait_indirect_dma semaphore(%arg18 : memref<!tpu.dma_semaphore, #tpu.memory_space<semaphore_mem>>) src(%dma_wait3A_146 : memref<20000x64xf32, #tpu.memory_space<hbm>>) dst(%arg12 : memref<80x64xf32, #tpu.memory_space<vmem>>)
      %add3A_147 = arith.constant 4 : i32
      %add3A_148 = arith.addi %mul3A_62, %add3A_147 : i32
      %add3A_149 = arith.constant 5 : i32
      %add3A_150 = arith.addi %add3A_148, %add3A_149 : i32
      %sub3A_151 = arith.constant 1 : i32
      %sub3A_152 = arith.subi %add3A_150, %sub3A_151 : i32
      %lt3A_153 = arith.constant 250 : i32
      %lt3A_154 = arith.cmpi slt, %sub3A_152, %lt3A_153 : i32
      %convert_element_type3A_155 = arith.extui %lt3A_154 : i1 to i32
      %cond3A_156 = arith.constant 0 : i32
      %cond3A_157 = arith.cmpi ne, %convert_element_type3A_155, %cond3A_156 : i32
      scf.if %cond3A_157 {
        %add3A_160 = arith.constant 4 : i32
        %add3A_161 = arith.addi %mul3A_62, %add3A_160 : i32
        %add3A_162 = arith.constant 5 : i32
        %add3A_163 = arith.addi %add3A_161, %add3A_162 : i32
        %sub3A_164 = arith.constant 1 : i32
        %sub3A_165 = arith.subi %add3A_163, %sub3A_164 : i32
        %dma_start3A_166 = arith.constant 0 : i32
        %dma_start3A_167 = tpu.memref_slice %arg6[%sub3A_165, %dma_start3A_166] : memref<250x80xi32, #tpu.memory_space<vmem>> -> memref<1x80xi32, #tpu.memory_space<vmem>>
        %dma_start3A_168 = tpu.memref_squeeze %dma_start3A_167 : memref<1x80xi32, #tpu.memory_space<vmem>> -> memref<80xi32, #tpu.memory_space<vmem>>
        %dma_start3A_169 = arith.constant 0 : i32
        %dma_start3A_170 = arith.constant 0 : i32
        %dma_start3A_171 = tpu.memref_slice %arg2[%dma_start3A_169, %dma_start3A_170] : memref<20000x64xf32, #tpu.memory_space<hbm>> -> memref<20000x64xf32, #tpu.memory_space<hbm>>
        tpu.enqueue_indirect_dma source(%dma_start3A_171 : memref<20000x64xf32, #tpu.memory_space<hbm>>) target(%arg11 : memref<80x64xf32, #tpu.memory_space<vmem>>) offsets(%dma_start3A_168 : memref<80xi32, #tpu.memory_space<vmem>>) semaphore(%arg17 : memref<!tpu.dma_semaphore, #tpu.memory_space<semaphore_mem>>)
      } else {
      }
      %add3A_158 = arith.constant 4 : i32
      %add3A_159 = arith.addi %mul3A_62, %add3A_158 : i32
      "tpu.region"() ({
        %run_scoped3A = tpu.sem_alloc : memref<!tpu.dma_semaphore, #tpu.memory_space<semaphore_mem>>
        %dma_start3A_160 = arith.constant 0 : i32
        %dma_start3A_161 = tpu.memref_slice %arg7[%add3A_159, %dma_start3A_160] : memref<250x80xi32, #tpu.memory_space<vmem>> -> memref<1x80xi32, #tpu.memory_space<vmem>>
        %dma_start3A_162 = tpu.memref_squeeze %dma_start3A_161 : memref<1x80xi32, #tpu.memory_space<vmem>> -> memref<80xi32, #tpu.memory_space<vmem>>
        %dma_start3A_163 = arith.constant 0 : i32
        %dma_start3A_164 = arith.constant 0 : i32
        %dma_start3A_165 = tpu.memref_slice %arg13[%dma_start3A_163, %dma_start3A_164] : memref<10000x64xf32, #tpu.memory_space<vmem_shared>> -> memref<10000x64xf32, #tpu.memory_space<vmem_shared>>
        tpu.enqueue_indirect_dma source(%arg12 : memref<80x64xf32, #tpu.memory_space<vmem>>) target(%dma_start3A_165 : memref<10000x64xf32, #tpu.memory_space<vmem_shared>>) offsets(%dma_start3A_162 : memref<80xi32, #tpu.memory_space<vmem>>) semaphore(%run_scoped3A : memref<!tpu.dma_semaphore, #tpu.memory_space<semaphore_mem>>) {add = true}
        %dma_wait3A_166 = arith.constant 0 : i32
        %dma_wait3A_167 = tpu.memref_slice %arg7[%add3A_159, %dma_wait3A_166] : memref<250x80xi32, #tpu.memory_space<vmem>> -> memref<1x80xi32, #tpu.memory_space<vmem>>
        %dma_wait3A_168 = tpu.memref_squeeze %dma_wait3A_167 : memref<1x80xi32, #tpu.memory_space<vmem>> -> memref<80xi32, #tpu.memory_space<vmem>>
        %dma_wait3A_169 = arith.constant 0 : i32
        %dma_wait3A_170 = arith.constant 0 : i32
        %dma_wait3A_171 = tpu.memref_slice %arg13[%dma_wait3A_169, %dma_wait3A_170] : memref<10000x64xf32, #tpu.memory_space<vmem_shared>> -> memref<10000x64xf32, #tpu.memory_space<vmem_shared>>
        tpu.wait_indirect_dma semaphore(%run_scoped3A : memref<!tpu.dma_semaphore, #tpu.memory_space<semaphore_mem>>) src(%arg12 : memref<80x64xf32, #tpu.memory_space<vmem>>) dst(%dma_wait3A_171 : memref<10000x64xf32, #tpu.memory_space<vmem_shared>>)
        tpu.yield
      }) : () -> ()
    }
    %scan3A_46 = arith.constant 50 : i32
    %barrier3A_47 = arith.constant 0 : index
    tpu.barrier barrier_id(%barrier3A_47)
    %mul3A_48 = arith.constant 624 : i32
    %mul3A_49 = arith.muli %arg1, %mul3A_48 : i32
    %mul3A_50 = arith.constant 10000 : i32
    %mul3A_51 = arith.muli %arg0, %mul3A_50 : i32
    %mul3A_52 = arith.constant 624 : i32
    %mul3A_53 = arith.muli %arg1, %mul3A_52 : i32
    %add3A_54 = arith.addi %mul3A_51, %mul3A_53 : i32
    "tpu.region"() ({
      %run_scoped3A = tpu.sem_alloc : memref<!tpu.dma_semaphore, #tpu.memory_space<semaphore_mem>>
      %dma_start3A_60 = arith.constant 0 : i32
      %dma_start3A_61 = tpu.memref_slice %arg5[%add3A_54, %dma_start3A_60] : memref<20000x64xf32, #tpu.memory_space<hbm>> -> memref<624x64xf32, #tpu.memory_space<hbm>>
      %dma_start3A_62 = arith.constant 0 : i32
      %dma_start3A_63 = tpu.memref_slice %arg13[%mul3A_49, %dma_start3A_62] : memref<10000x64xf32, #tpu.memory_space<vmem_shared>> -> memref<624x64xf32, #tpu.memory_space<vmem_shared>>
      tpu.enqueue_dma source(%dma_start3A_63 : memref<624x64xf32, #tpu.memory_space<vmem_shared>>) target(%dma_start3A_61 : memref<624x64xf32, #tpu.memory_space<hbm>>) target_semaphore(%run_scoped3A : memref<!tpu.dma_semaphore, #tpu.memory_space<semaphore_mem>>)
      %dma_wait3A = arith.constant 0 : i32
      %dma_wait3A_64 = tpu.memref_slice %arg5[%add3A_54, %dma_wait3A] : memref<20000x64xf32, #tpu.memory_space<hbm>> -> memref<624x64xf32, #tpu.memory_space<hbm>>
      %dma_wait3A_65 = arith.constant 0 : i32
      %dma_wait3A_66 = tpu.memref_slice %arg13[%mul3A_49, %dma_wait3A_65] : memref<10000x64xf32, #tpu.memory_space<vmem_shared>> -> memref<624x64xf32, #tpu.memory_space<vmem_shared>>
      tpu.wait_dma2 semaphore(%run_scoped3A : memref<!tpu.dma_semaphore, #tpu.memory_space<semaphore_mem>>) src(%dma_wait3A_66 : memref<624x64xf32, #tpu.memory_space<vmem_shared>>) dst(%dma_wait3A_64 : memref<624x64xf32, #tpu.memory_space<hbm>>)
      tpu.yield
    }) : () -> ()
    %eq3A_55 = arith.constant 0 : i32
    %eq3A_56 = arith.cmpi eq, %arg1, %eq3A_55 : i32
    %convert_element_type3A_57 = arith.extui %eq3A_56 : i1 to i32
    %cond3A_58 = arith.constant 0 : i32
    %cond3A_59 = arith.cmpi ne, %convert_element_type3A_57, %cond3A_58 : i32
    scf.if %cond3A_59 {
      %mul3A_60 = arith.constant 10000 : i32
      %mul3A_61 = arith.muli %arg0, %mul3A_60 : i32
      %add3A_62 = arith.constant 9984 : i32
      %add3A_63 = arith.addi %mul3A_61, %add3A_62 : i32
      "tpu.region"() ({
        %run_scoped3A = tpu.sem_alloc : memref<!tpu.dma_semaphore, #tpu.memory_space<semaphore_mem>>
        %dma_start3A_64 = arith.constant 0 : i32
        %dma_start3A_65 = tpu.memref_slice %arg5[%add3A_63, %dma_start3A_64] : memref<20000x64xf32, #tpu.memory_space<hbm>> -> memref<16x64xf32, #tpu.memory_space<hbm>>
        %dma_start3A_66 = arith.constant 9984 : i32
        %dma_start3A_67 = arith.constant 0 : i32
        %dma_start3A_68 = tpu.memref_slice %arg13[%dma_start3A_66, %dma_start3A_67] : memref<10000x64xf32, #tpu.memory_space<vmem_shared>> -> memref<16x64xf32, #tpu.memory_space<vmem_shared>>
        tpu.enqueue_dma source(%dma_start3A_68 : memref<16x64xf32, #tpu.memory_space<vmem_shared>>) target(%dma_start3A_65 : memref<16x64xf32, #tpu.memory_space<hbm>>) target_semaphore(%run_scoped3A : memref<!tpu.dma_semaphore, #tpu.memory_space<semaphore_mem>>)
        %dma_wait3A = arith.constant 0 : i32
        %dma_wait3A_69 = tpu.memref_slice %arg5[%add3A_63, %dma_wait3A] : memref<20000x64xf32, #tpu.memory_space<hbm>> -> memref<16x64xf32, #tpu.memory_space<hbm>>
        %dma_wait3A_70 = arith.constant 9984 : i32
        %dma_wait3A_71 = arith.constant 0 : i32
        %dma_wait3A_72 = tpu.memref_slice %arg13[%dma_wait3A_70, %dma_wait3A_71] : memref<10000x64xf32, #tpu.memory_space<vmem_shared>> -> memref<16x64xf32, #tpu.memory_space<vmem_shared>>
        tpu.wait_dma2 semaphore(%run_scoped3A : memref<!tpu.dma_semaphore, #tpu.memory_space<semaphore_mem>>) src(%dma_wait3A_72 : memref<16x64xf32, #tpu.memory_space<vmem_shared>>) dst(%dma_wait3A_69 : memref<16x64xf32, #tpu.memory_space<hbm>>)
        tpu.yield
      }) : () -> ()
    } else {
    }
    return
  }
}

#map = affine_map<(d0, d1) -> (0, 0)>
#map1 = affine_map<(d0, d1) -> (0, 0, 0)>
module attributes {stable_mosaic.version = 14 : i64} {
  func.func @l2(%arg0: i32, %arg1: i32, %arg2: memref<20000x64xf32, #tpu.memory_space<hbm>>, %arg3: memref<20000x64xf32, #tpu.memory_space<hbm>>, %arg4: memref<20000x64xf32, #tpu.memory_space<hbm>>, %arg5: memref<20000x16xf32, #tpu.memory_space<hbm>>, %arg6: memref<16x250x80xi32, #tpu.memory_space<hbm>>, %arg7: memref<16x250x80xi32, #tpu.memory_space<hbm>>, %arg8: memref<60000x64xf32, #tpu.memory_space<hbm>>, %arg9: memref<20000x16xf32, #tpu.memory_space<hbm>>, %arg10: memref<250x80xi32, #tpu.memory_space<vmem>>, %arg11: memref<250x80xi32, #tpu.memory_space<vmem>>, %arg12: memref<80x64xf32, #tpu.memory_space<vmem>>, %arg13: memref<80x64xf32, #tpu.memory_space<vmem>>, %arg14: memref<80x64xf32, #tpu.memory_space<vmem>>, %arg15: memref<80x64xf32, #tpu.memory_space<vmem>>, %arg16: memref<80x64xf32, #tpu.memory_space<vmem>>, %arg17: memref<80x16xf32, #tpu.memory_space<vmem>>, %arg18: memref<80x16xf32, #tpu.memory_space<vmem>>, %arg19: memref<80x16xf32, #tpu.memory_space<vmem>>, %arg20: memref<80x16xf32, #tpu.memory_space<vmem>>, %arg21: memref<80x16xf32, #tpu.memory_space<vmem>>, %arg22: memref<10000x64xf32, #tpu.memory_space<vmem_shared>>, %arg23: memref<10000x16xf32, #tpu.memory_space<vmem_shared>>, %arg24: memref<!tpu.dma_semaphore, #tpu.memory_space<semaphore_mem>>, %arg25: memref<!tpu.dma_semaphore, #tpu.memory_space<semaphore_mem>>, %arg26: memref<!tpu.dma_semaphore, #tpu.memory_space<semaphore_mem>>, %arg27: memref<!tpu.dma_semaphore, #tpu.memory_space<semaphore_mem>>, %arg28: memref<!tpu.dma_semaphore, #tpu.memory_space<semaphore_mem>>) attributes {dimension_semantics = [#tpu.dimension_semantics<core_parallel>, #tpu.dimension_semantics<subcore_parallel>], iteration_bounds = array<i64: 2, 16>, scalar_prefetch = 0 : i64, scratch_operands = 19 : i64, tpu.core_type = #tpu.core_type<sc_vector_subcore>, window_params = [{transform_indices = #map}, {transform_indices = #map}, {transform_indices = #map}, {transform_indices = #map}, {transform_indices = #map1}, {transform_indices = #map1}, {transform_indices = #map}, {transform_indices = #map}]} {
    "tpu.region"() ({
      %run_scoped3A = tpu.sem_alloc : memref<!tpu.dma_semaphore, #tpu.memory_space<semaphore_mem>>
      %dma_start3A_246 = arith.constant 0 : i32
      %dma_start3A_247 = arith.constant 0 : i32
      %dma_start3A_248 = tpu.memref_slice %arg6[%arg1, %dma_start3A_246, %dma_start3A_247] : memref<16x250x80xi32, #tpu.memory_space<hbm>> -> memref<1x250x80xi32, #tpu.memory_space<hbm>>
      %dma_start3A_249 = tpu.memref_squeeze %dma_start3A_248 : memref<1x250x80xi32, #tpu.memory_space<hbm>> -> memref<250x80xi32, #tpu.memory_space<hbm>>
      %dma_start3A_250 = arith.constant 0 : i32
      %dma_start3A_251 = arith.constant 0 : i32
      %dma_start3A_252 = tpu.memref_slice %arg6[%arg1, %dma_start3A_250, %dma_start3A_251] : memref<16x250x80xi32, #tpu.memory_space<hbm>> -> memref<1x250x80xi32, #tpu.memory_space<hbm>>
      %dma_start3A_253 = tpu.memref_squeeze %dma_start3A_252 : memref<1x250x80xi32, #tpu.memory_space<hbm>> -> memref<250x80xi32, #tpu.memory_space<hbm>>
      tpu.enqueue_dma source(%dma_start3A_253 : memref<250x80xi32, #tpu.memory_space<hbm>>) target(%arg10 : memref<250x80xi32, #tpu.memory_space<vmem>>) target_semaphore(%run_scoped3A : memref<!tpu.dma_semaphore, #tpu.memory_space<semaphore_mem>>)
      %dma_wait3A = arith.constant 0 : i32
      %dma_wait3A_254 = arith.constant 0 : i32
      %dma_wait3A_255 = tpu.memref_slice %arg6[%arg1, %dma_wait3A, %dma_wait3A_254] : memref<16x250x80xi32, #tpu.memory_space<hbm>> -> memref<1x250x80xi32, #tpu.memory_space<hbm>>
      %dma_wait3A_256 = tpu.memref_squeeze %dma_wait3A_255 : memref<1x250x80xi32, #tpu.memory_space<hbm>> -> memref<250x80xi32, #tpu.memory_space<hbm>>
      %dma_wait3A_257 = arith.constant 0 : i32
      %dma_wait3A_258 = arith.constant 0 : i32
      %dma_wait3A_259 = tpu.memref_slice %arg6[%arg1, %dma_wait3A_257, %dma_wait3A_258] : memref<16x250x80xi32, #tpu.memory_space<hbm>> -> memref<1x250x80xi32, #tpu.memory_space<hbm>>
      %dma_wait3A_260 = tpu.memref_squeeze %dma_wait3A_259 : memref<1x250x80xi32, #tpu.memory_space<hbm>> -> memref<250x80xi32, #tpu.memory_space<hbm>>
      tpu.wait_dma2 semaphore(%run_scoped3A : memref<!tpu.dma_semaphore, #tpu.memory_space<semaphore_mem>>) src(%dma_wait3A_260 : memref<250x80xi32, #tpu.memory_space<hbm>>) dst(%arg10 : memref<250x80xi32, #tpu.memory_space<vmem>>)
      tpu.yield
    }) : () -> ()
    "tpu.region"() ({
      %run_scoped3A = tpu.sem_alloc : memref<!tpu.dma_semaphore, #tpu.memory_space<semaphore_mem>>
      %dma_start3A_246 = arith.constant 0 : i32
      %dma_start3A_247 = arith.constant 0 : i32
      %dma_start3A_248 = tpu.memref_slice %arg7[%arg1, %dma_start3A_246, %dma_start3A_247] : memref<16x250x80xi32, #tpu.memory_space<hbm>> -> memref<1x250x80xi32, #tpu.memory_space<hbm>>
      %dma_start3A_249 = tpu.memref_squeeze %dma_start3A_248 : memref<1x250x80xi32, #tpu.memory_space<hbm>> -> memref<250x80xi32, #tpu.memory_space<hbm>>
      %dma_start3A_250 = arith.constant 0 : i32
      %dma_start3A_251 = arith.constant 0 : i32
      %dma_start3A_252 = tpu.memref_slice %arg7[%arg1, %dma_start3A_250, %dma_start3A_251] : memref<16x250x80xi32, #tpu.memory_space<hbm>> -> memref<1x250x80xi32, #tpu.memory_space<hbm>>
      %dma_start3A_253 = tpu.memref_squeeze %dma_start3A_252 : memref<1x250x80xi32, #tpu.memory_space<hbm>> -> memref<250x80xi32, #tpu.memory_space<hbm>>
      tpu.enqueue_dma source(%dma_start3A_253 : memref<250x80xi32, #tpu.memory_space<hbm>>) target(%arg11 : memref<250x80xi32, #tpu.memory_space<vmem>>) target_semaphore(%run_scoped3A : memref<!tpu.dma_semaphore, #tpu.memory_space<semaphore_mem>>)
      %dma_wait3A = arith.constant 0 : i32
      %dma_wait3A_254 = arith.constant 0 : i32
      %dma_wait3A_255 = tpu.memref_slice %arg7[%arg1, %dma_wait3A, %dma_wait3A_254] : memref<16x250x80xi32, #tpu.memory_space<hbm>> -> memref<1x250x80xi32, #tpu.memory_space<hbm>>
      %dma_wait3A_256 = tpu.memref_squeeze %dma_wait3A_255 : memref<1x250x80xi32, #tpu.memory_space<hbm>> -> memref<250x80xi32, #tpu.memory_space<hbm>>
      %dma_wait3A_257 = arith.constant 0 : i32
      %dma_wait3A_258 = arith.constant 0 : i32
      %dma_wait3A_259 = tpu.memref_slice %arg7[%arg1, %dma_wait3A_257, %dma_wait3A_258] : memref<16x250x80xi32, #tpu.memory_space<hbm>> -> memref<1x250x80xi32, #tpu.memory_space<hbm>>
      %dma_wait3A_260 = tpu.memref_squeeze %dma_wait3A_259 : memref<1x250x80xi32, #tpu.memory_space<hbm>> -> memref<250x80xi32, #tpu.memory_space<hbm>>
      tpu.wait_dma2 semaphore(%run_scoped3A : memref<!tpu.dma_semaphore, #tpu.memory_space<semaphore_mem>>) src(%dma_wait3A_260 : memref<250x80xi32, #tpu.memory_space<hbm>>) dst(%arg11 : memref<250x80xi32, #tpu.memory_space<vmem>>)
      tpu.yield
    }) : () -> ()
    %mul3A = arith.constant 10000 : i32
    %mul3A_0 = arith.muli %arg0, %mul3A : i32
    %scan3A = arith.constant 0 : i32
    %scan3A_1 = arith.constant 0 : i32
    %scan3A_2 = arith.constant 250 : i32
    %scan3A_3 = arith.addi %scan3A_1, %scan3A_2 : i32
    %scan3A_4 = arith.constant 1 : i32
    scf.for %scan3A_246 = %scan3A_1 to %scan3A_3 step %scan3A_4  : i32 {
      %get3A = arith.index_cast %scan3A_246 : i32 to index
      %get3A_247 = arith.constant 0 : index
      %get3A_248 = tpu.vector_load %arg10[%get3A, %get3A_247] {strides = array<i32>} : memref<250x80xi32, #tpu.memory_space<vmem>>, vector<1x16xi32>,
      %get3A_249 = vector.shape_cast %get3A_248 : vector<1x16xi32> to vector<16xi32>
      %add3A_250 = vector.broadcast %mul3A_0 : i32 to vector<16xi32>
      %add3A_251 = arith.addi %get3A_249, %add3A_250 : vector<16xi32>
      %swap3A = arith.index_cast %scan3A_246 : i32 to index
      %swap3A_252 = arith.constant 0 : index
      %swap3A_253 = tpu.vector_load %arg10[%swap3A, %swap3A_252] {strides = array<i32>} : memref<250x80xi32, #tpu.memory_space<vmem>>, vector<1x16xi32>,
      %swap3A_254 = vector.shape_cast %swap3A_253 : vector<1x16xi32> to vector<16xi32>
      %swap3A_255 = vector.shape_cast %add3A_251 : vector<16xi32> to vector<1x16xi32>
      tpu.vector_store %arg10[%swap3A, %swap3A_252], %swap3A_255 {strides = array<i32>} : memref<250x80xi32, #tpu.memory_space<vmem>>, vector<1x16xi32>,
      %get3A_256 = arith.index_cast %scan3A_246 : i32 to index
      %get3A_257 = arith.constant 16 : index
      %get3A_258 = tpu.vector_load %arg10[%get3A_256, %get3A_257] {strides = array<i32>} : memref<250x80xi32, #tpu.memory_space<vmem>>, vector<1x16xi32>,
      %get3A_259 = vector.shape_cast %get3A_258 : vector<1x16xi32> to vector<16xi32>
      %add3A_260 = vector.broadcast %mul3A_0 : i32 to vector<16xi32>
      %add3A_261 = arith.addi %get3A_259, %add3A_260 : vector<16xi32>
      %swap3A_262 = arith.index_cast %scan3A_246 : i32 to index
      %swap3A_263 = arith.constant 16 : index
      %swap3A_264 = tpu.vector_load %arg10[%swap3A_262, %swap3A_263] {strides = array<i32>} : memref<250x80xi32, #tpu.memory_space<vmem>>, vector<1x16xi32>,
      %swap3A_265 = vector.shape_cast %swap3A_264 : vector<1x16xi32> to vector<16xi32>
      %swap3A_266 = vector.shape_cast %add3A_261 : vector<16xi32> to vector<1x16xi32>
      tpu.vector_store %arg10[%swap3A_262, %swap3A_263], %swap3A_266 {strides = array<i32>} : memref<250x80xi32, #tpu.memory_space<vmem>>, vector<1x16xi32>,
      %get3A_267 = arith.index_cast %scan3A_246 : i32 to index
      %get3A_268 = arith.constant 32 : index
      %get3A_269 = tpu.vector_load %arg10[%get3A_267, %get3A_268] {strides = array<i32>} : memref<250x80xi32, #tpu.memory_space<vmem>>, vector<1x16xi32>,
      %get3A_270 = vector.shape_cast %get3A_269 : vector<1x16xi32> to vector<16xi32>
      %add3A_271 = vector.broadcast %mul3A_0 : i32 to vector<16xi32>
      %add3A_272 = arith.addi %get3A_270, %add3A_271 : vector<16xi32>
      %swap3A_273 = arith.index_cast %scan3A_246 : i32 to index
      %swap3A_274 = arith.constant 32 : index
      %swap3A_275 = tpu.vector_load %arg10[%swap3A_273, %swap3A_274] {strides = array<i32>} : memref<250x80xi32, #tpu.memory_space<vmem>>, vector<1x16xi32>,
      %swap3A_276 = vector.shape_cast %swap3A_275 : vector<1x16xi32> to vector<16xi32>
      %swap3A_277 = vector.shape_cast %add3A_272 : vector<16xi32> to vector<1x16xi32>
      tpu.vector_store %arg10[%swap3A_273, %swap3A_274], %swap3A_277 {strides = array<i32>} : memref<250x80xi32, #tpu.memory_space<vmem>>, vector<1x16xi32>,
      %get3A_278 = arith.index_cast %scan3A_246 : i32 to index
      %get3A_279 = arith.constant 48 : index
      %get3A_280 = tpu.vector_load %arg10[%get3A_278, %get3A_279] {strides = array<i32>} : memref<250x80xi32, #tpu.memory_space<vmem>>, vector<1x16xi32>,
      %get3A_281 = vector.shape_cast %get3A_280 : vector<1x16xi32> to vector<16xi32>
      %add3A_282 = vector.broadcast %mul3A_0 : i32 to vector<16xi32>
      %add3A_283 = arith.addi %get3A_281, %add3A_282 : vector<16xi32>
      %swap3A_284 = arith.index_cast %scan3A_246 : i32 to index
      %swap3A_285 = arith.constant 48 : index
      %swap3A_286 = tpu.vector_load %arg10[%swap3A_284, %swap3A_285] {strides = array<i32>} : memref<250x80xi32, #tpu.memory_space<vmem>>, vector<1x16xi32>,
      %swap3A_287 = vector.shape_cast %swap3A_286 : vector<1x16xi32> to vector<16xi32>
      %swap3A_288 = vector.shape_cast %add3A_283 : vector<16xi32> to vector<1x16xi32>
      tpu.vector_store %arg10[%swap3A_284, %swap3A_285], %swap3A_288 {strides = array<i32>} : memref<250x80xi32, #tpu.memory_space<vmem>>, vector<1x16xi32>,
      %get3A_289 = arith.index_cast %scan3A_246 : i32 to index
      %get3A_290 = arith.constant 64 : index
      %get3A_291 = tpu.vector_load %arg10[%get3A_289, %get3A_290] {strides = array<i32>} : memref<250x80xi32, #tpu.memory_space<vmem>>, vector<1x16xi32>,
      %get3A_292 = vector.shape_cast %get3A_291 : vector<1x16xi32> to vector<16xi32>
      %add3A_293 = vector.broadcast %mul3A_0 : i32 to vector<16xi32>
      %add3A_294 = arith.addi %get3A_292, %add3A_293 : vector<16xi32>
      %swap3A_295 = arith.index_cast %scan3A_246 : i32 to index
      %swap3A_296 = arith.constant 64 : index
      %swap3A_297 = tpu.vector_load %arg10[%swap3A_295, %swap3A_296] {strides = array<i32>} : memref<250x80xi32, #tpu.memory_space<vmem>>, vector<1x16xi32>,
      %swap3A_298 = vector.shape_cast %swap3A_297 : vector<1x16xi32> to vector<16xi32>
      %swap3A_299 = vector.shape_cast %add3A_294 : vector<16xi32> to vector<1x16xi32>
      tpu.vector_store %arg10[%swap3A_295, %swap3A_296], %swap3A_299 {strides = array<i32>} : memref<250x80xi32, #tpu.memory_space<vmem>>, vector<1x16xi32>,
    }
    %scan3A_5 = arith.constant 250 : i32
    %add3A = arith.constant 0 : i32
    %add3A_6 = arith.addi %add3A, %arg0 : i32
    %mul3A_7 = arith.constant 10000 : i32
    %mul3A_8 = arith.muli %add3A_6, %mul3A_7 : i32
    %mul3A_9 = arith.constant 10000 : i32
    %mul3A_10 = arith.muli %arg0, %mul3A_9 : i32
    %mul3A_11 = arith.constant 624 : i32
    %mul3A_12 = arith.muli %arg1, %mul3A_11 : i32
    %add3A_13 = arith.addi %mul3A_10, %mul3A_12 : i32
    %mul3A_14 = arith.constant 624 : i32
    %mul3A_15 = arith.muli %arg1, %mul3A_14 : i32
    "tpu.region"() ({
      %run_scoped3A = tpu.sem_alloc : memref<!tpu.dma_semaphore, #tpu.memory_space<semaphore_mem>>
      %dma_start3A_246 = arith.constant 0 : i32
      %dma_start3A_247 = tpu.memref_slice %arg22[%mul3A_15, %dma_start3A_246] : memref<10000x64xf32, #tpu.memory_space<vmem_shared>> -> memref<624x64xf32, #tpu.memory_space<vmem_shared>>
      %dma_start3A_248 = arith.constant 0 : i32
      %dma_start3A_249 = tpu.memref_slice %arg2[%add3A_13, %dma_start3A_248] : memref<20000x64xf32, #tpu.memory_space<hbm>> -> memref<624x64xf32, #tpu.memory_space<hbm>>
      tpu.enqueue_dma source(%dma_start3A_249 : memref<624x64xf32, #tpu.memory_space<hbm>>) target(%dma_start3A_247 : memref<624x64xf32, #tpu.memory_space<vmem_shared>>) target_semaphore(%run_scoped3A : memref<!tpu.dma_semaphore, #tpu.memory_space<semaphore_mem>>)
      %dma_wait3A = arith.constant 0 : i32
      %dma_wait3A_250 = tpu.memref_slice %arg22[%mul3A_15, %dma_wait3A] : memref<10000x64xf32, #tpu.memory_space<vmem_shared>> -> memref<624x64xf32, #tpu.memory_space<vmem_shared>>
      %dma_wait3A_251 = arith.constant 0 : i32
      %dma_wait3A_252 = tpu.memref_slice %arg2[%add3A_13, %dma_wait3A_251] : memref<20000x64xf32, #tpu.memory_space<hbm>> -> memref<624x64xf32, #tpu.memory_space<hbm>>
      tpu.wait_dma2 semaphore(%run_scoped3A : memref<!tpu.dma_semaphore, #tpu.memory_space<semaphore_mem>>) src(%dma_wait3A_252 : memref<624x64xf32, #tpu.memory_space<hbm>>) dst(%dma_wait3A_250 : memref<624x64xf32, #tpu.memory_space<vmem_shared>>)
      tpu.yield
    }) : () -> ()
    %eq3A = arith.constant 0 : i32
    %eq3A_16 = arith.cmpi eq, %arg1, %eq3A : i32
    %convert_element_type3A = arith.extui %eq3A_16 : i1 to i32
    %cond3A = arith.constant 0 : i32
    %cond3A_17 = arith.cmpi ne, %convert_element_type3A, %cond3A : i32
    scf.if %cond3A_17 {
      %add3A_246 = arith.constant 9984 : i32
      %add3A_247 = arith.addi %mul3A_10, %add3A_246 : i32
      "tpu.region"() ({
        %run_scoped3A = tpu.sem_alloc : memref<!tpu.dma_semaphore, #tpu.memory_space<semaphore_mem>>
        %dma_start3A_248 = arith.constant 9984 : i32
        %dma_start3A_249 = arith.constant 0 : i32
        %dma_start3A_250 = tpu.memref_slice %arg22[%dma_start3A_248, %dma_start3A_249] : memref<10000x64xf32, #tpu.memory_space<vmem_shared>> -> memref<16x64xf32, #tpu.memory_space<vmem_shared>>
        %dma_start3A_251 = arith.constant 0 : i32
        %dma_start3A_252 = tpu.memref_slice %arg2[%add3A_247, %dma_start3A_251] : memref<20000x64xf32, #tpu.memory_space<hbm>> -> memref<16x64xf32, #tpu.memory_space<hbm>>
        tpu.enqueue_dma source(%dma_start3A_252 : memref<16x64xf32, #tpu.memory_space<hbm>>) target(%dma_start3A_250 : memref<16x64xf32, #tpu.memory_space<vmem_shared>>) target_semaphore(%run_scoped3A : memref<!tpu.dma_semaphore, #tpu.memory_space<semaphore_mem>>)
        %dma_wait3A = arith.constant 9984 : i32
        %dma_wait3A_253 = arith.constant 0 : i32
        %dma_wait3A_254 = tpu.memref_slice %arg22[%dma_wait3A, %dma_wait3A_253] : memref<10000x64xf32, #tpu.memory_space<vmem_shared>> -> memref<16x64xf32, #tpu.memory_space<vmem_shared>>
        %dma_wait3A_255 = arith.constant 0 : i32
        %dma_wait3A_256 = tpu.memref_slice %arg2[%add3A_247, %dma_wait3A_255] : memref<20000x64xf32, #tpu.memory_space<hbm>> -> memref<16x64xf32, #tpu.memory_space<hbm>>
        tpu.wait_dma2 semaphore(%run_scoped3A : memref<!tpu.dma_semaphore, #tpu.memory_space<semaphore_mem>>) src(%dma_wait3A_256 : memref<16x64xf32, #tpu.memory_space<hbm>>) dst(%dma_wait3A_254 : memref<16x64xf32, #tpu.memory_space<vmem_shared>>)
        tpu.yield
      }) : () -> ()
    } else {
    }
    %barrier3A = arith.constant 0 : index
    tpu.barrier barrier_id(%barrier3A)
    %dma_start3A = arith.constant 0 : i32
    %dma_start3A_18 = arith.constant 0 : i32
    %dma_start3A_19 = tpu.memref_slice %arg10[%dma_start3A, %dma_start3A_18] : memref<250x80xi32, #tpu.memory_space<vmem>> -> memref<1x80xi32, #tpu.memory_space<vmem>>
    %dma_start3A_20 = tpu.memref_squeeze %dma_start3A_19 : memref<1x80xi32, #tpu.memory_space<vmem>> -> memref<80xi32, #tpu.memory_space<vmem>>
    %dma_start3A_21 = arith.constant 0 : i32
    %dma_start3A_22 = arith.constant 0 : i32
    %dma_start3A_23 = tpu.memref_slice %arg2[%dma_start3A_21, %dma_start3A_22] : memref<20000x64xf32, #tpu.memory_space<hbm>> -> memref<20000x64xf32, #tpu.memory_space<hbm>>
    tpu.enqueue_indirect_dma source(%dma_start3A_23 : memref<20000x64xf32, #tpu.memory_space<hbm>>) target(%arg12 : memref<80x64xf32, #tpu.memory_space<vmem>>) offsets(%dma_start3A_20 : memref<80xi32, #tpu.memory_space<vmem>>) semaphore(%arg24 : memref<!tpu.dma_semaphore, #tpu.memory_space<semaphore_mem>>)
    %dma_start3A_24 = arith.constant 1 : i32
    %dma_start3A_25 = arith.constant 0 : i32
    %dma_start3A_26 = tpu.memref_slice %arg10[%dma_start3A_24, %dma_start3A_25] : memref<250x80xi32, #tpu.memory_space<vmem>> -> memref<1x80xi32, #tpu.memory_space<vmem>>
    %dma_start3A_27 = tpu.memref_squeeze %dma_start3A_26 : memref<1x80xi32, #tpu.memory_space<vmem>> -> memref<80xi32, #tpu.memory_space<vmem>>
    %dma_start3A_28 = arith.constant 0 : i32
    %dma_start3A_29 = arith.constant 0 : i32
    %dma_start3A_30 = tpu.memref_slice %arg2[%dma_start3A_28, %dma_start3A_29] : memref<20000x64xf32, #tpu.memory_space<hbm>> -> memref<20000x64xf32, #tpu.memory_space<hbm>>
    tpu.enqueue_indirect_dma source(%dma_start3A_30 : memref<20000x64xf32, #tpu.memory_space<hbm>>) target(%arg13 : memref<80x64xf32, #tpu.memory_space<vmem>>) offsets(%dma_start3A_27 : memref<80xi32, #tpu.memory_space<vmem>>) semaphore(%arg25 : memref<!tpu.dma_semaphore, #tpu.memory_space<semaphore_mem>>)
    %dma_start3A_31 = arith.constant 2 : i32
    %dma_start3A_32 = arith.constant 0 : i32
    %dma_start3A_33 = tpu.memref_slice %arg10[%dma_start3A_31, %dma_start3A_32] : memref<250x80xi32, #tpu.memory_space<vmem>> -> memref<1x80xi32, #tpu.memory_space<vmem>>
    %dma_start3A_34 = tpu.memref_squeeze %dma_start3A_33 : memref<1x80xi32, #tpu.memory_space<vmem>> -> memref<80xi32, #tpu.memory_space<vmem>>
    %dma_start3A_35 = arith.constant 0 : i32
    %dma_start3A_36 = arith.constant 0 : i32
    %dma_start3A_37 = tpu.memref_slice %arg2[%dma_start3A_35, %dma_start3A_36] : memref<20000x64xf32, #tpu.memory_space<hbm>> -> memref<20000x64xf32, #tpu.memory_space<hbm>>
    tpu.enqueue_indirect_dma source(%dma_start3A_37 : memref<20000x64xf32, #tpu.memory_space<hbm>>) target(%arg14 : memref<80x64xf32, #tpu.memory_space<vmem>>) offsets(%dma_start3A_34 : memref<80xi32, #tpu.memory_space<vmem>>) semaphore(%arg26 : memref<!tpu.dma_semaphore, #tpu.memory_space<semaphore_mem>>)
    %dma_start3A_38 = arith.constant 3 : i32
    %dma_start3A_39 = arith.constant 0 : i32
    %dma_start3A_40 = tpu.memref_slice %arg10[%dma_start3A_38, %dma_start3A_39] : memref<250x80xi32, #tpu.memory_space<vmem>> -> memref<1x80xi32, #tpu.memory_space<vmem>>
    %dma_start3A_41 = tpu.memref_squeeze %dma_start3A_40 : memref<1x80xi32, #tpu.memory_space<vmem>> -> memref<80xi32, #tpu.memory_space<vmem>>
    %dma_start3A_42 = arith.constant 0 : i32
    %dma_start3A_43 = arith.constant 0 : i32
    %dma_start3A_44 = tpu.memref_slice %arg2[%dma_start3A_42, %dma_start3A_43] : memref<20000x64xf32, #tpu.memory_space<hbm>> -> memref<20000x64xf32, #tpu.memory_space<hbm>>
    tpu.enqueue_indirect_dma source(%dma_start3A_44 : memref<20000x64xf32, #tpu.memory_space<hbm>>) target(%arg15 : memref<80x64xf32, #tpu.memory_space<vmem>>) offsets(%dma_start3A_41 : memref<80xi32, #tpu.memory_space<vmem>>) semaphore(%arg27 : memref<!tpu.dma_semaphore, #tpu.memory_space<semaphore_mem>>)
    %scan3A_45 = arith.constant 0 : i32
    %scan3A_46 = arith.constant 0 : i32
    %scan3A_47 = arith.constant 50 : i32
    %scan3A_48 = arith.addi %scan3A_46, %scan3A_47 : i32
    %scan3A_49 = arith.constant 1 : i32
    scf.for %scan3A_246 = %scan3A_46 to %scan3A_48 step %scan3A_49  : i32 {
      %mul3A_247 = arith.constant 5 : i32
      %mul3A_248 = arith.muli %scan3A_246, %mul3A_247 : i32
      %dma_wait3A = arith.constant 0 : i32
      %dma_wait3A_249 = arith.constant 0 : i32
      %dma_wait3A_250 = tpu.memref_slice %arg10[%dma_wait3A, %dma_wait3A_249] : memref<250x80xi32, #tpu.memory_space<vmem>> -> memref<1x80xi32, #tpu.memory_space<vmem>>
      %dma_wait3A_251 = tpu.memref_squeeze %dma_wait3A_250 : memref<1x80xi32, #tpu.memory_space<vmem>> -> memref<80xi32, #tpu.memory_space<vmem>>
      %dma_wait3A_252 = arith.constant 0 : i32
      %dma_wait3A_253 = arith.constant 0 : i32
      %dma_wait3A_254 = tpu.memref_slice %arg2[%dma_wait3A_252, %dma_wait3A_253] : memref<20000x64xf32, #tpu.memory_space<hbm>> -> memref<20000x64xf32, #tpu.memory_space<hbm>>
      tpu.wait_indirect_dma semaphore(%arg24 : memref<!tpu.dma_semaphore, #tpu.memory_space<semaphore_mem>>) src(%dma_wait3A_254 : memref<20000x64xf32, #tpu.memory_space<hbm>>) dst(%arg12 : memref<80x64xf32, #tpu.memory_space<vmem>>)
      %add3A_255 = arith.constant 0 : i32
      %add3A_256 = arith.addi %mul3A_248, %add3A_255 : i32
      %add3A_257 = arith.constant 5 : i32
      %add3A_258 = arith.addi %add3A_256, %add3A_257 : i32
      %sub3A = arith.constant 1 : i32
      %sub3A_259 = arith.subi %add3A_258, %sub3A : i32
      %lt3A = arith.constant 250 : i32
      %lt3A_260 = arith.cmpi slt, %sub3A_259, %lt3A : i32
      %convert_element_type3A_261 = arith.extui %lt3A_260 : i1 to i32
      %cond3A_262 = arith.constant 0 : i32
      %cond3A_263 = arith.cmpi ne, %convert_element_type3A_261, %cond3A_262 : i32
      scf.if %cond3A_263 {
        %add3A_346 = arith.constant 0 : i32
        %add3A_347 = arith.addi %mul3A_248, %add3A_346 : i32
        %add3A_348 = arith.constant 5 : i32
        %add3A_349 = arith.addi %add3A_347, %add3A_348 : i32
        %sub3A_350 = arith.constant 1 : i32
        %sub3A_351 = arith.subi %add3A_349, %sub3A_350 : i32
        %dma_start3A_352 = arith.constant 0 : i32
        %dma_start3A_353 = tpu.memref_slice %arg10[%sub3A_351, %dma_start3A_352] : memref<250x80xi32, #tpu.memory_space<vmem>> -> memref<1x80xi32, #tpu.memory_space<vmem>>
        %dma_start3A_354 = tpu.memref_squeeze %dma_start3A_353 : memref<1x80xi32, #tpu.memory_space<vmem>> -> memref<80xi32, #tpu.memory_space<vmem>>
        %dma_start3A_355 = arith.constant 0 : i32
        %dma_start3A_356 = arith.constant 0 : i32
        %dma_start3A_357 = tpu.memref_slice %arg2[%dma_start3A_355, %dma_start3A_356] : memref<20000x64xf32, #tpu.memory_space<hbm>> -> memref<20000x64xf32, #tpu.memory_space<hbm>>
        tpu.enqueue_indirect_dma source(%dma_start3A_357 : memref<20000x64xf32, #tpu.memory_space<hbm>>) target(%arg16 : memref<80x64xf32, #tpu.memory_space<vmem>>) offsets(%dma_start3A_354 : memref<80xi32, #tpu.memory_space<vmem>>) semaphore(%arg28 : memref<!tpu.dma_semaphore, #tpu.memory_space<semaphore_mem>>)
      } else {
      }
      %add3A_264 = arith.constant 0 : i32
      %add3A_265 = arith.addi %mul3A_248, %add3A_264 : i32
      "tpu.region"() ({
        %run_scoped3A = tpu.sem_alloc : memref<!tpu.dma_semaphore, #tpu.memory_space<semaphore_mem>>
        %dma_start3A_346 = arith.constant 0 : i32
        %dma_start3A_347 = tpu.memref_slice %arg11[%add3A_265, %dma_start3A_346] : memref<250x80xi32, #tpu.memory_space<vmem>> -> memref<1x80xi32, #tpu.memory_space<vmem>>
        %dma_start3A_348 = tpu.memref_squeeze %dma_start3A_347 : memref<1x80xi32, #tpu.memory_space<vmem>> -> memref<80xi32, #tpu.memory_space<vmem>>
        %dma_start3A_349 = arith.constant 0 : i32
        %dma_start3A_350 = arith.constant 0 : i32
        %dma_start3A_351 = tpu.memref_slice %arg22[%dma_start3A_349, %dma_start3A_350] : memref<10000x64xf32, #tpu.memory_space<vmem_shared>> -> memref<10000x64xf32, #tpu.memory_space<vmem_shared>>
        tpu.enqueue_indirect_dma source(%arg12 : memref<80x64xf32, #tpu.memory_space<vmem>>) target(%dma_start3A_351 : memref<10000x64xf32, #tpu.memory_space<vmem_shared>>) offsets(%dma_start3A_348 : memref<80xi32, #tpu.memory_space<vmem>>) semaphore(%run_scoped3A : memref<!tpu.dma_semaphore, #tpu.memory_space<semaphore_mem>>) {add = true}
        %dma_wait3A_352 = arith.constant 0 : i32
        %dma_wait3A_353 = tpu.memref_slice %arg11[%add3A_265, %dma_wait3A_352] : memref<250x80xi32, #tpu.memory_space<vmem>> -> memref<1x80xi32, #tpu.memory_space<vmem>>
        %dma_wait3A_354 = tpu.memref_squeeze %dma_wait3A_353 : memref<1x80xi32, #tpu.memory_space<vmem>> -> memref<80xi32, #tpu.memory_space<vmem>>
        %dma_wait3A_355 = arith.constant 0 : i32
        %dma_wait3A_356 = arith.constant 0 : i32
        %dma_wait3A_357 = tpu.memref_slice %arg22[%dma_wait3A_355, %dma_wait3A_356] : memref<10000x64xf32, #tpu.memory_space<vmem_shared>> -> memref<10000x64xf32, #tpu.memory_space<vmem_shared>>
        tpu.wait_indirect_dma semaphore(%run_scoped3A : memref<!tpu.dma_semaphore, #tpu.memory_space<semaphore_mem>>) src(%arg12 : memref<80x64xf32, #tpu.memory_space<vmem>>) dst(%dma_wait3A_357 : memref<10000x64xf32, #tpu.memory_space<vmem_shared>>)
        tpu.yield
      }) : () -> ()
      %dma_wait3A_266 = arith.constant 0 : i32
      %dma_wait3A_267 = arith.constant 0 : i32
      %dma_wait3A_268 = tpu.memref_slice %arg10[%dma_wait3A_266, %dma_wait3A_267] : memref<250x80xi32, #tpu.memory_space<vmem>> -> memref<1x80xi32, #tpu.memory_space<vmem>>
      %dma_wait3A_269 = tpu.memref_squeeze %dma_wait3A_268 : memref<1x80xi32, #tpu.memory_space<vmem>> -> memref<80xi32, #tpu.memory_space<vmem>>
      %dma_wait3A_270 = arith.constant 0 : i32
      %dma_wait3A_271 = arith.constant 0 : i32
      %dma_wait3A_272 = tpu.memref_slice %arg2[%dma_wait3A_270, %dma_wait3A_271] : memref<20000x64xf32, #tpu.memory_space<hbm>> -> memref<20000x64xf32, #tpu.memory_space<hbm>>
      tpu.wait_indirect_dma semaphore(%arg25 : memref<!tpu.dma_semaphore, #tpu.memory_space<semaphore_mem>>) src(%dma_wait3A_272 : memref<20000x64xf32, #tpu.memory_space<hbm>>) dst(%arg13 : memref<80x64xf32, #tpu.memory_space<vmem>>)
      %add3A_273 = arith.constant 1 : i32
      %add3A_274 = arith.addi %mul3A_248, %add3A_273 : i32
      %add3A_275 = arith.constant 5 : i32
      %add3A_276 = arith.addi %add3A_274, %add3A_275 : i32
      %sub3A_277 = arith.constant 1 : i32
      %sub3A_278 = arith.subi %add3A_276, %sub3A_277 : i32
      %lt3A_279 = arith.constant 250 : i32
      %lt3A_280 = arith.cmpi slt, %sub3A_278, %lt3A_279 : i32
      %convert_element_type3A_281 = arith.extui %lt3A_280 : i1 to i32
      %cond3A_282 = arith.constant 0 : i32
      %cond3A_283 = arith.cmpi ne, %convert_element_type3A_281, %cond3A_282 : i32
      scf.if %cond3A_283 {
        %add3A_346 = arith.constant 1 : i32
        %add3A_347 = arith.addi %mul3A_248, %add3A_346 : i32
        %add3A_348 = arith.constant 5 : i32
        %add3A_349 = arith.addi %add3A_347, %add3A_348 : i32
        %sub3A_350 = arith.constant 1 : i32
        %sub3A_351 = arith.subi %add3A_349, %sub3A_350 : i32
        %dma_start3A_352 = arith.constant 0 : i32
        %dma_start3A_353 = tpu.memref_slice %arg10[%sub3A_351, %dma_start3A_352] : memref<250x80xi32, #tpu.memory_space<vmem>> -> memref<1x80xi32, #tpu.memory_space<vmem>>
        %dma_start3A_354 = tpu.memref_squeeze %dma_start3A_353 : memref<1x80xi32, #tpu.memory_space<vmem>> -> memref<80xi32, #tpu.memory_space<vmem>>
        %dma_start3A_355 = arith.constant 0 : i32
        %dma_start3A_356 = arith.constant 0 : i32
        %dma_start3A_357 = tpu.memref_slice %arg2[%dma_start3A_355, %dma_start3A_356] : memref<20000x64xf32, #tpu.memory_space<hbm>> -> memref<20000x64xf32, #tpu.memory_space<hbm>>
        tpu.enqueue_indirect_dma source(%dma_start3A_357 : memref<20000x64xf32, #tpu.memory_space<hbm>>) target(%arg12 : memref<80x64xf32, #tpu.memory_space<vmem>>) offsets(%dma_start3A_354 : memref<80xi32, #tpu.memory_space<vmem>>) semaphore(%arg24 : memref<!tpu.dma_semaphore, #tpu.memory_space<semaphore_mem>>)
      } else {
      }
      %add3A_284 = arith.constant 1 : i32
      %add3A_285 = arith.addi %mul3A_248, %add3A_284 : i32
      "tpu.region"() ({
        %run_scoped3A = tpu.sem_alloc : memref<!tpu.dma_semaphore, #tpu.memory_space<semaphore_mem>>
        %dma_start3A_346 = arith.constant 0 : i32
        %dma_start3A_347 = tpu.memref_slice %arg11[%add3A_285, %dma_start3A_346] : memref<250x80xi32, #tpu.memory_space<vmem>> -> memref<1x80xi32, #tpu.memory_space<vmem>>
        %dma_start3A_348 = tpu.memref_squeeze %dma_start3A_347 : memref<1x80xi32, #tpu.memory_space<vmem>> -> memref<80xi32, #tpu.memory_space<vmem>>
        %dma_start3A_349 = arith.constant 0 : i32
        %dma_start3A_350 = arith.constant 0 : i32
        %dma_start3A_351 = tpu.memref_slice %arg22[%dma_start3A_349, %dma_start3A_350] : memref<10000x64xf32, #tpu.memory_space<vmem_shared>> -> memref<10000x64xf32, #tpu.memory_space<vmem_shared>>
        tpu.enqueue_indirect_dma source(%arg13 : memref<80x64xf32, #tpu.memory_space<vmem>>) target(%dma_start3A_351 : memref<10000x64xf32, #tpu.memory_space<vmem_shared>>) offsets(%dma_start3A_348 : memref<80xi32, #tpu.memory_space<vmem>>) semaphore(%run_scoped3A : memref<!tpu.dma_semaphore, #tpu.memory_space<semaphore_mem>>) {add = true}
        %dma_wait3A_352 = arith.constant 0 : i32
        %dma_wait3A_353 = tpu.memref_slice %arg11[%add3A_285, %dma_wait3A_352] : memref<250x80xi32, #tpu.memory_space<vmem>> -> memref<1x80xi32, #tpu.memory_space<vmem>>
        %dma_wait3A_354 = tpu.memref_squeeze %dma_wait3A_353 : memref<1x80xi32, #tpu.memory_space<vmem>> -> memref<80xi32, #tpu.memory_space<vmem>>
        %dma_wait3A_355 = arith.constant 0 : i32
        %dma_wait3A_356 = arith.constant 0 : i32
        %dma_wait3A_357 = tpu.memref_slice %arg22[%dma_wait3A_355, %dma_wait3A_356] : memref<10000x64xf32, #tpu.memory_space<vmem_shared>> -> memref<10000x64xf32, #tpu.memory_space<vmem_shared>>
        tpu.wait_indirect_dma semaphore(%run_scoped3A : memref<!tpu.dma_semaphore, #tpu.memory_space<semaphore_mem>>) src(%arg13 : memref<80x64xf32, #tpu.memory_space<vmem>>) dst(%dma_wait3A_357 : memref<10000x64xf32, #tpu.memory_space<vmem_shared>>)
        tpu.yield
      }) : () -> ()
      %dma_wait3A_286 = arith.constant 0 : i32
      %dma_wait3A_287 = arith.constant 0 : i32
      %dma_wait3A_288 = tpu.memref_slice %arg10[%dma_wait3A_286, %dma_wait3A_287] : memref<250x80xi32, #tpu.memory_space<vmem>> -> memref<1x80xi32, #tpu.memory_space<vmem>>
      %dma_wait3A_289 = tpu.memref_squeeze %dma_wait3A_288 : memref<1x80xi32, #tpu.memory_space<vmem>> -> memref<80xi32, #tpu.memory_space<vmem>>
      %dma_wait3A_290 = arith.constant 0 : i32
      %dma_wait3A_291 = arith.constant 0 : i32
      %dma_wait3A_292 = tpu.memref_slice %arg2[%dma_wait3A_290, %dma_wait3A_291] : memref<20000x64xf32, #tpu.memory_space<hbm>> -> memref<20000x64xf32, #tpu.memory_space<hbm>>
      tpu.wait_indirect_dma semaphore(%arg26 : memref<!tpu.dma_semaphore, #tpu.memory_space<semaphore_mem>>) src(%dma_wait3A_292 : memref<20000x64xf32, #tpu.memory_space<hbm>>) dst(%arg14 : memref<80x64xf32, #tpu.memory_space<vmem>>)
      %add3A_293 = arith.constant 2 : i32
      %add3A_294 = arith.addi %mul3A_248, %add3A_293 : i32
      %add3A_295 = arith.constant 5 : i32
      %add3A_296 = arith.addi %add3A_294, %add3A_295 : i32
      %sub3A_297 = arith.constant 1 : i32
      %sub3A_298 = arith.subi %add3A_296, %sub3A_297 : i32
      %lt3A_299 = arith.constant 250 : i32
      %lt3A_300 = arith.cmpi slt, %sub3A_298, %lt3A_299 : i32
      %convert_element_type3A_301 = arith.extui %lt3A_300 : i1 to i32
      %cond3A_302 = arith.constant 0 : i32
      %cond3A_303 = arith.cmpi ne, %convert_element_type3A_301, %cond3A_302 : i32
      scf.if %cond3A_303 {
        %add3A_346 = arith.constant 2 : i32
        %add3A_347 = arith.addi %mul3A_248, %add3A_346 : i32
        %add3A_348 = arith.constant 5 : i32
        %add3A_349 = arith.addi %add3A_347, %add3A_348 : i32
        %sub3A_350 = arith.constant 1 : i32
        %sub3A_351 = arith.subi %add3A_349, %sub3A_350 : i32
        %dma_start3A_352 = arith.constant 0 : i32
        %dma_start3A_353 = tpu.memref_slice %arg10[%sub3A_351, %dma_start3A_352] : memref<250x80xi32, #tpu.memory_space<vmem>> -> memref<1x80xi32, #tpu.memory_space<vmem>>
        %dma_start3A_354 = tpu.memref_squeeze %dma_start3A_353 : memref<1x80xi32, #tpu.memory_space<vmem>> -> memref<80xi32, #tpu.memory_space<vmem>>
        %dma_start3A_355 = arith.constant 0 : i32
        %dma_start3A_356 = arith.constant 0 : i32
        %dma_start3A_357 = tpu.memref_slice %arg2[%dma_start3A_355, %dma_start3A_356] : memref<20000x64xf32, #tpu.memory_space<hbm>> -> memref<20000x64xf32, #tpu.memory_space<hbm>>
        tpu.enqueue_indirect_dma source(%dma_start3A_357 : memref<20000x64xf32, #tpu.memory_space<hbm>>) target(%arg13 : memref<80x64xf32, #tpu.memory_space<vmem>>) offsets(%dma_start3A_354 : memref<80xi32, #tpu.memory_space<vmem>>) semaphore(%arg25 : memref<!tpu.dma_semaphore, #tpu.memory_space<semaphore_mem>>)
      } else {
      }
      %add3A_304 = arith.constant 2 : i32
      %add3A_305 = arith.addi %mul3A_248, %add3A_304 : i32
      "tpu.region"() ({
        %run_scoped3A = tpu.sem_alloc : memref<!tpu.dma_semaphore, #tpu.memory_space<semaphore_mem>>
        %dma_start3A_346 = arith.constant 0 : i32
        %dma_start3A_347 = tpu.memref_slice %arg11[%add3A_305, %dma_start3A_346] : memref<250x80xi32, #tpu.memory_space<vmem>> -> memref<1x80xi32, #tpu.memory_space<vmem>>
        %dma_start3A_348 = tpu.memref_squeeze %dma_start3A_347 : memref<1x80xi32, #tpu.memory_space<vmem>> -> memref<80xi32, #tpu.memory_space<vmem>>
        %dma_start3A_349 = arith.constant 0 : i32
        %dma_start3A_350 = arith.constant 0 : i32
        %dma_start3A_351 = tpu.memref_slice %arg22[%dma_start3A_349, %dma_start3A_350] : memref<10000x64xf32, #tpu.memory_space<vmem_shared>> -> memref<10000x64xf32, #tpu.memory_space<vmem_shared>>
        tpu.enqueue_indirect_dma source(%arg14 : memref<80x64xf32, #tpu.memory_space<vmem>>) target(%dma_start3A_351 : memref<10000x64xf32, #tpu.memory_space<vmem_shared>>) offsets(%dma_start3A_348 : memref<80xi32, #tpu.memory_space<vmem>>) semaphore(%run_scoped3A : memref<!tpu.dma_semaphore, #tpu.memory_space<semaphore_mem>>) {add = true}
        %dma_wait3A_352 = arith.constant 0 : i32
        %dma_wait3A_353 = tpu.memref_slice %arg11[%add3A_305, %dma_wait3A_352] : memref<250x80xi32, #tpu.memory_space<vmem>> -> memref<1x80xi32, #tpu.memory_space<vmem>>
        %dma_wait3A_354 = tpu.memref_squeeze %dma_wait3A_353 : memref<1x80xi32, #tpu.memory_space<vmem>> -> memref<80xi32, #tpu.memory_space<vmem>>
        %dma_wait3A_355 = arith.constant 0 : i32
        %dma_wait3A_356 = arith.constant 0 : i32
        %dma_wait3A_357 = tpu.memref_slice %arg22[%dma_wait3A_355, %dma_wait3A_356] : memref<10000x64xf32, #tpu.memory_space<vmem_shared>> -> memref<10000x64xf32, #tpu.memory_space<vmem_shared>>
        tpu.wait_indirect_dma semaphore(%run_scoped3A : memref<!tpu.dma_semaphore, #tpu.memory_space<semaphore_mem>>) src(%arg14 : memref<80x64xf32, #tpu.memory_space<vmem>>) dst(%dma_wait3A_357 : memref<10000x64xf32, #tpu.memory_space<vmem_shared>>)
        tpu.yield
      }) : () -> ()
      %dma_wait3A_306 = arith.constant 0 : i32
      %dma_wait3A_307 = arith.constant 0 : i32
      %dma_wait3A_308 = tpu.memref_slice %arg10[%dma_wait3A_306, %dma_wait3A_307] : memref<250x80xi32, #tpu.memory_space<vmem>> -> memref<1x80xi32, #tpu.memory_space<vmem>>
      %dma_wait3A_309 = tpu.memref_squeeze %dma_wait3A_308 : memref<1x80xi32, #tpu.memory_space<vmem>> -> memref<80xi32, #tpu.memory_space<vmem>>
      %dma_wait3A_310 = arith.constant 0 : i32
      %dma_wait3A_311 = arith.constant 0 : i32
      %dma_wait3A_312 = tpu.memref_slice %arg2[%dma_wait3A_310, %dma_wait3A_311] : memref<20000x64xf32, #tpu.memory_space<hbm>> -> memref<20000x64xf32, #tpu.memory_space<hbm>>
      tpu.wait_indirect_dma semaphore(%arg27 : memref<!tpu.dma_semaphore, #tpu.memory_space<semaphore_mem>>) src(%dma_wait3A_312 : memref<20000x64xf32, #tpu.memory_space<hbm>>) dst(%arg15 : memref<80x64xf32, #tpu.memory_space<vmem>>)
      %add3A_313 = arith.constant 3 : i32
      %add3A_314 = arith.addi %mul3A_248, %add3A_313 : i32
      %add3A_315 = arith.constant 5 : i32
      %add3A_316 = arith.addi %add3A_314, %add3A_315 : i32
      %sub3A_317 = arith.constant 1 : i32
      %sub3A_318 = arith.subi %add3A_316, %sub3A_317 : i32
      %lt3A_319 = arith.constant 250 : i32
      %lt3A_320 = arith.cmpi slt, %sub3A_318, %lt3A_319 : i32
      %convert_element_type3A_321 = arith.extui %lt3A_320 : i1 to i32
      %cond3A_322 = arith.constant 0 : i32
      %cond3A_323 = arith.cmpi ne, %convert_element_type3A_321, %cond3A_322 : i32
      scf.if %cond3A_323 {
        %add3A_346 = arith.constant 3 : i32
        %add3A_347 = arith.addi %mul3A_248, %add3A_346 : i32
        %add3A_348 = arith.constant 5 : i32
        %add3A_349 = arith.addi %add3A_347, %add3A_348 : i32
        %sub3A_350 = arith.constant 1 : i32
        %sub3A_351 = arith.subi %add3A_349, %sub3A_350 : i32
        %dma_start3A_352 = arith.constant 0 : i32
        %dma_start3A_353 = tpu.memref_slice %arg10[%sub3A_351, %dma_start3A_352] : memref<250x80xi32, #tpu.memory_space<vmem>> -> memref<1x80xi32, #tpu.memory_space<vmem>>
        %dma_start3A_354 = tpu.memref_squeeze %dma_start3A_353 : memref<1x80xi32, #tpu.memory_space<vmem>> -> memref<80xi32, #tpu.memory_space<vmem>>
        %dma_start3A_355 = arith.constant 0 : i32
        %dma_start3A_356 = arith.constant 0 : i32
        %dma_start3A_357 = tpu.memref_slice %arg2[%dma_start3A_355, %dma_start3A_356] : memref<20000x64xf32, #tpu.memory_space<hbm>> -> memref<20000x64xf32, #tpu.memory_space<hbm>>
        tpu.enqueue_indirect_dma source(%dma_start3A_357 : memref<20000x64xf32, #tpu.memory_space<hbm>>) target(%arg14 : memref<80x64xf32, #tpu.memory_space<vmem>>) offsets(%dma_start3A_354 : memref<80xi32, #tpu.memory_space<vmem>>) semaphore(%arg26 : memref<!tpu.dma_semaphore, #tpu.memory_space<semaphore_mem>>)
      } else {
      }
      %add3A_324 = arith.constant 3 : i32
      %add3A_325 = arith.addi %mul3A_248, %add3A_324 : i32
      "tpu.region"() ({
        %run_scoped3A = tpu.sem_alloc : memref<!tpu.dma_semaphore, #tpu.memory_space<semaphore_mem>>
        %dma_start3A_346 = arith.constant 0 : i32
        %dma_start3A_347 = tpu.memref_slice %arg11[%add3A_325, %dma_start3A_346] : memref<250x80xi32, #tpu.memory_space<vmem>> -> memref<1x80xi32, #tpu.memory_space<vmem>>
        %dma_start3A_348 = tpu.memref_squeeze %dma_start3A_347 : memref<1x80xi32, #tpu.memory_space<vmem>> -> memref<80xi32, #tpu.memory_space<vmem>>
        %dma_start3A_349 = arith.constant 0 : i32
        %dma_start3A_350 = arith.constant 0 : i32
        %dma_start3A_351 = tpu.memref_slice %arg22[%dma_start3A_349, %dma_start3A_350] : memref<10000x64xf32, #tpu.memory_space<vmem_shared>> -> memref<10000x64xf32, #tpu.memory_space<vmem_shared>>
        tpu.enqueue_indirect_dma source(%arg15 : memref<80x64xf32, #tpu.memory_space<vmem>>) target(%dma_start3A_351 : memref<10000x64xf32, #tpu.memory_space<vmem_shared>>) offsets(%dma_start3A_348 : memref<80xi32, #tpu.memory_space<vmem>>) semaphore(%run_scoped3A : memref<!tpu.dma_semaphore, #tpu.memory_space<semaphore_mem>>) {add = true}
        %dma_wait3A_352 = arith.constant 0 : i32
        %dma_wait3A_353 = tpu.memref_slice %arg11[%add3A_325, %dma_wait3A_352] : memref<250x80xi32, #tpu.memory_space<vmem>> -> memref<1x80xi32, #tpu.memory_space<vmem>>
        %dma_wait3A_354 = tpu.memref_squeeze %dma_wait3A_353 : memref<1x80xi32, #tpu.memory_space<vmem>> -> memref<80xi32, #tpu.memory_space<vmem>>
        %dma_wait3A_355 = arith.constant 0 : i32
        %dma_wait3A_356 = arith.constant 0 : i32
        %dma_wait3A_357 = tpu.memref_slice %arg22[%dma_wait3A_355, %dma_wait3A_356] : memref<10000x64xf32, #tpu.memory_space<vmem_shared>> -> memref<10000x64xf32, #tpu.memory_space<vmem_shared>>
        tpu.wait_indirect_dma semaphore(%run_scoped3A : memref<!tpu.dma_semaphore, #tpu.memory_space<semaphore_mem>>) src(%arg15 : memref<80x64xf32, #tpu.memory_space<vmem>>) dst(%dma_wait3A_357 : memref<10000x64xf32, #tpu.memory_space<vmem_shared>>)
        tpu.yield
      }) : () -> ()
      %dma_wait3A_326 = arith.constant 0 : i32
      %dma_wait3A_327 = arith.constant 0 : i32
      %dma_wait3A_328 = tpu.memref_slice %arg10[%dma_wait3A_326, %dma_wait3A_327] : memref<250x80xi32, #tpu.memory_space<vmem>> -> memref<1x80xi32, #tpu.memory_space<vmem>>
      %dma_wait3A_329 = tpu.memref_squeeze %dma_wait3A_328 : memref<1x80xi32, #tpu.memory_space<vmem>> -> memref<80xi32, #tpu.memory_space<vmem>>
      %dma_wait3A_330 = arith.constant 0 : i32
      %dma_wait3A_331 = arith.constant 0 : i32
      %dma_wait3A_332 = tpu.memref_slice %arg2[%dma_wait3A_330, %dma_wait3A_331] : memref<20000x64xf32, #tpu.memory_space<hbm>> -> memref<20000x64xf32, #tpu.memory_space<hbm>>
      tpu.wait_indirect_dma semaphore(%arg28 : memref<!tpu.dma_semaphore, #tpu.memory_space<semaphore_mem>>) src(%dma_wait3A_332 : memref<20000x64xf32, #tpu.memory_space<hbm>>) dst(%arg16 : memref<80x64xf32, #tpu.memory_space<vmem>>)
      %add3A_333 = arith.constant 4 : i32
      %add3A_334 = arith.addi %mul3A_248, %add3A_333 : i32
      %add3A_335 = arith.constant 5 : i32
      %add3A_336 = arith.addi %add3A_334, %add3A_335 : i32
      %sub3A_337 = arith.constant 1 : i32
      %sub3A_338 = arith.subi %add3A_336, %sub3A_337 : i32
      %lt3A_339 = arith.constant 250 : i32
      %lt3A_340 = arith.cmpi slt, %sub3A_338, %lt3A_339 : i32
      %convert_element_type3A_341 = arith.extui %lt3A_340 : i1 to i32
      %cond3A_342 = arith.constant 0 : i32
      %cond3A_343 = arith.cmpi ne, %convert_element_type3A_341, %cond3A_342 : i32
      scf.if %cond3A_343 {
        %add3A_346 = arith.constant 4 : i32
        %add3A_347 = arith.addi %mul3A_248, %add3A_346 : i32
        %add3A_348 = arith.constant 5 : i32
        %add3A_349 = arith.addi %add3A_347, %add3A_348 : i32
        %sub3A_350 = arith.constant 1 : i32
        %sub3A_351 = arith.subi %add3A_349, %sub3A_350 : i32
        %dma_start3A_352 = arith.constant 0 : i32
        %dma_start3A_353 = tpu.memref_slice %arg10[%sub3A_351, %dma_start3A_352] : memref<250x80xi32, #tpu.memory_space<vmem>> -> memref<1x80xi32, #tpu.memory_space<vmem>>
        %dma_start3A_354 = tpu.memref_squeeze %dma_start3A_353 : memref<1x80xi32, #tpu.memory_space<vmem>> -> memref<80xi32, #tpu.memory_space<vmem>>
        %dma_start3A_355 = arith.constant 0 : i32
        %dma_start3A_356 = arith.constant 0 : i32
        %dma_start3A_357 = tpu.memref_slice %arg2[%dma_start3A_355, %dma_start3A_356] : memref<20000x64xf32, #tpu.memory_space<hbm>> -> memref<20000x64xf32, #tpu.memory_space<hbm>>
        tpu.enqueue_indirect_dma source(%dma_start3A_357 : memref<20000x64xf32, #tpu.memory_space<hbm>>) target(%arg15 : memref<80x64xf32, #tpu.memory_space<vmem>>) offsets(%dma_start3A_354 : memref<80xi32, #tpu.memory_space<vmem>>) semaphore(%arg27 : memref<!tpu.dma_semaphore, #tpu.memory_space<semaphore_mem>>)
      } else {
      }
      %add3A_344 = arith.constant 4 : i32
      %add3A_345 = arith.addi %mul3A_248, %add3A_344 : i32
      "tpu.region"() ({
        %run_scoped3A = tpu.sem_alloc : memref<!tpu.dma_semaphore, #tpu.memory_space<semaphore_mem>>
        %dma_start3A_346 = arith.constant 0 : i32
        %dma_start3A_347 = tpu.memref_slice %arg11[%add3A_345, %dma_start3A_346] : memref<250x80xi32, #tpu.memory_space<vmem>> -> memref<1x80xi32, #tpu.memory_space<vmem>>
        %dma_start3A_348 = tpu.memref_squeeze %dma_start3A_347 : memref<1x80xi32, #tpu.memory_space<vmem>> -> memref<80xi32, #tpu.memory_space<vmem>>
        %dma_start3A_349 = arith.constant 0 : i32
        %dma_start3A_350 = arith.constant 0 : i32
        %dma_start3A_351 = tpu.memref_slice %arg22[%dma_start3A_349, %dma_start3A_350] : memref<10000x64xf32, #tpu.memory_space<vmem_shared>> -> memref<10000x64xf32, #tpu.memory_space<vmem_shared>>
        tpu.enqueue_indirect_dma source(%arg16 : memref<80x64xf32, #tpu.memory_space<vmem>>) target(%dma_start3A_351 : memref<10000x64xf32, #tpu.memory_space<vmem_shared>>) offsets(%dma_start3A_348 : memref<80xi32, #tpu.memory_space<vmem>>) semaphore(%run_scoped3A : memref<!tpu.dma_semaphore, #tpu.memory_space<semaphore_mem>>) {add = true}
        %dma_wait3A_352 = arith.constant 0 : i32
        %dma_wait3A_353 = tpu.memref_slice %arg11[%add3A_345, %dma_wait3A_352] : memref<250x80xi32, #tpu.memory_space<vmem>> -> memref<1x80xi32, #tpu.memory_space<vmem>>
        %dma_wait3A_354 = tpu.memref_squeeze %dma_wait3A_353 : memref<1x80xi32, #tpu.memory_space<vmem>> -> memref<80xi32, #tpu.memory_space<vmem>>
        %dma_wait3A_355 = arith.constant 0 : i32
        %dma_wait3A_356 = arith.constant 0 : i32
        %dma_wait3A_357 = tpu.memref_slice %arg22[%dma_wait3A_355, %dma_wait3A_356] : memref<10000x64xf32, #tpu.memory_space<vmem_shared>> -> memref<10000x64xf32, #tpu.memory_space<vmem_shared>>
        tpu.wait_indirect_dma semaphore(%run_scoped3A : memref<!tpu.dma_semaphore, #tpu.memory_space<semaphore_mem>>) src(%arg16 : memref<80x64xf32, #tpu.memory_space<vmem>>) dst(%dma_wait3A_357 : memref<10000x64xf32, #tpu.memory_space<vmem_shared>>)
        tpu.yield
      }) : () -> ()
    }
    %scan3A_50 = arith.constant 50 : i32
    %barrier3A_51 = arith.constant 0 : index
    tpu.barrier barrier_id(%barrier3A_51)
    %mul3A_52 = arith.constant 624 : i32
    %mul3A_53 = arith.muli %arg1, %mul3A_52 : i32
    %mul3A_54 = arith.constant 624 : i32
    %mul3A_55 = arith.muli %arg1, %mul3A_54 : i32
    %add3A_56 = arith.addi %mul3A_8, %mul3A_55 : i32
    "tpu.region"() ({
      %run_scoped3A = tpu.sem_alloc : memref<!tpu.dma_semaphore, #tpu.memory_space<semaphore_mem>>
      %dma_start3A_246 = arith.constant 0 : i32
      %dma_start3A_247 = tpu.memref_slice %arg8[%add3A_56, %dma_start3A_246] : memref<60000x64xf32, #tpu.memory_space<hbm>> -> memref<624x64xf32, #tpu.memory_space<hbm>>
      %dma_start3A_248 = arith.constant 0 : i32
      %dma_start3A_249 = tpu.memref_slice %arg22[%mul3A_53, %dma_start3A_248] : memref<10000x64xf32, #tpu.memory_space<vmem_shared>> -> memref<624x64xf32, #tpu.memory_space<vmem_shared>>
      tpu.enqueue_dma source(%dma_start3A_249 : memref<624x64xf32, #tpu.memory_space<vmem_shared>>) target(%dma_start3A_247 : memref<624x64xf32, #tpu.memory_space<hbm>>) target_semaphore(%run_scoped3A : memref<!tpu.dma_semaphore, #tpu.memory_space<semaphore_mem>>)
      %dma_wait3A = arith.constant 0 : i32
      %dma_wait3A_250 = tpu.memref_slice %arg8[%add3A_56, %dma_wait3A] : memref<60000x64xf32, #tpu.memory_space<hbm>> -> memref<624x64xf32, #tpu.memory_space<hbm>>
      %dma_wait3A_251 = arith.constant 0 : i32
      %dma_wait3A_252 = tpu.memref_slice %arg22[%mul3A_53, %dma_wait3A_251] : memref<10000x64xf32, #tpu.memory_space<vmem_shared>> -> memref<624x64xf32, #tpu.memory_space<vmem_shared>>
      tpu.wait_dma2 semaphore(%run_scoped3A : memref<!tpu.dma_semaphore, #tpu.memory_space<semaphore_mem>>) src(%dma_wait3A_252 : memref<624x64xf32, #tpu.memory_space<vmem_shared>>) dst(%dma_wait3A_250 : memref<624x64xf32, #tpu.memory_space<hbm>>)
      tpu.yield
    }) : () -> ()
    %eq3A_57 = arith.constant 0 : i32
    %eq3A_58 = arith.cmpi eq, %arg1, %eq3A_57 : i32
    %convert_element_type3A_59 = arith.extui %eq3A_58 : i1 to i32
    %cond3A_60 = arith.constant 0 : i32
    %cond3A_61 = arith.cmpi ne, %convert_element_type3A_59, %cond3A_60 : i32
    scf.if %cond3A_61 {
      %add3A_246 = arith.constant 9984 : i32
      %add3A_247 = arith.addi %mul3A_8, %add3A_246 : i32
      "tpu.region"() ({
        %run_scoped3A = tpu.sem_alloc : memref<!tpu.dma_semaphore, #tpu.memory_space<semaphore_mem>>
        %dma_start3A_248 = arith.constant 0 : i32
        %dma_start3A_249 = tpu.memref_slice %arg8[%add3A_247, %dma_start3A_248] : memref<60000x64xf32, #tpu.memory_space<hbm>> -> memref<16x64xf32, #tpu.memory_space<hbm>>
        %dma_start3A_250 = arith.constant 9984 : i32
        %dma_start3A_251 = arith.constant 0 : i32
        %dma_start3A_252 = tpu.memref_slice %arg22[%dma_start3A_250, %dma_start3A_251] : memref<10000x64xf32, #tpu.memory_space<vmem_shared>> -> memref<16x64xf32, #tpu.memory_space<vmem_shared>>
        tpu.enqueue_dma source(%dma_start3A_252 : memref<16x64xf32, #tpu.memory_space<vmem_shared>>) target(%dma_start3A_249 : memref<16x64xf32, #tpu.memory_space<hbm>>) target_semaphore(%run_scoped3A : memref<!tpu.dma_semaphore, #tpu.memory_space<semaphore_mem>>)
        %dma_wait3A = arith.constant 0 : i32
        %dma_wait3A_253 = tpu.memref_slice %arg8[%add3A_247, %dma_wait3A] : memref<60000x64xf32, #tpu.memory_space<hbm>> -> memref<16x64xf32, #tpu.memory_space<hbm>>
        %dma_wait3A_254 = arith.constant 9984 : i32
        %dma_wait3A_255 = arith.constant 0 : i32
        %dma_wait3A_256 = tpu.memref_slice %arg22[%dma_wait3A_254, %dma_wait3A_255] : memref<10000x64xf32, #tpu.memory_space<vmem_shared>> -> memref<16x64xf32, #tpu.memory_space<vmem_shared>>
        tpu.wait_dma2 semaphore(%run_scoped3A : memref<!tpu.dma_semaphore, #tpu.memory_space<semaphore_mem>>) src(%dma_wait3A_256 : memref<16x64xf32, #tpu.memory_space<vmem_shared>>) dst(%dma_wait3A_253 : memref<16x64xf32, #tpu.memory_space<hbm>>)
        tpu.yield
      }) : () -> ()
    } else {
    }
    %add3A_62 = arith.constant 2 : i32
    %add3A_63 = arith.addi %add3A_62, %arg0 : i32
    %mul3A_64 = arith.constant 10000 : i32
    %mul3A_65 = arith.muli %add3A_63, %mul3A_64 : i32
    %mul3A_66 = arith.constant 10000 : i32
    %mul3A_67 = arith.muli %arg0, %mul3A_66 : i32
    %mul3A_68 = arith.constant 624 : i32
    %mul3A_69 = arith.muli %arg1, %mul3A_68 : i32
    %add3A_70 = arith.addi %mul3A_67, %mul3A_69 : i32
    %mul3A_71 = arith.constant 624 : i32
    %mul3A_72 = arith.muli %arg1, %mul3A_71 : i32
    "tpu.region"() ({
      %run_scoped3A = tpu.sem_alloc : memref<!tpu.dma_semaphore, #tpu.memory_space<semaphore_mem>>
      %dma_start3A_246 = arith.constant 0 : i32
      %dma_start3A_247 = tpu.memref_slice %arg22[%mul3A_72, %dma_start3A_246] : memref<10000x64xf32, #tpu.memory_space<vmem_shared>> -> memref<624x64xf32, #tpu.memory_space<vmem_shared>>
      %dma_start3A_248 = arith.constant 0 : i32
      %dma_start3A_249 = tpu.memref_slice %arg3[%add3A_70, %dma_start3A_248] : memref<20000x64xf32, #tpu.memory_space<hbm>> -> memref<624x64xf32, #tpu.memory_space<hbm>>
      tpu.enqueue_dma source(%dma_start3A_249 : memref<624x64xf32, #tpu.memory_space<hbm>>) target(%dma_start3A_247 : memref<624x64xf32, #tpu.memory_space<vmem_shared>>) target_semaphore(%run_scoped3A : memref<!tpu.dma_semaphore, #tpu.memory_space<semaphore_mem>>)
      %dma_wait3A = arith.constant 0 : i32
      %dma_wait3A_250 = tpu.memref_slice %arg22[%mul3A_72, %dma_wait3A] : memref<10000x64xf32, #tpu.memory_space<vmem_shared>> -> memref<624x64xf32, #tpu.memory_space<vmem_shared>>
      %dma_wait3A_251 = arith.constant 0 : i32
      %dma_wait3A_252 = tpu.memref_slice %arg3[%add3A_70, %dma_wait3A_251] : memref<20000x64xf32, #tpu.memory_space<hbm>> -> memref<624x64xf32, #tpu.memory_space<hbm>>
      tpu.wait_dma2 semaphore(%run_scoped3A : memref<!tpu.dma_semaphore, #tpu.memory_space<semaphore_mem>>) src(%dma_wait3A_252 : memref<624x64xf32, #tpu.memory_space<hbm>>) dst(%dma_wait3A_250 : memref<624x64xf32, #tpu.memory_space<vmem_shared>>)
      tpu.yield
    }) : () -> ()
    %eq3A_73 = arith.constant 0 : i32
    %eq3A_74 = arith.cmpi eq, %arg1, %eq3A_73 : i32
    %convert_element_type3A_75 = arith.extui %eq3A_74 : i1 to i32
    %cond3A_76 = arith.constant 0 : i32
    %cond3A_77 = arith.cmpi ne, %convert_element_type3A_75, %cond3A_76 : i32
    scf.if %cond3A_77 {
      %add3A_246 = arith.constant 9984 : i32
      %add3A_247 = arith.addi %mul3A_67, %add3A_246 : i32
      "tpu.region"() ({
        %run_scoped3A = tpu.sem_alloc : memref<!tpu.dma_semaphore, #tpu.memory_space<semaphore_mem>>
        %dma_start3A_248 = arith.constant 9984 : i32
        %dma_start3A_249 = arith.constant 0 : i32
        %dma_start3A_250 = tpu.memref_slice %arg22[%dma_start3A_248, %dma_start3A_249] : memref<10000x64xf32, #tpu.memory_space<vmem_shared>> -> memref<16x64xf32, #tpu.memory_space<vmem_shared>>
        %dma_start3A_251 = arith.constant 0 : i32
        %dma_start3A_252 = tpu.memref_slice %arg3[%add3A_247, %dma_start3A_251] : memref<20000x64xf32, #tpu.memory_space<hbm>> -> memref<16x64xf32, #tpu.memory_space<hbm>>
        tpu.enqueue_dma source(%dma_start3A_252 : memref<16x64xf32, #tpu.memory_space<hbm>>) target(%dma_start3A_250 : memref<16x64xf32, #tpu.memory_space<vmem_shared>>) target_semaphore(%run_scoped3A : memref<!tpu.dma_semaphore, #tpu.memory_space<semaphore_mem>>)
        %dma_wait3A = arith.constant 9984 : i32
        %dma_wait3A_253 = arith.constant 0 : i32
        %dma_wait3A_254 = tpu.memref_slice %arg22[%dma_wait3A, %dma_wait3A_253] : memref<10000x64xf32, #tpu.memory_space<vmem_shared>> -> memref<16x64xf32, #tpu.memory_space<vmem_shared>>
        %dma_wait3A_255 = arith.constant 0 : i32
        %dma_wait3A_256 = tpu.memref_slice %arg3[%add3A_247, %dma_wait3A_255] : memref<20000x64xf32, #tpu.memory_space<hbm>> -> memref<16x64xf32, #tpu.memory_space<hbm>>
        tpu.wait_dma2 semaphore(%run_scoped3A : memref<!tpu.dma_semaphore, #tpu.memory_space<semaphore_mem>>) src(%dma_wait3A_256 : memref<16x64xf32, #tpu.memory_space<hbm>>) dst(%dma_wait3A_254 : memref<16x64xf32, #tpu.memory_space<vmem_shared>>)
        tpu.yield
      }) : () -> ()
    } else {
    }
    %barrier3A_78 = arith.constant 0 : index
    tpu.barrier barrier_id(%barrier3A_78)
    %dma_start3A_79 = arith.constant 0 : i32
    %dma_start3A_80 = arith.constant 0 : i32
    %dma_start3A_81 = tpu.memref_slice %arg10[%dma_start3A_79, %dma_start3A_80] : memref<250x80xi32, #tpu.memory_space<vmem>> -> memref<1x80xi32, #tpu.memory_space<vmem>>
    %dma_start3A_82 = tpu.memref_squeeze %dma_start3A_81 : memref<1x80xi32, #tpu.memory_space<vmem>> -> memref<80xi32, #tpu.memory_space<vmem>>
    %dma_start3A_83 = arith.constant 0 : i32
    %dma_start3A_84 = arith.constant 0 : i32
    %dma_start3A_85 = tpu.memref_slice %arg3[%dma_start3A_83, %dma_start3A_84] : memref<20000x64xf32, #tpu.memory_space<hbm>> -> memref<20000x64xf32, #tpu.memory_space<hbm>>
    tpu.enqueue_indirect_dma source(%dma_start3A_85 : memref<20000x64xf32, #tpu.memory_space<hbm>>) target(%arg12 : memref<80x64xf32, #tpu.memory_space<vmem>>) offsets(%dma_start3A_82 : memref<80xi32, #tpu.memory_space<vmem>>) semaphore(%arg24 : memref<!tpu.dma_semaphore, #tpu.memory_space<semaphore_mem>>)
    %dma_start3A_86 = arith.constant 1 : i32
    %dma_start3A_87 = arith.constant 0 : i32
    %dma_start3A_88 = tpu.memref_slice %arg10[%dma_start3A_86, %dma_start3A_87] : memref<250x80xi32, #tpu.memory_space<vmem>> -> memref<1x80xi32, #tpu.memory_space<vmem>>
    %dma_start3A_89 = tpu.memref_squeeze %dma_start3A_88 : memref<1x80xi32, #tpu.memory_space<vmem>> -> memref<80xi32, #tpu.memory_space<vmem>>
    %dma_start3A_90 = arith.constant 0 : i32
    %dma_start3A_91 = arith.constant 0 : i32
    %dma_start3A_92 = tpu.memref_slice %arg3[%dma_start3A_90, %dma_start3A_91] : memref<20000x64xf32, #tpu.memory_space<hbm>> -> memref<20000x64xf32, #tpu.memory_space<hbm>>
    tpu.enqueue_indirect_dma source(%dma_start3A_92 : memref<20000x64xf32, #tpu.memory_space<hbm>>) target(%arg13 : memref<80x64xf32, #tpu.memory_space<vmem>>) offsets(%dma_start3A_89 : memref<80xi32, #tpu.memory_space<vmem>>) semaphore(%arg25 : memref<!tpu.dma_semaphore, #tpu.memory_space<semaphore_mem>>)
    %dma_start3A_93 = arith.constant 2 : i32
    %dma_start3A_94 = arith.constant 0 : i32
    %dma_start3A_95 = tpu.memref_slice %arg10[%dma_start3A_93, %dma_start3A_94] : memref<250x80xi32, #tpu.memory_space<vmem>> -> memref<1x80xi32, #tpu.memory_space<vmem>>
    %dma_start3A_96 = tpu.memref_squeeze %dma_start3A_95 : memref<1x80xi32, #tpu.memory_space<vmem>> -> memref<80xi32, #tpu.memory_space<vmem>>
    %dma_start3A_97 = arith.constant 0 : i32
    %dma_start3A_98 = arith.constant 0 : i32
    %dma_start3A_99 = tpu.memref_slice %arg3[%dma_start3A_97, %dma_start3A_98] : memref<20000x64xf32, #tpu.memory_space<hbm>> -> memref<20000x64xf32, #tpu.memory_space<hbm>>
    tpu.enqueue_indirect_dma source(%dma_start3A_99 : memref<20000x64xf32, #tpu.memory_space<hbm>>) target(%arg14 : memref<80x64xf32, #tpu.memory_space<vmem>>) offsets(%dma_start3A_96 : memref<80xi32, #tpu.memory_space<vmem>>) semaphore(%arg26 : memref<!tpu.dma_semaphore, #tpu.memory_space<semaphore_mem>>)
    %dma_start3A_100 = arith.constant 3 : i32
    %dma_start3A_101 = arith.constant 0 : i32
    %dma_start3A_102 = tpu.memref_slice %arg10[%dma_start3A_100, %dma_start3A_101] : memref<250x80xi32, #tpu.memory_space<vmem>> -> memref<1x80xi32, #tpu.memory_space<vmem>>
    %dma_start3A_103 = tpu.memref_squeeze %dma_start3A_102 : memref<1x80xi32, #tpu.memory_space<vmem>> -> memref<80xi32, #tpu.memory_space<vmem>>
    %dma_start3A_104 = arith.constant 0 : i32
    %dma_start3A_105 = arith.constant 0 : i32
    %dma_start3A_106 = tpu.memref_slice %arg3[%dma_start3A_104, %dma_start3A_105] : memref<20000x64xf32, #tpu.memory_space<hbm>> -> memref<20000x64xf32, #tpu.memory_space<hbm>>
    tpu.enqueue_indirect_dma source(%dma_start3A_106 : memref<20000x64xf32, #tpu.memory_space<hbm>>) target(%arg15 : memref<80x64xf32, #tpu.memory_space<vmem>>) offsets(%dma_start3A_103 : memref<80xi32, #tpu.memory_space<vmem>>) semaphore(%arg27 : memref<!tpu.dma_semaphore, #tpu.memory_space<semaphore_mem>>)
    %scan3A_107 = arith.constant 0 : i32
    %scan3A_108 = arith.constant 0 : i32
    %scan3A_109 = arith.constant 50 : i32
    %scan3A_110 = arith.addi %scan3A_108, %scan3A_109 : i32
    %scan3A_111 = arith.constant 1 : i32
    scf.for %scan3A_246 = %scan3A_108 to %scan3A_110 step %scan3A_111  : i32 {
      %mul3A_247 = arith.constant 5 : i32
      %mul3A_248 = arith.muli %scan3A_246, %mul3A_247 : i32
      %dma_wait3A = arith.constant 0 : i32
      %dma_wait3A_249 = arith.constant 0 : i32
      %dma_wait3A_250 = tpu.memref_slice %arg10[%dma_wait3A, %dma_wait3A_249] : memref<250x80xi32, #tpu.memory_space<vmem>> -> memref<1x80xi32, #tpu.memory_space<vmem>>
      %dma_wait3A_251 = tpu.memref_squeeze %dma_wait3A_250 : memref<1x80xi32, #tpu.memory_space<vmem>> -> memref<80xi32, #tpu.memory_space<vmem>>
      %dma_wait3A_252 = arith.constant 0 : i32
      %dma_wait3A_253 = arith.constant 0 : i32
      %dma_wait3A_254 = tpu.memref_slice %arg3[%dma_wait3A_252, %dma_wait3A_253] : memref<20000x64xf32, #tpu.memory_space<hbm>> -> memref<20000x64xf32, #tpu.memory_space<hbm>>
      tpu.wait_indirect_dma semaphore(%arg24 : memref<!tpu.dma_semaphore, #tpu.memory_space<semaphore_mem>>) src(%dma_wait3A_254 : memref<20000x64xf32, #tpu.memory_space<hbm>>) dst(%arg12 : memref<80x64xf32, #tpu.memory_space<vmem>>)
      %add3A_255 = arith.constant 0 : i32
      %add3A_256 = arith.addi %mul3A_248, %add3A_255 : i32
      %add3A_257 = arith.constant 5 : i32
      %add3A_258 = arith.addi %add3A_256, %add3A_257 : i32
      %sub3A = arith.constant 1 : i32
      %sub3A_259 = arith.subi %add3A_258, %sub3A : i32
      %lt3A = arith.constant 250 : i32
      %lt3A_260 = arith.cmpi slt, %sub3A_259, %lt3A : i32
      %convert_element_type3A_261 = arith.extui %lt3A_260 : i1 to i32
      %cond3A_262 = arith.constant 0 : i32
      %cond3A_263 = arith.cmpi ne, %convert_element_type3A_261, %cond3A_262 : i32
      scf.if %cond3A_263 {
        %add3A_346 = arith.constant 0 : i32
        %add3A_347 = arith.addi %mul3A_248, %add3A_346 : i32
        %add3A_348 = arith.constant 5 : i32
        %add3A_349 = arith.addi %add3A_347, %add3A_348 : i32
        %sub3A_350 = arith.constant 1 : i32
        %sub3A_351 = arith.subi %add3A_349, %sub3A_350 : i32
        %dma_start3A_352 = arith.constant 0 : i32
        %dma_start3A_353 = tpu.memref_slice %arg10[%sub3A_351, %dma_start3A_352] : memref<250x80xi32, #tpu.memory_space<vmem>> -> memref<1x80xi32, #tpu.memory_space<vmem>>
        %dma_start3A_354 = tpu.memref_squeeze %dma_start3A_353 : memref<1x80xi32, #tpu.memory_space<vmem>> -> memref<80xi32, #tpu.memory_space<vmem>>
        %dma_start3A_355 = arith.constant 0 : i32
        %dma_start3A_356 = arith.constant 0 : i32
        %dma_start3A_357 = tpu.memref_slice %arg3[%dma_start3A_355, %dma_start3A_356] : memref<20000x64xf32, #tpu.memory_space<hbm>> -> memref<20000x64xf32, #tpu.memory_space<hbm>>
        tpu.enqueue_indirect_dma source(%dma_start3A_357 : memref<20000x64xf32, #tpu.memory_space<hbm>>) target(%arg16 : memref<80x64xf32, #tpu.memory_space<vmem>>) offsets(%dma_start3A_354 : memref<80xi32, #tpu.memory_space<vmem>>) semaphore(%arg28 : memref<!tpu.dma_semaphore, #tpu.memory_space<semaphore_mem>>)
      } else {
      }
      %add3A_264 = arith.constant 0 : i32
      %add3A_265 = arith.addi %mul3A_248, %add3A_264 : i32
      "tpu.region"() ({
        %run_scoped3A = tpu.sem_alloc : memref<!tpu.dma_semaphore, #tpu.memory_space<semaphore_mem>>
        %dma_start3A_346 = arith.constant 0 : i32
        %dma_start3A_347 = tpu.memref_slice %arg11[%add3A_265, %dma_start3A_346] : memref<250x80xi32, #tpu.memory_space<vmem>> -> memref<1x80xi32, #tpu.memory_space<vmem>>
        %dma_start3A_348 = tpu.memref_squeeze %dma_start3A_347 : memref<1x80xi32, #tpu.memory_space<vmem>> -> memref<80xi32, #tpu.memory_space<vmem>>
        %dma_start3A_349 = arith.constant 0 : i32
        %dma_start3A_350 = arith.constant 0 : i32
        %dma_start3A_351 = tpu.memref_slice %arg22[%dma_start3A_349, %dma_start3A_350] : memref<10000x64xf32, #tpu.memory_space<vmem_shared>> -> memref<10000x64xf32, #tpu.memory_space<vmem_shared>>
        tpu.enqueue_indirect_dma source(%arg12 : memref<80x64xf32, #tpu.memory_space<vmem>>) target(%dma_start3A_351 : memref<10000x64xf32, #tpu.memory_space<vmem_shared>>) offsets(%dma_start3A_348 : memref<80xi32, #tpu.memory_space<vmem>>) semaphore(%run_scoped3A : memref<!tpu.dma_semaphore, #tpu.memory_space<semaphore_mem>>) {add = true}
        %dma_wait3A_352 = arith.constant 0 : i32
        %dma_wait3A_353 = tpu.memref_slice %arg11[%add3A_265, %dma_wait3A_352] : memref<250x80xi32, #tpu.memory_space<vmem>> -> memref<1x80xi32, #tpu.memory_space<vmem>>
        %dma_wait3A_354 = tpu.memref_squeeze %dma_wait3A_353 : memref<1x80xi32, #tpu.memory_space<vmem>> -> memref<80xi32, #tpu.memory_space<vmem>>
        %dma_wait3A_355 = arith.constant 0 : i32
        %dma_wait3A_356 = arith.constant 0 : i32
        %dma_wait3A_357 = tpu.memref_slice %arg22[%dma_wait3A_355, %dma_wait3A_356] : memref<10000x64xf32, #tpu.memory_space<vmem_shared>> -> memref<10000x64xf32, #tpu.memory_space<vmem_shared>>
        tpu.wait_indirect_dma semaphore(%run_scoped3A : memref<!tpu.dma_semaphore, #tpu.memory_space<semaphore_mem>>) src(%arg12 : memref<80x64xf32, #tpu.memory_space<vmem>>) dst(%dma_wait3A_357 : memref<10000x64xf32, #tpu.memory_space<vmem_shared>>)
        tpu.yield
      }) : () -> ()
      %dma_wait3A_266 = arith.constant 0 : i32
      %dma_wait3A_267 = arith.constant 0 : i32
      %dma_wait3A_268 = tpu.memref_slice %arg10[%dma_wait3A_266, %dma_wait3A_267] : memref<250x80xi32, #tpu.memory_space<vmem>> -> memref<1x80xi32, #tpu.memory_space<vmem>>
      %dma_wait3A_269 = tpu.memref_squeeze %dma_wait3A_268 : memref<1x80xi32, #tpu.memory_space<vmem>> -> memref<80xi32, #tpu.memory_space<vmem>>
      %dma_wait3A_270 = arith.constant 0 : i32
      %dma_wait3A_271 = arith.constant 0 : i32
      %dma_wait3A_272 = tpu.memref_slice %arg3[%dma_wait3A_270, %dma_wait3A_271] : memref<20000x64xf32, #tpu.memory_space<hbm>> -> memref<20000x64xf32, #tpu.memory_space<hbm>>
      tpu.wait_indirect_dma semaphore(%arg25 : memref<!tpu.dma_semaphore, #tpu.memory_space<semaphore_mem>>) src(%dma_wait3A_272 : memref<20000x64xf32, #tpu.memory_space<hbm>>) dst(%arg13 : memref<80x64xf32, #tpu.memory_space<vmem>>)
      %add3A_273 = arith.constant 1 : i32
      %add3A_274 = arith.addi %mul3A_248, %add3A_273 : i32
      %add3A_275 = arith.constant 5 : i32
      %add3A_276 = arith.addi %add3A_274, %add3A_275 : i32
      %sub3A_277 = arith.constant 1 : i32
      %sub3A_278 = arith.subi %add3A_276, %sub3A_277 : i32
      %lt3A_279 = arith.constant 250 : i32
      %lt3A_280 = arith.cmpi slt, %sub3A_278, %lt3A_279 : i32
      %convert_element_type3A_281 = arith.extui %lt3A_280 : i1 to i32
      %cond3A_282 = arith.constant 0 : i32
      %cond3A_283 = arith.cmpi ne, %convert_element_type3A_281, %cond3A_282 : i32
      scf.if %cond3A_283 {
        %add3A_346 = arith.constant 1 : i32
        %add3A_347 = arith.addi %mul3A_248, %add3A_346 : i32
        %add3A_348 = arith.constant 5 : i32
        %add3A_349 = arith.addi %add3A_347, %add3A_348 : i32
        %sub3A_350 = arith.constant 1 : i32
        %sub3A_351 = arith.subi %add3A_349, %sub3A_350 : i32
        %dma_start3A_352 = arith.constant 0 : i32
        %dma_start3A_353 = tpu.memref_slice %arg10[%sub3A_351, %dma_start3A_352] : memref<250x80xi32, #tpu.memory_space<vmem>> -> memref<1x80xi32, #tpu.memory_space<vmem>>
        %dma_start3A_354 = tpu.memref_squeeze %dma_start3A_353 : memref<1x80xi32, #tpu.memory_space<vmem>> -> memref<80xi32, #tpu.memory_space<vmem>>
        %dma_start3A_355 = arith.constant 0 : i32
        %dma_start3A_356 = arith.constant 0 : i32
        %dma_start3A_357 = tpu.memref_slice %arg3[%dma_start3A_355, %dma_start3A_356] : memref<20000x64xf32, #tpu.memory_space<hbm>> -> memref<20000x64xf32, #tpu.memory_space<hbm>>
        tpu.enqueue_indirect_dma source(%dma_start3A_357 : memref<20000x64xf32, #tpu.memory_space<hbm>>) target(%arg12 : memref<80x64xf32, #tpu.memory_space<vmem>>) offsets(%dma_start3A_354 : memref<80xi32, #tpu.memory_space<vmem>>) semaphore(%arg24 : memref<!tpu.dma_semaphore, #tpu.memory_space<semaphore_mem>>)
      } else {
      }
      %add3A_284 = arith.constant 1 : i32
      %add3A_285 = arith.addi %mul3A_248, %add3A_284 : i32
      "tpu.region"() ({
        %run_scoped3A = tpu.sem_alloc : memref<!tpu.dma_semaphore, #tpu.memory_space<semaphore_mem>>
        %dma_start3A_346 = arith.constant 0 : i32
        %dma_start3A_347 = tpu.memref_slice %arg11[%add3A_285, %dma_start3A_346] : memref<250x80xi32, #tpu.memory_space<vmem>> -> memref<1x80xi32, #tpu.memory_space<vmem>>
        %dma_start3A_348 = tpu.memref_squeeze %dma_start3A_347 : memref<1x80xi32, #tpu.memory_space<vmem>> -> memref<80xi32, #tpu.memory_space<vmem>>
        %dma_start3A_349 = arith.constant 0 : i32
        %dma_start3A_350 = arith.constant 0 : i32
        %dma_start3A_351 = tpu.memref_slice %arg22[%dma_start3A_349, %dma_start3A_350] : memref<10000x64xf32, #tpu.memory_space<vmem_shared>> -> memref<10000x64xf32, #tpu.memory_space<vmem_shared>>
        tpu.enqueue_indirect_dma source(%arg13 : memref<80x64xf32, #tpu.memory_space<vmem>>) target(%dma_start3A_351 : memref<10000x64xf32, #tpu.memory_space<vmem_shared>>) offsets(%dma_start3A_348 : memref<80xi32, #tpu.memory_space<vmem>>) semaphore(%run_scoped3A : memref<!tpu.dma_semaphore, #tpu.memory_space<semaphore_mem>>) {add = true}
        %dma_wait3A_352 = arith.constant 0 : i32
        %dma_wait3A_353 = tpu.memref_slice %arg11[%add3A_285, %dma_wait3A_352] : memref<250x80xi32, #tpu.memory_space<vmem>> -> memref<1x80xi32, #tpu.memory_space<vmem>>
        %dma_wait3A_354 = tpu.memref_squeeze %dma_wait3A_353 : memref<1x80xi32, #tpu.memory_space<vmem>> -> memref<80xi32, #tpu.memory_space<vmem>>
        %dma_wait3A_355 = arith.constant 0 : i32
        %dma_wait3A_356 = arith.constant 0 : i32
        %dma_wait3A_357 = tpu.memref_slice %arg22[%dma_wait3A_355, %dma_wait3A_356] : memref<10000x64xf32, #tpu.memory_space<vmem_shared>> -> memref<10000x64xf32, #tpu.memory_space<vmem_shared>>
        tpu.wait_indirect_dma semaphore(%run_scoped3A : memref<!tpu.dma_semaphore, #tpu.memory_space<semaphore_mem>>) src(%arg13 : memref<80x64xf32, #tpu.memory_space<vmem>>) dst(%dma_wait3A_357 : memref<10000x64xf32, #tpu.memory_space<vmem_shared>>)
        tpu.yield
      }) : () -> ()
      %dma_wait3A_286 = arith.constant 0 : i32
      %dma_wait3A_287 = arith.constant 0 : i32
      %dma_wait3A_288 = tpu.memref_slice %arg10[%dma_wait3A_286, %dma_wait3A_287] : memref<250x80xi32, #tpu.memory_space<vmem>> -> memref<1x80xi32, #tpu.memory_space<vmem>>
      %dma_wait3A_289 = tpu.memref_squeeze %dma_wait3A_288 : memref<1x80xi32, #tpu.memory_space<vmem>> -> memref<80xi32, #tpu.memory_space<vmem>>
      %dma_wait3A_290 = arith.constant 0 : i32
      %dma_wait3A_291 = arith.constant 0 : i32
      %dma_wait3A_292 = tpu.memref_slice %arg3[%dma_wait3A_290, %dma_wait3A_291] : memref<20000x64xf32, #tpu.memory_space<hbm>> -> memref<20000x64xf32, #tpu.memory_space<hbm>>
      tpu.wait_indirect_dma semaphore(%arg26 : memref<!tpu.dma_semaphore, #tpu.memory_space<semaphore_mem>>) src(%dma_wait3A_292 : memref<20000x64xf32, #tpu.memory_space<hbm>>) dst(%arg14 : memref<80x64xf32, #tpu.memory_space<vmem>>)
      %add3A_293 = arith.constant 2 : i32
      %add3A_294 = arith.addi %mul3A_248, %add3A_293 : i32
      %add3A_295 = arith.constant 5 : i32
      %add3A_296 = arith.addi %add3A_294, %add3A_295 : i32
      %sub3A_297 = arith.constant 1 : i32
      %sub3A_298 = arith.subi %add3A_296, %sub3A_297 : i32
      %lt3A_299 = arith.constant 250 : i32
      %lt3A_300 = arith.cmpi slt, %sub3A_298, %lt3A_299 : i32
      %convert_element_type3A_301 = arith.extui %lt3A_300 : i1 to i32
      %cond3A_302 = arith.constant 0 : i32
      %cond3A_303 = arith.cmpi ne, %convert_element_type3A_301, %cond3A_302 : i32
      scf.if %cond3A_303 {
        %add3A_346 = arith.constant 2 : i32
        %add3A_347 = arith.addi %mul3A_248, %add3A_346 : i32
        %add3A_348 = arith.constant 5 : i32
        %add3A_349 = arith.addi %add3A_347, %add3A_348 : i32
        %sub3A_350 = arith.constant 1 : i32
        %sub3A_351 = arith.subi %add3A_349, %sub3A_350 : i32
        %dma_start3A_352 = arith.constant 0 : i32
        %dma_start3A_353 = tpu.memref_slice %arg10[%sub3A_351, %dma_start3A_352] : memref<250x80xi32, #tpu.memory_space<vmem>> -> memref<1x80xi32, #tpu.memory_space<vmem>>
        %dma_start3A_354 = tpu.memref_squeeze %dma_start3A_353 : memref<1x80xi32, #tpu.memory_space<vmem>> -> memref<80xi32, #tpu.memory_space<vmem>>
        %dma_start3A_355 = arith.constant 0 : i32
        %dma_start3A_356 = arith.constant 0 : i32
        %dma_start3A_357 = tpu.memref_slice %arg3[%dma_start3A_355, %dma_start3A_356] : memref<20000x64xf32, #tpu.memory_space<hbm>> -> memref<20000x64xf32, #tpu.memory_space<hbm>>
        tpu.enqueue_indirect_dma source(%dma_start3A_357 : memref<20000x64xf32, #tpu.memory_space<hbm>>) target(%arg13 : memref<80x64xf32, #tpu.memory_space<vmem>>) offsets(%dma_start3A_354 : memref<80xi32, #tpu.memory_space<vmem>>) semaphore(%arg25 : memref<!tpu.dma_semaphore, #tpu.memory_space<semaphore_mem>>)
      } else {
      }
      %add3A_304 = arith.constant 2 : i32
      %add3A_305 = arith.addi %mul3A_248, %add3A_304 : i32
      "tpu.region"() ({
        %run_scoped3A = tpu.sem_alloc : memref<!tpu.dma_semaphore, #tpu.memory_space<semaphore_mem>>
        %dma_start3A_346 = arith.constant 0 : i32
        %dma_start3A_347 = tpu.memref_slice %arg11[%add3A_305, %dma_start3A_346] : memref<250x80xi32, #tpu.memory_space<vmem>> -> memref<1x80xi32, #tpu.memory_space<vmem>>
        %dma_start3A_348 = tpu.memref_squeeze %dma_start3A_347 : memref<1x80xi32, #tpu.memory_space<vmem>> -> memref<80xi32, #tpu.memory_space<vmem>>
        %dma_start3A_349 = arith.constant 0 : i32
        %dma_start3A_350 = arith.constant 0 : i32
        %dma_start3A_351 = tpu.memref_slice %arg22[%dma_start3A_349, %dma_start3A_350] : memref<10000x64xf32, #tpu.memory_space<vmem_shared>> -> memref<10000x64xf32, #tpu.memory_space<vmem_shared>>
        tpu.enqueue_indirect_dma source(%arg14 : memref<80x64xf32, #tpu.memory_space<vmem>>) target(%dma_start3A_351 : memref<10000x64xf32, #tpu.memory_space<vmem_shared>>) offsets(%dma_start3A_348 : memref<80xi32, #tpu.memory_space<vmem>>) semaphore(%run_scoped3A : memref<!tpu.dma_semaphore, #tpu.memory_space<semaphore_mem>>) {add = true}
        %dma_wait3A_352 = arith.constant 0 : i32
        %dma_wait3A_353 = tpu.memref_slice %arg11[%add3A_305, %dma_wait3A_352] : memref<250x80xi32, #tpu.memory_space<vmem>> -> memref<1x80xi32, #tpu.memory_space<vmem>>
        %dma_wait3A_354 = tpu.memref_squeeze %dma_wait3A_353 : memref<1x80xi32, #tpu.memory_space<vmem>> -> memref<80xi32, #tpu.memory_space<vmem>>
        %dma_wait3A_355 = arith.constant 0 : i32
        %dma_wait3A_356 = arith.constant 0 : i32
        %dma_wait3A_357 = tpu.memref_slice %arg22[%dma_wait3A_355, %dma_wait3A_356] : memref<10000x64xf32, #tpu.memory_space<vmem_shared>> -> memref<10000x64xf32, #tpu.memory_space<vmem_shared>>
        tpu.wait_indirect_dma semaphore(%run_scoped3A : memref<!tpu.dma_semaphore, #tpu.memory_space<semaphore_mem>>) src(%arg14 : memref<80x64xf32, #tpu.memory_space<vmem>>) dst(%dma_wait3A_357 : memref<10000x64xf32, #tpu.memory_space<vmem_shared>>)
        tpu.yield
      }) : () -> ()
      %dma_wait3A_306 = arith.constant 0 : i32
      %dma_wait3A_307 = arith.constant 0 : i32
      %dma_wait3A_308 = tpu.memref_slice %arg10[%dma_wait3A_306, %dma_wait3A_307] : memref<250x80xi32, #tpu.memory_space<vmem>> -> memref<1x80xi32, #tpu.memory_space<vmem>>
      %dma_wait3A_309 = tpu.memref_squeeze %dma_wait3A_308 : memref<1x80xi32, #tpu.memory_space<vmem>> -> memref<80xi32, #tpu.memory_space<vmem>>
      %dma_wait3A_310 = arith.constant 0 : i32
      %dma_wait3A_311 = arith.constant 0 : i32
      %dma_wait3A_312 = tpu.memref_slice %arg3[%dma_wait3A_310, %dma_wait3A_311] : memref<20000x64xf32, #tpu.memory_space<hbm>> -> memref<20000x64xf32, #tpu.memory_space<hbm>>
      tpu.wait_indirect_dma semaphore(%arg27 : memref<!tpu.dma_semaphore, #tpu.memory_space<semaphore_mem>>) src(%dma_wait3A_312 : memref<20000x64xf32, #tpu.memory_space<hbm>>) dst(%arg15 : memref<80x64xf32, #tpu.memory_space<vmem>>)
      %add3A_313 = arith.constant 3 : i32
      %add3A_314 = arith.addi %mul3A_248, %add3A_313 : i32
      %add3A_315 = arith.constant 5 : i32
      %add3A_316 = arith.addi %add3A_314, %add3A_315 : i32
      %sub3A_317 = arith.constant 1 : i32
      %sub3A_318 = arith.subi %add3A_316, %sub3A_317 : i32
      %lt3A_319 = arith.constant 250 : i32
      %lt3A_320 = arith.cmpi slt, %sub3A_318, %lt3A_319 : i32
      %convert_element_type3A_321 = arith.extui %lt3A_320 : i1 to i32
      %cond3A_322 = arith.constant 0 : i32
      %cond3A_323 = arith.cmpi ne, %convert_element_type3A_321, %cond3A_322 : i32
      scf.if %cond3A_323 {
        %add3A_346 = arith.constant 3 : i32
        %add3A_347 = arith.addi %mul3A_248, %add3A_346 : i32
        %add3A_348 = arith.constant 5 : i32
        %add3A_349 = arith.addi %add3A_347, %add3A_348 : i32
        %sub3A_350 = arith.constant 1 : i32
        %sub3A_351 = arith.subi %add3A_349, %sub3A_350 : i32
        %dma_start3A_352 = arith.constant 0 : i32
        %dma_start3A_353 = tpu.memref_slice %arg10[%sub3A_351, %dma_start3A_352] : memref<250x80xi32, #tpu.memory_space<vmem>> -> memref<1x80xi32, #tpu.memory_space<vmem>>
        %dma_start3A_354 = tpu.memref_squeeze %dma_start3A_353 : memref<1x80xi32, #tpu.memory_space<vmem>> -> memref<80xi32, #tpu.memory_space<vmem>>
        %dma_start3A_355 = arith.constant 0 : i32
        %dma_start3A_356 = arith.constant 0 : i32
        %dma_start3A_357 = tpu.memref_slice %arg3[%dma_start3A_355, %dma_start3A_356] : memref<20000x64xf32, #tpu.memory_space<hbm>> -> memref<20000x64xf32, #tpu.memory_space<hbm>>
        tpu.enqueue_indirect_dma source(%dma_start3A_357 : memref<20000x64xf32, #tpu.memory_space<hbm>>) target(%arg14 : memref<80x64xf32, #tpu.memory_space<vmem>>) offsets(%dma_start3A_354 : memref<80xi32, #tpu.memory_space<vmem>>) semaphore(%arg26 : memref<!tpu.dma_semaphore, #tpu.memory_space<semaphore_mem>>)
      } else {
      }
      %add3A_324 = arith.constant 3 : i32
      %add3A_325 = arith.addi %mul3A_248, %add3A_324 : i32
      "tpu.region"() ({
        %run_scoped3A = tpu.sem_alloc : memref<!tpu.dma_semaphore, #tpu.memory_space<semaphore_mem>>
        %dma_start3A_346 = arith.constant 0 : i32
        %dma_start3A_347 = tpu.memref_slice %arg11[%add3A_325, %dma_start3A_346] : memref<250x80xi32, #tpu.memory_space<vmem>> -> memref<1x80xi32, #tpu.memory_space<vmem>>
        %dma_start3A_348 = tpu.memref_squeeze %dma_start3A_347 : memref<1x80xi32, #tpu.memory_space<vmem>> -> memref<80xi32, #tpu.memory_space<vmem>>
        %dma_start3A_349 = arith.constant 0 : i32
        %dma_start3A_350 = arith.constant 0 : i32
        %dma_start3A_351 = tpu.memref_slice %arg22[%dma_start3A_349, %dma_start3A_350] : memref<10000x64xf32, #tpu.memory_space<vmem_shared>> -> memref<10000x64xf32, #tpu.memory_space<vmem_shared>>
        tpu.enqueue_indirect_dma source(%arg15 : memref<80x64xf32, #tpu.memory_space<vmem>>) target(%dma_start3A_351 : memref<10000x64xf32, #tpu.memory_space<vmem_shared>>) offsets(%dma_start3A_348 : memref<80xi32, #tpu.memory_space<vmem>>) semaphore(%run_scoped3A : memref<!tpu.dma_semaphore, #tpu.memory_space<semaphore_mem>>) {add = true}
        %dma_wait3A_352 = arith.constant 0 : i32
        %dma_wait3A_353 = tpu.memref_slice %arg11[%add3A_325, %dma_wait3A_352] : memref<250x80xi32, #tpu.memory_space<vmem>> -> memref<1x80xi32, #tpu.memory_space<vmem>>
        %dma_wait3A_354 = tpu.memref_squeeze %dma_wait3A_353 : memref<1x80xi32, #tpu.memory_space<vmem>> -> memref<80xi32, #tpu.memory_space<vmem>>
        %dma_wait3A_355 = arith.constant 0 : i32
        %dma_wait3A_356 = arith.constant 0 : i32
        %dma_wait3A_357 = tpu.memref_slice %arg22[%dma_wait3A_355, %dma_wait3A_356] : memref<10000x64xf32, #tpu.memory_space<vmem_shared>> -> memref<10000x64xf32, #tpu.memory_space<vmem_shared>>
        tpu.wait_indirect_dma semaphore(%run_scoped3A : memref<!tpu.dma_semaphore, #tpu.memory_space<semaphore_mem>>) src(%arg15 : memref<80x64xf32, #tpu.memory_space<vmem>>) dst(%dma_wait3A_357 : memref<10000x64xf32, #tpu.memory_space<vmem_shared>>)
        tpu.yield
      }) : () -> ()
      %dma_wait3A_326 = arith.constant 0 : i32
      %dma_wait3A_327 = arith.constant 0 : i32
      %dma_wait3A_328 = tpu.memref_slice %arg10[%dma_wait3A_326, %dma_wait3A_327] : memref<250x80xi32, #tpu.memory_space<vmem>> -> memref<1x80xi32, #tpu.memory_space<vmem>>
      %dma_wait3A_329 = tpu.memref_squeeze %dma_wait3A_328 : memref<1x80xi32, #tpu.memory_space<vmem>> -> memref<80xi32, #tpu.memory_space<vmem>>
      %dma_wait3A_330 = arith.constant 0 : i32
      %dma_wait3A_331 = arith.constant 0 : i32
      %dma_wait3A_332 = tpu.memref_slice %arg3[%dma_wait3A_330, %dma_wait3A_331] : memref<20000x64xf32, #tpu.memory_space<hbm>> -> memref<20000x64xf32, #tpu.memory_space<hbm>>
      tpu.wait_indirect_dma semaphore(%arg28 : memref<!tpu.dma_semaphore, #tpu.memory_space<semaphore_mem>>) src(%dma_wait3A_332 : memref<20000x64xf32, #tpu.memory_space<hbm>>) dst(%arg16 : memref<80x64xf32, #tpu.memory_space<vmem>>)
      %add3A_333 = arith.constant 4 : i32
      %add3A_334 = arith.addi %mul3A_248, %add3A_333 : i32
      %add3A_335 = arith.constant 5 : i32
      %add3A_336 = arith.addi %add3A_334, %add3A_335 : i32
      %sub3A_337 = arith.constant 1 : i32
      %sub3A_338 = arith.subi %add3A_336, %sub3A_337 : i32
      %lt3A_339 = arith.constant 250 : i32
      %lt3A_340 = arith.cmpi slt, %sub3A_338, %lt3A_339 : i32
      %convert_element_type3A_341 = arith.extui %lt3A_340 : i1 to i32
      %cond3A_342 = arith.constant 0 : i32
      %cond3A_343 = arith.cmpi ne, %convert_element_type3A_341, %cond3A_342 : i32
      scf.if %cond3A_343 {
        %add3A_346 = arith.constant 4 : i32
        %add3A_347 = arith.addi %mul3A_248, %add3A_346 : i32
        %add3A_348 = arith.constant 5 : i32
        %add3A_349 = arith.addi %add3A_347, %add3A_348 : i32
        %sub3A_350 = arith.constant 1 : i32
        %sub3A_351 = arith.subi %add3A_349, %sub3A_350 : i32
        %dma_start3A_352 = arith.constant 0 : i32
        %dma_start3A_353 = tpu.memref_slice %arg10[%sub3A_351, %dma_start3A_352] : memref<250x80xi32, #tpu.memory_space<vmem>> -> memref<1x80xi32, #tpu.memory_space<vmem>>
        %dma_start3A_354 = tpu.memref_squeeze %dma_start3A_353 : memref<1x80xi32, #tpu.memory_space<vmem>> -> memref<80xi32, #tpu.memory_space<vmem>>
        %dma_start3A_355 = arith.constant 0 : i32
        %dma_start3A_356 = arith.constant 0 : i32
        %dma_start3A_357 = tpu.memref_slice %arg3[%dma_start3A_355, %dma_start3A_356] : memref<20000x64xf32, #tpu.memory_space<hbm>> -> memref<20000x64xf32, #tpu.memory_space<hbm>>
        tpu.enqueue_indirect_dma source(%dma_start3A_357 : memref<20000x64xf32, #tpu.memory_space<hbm>>) target(%arg15 : memref<80x64xf32, #tpu.memory_space<vmem>>) offsets(%dma_start3A_354 : memref<80xi32, #tpu.memory_space<vmem>>) semaphore(%arg27 : memref<!tpu.dma_semaphore, #tpu.memory_space<semaphore_mem>>)
      } else {
      }
      %add3A_344 = arith.constant 4 : i32
      %add3A_345 = arith.addi %mul3A_248, %add3A_344 : i32
      "tpu.region"() ({
        %run_scoped3A = tpu.sem_alloc : memref<!tpu.dma_semaphore, #tpu.memory_space<semaphore_mem>>
        %dma_start3A_346 = arith.constant 0 : i32
        %dma_start3A_347 = tpu.memref_slice %arg11[%add3A_345, %dma_start3A_346] : memref<250x80xi32, #tpu.memory_space<vmem>> -> memref<1x80xi32, #tpu.memory_space<vmem>>
        %dma_start3A_348 = tpu.memref_squeeze %dma_start3A_347 : memref<1x80xi32, #tpu.memory_space<vmem>> -> memref<80xi32, #tpu.memory_space<vmem>>
        %dma_start3A_349 = arith.constant 0 : i32
        %dma_start3A_350 = arith.constant 0 : i32
        %dma_start3A_351 = tpu.memref_slice %arg22[%dma_start3A_349, %dma_start3A_350] : memref<10000x64xf32, #tpu.memory_space<vmem_shared>> -> memref<10000x64xf32, #tpu.memory_space<vmem_shared>>
        tpu.enqueue_indirect_dma source(%arg16 : memref<80x64xf32, #tpu.memory_space<vmem>>) target(%dma_start3A_351 : memref<10000x64xf32, #tpu.memory_space<vmem_shared>>) offsets(%dma_start3A_348 : memref<80xi32, #tpu.memory_space<vmem>>) semaphore(%run_scoped3A : memref<!tpu.dma_semaphore, #tpu.memory_space<semaphore_mem>>) {add = true}
        %dma_wait3A_352 = arith.constant 0 : i32
        %dma_wait3A_353 = tpu.memref_slice %arg11[%add3A_345, %dma_wait3A_352] : memref<250x80xi32, #tpu.memory_space<vmem>> -> memref<1x80xi32, #tpu.memory_space<vmem>>
        %dma_wait3A_354 = tpu.memref_squeeze %dma_wait3A_353 : memref<1x80xi32, #tpu.memory_space<vmem>> -> memref<80xi32, #tpu.memory_space<vmem>>
        %dma_wait3A_355 = arith.constant 0 : i32
        %dma_wait3A_356 = arith.constant 0 : i32
        %dma_wait3A_357 = tpu.memref_slice %arg22[%dma_wait3A_355, %dma_wait3A_356] : memref<10000x64xf32, #tpu.memory_space<vmem_shared>> -> memref<10000x64xf32, #tpu.memory_space<vmem_shared>>
        tpu.wait_indirect_dma semaphore(%run_scoped3A : memref<!tpu.dma_semaphore, #tpu.memory_space<semaphore_mem>>) src(%arg16 : memref<80x64xf32, #tpu.memory_space<vmem>>) dst(%dma_wait3A_357 : memref<10000x64xf32, #tpu.memory_space<vmem_shared>>)
        tpu.yield
      }) : () -> ()
    }
    %scan3A_112 = arith.constant 50 : i32
    %barrier3A_113 = arith.constant 0 : index
    tpu.barrier barrier_id(%barrier3A_113)
    %mul3A_114 = arith.constant 624 : i32
    %mul3A_115 = arith.muli %arg1, %mul3A_114 : i32
    %mul3A_116 = arith.constant 624 : i32
    %mul3A_117 = arith.muli %arg1, %mul3A_116 : i32
    %add3A_118 = arith.addi %mul3A_65, %mul3A_117 : i32
    "tpu.region"() ({
      %run_scoped3A = tpu.sem_alloc : memref<!tpu.dma_semaphore, #tpu.memory_space<semaphore_mem>>
      %dma_start3A_246 = arith.constant 0 : i32
      %dma_start3A_247 = tpu.memref_slice %arg8[%add3A_118, %dma_start3A_246] : memref<60000x64xf32, #tpu.memory_space<hbm>> -> memref<624x64xf32, #tpu.memory_space<hbm>>
      %dma_start3A_248 = arith.constant 0 : i32
      %dma_start3A_249 = tpu.memref_slice %arg22[%mul3A_115, %dma_start3A_248] : memref<10000x64xf32, #tpu.memory_space<vmem_shared>> -> memref<624x64xf32, #tpu.memory_space<vmem_shared>>
      tpu.enqueue_dma source(%dma_start3A_249 : memref<624x64xf32, #tpu.memory_space<vmem_shared>>) target(%dma_start3A_247 : memref<624x64xf32, #tpu.memory_space<hbm>>) target_semaphore(%run_scoped3A : memref<!tpu.dma_semaphore, #tpu.memory_space<semaphore_mem>>)
      %dma_wait3A = arith.constant 0 : i32
      %dma_wait3A_250 = tpu.memref_slice %arg8[%add3A_118, %dma_wait3A] : memref<60000x64xf32, #tpu.memory_space<hbm>> -> memref<624x64xf32, #tpu.memory_space<hbm>>
      %dma_wait3A_251 = arith.constant 0 : i32
      %dma_wait3A_252 = tpu.memref_slice %arg22[%mul3A_115, %dma_wait3A_251] : memref<10000x64xf32, #tpu.memory_space<vmem_shared>> -> memref<624x64xf32, #tpu.memory_space<vmem_shared>>
      tpu.wait_dma2 semaphore(%run_scoped3A : memref<!tpu.dma_semaphore, #tpu.memory_space<semaphore_mem>>) src(%dma_wait3A_252 : memref<624x64xf32, #tpu.memory_space<vmem_shared>>) dst(%dma_wait3A_250 : memref<624x64xf32, #tpu.memory_space<hbm>>)
      tpu.yield
    }) : () -> ()
    %eq3A_119 = arith.constant 0 : i32
    %eq3A_120 = arith.cmpi eq, %arg1, %eq3A_119 : i32
    %convert_element_type3A_121 = arith.extui %eq3A_120 : i1 to i32
    %cond3A_122 = arith.constant 0 : i32
    %cond3A_123 = arith.cmpi ne, %convert_element_type3A_121, %cond3A_122 : i32
    scf.if %cond3A_123 {
      %add3A_246 = arith.constant 9984 : i32
      %add3A_247 = arith.addi %mul3A_65, %add3A_246 : i32
      "tpu.region"() ({
        %run_scoped3A = tpu.sem_alloc : memref<!tpu.dma_semaphore, #tpu.memory_space<semaphore_mem>>
        %dma_start3A_248 = arith.constant 0 : i32
        %dma_start3A_249 = tpu.memref_slice %arg8[%add3A_247, %dma_start3A_248] : memref<60000x64xf32, #tpu.memory_space<hbm>> -> memref<16x64xf32, #tpu.memory_space<hbm>>
        %dma_start3A_250 = arith.constant 9984 : i32
        %dma_start3A_251 = arith.constant 0 : i32
        %dma_start3A_252 = tpu.memref_slice %arg22[%dma_start3A_250, %dma_start3A_251] : memref<10000x64xf32, #tpu.memory_space<vmem_shared>> -> memref<16x64xf32, #tpu.memory_space<vmem_shared>>
        tpu.enqueue_dma source(%dma_start3A_252 : memref<16x64xf32, #tpu.memory_space<vmem_shared>>) target(%dma_start3A_249 : memref<16x64xf32, #tpu.memory_space<hbm>>) target_semaphore(%run_scoped3A : memref<!tpu.dma_semaphore, #tpu.memory_space<semaphore_mem>>)
        %dma_wait3A = arith.constant 0 : i32
        %dma_wait3A_253 = tpu.memref_slice %arg8[%add3A_247, %dma_wait3A] : memref<60000x64xf32, #tpu.memory_space<hbm>> -> memref<16x64xf32, #tpu.memory_space<hbm>>
        %dma_wait3A_254 = arith.constant 9984 : i32
        %dma_wait3A_255 = arith.constant 0 : i32
        %dma_wait3A_256 = tpu.memref_slice %arg22[%dma_wait3A_254, %dma_wait3A_255] : memref<10000x64xf32, #tpu.memory_space<vmem_shared>> -> memref<16x64xf32, #tpu.memory_space<vmem_shared>>
        tpu.wait_dma2 semaphore(%run_scoped3A : memref<!tpu.dma_semaphore, #tpu.memory_space<semaphore_mem>>) src(%dma_wait3A_256 : memref<16x64xf32, #tpu.memory_space<vmem_shared>>) dst(%dma_wait3A_253 : memref<16x64xf32, #tpu.memory_space<hbm>>)
        tpu.yield
      }) : () -> ()
    } else {
    }
    %add3A_124 = arith.constant 4 : i32
    %add3A_125 = arith.addi %add3A_124, %arg0 : i32
    %mul3A_126 = arith.constant 10000 : i32
    %mul3A_127 = arith.muli %add3A_125, %mul3A_126 : i32
    %mul3A_128 = arith.constant 10000 : i32
    %mul3A_129 = arith.muli %arg0, %mul3A_128 : i32
    %mul3A_130 = arith.constant 624 : i32
    %mul3A_131 = arith.muli %arg1, %mul3A_130 : i32
    %add3A_132 = arith.addi %mul3A_129, %mul3A_131 : i32
    %mul3A_133 = arith.constant 624 : i32
    %mul3A_134 = arith.muli %arg1, %mul3A_133 : i32
    "tpu.region"() ({
      %run_scoped3A = tpu.sem_alloc : memref<!tpu.dma_semaphore, #tpu.memory_space<semaphore_mem>>
      %dma_start3A_246 = arith.constant 0 : i32
      %dma_start3A_247 = tpu.memref_slice %arg22[%mul3A_134, %dma_start3A_246] : memref<10000x64xf32, #tpu.memory_space<vmem_shared>> -> memref<624x64xf32, #tpu.memory_space<vmem_shared>>
      %dma_start3A_248 = arith.constant 0 : i32
      %dma_start3A_249 = tpu.memref_slice %arg4[%add3A_132, %dma_start3A_248] : memref<20000x64xf32, #tpu.memory_space<hbm>> -> memref<624x64xf32, #tpu.memory_space<hbm>>
      tpu.enqueue_dma source(%dma_start3A_249 : memref<624x64xf32, #tpu.memory_space<hbm>>) target(%dma_start3A_247 : memref<624x64xf32, #tpu.memory_space<vmem_shared>>) target_semaphore(%run_scoped3A : memref<!tpu.dma_semaphore, #tpu.memory_space<semaphore_mem>>)
      %dma_wait3A = arith.constant 0 : i32
      %dma_wait3A_250 = tpu.memref_slice %arg22[%mul3A_134, %dma_wait3A] : memref<10000x64xf32, #tpu.memory_space<vmem_shared>> -> memref<624x64xf32, #tpu.memory_space<vmem_shared>>
      %dma_wait3A_251 = arith.constant 0 : i32
      %dma_wait3A_252 = tpu.memref_slice %arg4[%add3A_132, %dma_wait3A_251] : memref<20000x64xf32, #tpu.memory_space<hbm>> -> memref<624x64xf32, #tpu.memory_space<hbm>>
      tpu.wait_dma2 semaphore(%run_scoped3A : memref<!tpu.dma_semaphore, #tpu.memory_space<semaphore_mem>>) src(%dma_wait3A_252 : memref<624x64xf32, #tpu.memory_space<hbm>>) dst(%dma_wait3A_250 : memref<624x64xf32, #tpu.memory_space<vmem_shared>>)
      tpu.yield
    }) : () -> ()
    %eq3A_135 = arith.constant 0 : i32
    %eq3A_136 = arith.cmpi eq, %arg1, %eq3A_135 : i32
    %convert_element_type3A_137 = arith.extui %eq3A_136 : i1 to i32
    %cond3A_138 = arith.constant 0 : i32
    %cond3A_139 = arith.cmpi ne, %convert_element_type3A_137, %cond3A_138 : i32
    scf.if %cond3A_139 {
      %add3A_246 = arith.constant 9984 : i32
      %add3A_247 = arith.addi %mul3A_129, %add3A_246 : i32
      "tpu.region"() ({
        %run_scoped3A = tpu.sem_alloc : memref<!tpu.dma_semaphore, #tpu.memory_space<semaphore_mem>>
        %dma_start3A_248 = arith.constant 9984 : i32
        %dma_start3A_249 = arith.constant 0 : i32
        %dma_start3A_250 = tpu.memref_slice %arg22[%dma_start3A_248, %dma_start3A_249] : memref<10000x64xf32, #tpu.memory_space<vmem_shared>> -> memref<16x64xf32, #tpu.memory_space<vmem_shared>>
        %dma_start3A_251 = arith.constant 0 : i32
        %dma_start3A_252 = tpu.memref_slice %arg4[%add3A_247, %dma_start3A_251] : memref<20000x64xf32, #tpu.memory_space<hbm>> -> memref<16x64xf32, #tpu.memory_space<hbm>>
        tpu.enqueue_dma source(%dma_start3A_252 : memref<16x64xf32, #tpu.memory_space<hbm>>) target(%dma_start3A_250 : memref<16x64xf32, #tpu.memory_space<vmem_shared>>) target_semaphore(%run_scoped3A : memref<!tpu.dma_semaphore, #tpu.memory_space<semaphore_mem>>)
        %dma_wait3A = arith.constant 9984 : i32
        %dma_wait3A_253 = arith.constant 0 : i32
        %dma_wait3A_254 = tpu.memref_slice %arg22[%dma_wait3A, %dma_wait3A_253] : memref<10000x64xf32, #tpu.memory_space<vmem_shared>> -> memref<16x64xf32, #tpu.memory_space<vmem_shared>>
        %dma_wait3A_255 = arith.constant 0 : i32
        %dma_wait3A_256 = tpu.memref_slice %arg4[%add3A_247, %dma_wait3A_255] : memref<20000x64xf32, #tpu.memory_space<hbm>> -> memref<16x64xf32, #tpu.memory_space<hbm>>
        tpu.wait_dma2 semaphore(%run_scoped3A : memref<!tpu.dma_semaphore, #tpu.memory_space<semaphore_mem>>) src(%dma_wait3A_256 : memref<16x64xf32, #tpu.memory_space<hbm>>) dst(%dma_wait3A_254 : memref<16x64xf32, #tpu.memory_space<vmem_shared>>)
        tpu.yield
      }) : () -> ()
    } else {
    }
    %barrier3A_140 = arith.constant 0 : index
    tpu.barrier barrier_id(%barrier3A_140)
    %dma_start3A_141 = arith.constant 0 : i32
    %dma_start3A_142 = arith.constant 0 : i32
    %dma_start3A_143 = tpu.memref_slice %arg10[%dma_start3A_141, %dma_start3A_142] : memref<250x80xi32, #tpu.memory_space<vmem>> -> memref<1x80xi32, #tpu.memory_space<vmem>>
    %dma_start3A_144 = tpu.memref_squeeze %dma_start3A_143 : memref<1x80xi32, #tpu.memory_space<vmem>> -> memref<80xi32, #tpu.memory_space<vmem>>
    %dma_start3A_145 = arith.constant 0 : i32
    %dma_start3A_146 = arith.constant 0 : i32
    %dma_start3A_147 = tpu.memref_slice %arg4[%dma_start3A_145, %dma_start3A_146] : memref<20000x64xf32, #tpu.memory_space<hbm>> -> memref<20000x64xf32, #tpu.memory_space<hbm>>
    tpu.enqueue_indirect_dma source(%dma_start3A_147 : memref<20000x64xf32, #tpu.memory_space<hbm>>) target(%arg12 : memref<80x64xf32, #tpu.memory_space<vmem>>) offsets(%dma_start3A_144 : memref<80xi32, #tpu.memory_space<vmem>>) semaphore(%arg24 : memref<!tpu.dma_semaphore, #tpu.memory_space<semaphore_mem>>)
    %dma_start3A_148 = arith.constant 1 : i32
    %dma_start3A_149 = arith.constant 0 : i32
    %dma_start3A_150 = tpu.memref_slice %arg10[%dma_start3A_148, %dma_start3A_149] : memref<250x80xi32, #tpu.memory_space<vmem>> -> memref<1x80xi32, #tpu.memory_space<vmem>>
    %dma_start3A_151 = tpu.memref_squeeze %dma_start3A_150 : memref<1x80xi32, #tpu.memory_space<vmem>> -> memref<80xi32, #tpu.memory_space<vmem>>
    %dma_start3A_152 = arith.constant 0 : i32
    %dma_start3A_153 = arith.constant 0 : i32
    %dma_start3A_154 = tpu.memref_slice %arg4[%dma_start3A_152, %dma_start3A_153] : memref<20000x64xf32, #tpu.memory_space<hbm>> -> memref<20000x64xf32, #tpu.memory_space<hbm>>
    tpu.enqueue_indirect_dma source(%dma_start3A_154 : memref<20000x64xf32, #tpu.memory_space<hbm>>) target(%arg13 : memref<80x64xf32, #tpu.memory_space<vmem>>) offsets(%dma_start3A_151 : memref<80xi32, #tpu.memory_space<vmem>>) semaphore(%arg25 : memref<!tpu.dma_semaphore, #tpu.memory_space<semaphore_mem>>)
    %dma_start3A_155 = arith.constant 2 : i32
    %dma_start3A_156 = arith.constant 0 : i32
    %dma_start3A_157 = tpu.memref_slice %arg10[%dma_start3A_155, %dma_start3A_156] : memref<250x80xi32, #tpu.memory_space<vmem>> -> memref<1x80xi32, #tpu.memory_space<vmem>>
    %dma_start3A_158 = tpu.memref_squeeze %dma_start3A_157 : memref<1x80xi32, #tpu.memory_space<vmem>> -> memref<80xi32, #tpu.memory_space<vmem>>
    %dma_start3A_159 = arith.constant 0 : i32
    %dma_start3A_160 = arith.constant 0 : i32
    %dma_start3A_161 = tpu.memref_slice %arg4[%dma_start3A_159, %dma_start3A_160] : memref<20000x64xf32, #tpu.memory_space<hbm>> -> memref<20000x64xf32, #tpu.memory_space<hbm>>
    tpu.enqueue_indirect_dma source(%dma_start3A_161 : memref<20000x64xf32, #tpu.memory_space<hbm>>) target(%arg14 : memref<80x64xf32, #tpu.memory_space<vmem>>) offsets(%dma_start3A_158 : memref<80xi32, #tpu.memory_space<vmem>>) semaphore(%arg26 : memref<!tpu.dma_semaphore, #tpu.memory_space<semaphore_mem>>)
    %dma_start3A_162 = arith.constant 3 : i32
    %dma_start3A_163 = arith.constant 0 : i32
    %dma_start3A_164 = tpu.memref_slice %arg10[%dma_start3A_162, %dma_start3A_163] : memref<250x80xi32, #tpu.memory_space<vmem>> -> memref<1x80xi32, #tpu.memory_space<vmem>>
    %dma_start3A_165 = tpu.memref_squeeze %dma_start3A_164 : memref<1x80xi32, #tpu.memory_space<vmem>> -> memref<80xi32, #tpu.memory_space<vmem>>
    %dma_start3A_166 = arith.constant 0 : i32
    %dma_start3A_167 = arith.constant 0 : i32
    %dma_start3A_168 = tpu.memref_slice %arg4[%dma_start3A_166, %dma_start3A_167] : memref<20000x64xf32, #tpu.memory_space<hbm>> -> memref<20000x64xf32, #tpu.memory_space<hbm>>
    tpu.enqueue_indirect_dma source(%dma_start3A_168 : memref<20000x64xf32, #tpu.memory_space<hbm>>) target(%arg15 : memref<80x64xf32, #tpu.memory_space<vmem>>) offsets(%dma_start3A_165 : memref<80xi32, #tpu.memory_space<vmem>>) semaphore(%arg27 : memref<!tpu.dma_semaphore, #tpu.memory_space<semaphore_mem>>)
    %scan3A_169 = arith.constant 0 : i32
    %scan3A_170 = arith.constant 0 : i32
    %scan3A_171 = arith.constant 50 : i32
    %scan3A_172 = arith.addi %scan3A_170, %scan3A_171 : i32
    %scan3A_173 = arith.constant 1 : i32
    scf.for %scan3A_246 = %scan3A_170 to %scan3A_172 step %scan3A_173  : i32 {
      %mul3A_247 = arith.constant 5 : i32
      %mul3A_248 = arith.muli %scan3A_246, %mul3A_247 : i32
      %dma_wait3A = arith.constant 0 : i32
      %dma_wait3A_249 = arith.constant 0 : i32
      %dma_wait3A_250 = tpu.memref_slice %arg10[%dma_wait3A, %dma_wait3A_249] : memref<250x80xi32, #tpu.memory_space<vmem>> -> memref<1x80xi32, #tpu.memory_space<vmem>>
      %dma_wait3A_251 = tpu.memref_squeeze %dma_wait3A_250 : memref<1x80xi32, #tpu.memory_space<vmem>> -> memref<80xi32, #tpu.memory_space<vmem>>
      %dma_wait3A_252 = arith.constant 0 : i32
      %dma_wait3A_253 = arith.constant 0 : i32
      %dma_wait3A_254 = tpu.memref_slice %arg4[%dma_wait3A_252, %dma_wait3A_253] : memref<20000x64xf32, #tpu.memory_space<hbm>> -> memref<20000x64xf32, #tpu.memory_space<hbm>>
      tpu.wait_indirect_dma semaphore(%arg24 : memref<!tpu.dma_semaphore, #tpu.memory_space<semaphore_mem>>) src(%dma_wait3A_254 : memref<20000x64xf32, #tpu.memory_space<hbm>>) dst(%arg12 : memref<80x64xf32, #tpu.memory_space<vmem>>)
      %add3A_255 = arith.constant 0 : i32
      %add3A_256 = arith.addi %mul3A_248, %add3A_255 : i32
      %add3A_257 = arith.constant 5 : i32
      %add3A_258 = arith.addi %add3A_256, %add3A_257 : i32
      %sub3A = arith.constant 1 : i32
      %sub3A_259 = arith.subi %add3A_258, %sub3A : i32
      %lt3A = arith.constant 250 : i32
      %lt3A_260 = arith.cmpi slt, %sub3A_259, %lt3A : i32
      %convert_element_type3A_261 = arith.extui %lt3A_260 : i1 to i32
      %cond3A_262 = arith.constant 0 : i32
      %cond3A_263 = arith.cmpi ne, %convert_element_type3A_261, %cond3A_262 : i32
      scf.if %cond3A_263 {
        %add3A_346 = arith.constant 0 : i32
        %add3A_347 = arith.addi %mul3A_248, %add3A_346 : i32
        %add3A_348 = arith.constant 5 : i32
        %add3A_349 = arith.addi %add3A_347, %add3A_348 : i32
        %sub3A_350 = arith.constant 1 : i32
        %sub3A_351 = arith.subi %add3A_349, %sub3A_350 : i32
        %dma_start3A_352 = arith.constant 0 : i32
        %dma_start3A_353 = tpu.memref_slice %arg10[%sub3A_351, %dma_start3A_352] : memref<250x80xi32, #tpu.memory_space<vmem>> -> memref<1x80xi32, #tpu.memory_space<vmem>>
        %dma_start3A_354 = tpu.memref_squeeze %dma_start3A_353 : memref<1x80xi32, #tpu.memory_space<vmem>> -> memref<80xi32, #tpu.memory_space<vmem>>
        %dma_start3A_355 = arith.constant 0 : i32
        %dma_start3A_356 = arith.constant 0 : i32
        %dma_start3A_357 = tpu.memref_slice %arg4[%dma_start3A_355, %dma_start3A_356] : memref<20000x64xf32, #tpu.memory_space<hbm>> -> memref<20000x64xf32, #tpu.memory_space<hbm>>
        tpu.enqueue_indirect_dma source(%dma_start3A_357 : memref<20000x64xf32, #tpu.memory_space<hbm>>) target(%arg16 : memref<80x64xf32, #tpu.memory_space<vmem>>) offsets(%dma_start3A_354 : memref<80xi32, #tpu.memory_space<vmem>>) semaphore(%arg28 : memref<!tpu.dma_semaphore, #tpu.memory_space<semaphore_mem>>)
      } else {
      }
      %add3A_264 = arith.constant 0 : i32
      %add3A_265 = arith.addi %mul3A_248, %add3A_264 : i32
      "tpu.region"() ({
        %run_scoped3A = tpu.sem_alloc : memref<!tpu.dma_semaphore, #tpu.memory_space<semaphore_mem>>
        %dma_start3A_346 = arith.constant 0 : i32
        %dma_start3A_347 = tpu.memref_slice %arg11[%add3A_265, %dma_start3A_346] : memref<250x80xi32, #tpu.memory_space<vmem>> -> memref<1x80xi32, #tpu.memory_space<vmem>>
        %dma_start3A_348 = tpu.memref_squeeze %dma_start3A_347 : memref<1x80xi32, #tpu.memory_space<vmem>> -> memref<80xi32, #tpu.memory_space<vmem>>
        %dma_start3A_349 = arith.constant 0 : i32
        %dma_start3A_350 = arith.constant 0 : i32
        %dma_start3A_351 = tpu.memref_slice %arg22[%dma_start3A_349, %dma_start3A_350] : memref<10000x64xf32, #tpu.memory_space<vmem_shared>> -> memref<10000x64xf32, #tpu.memory_space<vmem_shared>>
        tpu.enqueue_indirect_dma source(%arg12 : memref<80x64xf32, #tpu.memory_space<vmem>>) target(%dma_start3A_351 : memref<10000x64xf32, #tpu.memory_space<vmem_shared>>) offsets(%dma_start3A_348 : memref<80xi32, #tpu.memory_space<vmem>>) semaphore(%run_scoped3A : memref<!tpu.dma_semaphore, #tpu.memory_space<semaphore_mem>>) {add = true}
        %dma_wait3A_352 = arith.constant 0 : i32
        %dma_wait3A_353 = tpu.memref_slice %arg11[%add3A_265, %dma_wait3A_352] : memref<250x80xi32, #tpu.memory_space<vmem>> -> memref<1x80xi32, #tpu.memory_space<vmem>>
        %dma_wait3A_354 = tpu.memref_squeeze %dma_wait3A_353 : memref<1x80xi32, #tpu.memory_space<vmem>> -> memref<80xi32, #tpu.memory_space<vmem>>
        %dma_wait3A_355 = arith.constant 0 : i32
        %dma_wait3A_356 = arith.constant 0 : i32
        %dma_wait3A_357 = tpu.memref_slice %arg22[%dma_wait3A_355, %dma_wait3A_356] : memref<10000x64xf32, #tpu.memory_space<vmem_shared>> -> memref<10000x64xf32, #tpu.memory_space<vmem_shared>>
        tpu.wait_indirect_dma semaphore(%run_scoped3A : memref<!tpu.dma_semaphore, #tpu.memory_space<semaphore_mem>>) src(%arg12 : memref<80x64xf32, #tpu.memory_space<vmem>>) dst(%dma_wait3A_357 : memref<10000x64xf32, #tpu.memory_space<vmem_shared>>)
        tpu.yield
      }) : () -> ()
      %dma_wait3A_266 = arith.constant 0 : i32
      %dma_wait3A_267 = arith.constant 0 : i32
      %dma_wait3A_268 = tpu.memref_slice %arg10[%dma_wait3A_266, %dma_wait3A_267] : memref<250x80xi32, #tpu.memory_space<vmem>> -> memref<1x80xi32, #tpu.memory_space<vmem>>
      %dma_wait3A_269 = tpu.memref_squeeze %dma_wait3A_268 : memref<1x80xi32, #tpu.memory_space<vmem>> -> memref<80xi32, #tpu.memory_space<vmem>>
      %dma_wait3A_270 = arith.constant 0 : i32
      %dma_wait3A_271 = arith.constant 0 : i32
      %dma_wait3A_272 = tpu.memref_slice %arg4[%dma_wait3A_270, %dma_wait3A_271] : memref<20000x64xf32, #tpu.memory_space<hbm>> -> memref<20000x64xf32, #tpu.memory_space<hbm>>
      tpu.wait_indirect_dma semaphore(%arg25 : memref<!tpu.dma_semaphore, #tpu.memory_space<semaphore_mem>>) src(%dma_wait3A_272 : memref<20000x64xf32, #tpu.memory_space<hbm>>) dst(%arg13 : memref<80x64xf32, #tpu.memory_space<vmem>>)
      %add3A_273 = arith.constant 1 : i32
      %add3A_274 = arith.addi %mul3A_248, %add3A_273 : i32
      %add3A_275 = arith.constant 5 : i32
      %add3A_276 = arith.addi %add3A_274, %add3A_275 : i32
      %sub3A_277 = arith.constant 1 : i32
      %sub3A_278 = arith.subi %add3A_276, %sub3A_277 : i32
      %lt3A_279 = arith.constant 250 : i32
      %lt3A_280 = arith.cmpi slt, %sub3A_278, %lt3A_279 : i32
      %convert_element_type3A_281 = arith.extui %lt3A_280 : i1 to i32
      %cond3A_282 = arith.constant 0 : i32
      %cond3A_283 = arith.cmpi ne, %convert_element_type3A_281, %cond3A_282 : i32
      scf.if %cond3A_283 {
        %add3A_346 = arith.constant 1 : i32
        %add3A_347 = arith.addi %mul3A_248, %add3A_346 : i32
        %add3A_348 = arith.constant 5 : i32
        %add3A_349 = arith.addi %add3A_347, %add3A_348 : i32
        %sub3A_350 = arith.constant 1 : i32
        %sub3A_351 = arith.subi %add3A_349, %sub3A_350 : i32
        %dma_start3A_352 = arith.constant 0 : i32
        %dma_start3A_353 = tpu.memref_slice %arg10[%sub3A_351, %dma_start3A_352] : memref<250x80xi32, #tpu.memory_space<vmem>> -> memref<1x80xi32, #tpu.memory_space<vmem>>
        %dma_start3A_354 = tpu.memref_squeeze %dma_start3A_353 : memref<1x80xi32, #tpu.memory_space<vmem>> -> memref<80xi32, #tpu.memory_space<vmem>>
        %dma_start3A_355 = arith.constant 0 : i32
        %dma_start3A_356 = arith.constant 0 : i32
        %dma_start3A_357 = tpu.memref_slice %arg4[%dma_start3A_355, %dma_start3A_356] : memref<20000x64xf32, #tpu.memory_space<hbm>> -> memref<20000x64xf32, #tpu.memory_space<hbm>>
        tpu.enqueue_indirect_dma source(%dma_start3A_357 : memref<20000x64xf32, #tpu.memory_space<hbm>>) target(%arg12 : memref<80x64xf32, #tpu.memory_space<vmem>>) offsets(%dma_start3A_354 : memref<80xi32, #tpu.memory_space<vmem>>) semaphore(%arg24 : memref<!tpu.dma_semaphore, #tpu.memory_space<semaphore_mem>>)
      } else {
      }
      %add3A_284 = arith.constant 1 : i32
      %add3A_285 = arith.addi %mul3A_248, %add3A_284 : i32
      "tpu.region"() ({
        %run_scoped3A = tpu.sem_alloc : memref<!tpu.dma_semaphore, #tpu.memory_space<semaphore_mem>>
        %dma_start3A_346 = arith.constant 0 : i32
        %dma_start3A_347 = tpu.memref_slice %arg11[%add3A_285, %dma_start3A_346] : memref<250x80xi32, #tpu.memory_space<vmem>> -> memref<1x80xi32, #tpu.memory_space<vmem>>
        %dma_start3A_348 = tpu.memref_squeeze %dma_start3A_347 : memref<1x80xi32, #tpu.memory_space<vmem>> -> memref<80xi32, #tpu.memory_space<vmem>>
        %dma_start3A_349 = arith.constant 0 : i32
        %dma_start3A_350 = arith.constant 0 : i32
        %dma_start3A_351 = tpu.memref_slice %arg22[%dma_start3A_349, %dma_start3A_350] : memref<10000x64xf32, #tpu.memory_space<vmem_shared>> -> memref<10000x64xf32, #tpu.memory_space<vmem_shared>>
        tpu.enqueue_indirect_dma source(%arg13 : memref<80x64xf32, #tpu.memory_space<vmem>>) target(%dma_start3A_351 : memref<10000x64xf32, #tpu.memory_space<vmem_shared>>) offsets(%dma_start3A_348 : memref<80xi32, #tpu.memory_space<vmem>>) semaphore(%run_scoped3A : memref<!tpu.dma_semaphore, #tpu.memory_space<semaphore_mem>>) {add = true}
        %dma_wait3A_352 = arith.constant 0 : i32
        %dma_wait3A_353 = tpu.memref_slice %arg11[%add3A_285, %dma_wait3A_352] : memref<250x80xi32, #tpu.memory_space<vmem>> -> memref<1x80xi32, #tpu.memory_space<vmem>>
        %dma_wait3A_354 = tpu.memref_squeeze %dma_wait3A_353 : memref<1x80xi32, #tpu.memory_space<vmem>> -> memref<80xi32, #tpu.memory_space<vmem>>
        %dma_wait3A_355 = arith.constant 0 : i32
        %dma_wait3A_356 = arith.constant 0 : i32
        %dma_wait3A_357 = tpu.memref_slice %arg22[%dma_wait3A_355, %dma_wait3A_356] : memref<10000x64xf32, #tpu.memory_space<vmem_shared>> -> memref<10000x64xf32, #tpu.memory_space<vmem_shared>>
        tpu.wait_indirect_dma semaphore(%run_scoped3A : memref<!tpu.dma_semaphore, #tpu.memory_space<semaphore_mem>>) src(%arg13 : memref<80x64xf32, #tpu.memory_space<vmem>>) dst(%dma_wait3A_357 : memref<10000x64xf32, #tpu.memory_space<vmem_shared>>)
        tpu.yield
      }) : () -> ()
      %dma_wait3A_286 = arith.constant 0 : i32
      %dma_wait3A_287 = arith.constant 0 : i32
      %dma_wait3A_288 = tpu.memref_slice %arg10[%dma_wait3A_286, %dma_wait3A_287] : memref<250x80xi32, #tpu.memory_space<vmem>> -> memref<1x80xi32, #tpu.memory_space<vmem>>
      %dma_wait3A_289 = tpu.memref_squeeze %dma_wait3A_288 : memref<1x80xi32, #tpu.memory_space<vmem>> -> memref<80xi32, #tpu.memory_space<vmem>>
      %dma_wait3A_290 = arith.constant 0 : i32
      %dma_wait3A_291 = arith.constant 0 : i32
      %dma_wait3A_292 = tpu.memref_slice %arg4[%dma_wait3A_290, %dma_wait3A_291] : memref<20000x64xf32, #tpu.memory_space<hbm>> -> memref<20000x64xf32, #tpu.memory_space<hbm>>
      tpu.wait_indirect_dma semaphore(%arg26 : memref<!tpu.dma_semaphore, #tpu.memory_space<semaphore_mem>>) src(%dma_wait3A_292 : memref<20000x64xf32, #tpu.memory_space<hbm>>) dst(%arg14 : memref<80x64xf32, #tpu.memory_space<vmem>>)
      %add3A_293 = arith.constant 2 : i32
      %add3A_294 = arith.addi %mul3A_248, %add3A_293 : i32
      %add3A_295 = arith.constant 5 : i32
      %add3A_296 = arith.addi %add3A_294, %add3A_295 : i32
      %sub3A_297 = arith.constant 1 : i32
      %sub3A_298 = arith.subi %add3A_296, %sub3A_297 : i32
      %lt3A_299 = arith.constant 250 : i32
      %lt3A_300 = arith.cmpi slt, %sub3A_298, %lt3A_299 : i32
      %convert_element_type3A_301 = arith.extui %lt3A_300 : i1 to i32
      %cond3A_302 = arith.constant 0 : i32
      %cond3A_303 = arith.cmpi ne, %convert_element_type3A_301, %cond3A_302 : i32
      scf.if %cond3A_303 {
        %add3A_346 = arith.constant 2 : i32
        %add3A_347 = arith.addi %mul3A_248, %add3A_346 : i32
        %add3A_348 = arith.constant 5 : i32
        %add3A_349 = arith.addi %add3A_347, %add3A_348 : i32
        %sub3A_350 = arith.constant 1 : i32
        %sub3A_351 = arith.subi %add3A_349, %sub3A_350 : i32
        %dma_start3A_352 = arith.constant 0 : i32
        %dma_start3A_353 = tpu.memref_slice %arg10[%sub3A_351, %dma_start3A_352] : memref<250x80xi32, #tpu.memory_space<vmem>> -> memref<1x80xi32, #tpu.memory_space<vmem>>
        %dma_start3A_354 = tpu.memref_squeeze %dma_start3A_353 : memref<1x80xi32, #tpu.memory_space<vmem>> -> memref<80xi32, #tpu.memory_space<vmem>>
        %dma_start3A_355 = arith.constant 0 : i32
        %dma_start3A_356 = arith.constant 0 : i32
        %dma_start3A_357 = tpu.memref_slice %arg4[%dma_start3A_355, %dma_start3A_356] : memref<20000x64xf32, #tpu.memory_space<hbm>> -> memref<20000x64xf32, #tpu.memory_space<hbm>>
        tpu.enqueue_indirect_dma source(%dma_start3A_357 : memref<20000x64xf32, #tpu.memory_space<hbm>>) target(%arg13 : memref<80x64xf32, #tpu.memory_space<vmem>>) offsets(%dma_start3A_354 : memref<80xi32, #tpu.memory_space<vmem>>) semaphore(%arg25 : memref<!tpu.dma_semaphore, #tpu.memory_space<semaphore_mem>>)
      } else {
      }
      %add3A_304 = arith.constant 2 : i32
      %add3A_305 = arith.addi %mul3A_248, %add3A_304 : i32
      "tpu.region"() ({
        %run_scoped3A = tpu.sem_alloc : memref<!tpu.dma_semaphore, #tpu.memory_space<semaphore_mem>>
        %dma_start3A_346 = arith.constant 0 : i32
        %dma_start3A_347 = tpu.memref_slice %arg11[%add3A_305, %dma_start3A_346] : memref<250x80xi32, #tpu.memory_space<vmem>> -> memref<1x80xi32, #tpu.memory_space<vmem>>
        %dma_start3A_348 = tpu.memref_squeeze %dma_start3A_347 : memref<1x80xi32, #tpu.memory_space<vmem>> -> memref<80xi32, #tpu.memory_space<vmem>>
        %dma_start3A_349 = arith.constant 0 : i32
        %dma_start3A_350 = arith.constant 0 : i32
        %dma_start3A_351 = tpu.memref_slice %arg22[%dma_start3A_349, %dma_start3A_350] : memref<10000x64xf32, #tpu.memory_space<vmem_shared>> -> memref<10000x64xf32, #tpu.memory_space<vmem_shared>>
        tpu.enqueue_indirect_dma source(%arg14 : memref<80x64xf32, #tpu.memory_space<vmem>>) target(%dma_start3A_351 : memref<10000x64xf32, #tpu.memory_space<vmem_shared>>) offsets(%dma_start3A_348 : memref<80xi32, #tpu.memory_space<vmem>>) semaphore(%run_scoped3A : memref<!tpu.dma_semaphore, #tpu.memory_space<semaphore_mem>>) {add = true}
        %dma_wait3A_352 = arith.constant 0 : i32
        %dma_wait3A_353 = tpu.memref_slice %arg11[%add3A_305, %dma_wait3A_352] : memref<250x80xi32, #tpu.memory_space<vmem>> -> memref<1x80xi32, #tpu.memory_space<vmem>>
        %dma_wait3A_354 = tpu.memref_squeeze %dma_wait3A_353 : memref<1x80xi32, #tpu.memory_space<vmem>> -> memref<80xi32, #tpu.memory_space<vmem>>
        %dma_wait3A_355 = arith.constant 0 : i32
        %dma_wait3A_356 = arith.constant 0 : i32
        %dma_wait3A_357 = tpu.memref_slice %arg22[%dma_wait3A_355, %dma_wait3A_356] : memref<10000x64xf32, #tpu.memory_space<vmem_shared>> -> memref<10000x64xf32, #tpu.memory_space<vmem_shared>>
        tpu.wait_indirect_dma semaphore(%run_scoped3A : memref<!tpu.dma_semaphore, #tpu.memory_space<semaphore_mem>>) src(%arg14 : memref<80x64xf32, #tpu.memory_space<vmem>>) dst(%dma_wait3A_357 : memref<10000x64xf32, #tpu.memory_space<vmem_shared>>)
        tpu.yield
      }) : () -> ()
      %dma_wait3A_306 = arith.constant 0 : i32
      %dma_wait3A_307 = arith.constant 0 : i32
      %dma_wait3A_308 = tpu.memref_slice %arg10[%dma_wait3A_306, %dma_wait3A_307] : memref<250x80xi32, #tpu.memory_space<vmem>> -> memref<1x80xi32, #tpu.memory_space<vmem>>
      %dma_wait3A_309 = tpu.memref_squeeze %dma_wait3A_308 : memref<1x80xi32, #tpu.memory_space<vmem>> -> memref<80xi32, #tpu.memory_space<vmem>>
      %dma_wait3A_310 = arith.constant 0 : i32
      %dma_wait3A_311 = arith.constant 0 : i32
      %dma_wait3A_312 = tpu.memref_slice %arg4[%dma_wait3A_310, %dma_wait3A_311] : memref<20000x64xf32, #tpu.memory_space<hbm>> -> memref<20000x64xf32, #tpu.memory_space<hbm>>
      tpu.wait_indirect_dma semaphore(%arg27 : memref<!tpu.dma_semaphore, #tpu.memory_space<semaphore_mem>>) src(%dma_wait3A_312 : memref<20000x64xf32, #tpu.memory_space<hbm>>) dst(%arg15 : memref<80x64xf32, #tpu.memory_space<vmem>>)
      %add3A_313 = arith.constant 3 : i32
      %add3A_314 = arith.addi %mul3A_248, %add3A_313 : i32
      %add3A_315 = arith.constant 5 : i32
      %add3A_316 = arith.addi %add3A_314, %add3A_315 : i32
      %sub3A_317 = arith.constant 1 : i32
      %sub3A_318 = arith.subi %add3A_316, %sub3A_317 : i32
      %lt3A_319 = arith.constant 250 : i32
      %lt3A_320 = arith.cmpi slt, %sub3A_318, %lt3A_319 : i32
      %convert_element_type3A_321 = arith.extui %lt3A_320 : i1 to i32
      %cond3A_322 = arith.constant 0 : i32
      %cond3A_323 = arith.cmpi ne, %convert_element_type3A_321, %cond3A_322 : i32
      scf.if %cond3A_323 {
        %add3A_346 = arith.constant 3 : i32
        %add3A_347 = arith.addi %mul3A_248, %add3A_346 : i32
        %add3A_348 = arith.constant 5 : i32
        %add3A_349 = arith.addi %add3A_347, %add3A_348 : i32
        %sub3A_350 = arith.constant 1 : i32
        %sub3A_351 = arith.subi %add3A_349, %sub3A_350 : i32
        %dma_start3A_352 = arith.constant 0 : i32
        %dma_start3A_353 = tpu.memref_slice %arg10[%sub3A_351, %dma_start3A_352] : memref<250x80xi32, #tpu.memory_space<vmem>> -> memref<1x80xi32, #tpu.memory_space<vmem>>
        %dma_start3A_354 = tpu.memref_squeeze %dma_start3A_353 : memref<1x80xi32, #tpu.memory_space<vmem>> -> memref<80xi32, #tpu.memory_space<vmem>>
        %dma_start3A_355 = arith.constant 0 : i32
        %dma_start3A_356 = arith.constant 0 : i32
        %dma_start3A_357 = tpu.memref_slice %arg4[%dma_start3A_355, %dma_start3A_356] : memref<20000x64xf32, #tpu.memory_space<hbm>> -> memref<20000x64xf32, #tpu.memory_space<hbm>>
        tpu.enqueue_indirect_dma source(%dma_start3A_357 : memref<20000x64xf32, #tpu.memory_space<hbm>>) target(%arg14 : memref<80x64xf32, #tpu.memory_space<vmem>>) offsets(%dma_start3A_354 : memref<80xi32, #tpu.memory_space<vmem>>) semaphore(%arg26 : memref<!tpu.dma_semaphore, #tpu.memory_space<semaphore_mem>>)
      } else {
      }
      %add3A_324 = arith.constant 3 : i32
      %add3A_325 = arith.addi %mul3A_248, %add3A_324 : i32
      "tpu.region"() ({
        %run_scoped3A = tpu.sem_alloc : memref<!tpu.dma_semaphore, #tpu.memory_space<semaphore_mem>>
        %dma_start3A_346 = arith.constant 0 : i32
        %dma_start3A_347 = tpu.memref_slice %arg11[%add3A_325, %dma_start3A_346] : memref<250x80xi32, #tpu.memory_space<vmem>> -> memref<1x80xi32, #tpu.memory_space<vmem>>
        %dma_start3A_348 = tpu.memref_squeeze %dma_start3A_347 : memref<1x80xi32, #tpu.memory_space<vmem>> -> memref<80xi32, #tpu.memory_space<vmem>>
        %dma_start3A_349 = arith.constant 0 : i32
        %dma_start3A_350 = arith.constant 0 : i32
        %dma_start3A_351 = tpu.memref_slice %arg22[%dma_start3A_349, %dma_start3A_350] : memref<10000x64xf32, #tpu.memory_space<vmem_shared>> -> memref<10000x64xf32, #tpu.memory_space<vmem_shared>>
        tpu.enqueue_indirect_dma source(%arg15 : memref<80x64xf32, #tpu.memory_space<vmem>>) target(%dma_start3A_351 : memref<10000x64xf32, #tpu.memory_space<vmem_shared>>) offsets(%dma_start3A_348 : memref<80xi32, #tpu.memory_space<vmem>>) semaphore(%run_scoped3A : memref<!tpu.dma_semaphore, #tpu.memory_space<semaphore_mem>>) {add = true}
        %dma_wait3A_352 = arith.constant 0 : i32
        %dma_wait3A_353 = tpu.memref_slice %arg11[%add3A_325, %dma_wait3A_352] : memref<250x80xi32, #tpu.memory_space<vmem>> -> memref<1x80xi32, #tpu.memory_space<vmem>>
        %dma_wait3A_354 = tpu.memref_squeeze %dma_wait3A_353 : memref<1x80xi32, #tpu.memory_space<vmem>> -> memref<80xi32, #tpu.memory_space<vmem>>
        %dma_wait3A_355 = arith.constant 0 : i32
        %dma_wait3A_356 = arith.constant 0 : i32
        %dma_wait3A_357 = tpu.memref_slice %arg22[%dma_wait3A_355, %dma_wait3A_356] : memref<10000x64xf32, #tpu.memory_space<vmem_shared>> -> memref<10000x64xf32, #tpu.memory_space<vmem_shared>>
        tpu.wait_indirect_dma semaphore(%run_scoped3A : memref<!tpu.dma_semaphore, #tpu.memory_space<semaphore_mem>>) src(%arg15 : memref<80x64xf32, #tpu.memory_space<vmem>>) dst(%dma_wait3A_357 : memref<10000x64xf32, #tpu.memory_space<vmem_shared>>)
        tpu.yield
      }) : () -> ()
      %dma_wait3A_326 = arith.constant 0 : i32
      %dma_wait3A_327 = arith.constant 0 : i32
      %dma_wait3A_328 = tpu.memref_slice %arg10[%dma_wait3A_326, %dma_wait3A_327] : memref<250x80xi32, #tpu.memory_space<vmem>> -> memref<1x80xi32, #tpu.memory_space<vmem>>
      %dma_wait3A_329 = tpu.memref_squeeze %dma_wait3A_328 : memref<1x80xi32, #tpu.memory_space<vmem>> -> memref<80xi32, #tpu.memory_space<vmem>>
      %dma_wait3A_330 = arith.constant 0 : i32
      %dma_wait3A_331 = arith.constant 0 : i32
      %dma_wait3A_332 = tpu.memref_slice %arg4[%dma_wait3A_330, %dma_wait3A_331] : memref<20000x64xf32, #tpu.memory_space<hbm>> -> memref<20000x64xf32, #tpu.memory_space<hbm>>
      tpu.wait_indirect_dma semaphore(%arg28 : memref<!tpu.dma_semaphore, #tpu.memory_space<semaphore_mem>>) src(%dma_wait3A_332 : memref<20000x64xf32, #tpu.memory_space<hbm>>) dst(%arg16 : memref<80x64xf32, #tpu.memory_space<vmem>>)
      %add3A_333 = arith.constant 4 : i32
      %add3A_334 = arith.addi %mul3A_248, %add3A_333 : i32
      %add3A_335 = arith.constant 5 : i32
      %add3A_336 = arith.addi %add3A_334, %add3A_335 : i32
      %sub3A_337 = arith.constant 1 : i32
      %sub3A_338 = arith.subi %add3A_336, %sub3A_337 : i32
      %lt3A_339 = arith.constant 250 : i32
      %lt3A_340 = arith.cmpi slt, %sub3A_338, %lt3A_339 : i32
      %convert_element_type3A_341 = arith.extui %lt3A_340 : i1 to i32
      %cond3A_342 = arith.constant 0 : i32
      %cond3A_343 = arith.cmpi ne, %convert_element_type3A_341, %cond3A_342 : i32
      scf.if %cond3A_343 {
        %add3A_346 = arith.constant 4 : i32
        %add3A_347 = arith.addi %mul3A_248, %add3A_346 : i32
        %add3A_348 = arith.constant 5 : i32
        %add3A_349 = arith.addi %add3A_347, %add3A_348 : i32
        %sub3A_350 = arith.constant 1 : i32
        %sub3A_351 = arith.subi %add3A_349, %sub3A_350 : i32
        %dma_start3A_352 = arith.constant 0 : i32
        %dma_start3A_353 = tpu.memref_slice %arg10[%sub3A_351, %dma_start3A_352] : memref<250x80xi32, #tpu.memory_space<vmem>> -> memref<1x80xi32, #tpu.memory_space<vmem>>
        %dma_start3A_354 = tpu.memref_squeeze %dma_start3A_353 : memref<1x80xi32, #tpu.memory_space<vmem>> -> memref<80xi32, #tpu.memory_space<vmem>>
        %dma_start3A_355 = arith.constant 0 : i32
        %dma_start3A_356 = arith.constant 0 : i32
        %dma_start3A_357 = tpu.memref_slice %arg4[%dma_start3A_355, %dma_start3A_356] : memref<20000x64xf32, #tpu.memory_space<hbm>> -> memref<20000x64xf32, #tpu.memory_space<hbm>>
        tpu.enqueue_indirect_dma source(%dma_start3A_357 : memref<20000x64xf32, #tpu.memory_space<hbm>>) target(%arg15 : memref<80x64xf32, #tpu.memory_space<vmem>>) offsets(%dma_start3A_354 : memref<80xi32, #tpu.memory_space<vmem>>) semaphore(%arg27 : memref<!tpu.dma_semaphore, #tpu.memory_space<semaphore_mem>>)
      } else {
      }
      %add3A_344 = arith.constant 4 : i32
      %add3A_345 = arith.addi %mul3A_248, %add3A_344 : i32
      "tpu.region"() ({
        %run_scoped3A = tpu.sem_alloc : memref<!tpu.dma_semaphore, #tpu.memory_space<semaphore_mem>>
        %dma_start3A_346 = arith.constant 0 : i32
        %dma_start3A_347 = tpu.memref_slice %arg11[%add3A_345, %dma_start3A_346] : memref<250x80xi32, #tpu.memory_space<vmem>> -> memref<1x80xi32, #tpu.memory_space<vmem>>
        %dma_start3A_348 = tpu.memref_squeeze %dma_start3A_347 : memref<1x80xi32, #tpu.memory_space<vmem>> -> memref<80xi32, #tpu.memory_space<vmem>>
        %dma_start3A_349 = arith.constant 0 : i32
        %dma_start3A_350 = arith.constant 0 : i32
        %dma_start3A_351 = tpu.memref_slice %arg22[%dma_start3A_349, %dma_start3A_350] : memref<10000x64xf32, #tpu.memory_space<vmem_shared>> -> memref<10000x64xf32, #tpu.memory_space<vmem_shared>>
        tpu.enqueue_indirect_dma source(%arg16 : memref<80x64xf32, #tpu.memory_space<vmem>>) target(%dma_start3A_351 : memref<10000x64xf32, #tpu.memory_space<vmem_shared>>) offsets(%dma_start3A_348 : memref<80xi32, #tpu.memory_space<vmem>>) semaphore(%run_scoped3A : memref<!tpu.dma_semaphore, #tpu.memory_space<semaphore_mem>>) {add = true}
        %dma_wait3A_352 = arith.constant 0 : i32
        %dma_wait3A_353 = tpu.memref_slice %arg11[%add3A_345, %dma_wait3A_352] : memref<250x80xi32, #tpu.memory_space<vmem>> -> memref<1x80xi32, #tpu.memory_space<vmem>>
        %dma_wait3A_354 = tpu.memref_squeeze %dma_wait3A_353 : memref<1x80xi32, #tpu.memory_space<vmem>> -> memref<80xi32, #tpu.memory_space<vmem>>
        %dma_wait3A_355 = arith.constant 0 : i32
        %dma_wait3A_356 = arith.constant 0 : i32
        %dma_wait3A_357 = tpu.memref_slice %arg22[%dma_wait3A_355, %dma_wait3A_356] : memref<10000x64xf32, #tpu.memory_space<vmem_shared>> -> memref<10000x64xf32, #tpu.memory_space<vmem_shared>>
        tpu.wait_indirect_dma semaphore(%run_scoped3A : memref<!tpu.dma_semaphore, #tpu.memory_space<semaphore_mem>>) src(%arg16 : memref<80x64xf32, #tpu.memory_space<vmem>>) dst(%dma_wait3A_357 : memref<10000x64xf32, #tpu.memory_space<vmem_shared>>)
        tpu.yield
      }) : () -> ()
    }
    %scan3A_174 = arith.constant 50 : i32
    %barrier3A_175 = arith.constant 0 : index
    tpu.barrier barrier_id(%barrier3A_175)
    %mul3A_176 = arith.constant 624 : i32
    %mul3A_177 = arith.muli %arg1, %mul3A_176 : i32
    %mul3A_178 = arith.constant 624 : i32
    %mul3A_179 = arith.muli %arg1, %mul3A_178 : i32
    %add3A_180 = arith.addi %mul3A_127, %mul3A_179 : i32
    "tpu.region"() ({
      %run_scoped3A = tpu.sem_alloc : memref<!tpu.dma_semaphore, #tpu.memory_space<semaphore_mem>>
      %dma_start3A_246 = arith.constant 0 : i32
      %dma_start3A_247 = tpu.memref_slice %arg8[%add3A_180, %dma_start3A_246] : memref<60000x64xf32, #tpu.memory_space<hbm>> -> memref<624x64xf32, #tpu.memory_space<hbm>>
      %dma_start3A_248 = arith.constant 0 : i32
      %dma_start3A_249 = tpu.memref_slice %arg22[%mul3A_177, %dma_start3A_248] : memref<10000x64xf32, #tpu.memory_space<vmem_shared>> -> memref<624x64xf32, #tpu.memory_space<vmem_shared>>
      tpu.enqueue_dma source(%dma_start3A_249 : memref<624x64xf32, #tpu.memory_space<vmem_shared>>) target(%dma_start3A_247 : memref<624x64xf32, #tpu.memory_space<hbm>>) target_semaphore(%run_scoped3A : memref<!tpu.dma_semaphore, #tpu.memory_space<semaphore_mem>>)
      %dma_wait3A = arith.constant 0 : i32
      %dma_wait3A_250 = tpu.memref_slice %arg8[%add3A_180, %dma_wait3A] : memref<60000x64xf32, #tpu.memory_space<hbm>> -> memref<624x64xf32, #tpu.memory_space<hbm>>
      %dma_wait3A_251 = arith.constant 0 : i32
      %dma_wait3A_252 = tpu.memref_slice %arg22[%mul3A_177, %dma_wait3A_251] : memref<10000x64xf32, #tpu.memory_space<vmem_shared>> -> memref<624x64xf32, #tpu.memory_space<vmem_shared>>
      tpu.wait_dma2 semaphore(%run_scoped3A : memref<!tpu.dma_semaphore, #tpu.memory_space<semaphore_mem>>) src(%dma_wait3A_252 : memref<624x64xf32, #tpu.memory_space<vmem_shared>>) dst(%dma_wait3A_250 : memref<624x64xf32, #tpu.memory_space<hbm>>)
      tpu.yield
    }) : () -> ()
    %eq3A_181 = arith.constant 0 : i32
    %eq3A_182 = arith.cmpi eq, %arg1, %eq3A_181 : i32
    %convert_element_type3A_183 = arith.extui %eq3A_182 : i1 to i32
    %cond3A_184 = arith.constant 0 : i32
    %cond3A_185 = arith.cmpi ne, %convert_element_type3A_183, %cond3A_184 : i32
    scf.if %cond3A_185 {
      %add3A_246 = arith.constant 9984 : i32
      %add3A_247 = arith.addi %mul3A_127, %add3A_246 : i32
      "tpu.region"() ({
        %run_scoped3A = tpu.sem_alloc : memref<!tpu.dma_semaphore, #tpu.memory_space<semaphore_mem>>
        %dma_start3A_248 = arith.constant 0 : i32
        %dma_start3A_249 = tpu.memref_slice %arg8[%add3A_247, %dma_start3A_248] : memref<60000x64xf32, #tpu.memory_space<hbm>> -> memref<16x64xf32, #tpu.memory_space<hbm>>
        %dma_start3A_250 = arith.constant 9984 : i32
        %dma_start3A_251 = arith.constant 0 : i32
        %dma_start3A_252 = tpu.memref_slice %arg22[%dma_start3A_250, %dma_start3A_251] : memref<10000x64xf32, #tpu.memory_space<vmem_shared>> -> memref<16x64xf32, #tpu.memory_space<vmem_shared>>
        tpu.enqueue_dma source(%dma_start3A_252 : memref<16x64xf32, #tpu.memory_space<vmem_shared>>) target(%dma_start3A_249 : memref<16x64xf32, #tpu.memory_space<hbm>>) target_semaphore(%run_scoped3A : memref<!tpu.dma_semaphore, #tpu.memory_space<semaphore_mem>>)
        %dma_wait3A = arith.constant 0 : i32
        %dma_wait3A_253 = tpu.memref_slice %arg8[%add3A_247, %dma_wait3A] : memref<60000x64xf32, #tpu.memory_space<hbm>> -> memref<16x64xf32, #tpu.memory_space<hbm>>
        %dma_wait3A_254 = arith.constant 9984 : i32
        %dma_wait3A_255 = arith.constant 0 : i32
        %dma_wait3A_256 = tpu.memref_slice %arg22[%dma_wait3A_254, %dma_wait3A_255] : memref<10000x64xf32, #tpu.memory_space<vmem_shared>> -> memref<16x64xf32, #tpu.memory_space<vmem_shared>>
        tpu.wait_dma2 semaphore(%run_scoped3A : memref<!tpu.dma_semaphore, #tpu.memory_space<semaphore_mem>>) src(%dma_wait3A_256 : memref<16x64xf32, #tpu.memory_space<vmem_shared>>) dst(%dma_wait3A_253 : memref<16x64xf32, #tpu.memory_space<hbm>>)
        tpu.yield
      }) : () -> ()
    } else {
    }
    %mul3A_186 = arith.constant 10000 : i32
    %mul3A_187 = arith.muli %arg0, %mul3A_186 : i32
    %mul3A_188 = arith.constant 10000 : i32
    %mul3A_189 = arith.muli %arg0, %mul3A_188 : i32
    %mul3A_190 = arith.constant 624 : i32
    %mul3A_191 = arith.muli %arg1, %mul3A_190 : i32
    %add3A_192 = arith.addi %mul3A_189, %mul3A_191 : i32
    %mul3A_193 = arith.constant 624 : i32
    %mul3A_194 = arith.muli %arg1, %mul3A_193 : i32
    "tpu.region"() ({
      %run_scoped3A = tpu.sem_alloc : memref<!tpu.dma_semaphore, #tpu.memory_space<semaphore_mem>>
      %dma_start3A_246 = arith.constant 0 : i32
      %dma_start3A_247 = tpu.memref_slice %arg23[%mul3A_194, %dma_start3A_246] : memref<10000x16xf32, #tpu.memory_space<vmem_shared>> -> memref<624x16xf32, #tpu.memory_space<vmem_shared>>
      %dma_start3A_248 = arith.constant 0 : i32
      %dma_start3A_249 = tpu.memref_slice %arg5[%add3A_192, %dma_start3A_248] : memref<20000x16xf32, #tpu.memory_space<hbm>> -> memref<624x16xf32, #tpu.memory_space<hbm>>
      tpu.enqueue_dma source(%dma_start3A_249 : memref<624x16xf32, #tpu.memory_space<hbm>>) target(%dma_start3A_247 : memref<624x16xf32, #tpu.memory_space<vmem_shared>>) target_semaphore(%run_scoped3A : memref<!tpu.dma_semaphore, #tpu.memory_space<semaphore_mem>>)
      %dma_wait3A = arith.constant 0 : i32
      %dma_wait3A_250 = tpu.memref_slice %arg23[%mul3A_194, %dma_wait3A] : memref<10000x16xf32, #tpu.memory_space<vmem_shared>> -> memref<624x16xf32, #tpu.memory_space<vmem_shared>>
      %dma_wait3A_251 = arith.constant 0 : i32
      %dma_wait3A_252 = tpu.memref_slice %arg5[%add3A_192, %dma_wait3A_251] : memref<20000x16xf32, #tpu.memory_space<hbm>> -> memref<624x16xf32, #tpu.memory_space<hbm>>
      tpu.wait_dma2 semaphore(%run_scoped3A : memref<!tpu.dma_semaphore, #tpu.memory_space<semaphore_mem>>) src(%dma_wait3A_252 : memref<624x16xf32, #tpu.memory_space<hbm>>) dst(%dma_wait3A_250 : memref<624x16xf32, #tpu.memory_space<vmem_shared>>)
      tpu.yield
    }) : () -> ()
    %eq3A_195 = arith.constant 0 : i32
    %eq3A_196 = arith.cmpi eq, %arg1, %eq3A_195 : i32
    %convert_element_type3A_197 = arith.extui %eq3A_196 : i1 to i32
    %cond3A_198 = arith.constant 0 : i32
    %cond3A_199 = arith.cmpi ne, %convert_element_type3A_197, %cond3A_198 : i32
    scf.if %cond3A_199 {
      %add3A_246 = arith.constant 9984 : i32
      %add3A_247 = arith.addi %mul3A_189, %add3A_246 : i32
      "tpu.region"() ({
        %run_scoped3A = tpu.sem_alloc : memref<!tpu.dma_semaphore, #tpu.memory_space<semaphore_mem>>
        %dma_start3A_248 = arith.constant 9984 : i32
        %dma_start3A_249 = arith.constant 0 : i32
        %dma_start3A_250 = tpu.memref_slice %arg23[%dma_start3A_248, %dma_start3A_249] : memref<10000x16xf32, #tpu.memory_space<vmem_shared>> -> memref<16x16xf32, #tpu.memory_space<vmem_shared>>
        %dma_start3A_251 = arith.constant 0 : i32
        %dma_start3A_252 = tpu.memref_slice %arg5[%add3A_247, %dma_start3A_251] : memref<20000x16xf32, #tpu.memory_space<hbm>> -> memref<16x16xf32, #tpu.memory_space<hbm>>
        tpu.enqueue_dma source(%dma_start3A_252 : memref<16x16xf32, #tpu.memory_space<hbm>>) target(%dma_start3A_250 : memref<16x16xf32, #tpu.memory_space<vmem_shared>>) target_semaphore(%run_scoped3A : memref<!tpu.dma_semaphore, #tpu.memory_space<semaphore_mem>>)
        %dma_wait3A = arith.constant 9984 : i32
        %dma_wait3A_253 = arith.constant 0 : i32
        %dma_wait3A_254 = tpu.memref_slice %arg23[%dma_wait3A, %dma_wait3A_253] : memref<10000x16xf32, #tpu.memory_space<vmem_shared>> -> memref<16x16xf32, #tpu.memory_space<vmem_shared>>
        %dma_wait3A_255 = arith.constant 0 : i32
        %dma_wait3A_256 = tpu.memref_slice %arg5[%add3A_247, %dma_wait3A_255] : memref<20000x16xf32, #tpu.memory_space<hbm>> -> memref<16x16xf32, #tpu.memory_space<hbm>>
        tpu.wait_dma2 semaphore(%run_scoped3A : memref<!tpu.dma_semaphore, #tpu.memory_space<semaphore_mem>>) src(%dma_wait3A_256 : memref<16x16xf32, #tpu.memory_space<hbm>>) dst(%dma_wait3A_254 : memref<16x16xf32, #tpu.memory_space<vmem_shared>>)
        tpu.yield
      }) : () -> ()
    } else {
    }
    %barrier3A_200 = arith.constant 0 : index
    tpu.barrier barrier_id(%barrier3A_200)
    %dma_start3A_201 = arith.constant 0 : i32
    %dma_start3A_202 = arith.constant 0 : i32
    %dma_start3A_203 = tpu.memref_slice %arg10[%dma_start3A_201, %dma_start3A_202] : memref<250x80xi32, #tpu.memory_space<vmem>> -> memref<1x80xi32, #tpu.memory_space<vmem>>
    %dma_start3A_204 = tpu.memref_squeeze %dma_start3A_203 : memref<1x80xi32, #tpu.memory_space<vmem>> -> memref<80xi32, #tpu.memory_space<vmem>>
    %dma_start3A_205 = arith.constant 0 : i32
    %dma_start3A_206 = arith.constant 0 : i32
    %dma_start3A_207 = tpu.memref_slice %arg5[%dma_start3A_205, %dma_start3A_206] : memref<20000x16xf32, #tpu.memory_space<hbm>> -> memref<20000x16xf32, #tpu.memory_space<hbm>>
    tpu.enqueue_indirect_dma source(%dma_start3A_207 : memref<20000x16xf32, #tpu.memory_space<hbm>>) target(%arg17 : memref<80x16xf32, #tpu.memory_space<vmem>>) offsets(%dma_start3A_204 : memref<80xi32, #tpu.memory_space<vmem>>) semaphore(%arg24 : memref<!tpu.dma_semaphore, #tpu.memory_space<semaphore_mem>>)
    %dma_start3A_208 = arith.constant 1 : i32
    %dma_start3A_209 = arith.constant 0 : i32
    %dma_start3A_210 = tpu.memref_slice %arg10[%dma_start3A_208, %dma_start3A_209] : memref<250x80xi32, #tpu.memory_space<vmem>> -> memref<1x80xi32, #tpu.memory_space<vmem>>
    %dma_start3A_211 = tpu.memref_squeeze %dma_start3A_210 : memref<1x80xi32, #tpu.memory_space<vmem>> -> memref<80xi32, #tpu.memory_space<vmem>>
    %dma_start3A_212 = arith.constant 0 : i32
    %dma_start3A_213 = arith.constant 0 : i32
    %dma_start3A_214 = tpu.memref_slice %arg5[%dma_start3A_212, %dma_start3A_213] : memref<20000x16xf32, #tpu.memory_space<hbm>> -> memref<20000x16xf32, #tpu.memory_space<hbm>>
    tpu.enqueue_indirect_dma source(%dma_start3A_214 : memref<20000x16xf32, #tpu.memory_space<hbm>>) target(%arg18 : memref<80x16xf32, #tpu.memory_space<vmem>>) offsets(%dma_start3A_211 : memref<80xi32, #tpu.memory_space<vmem>>) semaphore(%arg25 : memref<!tpu.dma_semaphore, #tpu.memory_space<semaphore_mem>>)
    %dma_start3A_215 = arith.constant 2 : i32
    %dma_start3A_216 = arith.constant 0 : i32
    %dma_start3A_217 = tpu.memref_slice %arg10[%dma_start3A_215, %dma_start3A_216] : memref<250x80xi32, #tpu.memory_space<vmem>> -> memref<1x80xi32, #tpu.memory_space<vmem>>
    %dma_start3A_218 = tpu.memref_squeeze %dma_start3A_217 : memref<1x80xi32, #tpu.memory_space<vmem>> -> memref<80xi32, #tpu.memory_space<vmem>>
    %dma_start3A_219 = arith.constant 0 : i32
    %dma_start3A_220 = arith.constant 0 : i32
    %dma_start3A_221 = tpu.memref_slice %arg5[%dma_start3A_219, %dma_start3A_220] : memref<20000x16xf32, #tpu.memory_space<hbm>> -> memref<20000x16xf32, #tpu.memory_space<hbm>>
    tpu.enqueue_indirect_dma source(%dma_start3A_221 : memref<20000x16xf32, #tpu.memory_space<hbm>>) target(%arg19 : memref<80x16xf32, #tpu.memory_space<vmem>>) offsets(%dma_start3A_218 : memref<80xi32, #tpu.memory_space<vmem>>) semaphore(%arg26 : memref<!tpu.dma_semaphore, #tpu.memory_space<semaphore_mem>>)
    %dma_start3A_222 = arith.constant 3 : i32
    %dma_start3A_223 = arith.constant 0 : i32
    %dma_start3A_224 = tpu.memref_slice %arg10[%dma_start3A_222, %dma_start3A_223] : memref<250x80xi32, #tpu.memory_space<vmem>> -> memref<1x80xi32, #tpu.memory_space<vmem>>
    %dma_start3A_225 = tpu.memref_squeeze %dma_start3A_224 : memref<1x80xi32, #tpu.memory_space<vmem>> -> memref<80xi32, #tpu.memory_space<vmem>>
    %dma_start3A_226 = arith.constant 0 : i32
    %dma_start3A_227 = arith.constant 0 : i32
    %dma_start3A_228 = tpu.memref_slice %arg5[%dma_start3A_226, %dma_start3A_227] : memref<20000x16xf32, #tpu.memory_space<hbm>> -> memref<20000x16xf32, #tpu.memory_space<hbm>>
    tpu.enqueue_indirect_dma source(%dma_start3A_228 : memref<20000x16xf32, #tpu.memory_space<hbm>>) target(%arg20 : memref<80x16xf32, #tpu.memory_space<vmem>>) offsets(%dma_start3A_225 : memref<80xi32, #tpu.memory_space<vmem>>) semaphore(%arg27 : memref<!tpu.dma_semaphore, #tpu.memory_space<semaphore_mem>>)
    %scan3A_229 = arith.constant 0 : i32
    %scan3A_230 = arith.constant 0 : i32
    %scan3A_231 = arith.constant 50 : i32
    %scan3A_232 = arith.addi %scan3A_230, %scan3A_231 : i32
    %scan3A_233 = arith.constant 1 : i32
    scf.for %scan3A_246 = %scan3A_230 to %scan3A_232 step %scan3A_233  : i32 {
      %mul3A_247 = arith.constant 5 : i32
      %mul3A_248 = arith.muli %scan3A_246, %mul3A_247 : i32
      %dma_wait3A = arith.constant 0 : i32
      %dma_wait3A_249 = arith.constant 0 : i32
      %dma_wait3A_250 = tpu.memref_slice %arg10[%dma_wait3A, %dma_wait3A_249] : memref<250x80xi32, #tpu.memory_space<vmem>> -> memref<1x80xi32, #tpu.memory_space<vmem>>
      %dma_wait3A_251 = tpu.memref_squeeze %dma_wait3A_250 : memref<1x80xi32, #tpu.memory_space<vmem>> -> memref<80xi32, #tpu.memory_space<vmem>>
      %dma_wait3A_252 = arith.constant 0 : i32
      %dma_wait3A_253 = arith.constant 0 : i32
      %dma_wait3A_254 = tpu.memref_slice %arg5[%dma_wait3A_252, %dma_wait3A_253] : memref<20000x16xf32, #tpu.memory_space<hbm>> -> memref<20000x16xf32, #tpu.memory_space<hbm>>
      tpu.wait_indirect_dma semaphore(%arg24 : memref<!tpu.dma_semaphore, #tpu.memory_space<semaphore_mem>>) src(%dma_wait3A_254 : memref<20000x16xf32, #tpu.memory_space<hbm>>) dst(%arg17 : memref<80x16xf32, #tpu.memory_space<vmem>>)
      %add3A_255 = arith.constant 0 : i32
      %add3A_256 = arith.addi %mul3A_248, %add3A_255 : i32
      %add3A_257 = arith.constant 5 : i32
      %add3A_258 = arith.addi %add3A_256, %add3A_257 : i32
      %sub3A = arith.constant 1 : i32
      %sub3A_259 = arith.subi %add3A_258, %sub3A : i32
      %lt3A = arith.constant 250 : i32
      %lt3A_260 = arith.cmpi slt, %sub3A_259, %lt3A : i32
      %convert_element_type3A_261 = arith.extui %lt3A_260 : i1 to i32
      %cond3A_262 = arith.constant 0 : i32
      %cond3A_263 = arith.cmpi ne, %convert_element_type3A_261, %cond3A_262 : i32
      scf.if %cond3A_263 {
        %add3A_346 = arith.constant 0 : i32
        %add3A_347 = arith.addi %mul3A_248, %add3A_346 : i32
        %add3A_348 = arith.constant 5 : i32
        %add3A_349 = arith.addi %add3A_347, %add3A_348 : i32
        %sub3A_350 = arith.constant 1 : i32
        %sub3A_351 = arith.subi %add3A_349, %sub3A_350 : i32
        %dma_start3A_352 = arith.constant 0 : i32
        %dma_start3A_353 = tpu.memref_slice %arg10[%sub3A_351, %dma_start3A_352] : memref<250x80xi32, #tpu.memory_space<vmem>> -> memref<1x80xi32, #tpu.memory_space<vmem>>
        %dma_start3A_354 = tpu.memref_squeeze %dma_start3A_353 : memref<1x80xi32, #tpu.memory_space<vmem>> -> memref<80xi32, #tpu.memory_space<vmem>>
        %dma_start3A_355 = arith.constant 0 : i32
        %dma_start3A_356 = arith.constant 0 : i32
        %dma_start3A_357 = tpu.memref_slice %arg5[%dma_start3A_355, %dma_start3A_356] : memref<20000x16xf32, #tpu.memory_space<hbm>> -> memref<20000x16xf32, #tpu.memory_space<hbm>>
        tpu.enqueue_indirect_dma source(%dma_start3A_357 : memref<20000x16xf32, #tpu.memory_space<hbm>>) target(%arg21 : memref<80x16xf32, #tpu.memory_space<vmem>>) offsets(%dma_start3A_354 : memref<80xi32, #tpu.memory_space<vmem>>) semaphore(%arg28 : memref<!tpu.dma_semaphore, #tpu.memory_space<semaphore_mem>>)
      } else {
      }
      %add3A_264 = arith.constant 0 : i32
      %add3A_265 = arith.addi %mul3A_248, %add3A_264 : i32
      "tpu.region"() ({
        %run_scoped3A = tpu.sem_alloc : memref<!tpu.dma_semaphore, #tpu.memory_space<semaphore_mem>>
        %dma_start3A_346 = arith.constant 0 : i32
        %dma_start3A_347 = tpu.memref_slice %arg11[%add3A_265, %dma_start3A_346] : memref<250x80xi32, #tpu.memory_space<vmem>> -> memref<1x80xi32, #tpu.memory_space<vmem>>
        %dma_start3A_348 = tpu.memref_squeeze %dma_start3A_347 : memref<1x80xi32, #tpu.memory_space<vmem>> -> memref<80xi32, #tpu.memory_space<vmem>>
        %dma_start3A_349 = arith.constant 0 : i32
        %dma_start3A_350 = arith.constant 0 : i32
        %dma_start3A_351 = tpu.memref_slice %arg23[%dma_start3A_349, %dma_start3A_350] : memref<10000x16xf32, #tpu.memory_space<vmem_shared>> -> memref<10000x16xf32, #tpu.memory_space<vmem_shared>>
        tpu.enqueue_indirect_dma source(%arg17 : memref<80x16xf32, #tpu.memory_space<vmem>>) target(%dma_start3A_351 : memref<10000x16xf32, #tpu.memory_space<vmem_shared>>) offsets(%dma_start3A_348 : memref<80xi32, #tpu.memory_space<vmem>>) semaphore(%run_scoped3A : memref<!tpu.dma_semaphore, #tpu.memory_space<semaphore_mem>>) {add = true}
        %dma_wait3A_352 = arith.constant 0 : i32
        %dma_wait3A_353 = tpu.memref_slice %arg11[%add3A_265, %dma_wait3A_352] : memref<250x80xi32, #tpu.memory_space<vmem>> -> memref<1x80xi32, #tpu.memory_space<vmem>>
        %dma_wait3A_354 = tpu.memref_squeeze %dma_wait3A_353 : memref<1x80xi32, #tpu.memory_space<vmem>> -> memref<80xi32, #tpu.memory_space<vmem>>
        %dma_wait3A_355 = arith.constant 0 : i32
        %dma_wait3A_356 = arith.constant 0 : i32
        %dma_wait3A_357 = tpu.memref_slice %arg23[%dma_wait3A_355, %dma_wait3A_356] : memref<10000x16xf32, #tpu.memory_space<vmem_shared>> -> memref<10000x16xf32, #tpu.memory_space<vmem_shared>>
        tpu.wait_indirect_dma semaphore(%run_scoped3A : memref<!tpu.dma_semaphore, #tpu.memory_space<semaphore_mem>>) src(%arg17 : memref<80x16xf32, #tpu.memory_space<vmem>>) dst(%dma_wait3A_357 : memref<10000x16xf32, #tpu.memory_space<vmem_shared>>)
        tpu.yield
      }) : () -> ()
      %dma_wait3A_266 = arith.constant 0 : i32
      %dma_wait3A_267 = arith.constant 0 : i32
      %dma_wait3A_268 = tpu.memref_slice %arg10[%dma_wait3A_266, %dma_wait3A_267] : memref<250x80xi32, #tpu.memory_space<vmem>> -> memref<1x80xi32, #tpu.memory_space<vmem>>
      %dma_wait3A_269 = tpu.memref_squeeze %dma_wait3A_268 : memref<1x80xi32, #tpu.memory_space<vmem>> -> memref<80xi32, #tpu.memory_space<vmem>>
      %dma_wait3A_270 = arith.constant 0 : i32
      %dma_wait3A_271 = arith.constant 0 : i32
      %dma_wait3A_272 = tpu.memref_slice %arg5[%dma_wait3A_270, %dma_wait3A_271] : memref<20000x16xf32, #tpu.memory_space<hbm>> -> memref<20000x16xf32, #tpu.memory_space<hbm>>
      tpu.wait_indirect_dma semaphore(%arg25 : memref<!tpu.dma_semaphore, #tpu.memory_space<semaphore_mem>>) src(%dma_wait3A_272 : memref<20000x16xf32, #tpu.memory_space<hbm>>) dst(%arg18 : memref<80x16xf32, #tpu.memory_space<vmem>>)
      %add3A_273 = arith.constant 1 : i32
      %add3A_274 = arith.addi %mul3A_248, %add3A_273 : i32
      %add3A_275 = arith.constant 5 : i32
      %add3A_276 = arith.addi %add3A_274, %add3A_275 : i32
      %sub3A_277 = arith.constant 1 : i32
      %sub3A_278 = arith.subi %add3A_276, %sub3A_277 : i32
      %lt3A_279 = arith.constant 250 : i32
      %lt3A_280 = arith.cmpi slt, %sub3A_278, %lt3A_279 : i32
      %convert_element_type3A_281 = arith.extui %lt3A_280 : i1 to i32
      %cond3A_282 = arith.constant 0 : i32
      %cond3A_283 = arith.cmpi ne, %convert_element_type3A_281, %cond3A_282 : i32
      scf.if %cond3A_283 {
        %add3A_346 = arith.constant 1 : i32
        %add3A_347 = arith.addi %mul3A_248, %add3A_346 : i32
        %add3A_348 = arith.constant 5 : i32
        %add3A_349 = arith.addi %add3A_347, %add3A_348 : i32
        %sub3A_350 = arith.constant 1 : i32
        %sub3A_351 = arith.subi %add3A_349, %sub3A_350 : i32
        %dma_start3A_352 = arith.constant 0 : i32
        %dma_start3A_353 = tpu.memref_slice %arg10[%sub3A_351, %dma_start3A_352] : memref<250x80xi32, #tpu.memory_space<vmem>> -> memref<1x80xi32, #tpu.memory_space<vmem>>
        %dma_start3A_354 = tpu.memref_squeeze %dma_start3A_353 : memref<1x80xi32, #tpu.memory_space<vmem>> -> memref<80xi32, #tpu.memory_space<vmem>>
        %dma_start3A_355 = arith.constant 0 : i32
        %dma_start3A_356 = arith.constant 0 : i32
        %dma_start3A_357 = tpu.memref_slice %arg5[%dma_start3A_355, %dma_start3A_356] : memref<20000x16xf32, #tpu.memory_space<hbm>> -> memref<20000x16xf32, #tpu.memory_space<hbm>>
        tpu.enqueue_indirect_dma source(%dma_start3A_357 : memref<20000x16xf32, #tpu.memory_space<hbm>>) target(%arg17 : memref<80x16xf32, #tpu.memory_space<vmem>>) offsets(%dma_start3A_354 : memref<80xi32, #tpu.memory_space<vmem>>) semaphore(%arg24 : memref<!tpu.dma_semaphore, #tpu.memory_space<semaphore_mem>>)
      } else {
      }
      %add3A_284 = arith.constant 1 : i32
      %add3A_285 = arith.addi %mul3A_248, %add3A_284 : i32
      "tpu.region"() ({
        %run_scoped3A = tpu.sem_alloc : memref<!tpu.dma_semaphore, #tpu.memory_space<semaphore_mem>>
        %dma_start3A_346 = arith.constant 0 : i32
        %dma_start3A_347 = tpu.memref_slice %arg11[%add3A_285, %dma_start3A_346] : memref<250x80xi32, #tpu.memory_space<vmem>> -> memref<1x80xi32, #tpu.memory_space<vmem>>
        %dma_start3A_348 = tpu.memref_squeeze %dma_start3A_347 : memref<1x80xi32, #tpu.memory_space<vmem>> -> memref<80xi32, #tpu.memory_space<vmem>>
        %dma_start3A_349 = arith.constant 0 : i32
        %dma_start3A_350 = arith.constant 0 : i32
        %dma_start3A_351 = tpu.memref_slice %arg23[%dma_start3A_349, %dma_start3A_350] : memref<10000x16xf32, #tpu.memory_space<vmem_shared>> -> memref<10000x16xf32, #tpu.memory_space<vmem_shared>>
        tpu.enqueue_indirect_dma source(%arg18 : memref<80x16xf32, #tpu.memory_space<vmem>>) target(%dma_start3A_351 : memref<10000x16xf32, #tpu.memory_space<vmem_shared>>) offsets(%dma_start3A_348 : memref<80xi32, #tpu.memory_space<vmem>>) semaphore(%run_scoped3A : memref<!tpu.dma_semaphore, #tpu.memory_space<semaphore_mem>>) {add = true}
        %dma_wait3A_352 = arith.constant 0 : i32
        %dma_wait3A_353 = tpu.memref_slice %arg11[%add3A_285, %dma_wait3A_352] : memref<250x80xi32, #tpu.memory_space<vmem>> -> memref<1x80xi32, #tpu.memory_space<vmem>>
        %dma_wait3A_354 = tpu.memref_squeeze %dma_wait3A_353 : memref<1x80xi32, #tpu.memory_space<vmem>> -> memref<80xi32, #tpu.memory_space<vmem>>
        %dma_wait3A_355 = arith.constant 0 : i32
        %dma_wait3A_356 = arith.constant 0 : i32
        %dma_wait3A_357 = tpu.memref_slice %arg23[%dma_wait3A_355, %dma_wait3A_356] : memref<10000x16xf32, #tpu.memory_space<vmem_shared>> -> memref<10000x16xf32, #tpu.memory_space<vmem_shared>>
        tpu.wait_indirect_dma semaphore(%run_scoped3A : memref<!tpu.dma_semaphore, #tpu.memory_space<semaphore_mem>>) src(%arg18 : memref<80x16xf32, #tpu.memory_space<vmem>>) dst(%dma_wait3A_357 : memref<10000x16xf32, #tpu.memory_space<vmem_shared>>)
        tpu.yield
      }) : () -> ()
      %dma_wait3A_286 = arith.constant 0 : i32
      %dma_wait3A_287 = arith.constant 0 : i32
      %dma_wait3A_288 = tpu.memref_slice %arg10[%dma_wait3A_286, %dma_wait3A_287] : memref<250x80xi32, #tpu.memory_space<vmem>> -> memref<1x80xi32, #tpu.memory_space<vmem>>
      %dma_wait3A_289 = tpu.memref_squeeze %dma_wait3A_288 : memref<1x80xi32, #tpu.memory_space<vmem>> -> memref<80xi32, #tpu.memory_space<vmem>>
      %dma_wait3A_290 = arith.constant 0 : i32
      %dma_wait3A_291 = arith.constant 0 : i32
      %dma_wait3A_292 = tpu.memref_slice %arg5[%dma_wait3A_290, %dma_wait3A_291] : memref<20000x16xf32, #tpu.memory_space<hbm>> -> memref<20000x16xf32, #tpu.memory_space<hbm>>
      tpu.wait_indirect_dma semaphore(%arg26 : memref<!tpu.dma_semaphore, #tpu.memory_space<semaphore_mem>>) src(%dma_wait3A_292 : memref<20000x16xf32, #tpu.memory_space<hbm>>) dst(%arg19 : memref<80x16xf32, #tpu.memory_space<vmem>>)
      %add3A_293 = arith.constant 2 : i32
      %add3A_294 = arith.addi %mul3A_248, %add3A_293 : i32
      %add3A_295 = arith.constant 5 : i32
      %add3A_296 = arith.addi %add3A_294, %add3A_295 : i32
      %sub3A_297 = arith.constant 1 : i32
      %sub3A_298 = arith.subi %add3A_296, %sub3A_297 : i32
      %lt3A_299 = arith.constant 250 : i32
      %lt3A_300 = arith.cmpi slt, %sub3A_298, %lt3A_299 : i32
      %convert_element_type3A_301 = arith.extui %lt3A_300 : i1 to i32
      %cond3A_302 = arith.constant 0 : i32
      %cond3A_303 = arith.cmpi ne, %convert_element_type3A_301, %cond3A_302 : i32
      scf.if %cond3A_303 {
        %add3A_346 = arith.constant 2 : i32
        %add3A_347 = arith.addi %mul3A_248, %add3A_346 : i32
        %add3A_348 = arith.constant 5 : i32
        %add3A_349 = arith.addi %add3A_347, %add3A_348 : i32
        %sub3A_350 = arith.constant 1 : i32
        %sub3A_351 = arith.subi %add3A_349, %sub3A_350 : i32
        %dma_start3A_352 = arith.constant 0 : i32
        %dma_start3A_353 = tpu.memref_slice %arg10[%sub3A_351, %dma_start3A_352] : memref<250x80xi32, #tpu.memory_space<vmem>> -> memref<1x80xi32, #tpu.memory_space<vmem>>
        %dma_start3A_354 = tpu.memref_squeeze %dma_start3A_353 : memref<1x80xi32, #tpu.memory_space<vmem>> -> memref<80xi32, #tpu.memory_space<vmem>>
        %dma_start3A_355 = arith.constant 0 : i32
        %dma_start3A_356 = arith.constant 0 : i32
        %dma_start3A_357 = tpu.memref_slice %arg5[%dma_start3A_355, %dma_start3A_356] : memref<20000x16xf32, #tpu.memory_space<hbm>> -> memref<20000x16xf32, #tpu.memory_space<hbm>>
        tpu.enqueue_indirect_dma source(%dma_start3A_357 : memref<20000x16xf32, #tpu.memory_space<hbm>>) target(%arg18 : memref<80x16xf32, #tpu.memory_space<vmem>>) offsets(%dma_start3A_354 : memref<80xi32, #tpu.memory_space<vmem>>) semaphore(%arg25 : memref<!tpu.dma_semaphore, #tpu.memory_space<semaphore_mem>>)
      } else {
      }
      %add3A_304 = arith.constant 2 : i32
      %add3A_305 = arith.addi %mul3A_248, %add3A_304 : i32
      "tpu.region"() ({
        %run_scoped3A = tpu.sem_alloc : memref<!tpu.dma_semaphore, #tpu.memory_space<semaphore_mem>>
        %dma_start3A_346 = arith.constant 0 : i32
        %dma_start3A_347 = tpu.memref_slice %arg11[%add3A_305, %dma_start3A_346] : memref<250x80xi32, #tpu.memory_space<vmem>> -> memref<1x80xi32, #tpu.memory_space<vmem>>
        %dma_start3A_348 = tpu.memref_squeeze %dma_start3A_347 : memref<1x80xi32, #tpu.memory_space<vmem>> -> memref<80xi32, #tpu.memory_space<vmem>>
        %dma_start3A_349 = arith.constant 0 : i32
        %dma_start3A_350 = arith.constant 0 : i32
        %dma_start3A_351 = tpu.memref_slice %arg23[%dma_start3A_349, %dma_start3A_350] : memref<10000x16xf32, #tpu.memory_space<vmem_shared>> -> memref<10000x16xf32, #tpu.memory_space<vmem_shared>>
        tpu.enqueue_indirect_dma source(%arg19 : memref<80x16xf32, #tpu.memory_space<vmem>>) target(%dma_start3A_351 : memref<10000x16xf32, #tpu.memory_space<vmem_shared>>) offsets(%dma_start3A_348 : memref<80xi32, #tpu.memory_space<vmem>>) semaphore(%run_scoped3A : memref<!tpu.dma_semaphore, #tpu.memory_space<semaphore_mem>>) {add = true}
        %dma_wait3A_352 = arith.constant 0 : i32
        %dma_wait3A_353 = tpu.memref_slice %arg11[%add3A_305, %dma_wait3A_352] : memref<250x80xi32, #tpu.memory_space<vmem>> -> memref<1x80xi32, #tpu.memory_space<vmem>>
        %dma_wait3A_354 = tpu.memref_squeeze %dma_wait3A_353 : memref<1x80xi32, #tpu.memory_space<vmem>> -> memref<80xi32, #tpu.memory_space<vmem>>
        %dma_wait3A_355 = arith.constant 0 : i32
        %dma_wait3A_356 = arith.constant 0 : i32
        %dma_wait3A_357 = tpu.memref_slice %arg23[%dma_wait3A_355, %dma_wait3A_356] : memref<10000x16xf32, #tpu.memory_space<vmem_shared>> -> memref<10000x16xf32, #tpu.memory_space<vmem_shared>>
        tpu.wait_indirect_dma semaphore(%run_scoped3A : memref<!tpu.dma_semaphore, #tpu.memory_space<semaphore_mem>>) src(%arg19 : memref<80x16xf32, #tpu.memory_space<vmem>>) dst(%dma_wait3A_357 : memref<10000x16xf32, #tpu.memory_space<vmem_shared>>)
        tpu.yield
      }) : () -> ()
      %dma_wait3A_306 = arith.constant 0 : i32
      %dma_wait3A_307 = arith.constant 0 : i32
      %dma_wait3A_308 = tpu.memref_slice %arg10[%dma_wait3A_306, %dma_wait3A_307] : memref<250x80xi32, #tpu.memory_space<vmem>> -> memref<1x80xi32, #tpu.memory_space<vmem>>
      %dma_wait3A_309 = tpu.memref_squeeze %dma_wait3A_308 : memref<1x80xi32, #tpu.memory_space<vmem>> -> memref<80xi32, #tpu.memory_space<vmem>>
      %dma_wait3A_310 = arith.constant 0 : i32
      %dma_wait3A_311 = arith.constant 0 : i32
      %dma_wait3A_312 = tpu.memref_slice %arg5[%dma_wait3A_310, %dma_wait3A_311] : memref<20000x16xf32, #tpu.memory_space<hbm>> -> memref<20000x16xf32, #tpu.memory_space<hbm>>
      tpu.wait_indirect_dma semaphore(%arg27 : memref<!tpu.dma_semaphore, #tpu.memory_space<semaphore_mem>>) src(%dma_wait3A_312 : memref<20000x16xf32, #tpu.memory_space<hbm>>) dst(%arg20 : memref<80x16xf32, #tpu.memory_space<vmem>>)
      %add3A_313 = arith.constant 3 : i32
      %add3A_314 = arith.addi %mul3A_248, %add3A_313 : i32
      %add3A_315 = arith.constant 5 : i32
      %add3A_316 = arith.addi %add3A_314, %add3A_315 : i32
      %sub3A_317 = arith.constant 1 : i32
      %sub3A_318 = arith.subi %add3A_316, %sub3A_317 : i32
      %lt3A_319 = arith.constant 250 : i32
      %lt3A_320 = arith.cmpi slt, %sub3A_318, %lt3A_319 : i32
      %convert_element_type3A_321 = arith.extui %lt3A_320 : i1 to i32
      %cond3A_322 = arith.constant 0 : i32
      %cond3A_323 = arith.cmpi ne, %convert_element_type3A_321, %cond3A_322 : i32
      scf.if %cond3A_323 {
        %add3A_346 = arith.constant 3 : i32
        %add3A_347 = arith.addi %mul3A_248, %add3A_346 : i32
        %add3A_348 = arith.constant 5 : i32
        %add3A_349 = arith.addi %add3A_347, %add3A_348 : i32
        %sub3A_350 = arith.constant 1 : i32
        %sub3A_351 = arith.subi %add3A_349, %sub3A_350 : i32
        %dma_start3A_352 = arith.constant 0 : i32
        %dma_start3A_353 = tpu.memref_slice %arg10[%sub3A_351, %dma_start3A_352] : memref<250x80xi32, #tpu.memory_space<vmem>> -> memref<1x80xi32, #tpu.memory_space<vmem>>
        %dma_start3A_354 = tpu.memref_squeeze %dma_start3A_353 : memref<1x80xi32, #tpu.memory_space<vmem>> -> memref<80xi32, #tpu.memory_space<vmem>>
        %dma_start3A_355 = arith.constant 0 : i32
        %dma_start3A_356 = arith.constant 0 : i32
        %dma_start3A_357 = tpu.memref_slice %arg5[%dma_start3A_355, %dma_start3A_356] : memref<20000x16xf32, #tpu.memory_space<hbm>> -> memref<20000x16xf32, #tpu.memory_space<hbm>>
        tpu.enqueue_indirect_dma source(%dma_start3A_357 : memref<20000x16xf32, #tpu.memory_space<hbm>>) target(%arg19 : memref<80x16xf32, #tpu.memory_space<vmem>>) offsets(%dma_start3A_354 : memref<80xi32, #tpu.memory_space<vmem>>) semaphore(%arg26 : memref<!tpu.dma_semaphore, #tpu.memory_space<semaphore_mem>>)
      } else {
      }
      %add3A_324 = arith.constant 3 : i32
      %add3A_325 = arith.addi %mul3A_248, %add3A_324 : i32
      "tpu.region"() ({
        %run_scoped3A = tpu.sem_alloc : memref<!tpu.dma_semaphore, #tpu.memory_space<semaphore_mem>>
        %dma_start3A_346 = arith.constant 0 : i32
        %dma_start3A_347 = tpu.memref_slice %arg11[%add3A_325, %dma_start3A_346] : memref<250x80xi32, #tpu.memory_space<vmem>> -> memref<1x80xi32, #tpu.memory_space<vmem>>
        %dma_start3A_348 = tpu.memref_squeeze %dma_start3A_347 : memref<1x80xi32, #tpu.memory_space<vmem>> -> memref<80xi32, #tpu.memory_space<vmem>>
        %dma_start3A_349 = arith.constant 0 : i32
        %dma_start3A_350 = arith.constant 0 : i32
        %dma_start3A_351 = tpu.memref_slice %arg23[%dma_start3A_349, %dma_start3A_350] : memref<10000x16xf32, #tpu.memory_space<vmem_shared>> -> memref<10000x16xf32, #tpu.memory_space<vmem_shared>>
        tpu.enqueue_indirect_dma source(%arg20 : memref<80x16xf32, #tpu.memory_space<vmem>>) target(%dma_start3A_351 : memref<10000x16xf32, #tpu.memory_space<vmem_shared>>) offsets(%dma_start3A_348 : memref<80xi32, #tpu.memory_space<vmem>>) semaphore(%run_scoped3A : memref<!tpu.dma_semaphore, #tpu.memory_space<semaphore_mem>>) {add = true}
        %dma_wait3A_352 = arith.constant 0 : i32
        %dma_wait3A_353 = tpu.memref_slice %arg11[%add3A_325, %dma_wait3A_352] : memref<250x80xi32, #tpu.memory_space<vmem>> -> memref<1x80xi32, #tpu.memory_space<vmem>>
        %dma_wait3A_354 = tpu.memref_squeeze %dma_wait3A_353 : memref<1x80xi32, #tpu.memory_space<vmem>> -> memref<80xi32, #tpu.memory_space<vmem>>
        %dma_wait3A_355 = arith.constant 0 : i32
        %dma_wait3A_356 = arith.constant 0 : i32
        %dma_wait3A_357 = tpu.memref_slice %arg23[%dma_wait3A_355, %dma_wait3A_356] : memref<10000x16xf32, #tpu.memory_space<vmem_shared>> -> memref<10000x16xf32, #tpu.memory_space<vmem_shared>>
        tpu.wait_indirect_dma semaphore(%run_scoped3A : memref<!tpu.dma_semaphore, #tpu.memory_space<semaphore_mem>>) src(%arg20 : memref<80x16xf32, #tpu.memory_space<vmem>>) dst(%dma_wait3A_357 : memref<10000x16xf32, #tpu.memory_space<vmem_shared>>)
        tpu.yield
      }) : () -> ()
      %dma_wait3A_326 = arith.constant 0 : i32
      %dma_wait3A_327 = arith.constant 0 : i32
      %dma_wait3A_328 = tpu.memref_slice %arg10[%dma_wait3A_326, %dma_wait3A_327] : memref<250x80xi32, #tpu.memory_space<vmem>> -> memref<1x80xi32, #tpu.memory_space<vmem>>
      %dma_wait3A_329 = tpu.memref_squeeze %dma_wait3A_328 : memref<1x80xi32, #tpu.memory_space<vmem>> -> memref<80xi32, #tpu.memory_space<vmem>>
      %dma_wait3A_330 = arith.constant 0 : i32
      %dma_wait3A_331 = arith.constant 0 : i32
      %dma_wait3A_332 = tpu.memref_slice %arg5[%dma_wait3A_330, %dma_wait3A_331] : memref<20000x16xf32, #tpu.memory_space<hbm>> -> memref<20000x16xf32, #tpu.memory_space<hbm>>
      tpu.wait_indirect_dma semaphore(%arg28 : memref<!tpu.dma_semaphore, #tpu.memory_space<semaphore_mem>>) src(%dma_wait3A_332 : memref<20000x16xf32, #tpu.memory_space<hbm>>) dst(%arg21 : memref<80x16xf32, #tpu.memory_space<vmem>>)
      %add3A_333 = arith.constant 4 : i32
      %add3A_334 = arith.addi %mul3A_248, %add3A_333 : i32
      %add3A_335 = arith.constant 5 : i32
      %add3A_336 = arith.addi %add3A_334, %add3A_335 : i32
      %sub3A_337 = arith.constant 1 : i32
      %sub3A_338 = arith.subi %add3A_336, %sub3A_337 : i32
      %lt3A_339 = arith.constant 250 : i32
      %lt3A_340 = arith.cmpi slt, %sub3A_338, %lt3A_339 : i32
      %convert_element_type3A_341 = arith.extui %lt3A_340 : i1 to i32
      %cond3A_342 = arith.constant 0 : i32
      %cond3A_343 = arith.cmpi ne, %convert_element_type3A_341, %cond3A_342 : i32
      scf.if %cond3A_343 {
        %add3A_346 = arith.constant 4 : i32
        %add3A_347 = arith.addi %mul3A_248, %add3A_346 : i32
        %add3A_348 = arith.constant 5 : i32
        %add3A_349 = arith.addi %add3A_347, %add3A_348 : i32
        %sub3A_350 = arith.constant 1 : i32
        %sub3A_351 = arith.subi %add3A_349, %sub3A_350 : i32
        %dma_start3A_352 = arith.constant 0 : i32
        %dma_start3A_353 = tpu.memref_slice %arg10[%sub3A_351, %dma_start3A_352] : memref<250x80xi32, #tpu.memory_space<vmem>> -> memref<1x80xi32, #tpu.memory_space<vmem>>
        %dma_start3A_354 = tpu.memref_squeeze %dma_start3A_353 : memref<1x80xi32, #tpu.memory_space<vmem>> -> memref<80xi32, #tpu.memory_space<vmem>>
        %dma_start3A_355 = arith.constant 0 : i32
        %dma_start3A_356 = arith.constant 0 : i32
        %dma_start3A_357 = tpu.memref_slice %arg5[%dma_start3A_355, %dma_start3A_356] : memref<20000x16xf32, #tpu.memory_space<hbm>> -> memref<20000x16xf32, #tpu.memory_space<hbm>>
        tpu.enqueue_indirect_dma source(%dma_start3A_357 : memref<20000x16xf32, #tpu.memory_space<hbm>>) target(%arg20 : memref<80x16xf32, #tpu.memory_space<vmem>>) offsets(%dma_start3A_354 : memref<80xi32, #tpu.memory_space<vmem>>) semaphore(%arg27 : memref<!tpu.dma_semaphore, #tpu.memory_space<semaphore_mem>>)
      } else {
      }
      %add3A_344 = arith.constant 4 : i32
      %add3A_345 = arith.addi %mul3A_248, %add3A_344 : i32
      "tpu.region"() ({
        %run_scoped3A = tpu.sem_alloc : memref<!tpu.dma_semaphore, #tpu.memory_space<semaphore_mem>>
        %dma_start3A_346 = arith.constant 0 : i32
        %dma_start3A_347 = tpu.memref_slice %arg11[%add3A_345, %dma_start3A_346] : memref<250x80xi32, #tpu.memory_space<vmem>> -> memref<1x80xi32, #tpu.memory_space<vmem>>
        %dma_start3A_348 = tpu.memref_squeeze %dma_start3A_347 : memref<1x80xi32, #tpu.memory_space<vmem>> -> memref<80xi32, #tpu.memory_space<vmem>>
        %dma_start3A_349 = arith.constant 0 : i32
        %dma_start3A_350 = arith.constant 0 : i32
        %dma_start3A_351 = tpu.memref_slice %arg23[%dma_start3A_349, %dma_start3A_350] : memref<10000x16xf32, #tpu.memory_space<vmem_shared>> -> memref<10000x16xf32, #tpu.memory_space<vmem_shared>>
        tpu.enqueue_indirect_dma source(%arg21 : memref<80x16xf32, #tpu.memory_space<vmem>>) target(%dma_start3A_351 : memref<10000x16xf32, #tpu.memory_space<vmem_shared>>) offsets(%dma_start3A_348 : memref<80xi32, #tpu.memory_space<vmem>>) semaphore(%run_scoped3A : memref<!tpu.dma_semaphore, #tpu.memory_space<semaphore_mem>>) {add = true}
        %dma_wait3A_352 = arith.constant 0 : i32
        %dma_wait3A_353 = tpu.memref_slice %arg11[%add3A_345, %dma_wait3A_352] : memref<250x80xi32, #tpu.memory_space<vmem>> -> memref<1x80xi32, #tpu.memory_space<vmem>>
        %dma_wait3A_354 = tpu.memref_squeeze %dma_wait3A_353 : memref<1x80xi32, #tpu.memory_space<vmem>> -> memref<80xi32, #tpu.memory_space<vmem>>
        %dma_wait3A_355 = arith.constant 0 : i32
        %dma_wait3A_356 = arith.constant 0 : i32
        %dma_wait3A_357 = tpu.memref_slice %arg23[%dma_wait3A_355, %dma_wait3A_356] : memref<10000x16xf32, #tpu.memory_space<vmem_shared>> -> memref<10000x16xf32, #tpu.memory_space<vmem_shared>>
        tpu.wait_indirect_dma semaphore(%run_scoped3A : memref<!tpu.dma_semaphore, #tpu.memory_space<semaphore_mem>>) src(%arg21 : memref<80x16xf32, #tpu.memory_space<vmem>>) dst(%dma_wait3A_357 : memref<10000x16xf32, #tpu.memory_space<vmem_shared>>)
        tpu.yield
      }) : () -> ()
    }
    %scan3A_234 = arith.constant 50 : i32
    %barrier3A_235 = arith.constant 0 : index
    tpu.barrier barrier_id(%barrier3A_235)
    %mul3A_236 = arith.constant 624 : i32
    %mul3A_237 = arith.muli %arg1, %mul3A_236 : i32
    %mul3A_238 = arith.constant 624 : i32
    %mul3A_239 = arith.muli %arg1, %mul3A_238 : i32
    %add3A_240 = arith.addi %mul3A_187, %mul3A_239 : i32
    "tpu.region"() ({
      %run_scoped3A = tpu.sem_alloc : memref<!tpu.dma_semaphore, #tpu.memory_space<semaphore_mem>>
      %dma_start3A_246 = arith.constant 0 : i32
      %dma_start3A_247 = tpu.memref_slice %arg9[%add3A_240, %dma_start3A_246] : memref<20000x16xf32, #tpu.memory_space<hbm>> -> memref<624x16xf32, #tpu.memory_space<hbm>>
      %dma_start3A_248 = arith.constant 0 : i32
      %dma_start3A_249 = tpu.memref_slice %arg23[%mul3A_237, %dma_start3A_248] : memref<10000x16xf32, #tpu.memory_space<vmem_shared>> -> memref<624x16xf32, #tpu.memory_space<vmem_shared>>
      tpu.enqueue_dma source(%dma_start3A_249 : memref<624x16xf32, #tpu.memory_space<vmem_shared>>) target(%dma_start3A_247 : memref<624x16xf32, #tpu.memory_space<hbm>>) target_semaphore(%run_scoped3A : memref<!tpu.dma_semaphore, #tpu.memory_space<semaphore_mem>>)
      %dma_wait3A = arith.constant 0 : i32
      %dma_wait3A_250 = tpu.memref_slice %arg9[%add3A_240, %dma_wait3A] : memref<20000x16xf32, #tpu.memory_space<hbm>> -> memref<624x16xf32, #tpu.memory_space<hbm>>
      %dma_wait3A_251 = arith.constant 0 : i32
      %dma_wait3A_252 = tpu.memref_slice %arg23[%mul3A_237, %dma_wait3A_251] : memref<10000x16xf32, #tpu.memory_space<vmem_shared>> -> memref<624x16xf32, #tpu.memory_space<vmem_shared>>
      tpu.wait_dma2 semaphore(%run_scoped3A : memref<!tpu.dma_semaphore, #tpu.memory_space<semaphore_mem>>) src(%dma_wait3A_252 : memref<624x16xf32, #tpu.memory_space<vmem_shared>>) dst(%dma_wait3A_250 : memref<624x16xf32, #tpu.memory_space<hbm>>)
      tpu.yield
    }) : () -> ()
    %eq3A_241 = arith.constant 0 : i32
    %eq3A_242 = arith.cmpi eq, %arg1, %eq3A_241 : i32
    %convert_element_type3A_243 = arith.extui %eq3A_242 : i1 to i32
    %cond3A_244 = arith.constant 0 : i32
    %cond3A_245 = arith.cmpi ne, %convert_element_type3A_243, %cond3A_244 : i32
    scf.if %cond3A_245 {
      %add3A_246 = arith.constant 9984 : i32
      %add3A_247 = arith.addi %mul3A_187, %add3A_246 : i32
      "tpu.region"() ({
        %run_scoped3A = tpu.sem_alloc : memref<!tpu.dma_semaphore, #tpu.memory_space<semaphore_mem>>
        %dma_start3A_248 = arith.constant 0 : i32
        %dma_start3A_249 = tpu.memref_slice %arg9[%add3A_247, %dma_start3A_248] : memref<20000x16xf32, #tpu.memory_space<hbm>> -> memref<16x16xf32, #tpu.memory_space<hbm>>
        %dma_start3A_250 = arith.constant 9984 : i32
        %dma_start3A_251 = arith.constant 0 : i32
        %dma_start3A_252 = tpu.memref_slice %arg23[%dma_start3A_250, %dma_start3A_251] : memref<10000x16xf32, #tpu.memory_space<vmem_shared>> -> memref<16x16xf32, #tpu.memory_space<vmem_shared>>
        tpu.enqueue_dma source(%dma_start3A_252 : memref<16x16xf32, #tpu.memory_space<vmem_shared>>) target(%dma_start3A_249 : memref<16x16xf32, #tpu.memory_space<hbm>>) target_semaphore(%run_scoped3A : memref<!tpu.dma_semaphore, #tpu.memory_space<semaphore_mem>>)
        %dma_wait3A = arith.constant 0 : i32
        %dma_wait3A_253 = tpu.memref_slice %arg9[%add3A_247, %dma_wait3A] : memref<20000x16xf32, #tpu.memory_space<hbm>> -> memref<16x16xf32, #tpu.memory_space<hbm>>
        %dma_wait3A_254 = arith.constant 9984 : i32
        %dma_wait3A_255 = arith.constant 0 : i32
        %dma_wait3A_256 = tpu.memref_slice %arg23[%dma_wait3A_254, %dma_wait3A_255] : memref<10000x16xf32, #tpu.memory_space<vmem_shared>> -> memref<16x16xf32, #tpu.memory_space<vmem_shared>>
        tpu.wait_dma2 semaphore(%run_scoped3A : memref<!tpu.dma_semaphore, #tpu.memory_space<semaphore_mem>>) src(%dma_wait3A_256 : memref<16x16xf32, #tpu.memory_space<vmem_shared>>) dst(%dma_wait3A_253 : memref<16x16xf32, #tpu.memory_space<hbm>>)
        tpu.yield
      }) : () -> ()
    } else {
    }
    return
  }
}

#map = affine_map<(d0, d1) -> (0, 0)>
#map1 = affine_map<(d0, d1) -> (0, 0, 0)>
module attributes {stable_mosaic.version = 14 : i64} {
  func.func @deg(%arg0: i32, %arg1: i32, %arg2: memref<10000x16xf32, #tpu.memory_space<hbm>>, %arg3: memref<16x250x80xi32, #tpu.memory_space<hbm>>, %arg4: memref<20000x16xf32, #tpu.memory_space<hbm>>, %arg5: memref<250x80xi32, #tpu.memory_space<vmem>>, %arg6: memref<80x16xf32, #tpu.memory_space<vmem>>, %arg7: memref<10000x16xf32, #tpu.memory_space<vmem_shared>>) attributes {dimension_semantics = [#tpu.dimension_semantics<core_parallel>, #tpu.dimension_semantics<subcore_parallel>], iteration_bounds = array<i64: 2, 16>, scalar_prefetch = 0 : i64, scratch_operands = 3 : i64, tpu.core_type = #tpu.core_type<sc_vector_subcore>, window_params = [{transform_indices = #map}, {transform_indices = #map1}, {transform_indices = #map}]} {
    "tpu.region"() ({
      %run_scoped3A = tpu.sem_alloc : memref<!tpu.dma_semaphore, #tpu.memory_space<semaphore_mem>>
      %dma_start3A = arith.constant 0 : i32
      %dma_start3A_22 = arith.constant 0 : i32
      %dma_start3A_23 = tpu.memref_slice %arg3[%arg1, %dma_start3A, %dma_start3A_22] : memref<16x250x80xi32, #tpu.memory_space<hbm>> -> memref<1x250x80xi32, #tpu.memory_space<hbm>>
      %dma_start3A_24 = tpu.memref_squeeze %dma_start3A_23 : memref<1x250x80xi32, #tpu.memory_space<hbm>> -> memref<250x80xi32, #tpu.memory_space<hbm>>
      %dma_start3A_25 = arith.constant 0 : i32
      %dma_start3A_26 = arith.constant 0 : i32
      %dma_start3A_27 = tpu.memref_slice %arg3[%arg1, %dma_start3A_25, %dma_start3A_26] : memref<16x250x80xi32, #tpu.memory_space<hbm>> -> memref<1x250x80xi32, #tpu.memory_space<hbm>>
      %dma_start3A_28 = tpu.memref_squeeze %dma_start3A_27 : memref<1x250x80xi32, #tpu.memory_space<hbm>> -> memref<250x80xi32, #tpu.memory_space<hbm>>
      tpu.enqueue_dma source(%dma_start3A_28 : memref<250x80xi32, #tpu.memory_space<hbm>>) target(%arg5 : memref<250x80xi32, #tpu.memory_space<vmem>>) target_semaphore(%run_scoped3A : memref<!tpu.dma_semaphore, #tpu.memory_space<semaphore_mem>>)
      %dma_wait3A = arith.constant 0 : i32
      %dma_wait3A_29 = arith.constant 0 : i32
      %dma_wait3A_30 = tpu.memref_slice %arg3[%arg1, %dma_wait3A, %dma_wait3A_29] : memref<16x250x80xi32, #tpu.memory_space<hbm>> -> memref<1x250x80xi32, #tpu.memory_space<hbm>>
      %dma_wait3A_31 = tpu.memref_squeeze %dma_wait3A_30 : memref<1x250x80xi32, #tpu.memory_space<hbm>> -> memref<250x80xi32, #tpu.memory_space<hbm>>
      %dma_wait3A_32 = arith.constant 0 : i32
      %dma_wait3A_33 = arith.constant 0 : i32
      %dma_wait3A_34 = tpu.memref_slice %arg3[%arg1, %dma_wait3A_32, %dma_wait3A_33] : memref<16x250x80xi32, #tpu.memory_space<hbm>> -> memref<1x250x80xi32, #tpu.memory_space<hbm>>
      %dma_wait3A_35 = tpu.memref_squeeze %dma_wait3A_34 : memref<1x250x80xi32, #tpu.memory_space<hbm>> -> memref<250x80xi32, #tpu.memory_space<hbm>>
      tpu.wait_dma2 semaphore(%run_scoped3A : memref<!tpu.dma_semaphore, #tpu.memory_space<semaphore_mem>>) src(%dma_wait3A_35 : memref<250x80xi32, #tpu.memory_space<hbm>>) dst(%arg5 : memref<250x80xi32, #tpu.memory_space<vmem>>)
      tpu.yield
    }) : () -> ()
    "tpu.region"() ({
      %run_scoped3A = tpu.sem_alloc : memref<!tpu.dma_semaphore, #tpu.memory_space<semaphore_mem>>
      %dma_start3A = arith.constant 0 : i32
      %dma_start3A_22 = arith.constant 0 : i32
      %dma_start3A_23 = tpu.memref_slice %arg2[%dma_start3A, %dma_start3A_22] : memref<10000x16xf32, #tpu.memory_space<hbm>> -> memref<80x16xf32, #tpu.memory_space<hbm>>
      %dma_start3A_24 = arith.constant 0 : i32
      %dma_start3A_25 = arith.constant 0 : i32
      %dma_start3A_26 = tpu.memref_slice %arg2[%dma_start3A_24, %dma_start3A_25] : memref<10000x16xf32, #tpu.memory_space<hbm>> -> memref<80x16xf32, #tpu.memory_space<hbm>>
      tpu.enqueue_dma source(%dma_start3A_26 : memref<80x16xf32, #tpu.memory_space<hbm>>) target(%arg6 : memref<80x16xf32, #tpu.memory_space<vmem>>) target_semaphore(%run_scoped3A : memref<!tpu.dma_semaphore, #tpu.memory_space<semaphore_mem>>)
      %dma_wait3A = arith.constant 0 : i32
      %dma_wait3A_27 = arith.constant 0 : i32
      %dma_wait3A_28 = tpu.memref_slice %arg2[%dma_wait3A, %dma_wait3A_27] : memref<10000x16xf32, #tpu.memory_space<hbm>> -> memref<80x16xf32, #tpu.memory_space<hbm>>
      %dma_wait3A_29 = arith.constant 0 : i32
      %dma_wait3A_30 = arith.constant 0 : i32
      %dma_wait3A_31 = tpu.memref_slice %arg2[%dma_wait3A_29, %dma_wait3A_30] : memref<10000x16xf32, #tpu.memory_space<hbm>> -> memref<80x16xf32, #tpu.memory_space<hbm>>
      tpu.wait_dma2 semaphore(%run_scoped3A : memref<!tpu.dma_semaphore, #tpu.memory_space<semaphore_mem>>) src(%dma_wait3A_31 : memref<80x16xf32, #tpu.memory_space<hbm>>) dst(%arg6 : memref<80x16xf32, #tpu.memory_space<vmem>>)
      tpu.yield
    }) : () -> ()
    %mul3A = arith.constant 624 : i32
    %mul3A_0 = arith.muli %arg1, %mul3A : i32
    %mul3A_1 = arith.constant 624 : i32
    %mul3A_2 = arith.muli %arg1, %mul3A_1 : i32
    "tpu.region"() ({
      %run_scoped3A = tpu.sem_alloc : memref<!tpu.dma_semaphore, #tpu.memory_space<semaphore_mem>>
      %dma_start3A = arith.constant 0 : i32
      %dma_start3A_22 = tpu.memref_slice %arg7[%mul3A_2, %dma_start3A] : memref<10000x16xf32, #tpu.memory_space<vmem_shared>> -> memref<624x16xf32, #tpu.memory_space<vmem_shared>>
      %dma_start3A_23 = arith.constant 0 : i32
      %dma_start3A_24 = tpu.memref_slice %arg2[%mul3A_0, %dma_start3A_23] : memref<10000x16xf32, #tpu.memory_space<hbm>> -> memref<624x16xf32, #tpu.memory_space<hbm>>
      tpu.enqueue_dma source(%dma_start3A_24 : memref<624x16xf32, #tpu.memory_space<hbm>>) target(%dma_start3A_22 : memref<624x16xf32, #tpu.memory_space<vmem_shared>>) target_semaphore(%run_scoped3A : memref<!tpu.dma_semaphore, #tpu.memory_space<semaphore_mem>>)
      %dma_wait3A = arith.constant 0 : i32
      %dma_wait3A_25 = tpu.memref_slice %arg7[%mul3A_2, %dma_wait3A] : memref<10000x16xf32, #tpu.memory_space<vmem_shared>> -> memref<624x16xf32, #tpu.memory_space<vmem_shared>>
      %dma_wait3A_26 = arith.constant 0 : i32
      %dma_wait3A_27 = tpu.memref_slice %arg2[%mul3A_0, %dma_wait3A_26] : memref<10000x16xf32, #tpu.memory_space<hbm>> -> memref<624x16xf32, #tpu.memory_space<hbm>>
      tpu.wait_dma2 semaphore(%run_scoped3A : memref<!tpu.dma_semaphore, #tpu.memory_space<semaphore_mem>>) src(%dma_wait3A_27 : memref<624x16xf32, #tpu.memory_space<hbm>>) dst(%dma_wait3A_25 : memref<624x16xf32, #tpu.memory_space<vmem_shared>>)
      tpu.yield
    }) : () -> ()
    %eq3A = arith.constant 0 : i32
    %eq3A_3 = arith.cmpi eq, %arg1, %eq3A : i32
    %convert_element_type3A = arith.extui %eq3A_3 : i1 to i32
    %cond3A = arith.constant 0 : i32
    %cond3A_4 = arith.cmpi ne, %convert_element_type3A, %cond3A : i32
    scf.if %cond3A_4 {
      "tpu.region"() ({
        %run_scoped3A = tpu.sem_alloc : memref<!tpu.dma_semaphore, #tpu.memory_space<semaphore_mem>>
        %dma_start3A = arith.constant 9984 : i32
        %dma_start3A_22 = arith.constant 0 : i32
        %dma_start3A_23 = tpu.memref_slice %arg7[%dma_start3A, %dma_start3A_22] : memref<10000x16xf32, #tpu.memory_space<vmem_shared>> -> memref<16x16xf32, #tpu.memory_space<vmem_shared>>
        %dma_start3A_24 = arith.constant 9984 : i32
        %dma_start3A_25 = arith.constant 0 : i32
        %dma_start3A_26 = tpu.memref_slice %arg2[%dma_start3A_24, %dma_start3A_25] : memref<10000x16xf32, #tpu.memory_space<hbm>> -> memref<16x16xf32, #tpu.memory_space<hbm>>
        tpu.enqueue_dma source(%dma_start3A_26 : memref<16x16xf32, #tpu.memory_space<hbm>>) target(%dma_start3A_23 : memref<16x16xf32, #tpu.memory_space<vmem_shared>>) target_semaphore(%run_scoped3A : memref<!tpu.dma_semaphore, #tpu.memory_space<semaphore_mem>>)
        %dma_wait3A = arith.constant 9984 : i32
        %dma_wait3A_27 = arith.constant 0 : i32
        %dma_wait3A_28 = tpu.memref_slice %arg7[%dma_wait3A, %dma_wait3A_27] : memref<10000x16xf32, #tpu.memory_space<vmem_shared>> -> memref<16x16xf32, #tpu.memory_space<vmem_shared>>
        %dma_wait3A_29 = arith.constant 9984 : i32
        %dma_wait3A_30 = arith.constant 0 : i32
        %dma_wait3A_31 = tpu.memref_slice %arg2[%dma_wait3A_29, %dma_wait3A_30] : memref<10000x16xf32, #tpu.memory_space<hbm>> -> memref<16x16xf32, #tpu.memory_space<hbm>>
        tpu.wait_dma2 semaphore(%run_scoped3A : memref<!tpu.dma_semaphore, #tpu.memory_space<semaphore_mem>>) src(%dma_wait3A_31 : memref<16x16xf32, #tpu.memory_space<hbm>>) dst(%dma_wait3A_28 : memref<16x16xf32, #tpu.memory_space<vmem_shared>>)
        tpu.yield
      }) : () -> ()
    } else {
    }
    %barrier3A = arith.constant 0 : index
    tpu.barrier barrier_id(%barrier3A)
    %scan3A = arith.constant 0 : i32
    %scan3A_5 = arith.constant 0 : i32
    %scan3A_6 = arith.constant 250 : i32
    %scan3A_7 = arith.addi %scan3A_5, %scan3A_6 : i32
    %scan3A_8 = arith.constant 1 : i32
    scf.for %scan3A_22 = %scan3A_5 to %scan3A_7 step %scan3A_8  : i32 {
      "tpu.region"() ({
        %run_scoped3A = tpu.sem_alloc : memref<!tpu.dma_semaphore, #tpu.memory_space<semaphore_mem>>
        %dma_start3A = arith.constant 0 : i32
        %dma_start3A_23 = tpu.memref_slice %arg5[%scan3A_22, %dma_start3A] : memref<250x80xi32, #tpu.memory_space<vmem>> -> memref<1x80xi32, #tpu.memory_space<vmem>>
        %dma_start3A_24 = tpu.memref_squeeze %dma_start3A_23 : memref<1x80xi32, #tpu.memory_space<vmem>> -> memref<80xi32, #tpu.memory_space<vmem>>
        %dma_start3A_25 = arith.constant 0 : i32
        %dma_start3A_26 = arith.constant 0 : i32
        %dma_start3A_27 = tpu.memref_slice %arg7[%dma_start3A_25, %dma_start3A_26] : memref<10000x16xf32, #tpu.memory_space<vmem_shared>> -> memref<10000x16xf32, #tpu.memory_space<vmem_shared>>
        tpu.enqueue_indirect_dma source(%arg6 : memref<80x16xf32, #tpu.memory_space<vmem>>) target(%dma_start3A_27 : memref<10000x16xf32, #tpu.memory_space<vmem_shared>>) offsets(%dma_start3A_24 : memref<80xi32, #tpu.memory_space<vmem>>) semaphore(%run_scoped3A : memref<!tpu.dma_semaphore, #tpu.memory_space<semaphore_mem>>) {add = true}
        %dma_wait3A = arith.constant 0 : i32
        %dma_wait3A_28 = tpu.memref_slice %arg5[%scan3A_22, %dma_wait3A] : memref<250x80xi32, #tpu.memory_space<vmem>> -> memref<1x80xi32, #tpu.memory_space<vmem>>
        %dma_wait3A_29 = tpu.memref_squeeze %dma_wait3A_28 : memref<1x80xi32, #tpu.memory_space<vmem>> -> memref<80xi32, #tpu.memory_space<vmem>>
        %dma_wait3A_30 = arith.constant 0 : i32
        %dma_wait3A_31 = arith.constant 0 : i32
        %dma_wait3A_32 = tpu.memref_slice %arg7[%dma_wait3A_30, %dma_wait3A_31] : memref<10000x16xf32, #tpu.memory_space<vmem_shared>> -> memref<10000x16xf32, #tpu.memory_space<vmem_shared>>
        tpu.wait_indirect_dma semaphore(%run_scoped3A : memref<!tpu.dma_semaphore, #tpu.memory_space<semaphore_mem>>) src(%arg6 : memref<80x16xf32, #tpu.memory_space<vmem>>) dst(%dma_wait3A_32 : memref<10000x16xf32, #tpu.memory_space<vmem_shared>>)
        tpu.yield
      }) : () -> ()
    }
    %scan3A_9 = arith.constant 250 : i32
    %barrier3A_10 = arith.constant 0 : index
    tpu.barrier barrier_id(%barrier3A_10)
    %mul3A_11 = arith.constant 624 : i32
    %mul3A_12 = arith.muli %arg1, %mul3A_11 : i32
    %mul3A_13 = arith.constant 10000 : i32
    %mul3A_14 = arith.muli %arg0, %mul3A_13 : i32
    %mul3A_15 = arith.constant 624 : i32
    %mul3A_16 = arith.muli %arg1, %mul3A_15 : i32
    %add3A = arith.addi %mul3A_14, %mul3A_16 : i32
    "tpu.region"() ({
      %run_scoped3A = tpu.sem_alloc : memref<!tpu.dma_semaphore, #tpu.memory_space<semaphore_mem>>
      %dma_start3A = arith.constant 0 : i32
      %dma_start3A_22 = tpu.memref_slice %arg4[%add3A, %dma_start3A] : memref<20000x16xf32, #tpu.memory_space<hbm>> -> memref<624x16xf32, #tpu.memory_space<hbm>>
      %dma_start3A_23 = arith.constant 0 : i32
      %dma_start3A_24 = tpu.memref_slice %arg7[%mul3A_12, %dma_start3A_23] : memref<10000x16xf32, #tpu.memory_space<vmem_shared>> -> memref<624x16xf32, #tpu.memory_space<vmem_shared>>
      tpu.enqueue_dma source(%dma_start3A_24 : memref<624x16xf32, #tpu.memory_space<vmem_shared>>) target(%dma_start3A_22 : memref<624x16xf32, #tpu.memory_space<hbm>>) target_semaphore(%run_scoped3A : memref<!tpu.dma_semaphore, #tpu.memory_space<semaphore_mem>>)
      %dma_wait3A = arith.constant 0 : i32
      %dma_wait3A_25 = tpu.memref_slice %arg4[%add3A, %dma_wait3A] : memref<20000x16xf32, #tpu.memory_space<hbm>> -> memref<624x16xf32, #tpu.memory_space<hbm>>
      %dma_wait3A_26 = arith.constant 0 : i32
      %dma_wait3A_27 = tpu.memref_slice %arg7[%mul3A_12, %dma_wait3A_26] : memref<10000x16xf32, #tpu.memory_space<vmem_shared>> -> memref<624x16xf32, #tpu.memory_space<vmem_shared>>
      tpu.wait_dma2 semaphore(%run_scoped3A : memref<!tpu.dma_semaphore, #tpu.memory_space<semaphore_mem>>) src(%dma_wait3A_27 : memref<624x16xf32, #tpu.memory_space<vmem_shared>>) dst(%dma_wait3A_25 : memref<624x16xf32, #tpu.memory_space<hbm>>)
      tpu.yield
    }) : () -> ()
    %eq3A_17 = arith.constant 0 : i32
    %eq3A_18 = arith.cmpi eq, %arg1, %eq3A_17 : i32
    %convert_element_type3A_19 = arith.extui %eq3A_18 : i1 to i32
    %cond3A_20 = arith.constant 0 : i32
    %cond3A_21 = arith.cmpi ne, %convert_element_type3A_19, %cond3A_20 : i32
    scf.if %cond3A_21 {
      %mul3A_22 = arith.constant 10000 : i32
      %mul3A_23 = arith.muli %arg0, %mul3A_22 : i32
      %add3A_24 = arith.constant 9984 : i32
      %add3A_25 = arith.addi %mul3A_23, %add3A_24 : i32
      "tpu.region"() ({
        %run_scoped3A = tpu.sem_alloc : memref<!tpu.dma_semaphore, #tpu.memory_space<semaphore_mem>>
        %dma_start3A = arith.constant 0 : i32
        %dma_start3A_26 = tpu.memref_slice %arg4[%add3A_25, %dma_start3A] : memref<20000x16xf32, #tpu.memory_space<hbm>> -> memref<16x16xf32, #tpu.memory_space<hbm>>
        %dma_start3A_27 = arith.constant 9984 : i32
        %dma_start3A_28 = arith.constant 0 : i32
        %dma_start3A_29 = tpu.memref_slice %arg7[%dma_start3A_27, %dma_start3A_28] : memref<10000x16xf32, #tpu.memory_space<vmem_shared>> -> memref<16x16xf32, #tpu.memory_space<vmem_shared>>
        tpu.enqueue_dma source(%dma_start3A_29 : memref<16x16xf32, #tpu.memory_space<vmem_shared>>) target(%dma_start3A_26 : memref<16x16xf32, #tpu.memory_space<hbm>>) target_semaphore(%run_scoped3A : memref<!tpu.dma_semaphore, #tpu.memory_space<semaphore_mem>>)
        %dma_wait3A = arith.constant 0 : i32
        %dma_wait3A_30 = tpu.memref_slice %arg4[%add3A_25, %dma_wait3A] : memref<20000x16xf32, #tpu.memory_space<hbm>> -> memref<16x16xf32, #tpu.memory_space<hbm>>
        %dma_wait3A_31 = arith.constant 9984 : i32
        %dma_wait3A_32 = arith.constant 0 : i32
        %dma_wait3A_33 = tpu.memref_slice %arg7[%dma_wait3A_31, %dma_wait3A_32] : memref<10000x16xf32, #tpu.memory_space<vmem_shared>> -> memref<16x16xf32, #tpu.memory_space<vmem_shared>>
        tpu.wait_dma2 semaphore(%run_scoped3A : memref<!tpu.dma_semaphore, #tpu.memory_space<semaphore_mem>>) src(%dma_wait3A_33 : memref<16x16xf32, #tpu.memory_space<vmem_shared>>) dst(%dma_wait3A_30 : memref<16x16xf32, #tpu.memory_space<hbm>>)
        tpu.yield
      }) : () -> ()
    } else {
    }
    return
  }
}

#map = affine_map<(d0, d1) -> (0, 0)>
#map1 = affine_map<(d0, d1) -> (0, 0, 0)>
module attributes {stable_mosaic.version = 14 : i64} {
  func.func @prop(%arg0: i32, %arg1: i32, %arg2: memref<20000x16xf32, #tpu.memory_space<hbm>>, %arg3: memref<16x250x80xi32, #tpu.memory_space<hbm>>, %arg4: memref<16x250x80xi32, #tpu.memory_space<hbm>>, %arg5: memref<20000x16xf32, #tpu.memory_space<hbm>>, %arg6: memref<250x80xi32, #tpu.memory_space<vmem>>, %arg7: memref<250x80xi32, #tpu.memory_space<vmem>>, %arg8: memref<80x16xf32, #tpu.memory_space<vmem>>, %arg9: memref<80x16xf32, #tpu.memory_space<vmem>>, %arg10: memref<80x16xf32, #tpu.memory_space<vmem>>, %arg11: memref<80x16xf32, #tpu.memory_space<vmem>>, %arg12: memref<80x16xf32, #tpu.memory_space<vmem>>, %arg13: memref<10000x16xf32, #tpu.memory_space<vmem_shared>>, %arg14: memref<!tpu.dma_semaphore, #tpu.memory_space<semaphore_mem>>, %arg15: memref<!tpu.dma_semaphore, #tpu.memory_space<semaphore_mem>>, %arg16: memref<!tpu.dma_semaphore, #tpu.memory_space<semaphore_mem>>, %arg17: memref<!tpu.dma_semaphore, #tpu.memory_space<semaphore_mem>>, %arg18: memref<!tpu.dma_semaphore, #tpu.memory_space<semaphore_mem>>) attributes {dimension_semantics = [#tpu.dimension_semantics<core_parallel>, #tpu.dimension_semantics<subcore_parallel>], iteration_bounds = array<i64: 2, 16>, scalar_prefetch = 0 : i64, scratch_operands = 13 : i64, tpu.core_type = #tpu.core_type<sc_vector_subcore>, window_params = [{transform_indices = #map}, {transform_indices = #map1}, {transform_indices = #map1}, {transform_indices = #map}]} {
    "tpu.region"() ({
      %run_scoped3A = tpu.sem_alloc : memref<!tpu.dma_semaphore, #tpu.memory_space<semaphore_mem>>
      %dma_start3A_60 = arith.constant 0 : i32
      %dma_start3A_61 = arith.constant 0 : i32
      %dma_start3A_62 = tpu.memref_slice %arg3[%arg1, %dma_start3A_60, %dma_start3A_61] : memref<16x250x80xi32, #tpu.memory_space<hbm>> -> memref<1x250x80xi32, #tpu.memory_space<hbm>>
      %dma_start3A_63 = tpu.memref_squeeze %dma_start3A_62 : memref<1x250x80xi32, #tpu.memory_space<hbm>> -> memref<250x80xi32, #tpu.memory_space<hbm>>
      %dma_start3A_64 = arith.constant 0 : i32
      %dma_start3A_65 = arith.constant 0 : i32
      %dma_start3A_66 = tpu.memref_slice %arg3[%arg1, %dma_start3A_64, %dma_start3A_65] : memref<16x250x80xi32, #tpu.memory_space<hbm>> -> memref<1x250x80xi32, #tpu.memory_space<hbm>>
      %dma_start3A_67 = tpu.memref_squeeze %dma_start3A_66 : memref<1x250x80xi32, #tpu.memory_space<hbm>> -> memref<250x80xi32, #tpu.memory_space<hbm>>
      tpu.enqueue_dma source(%dma_start3A_67 : memref<250x80xi32, #tpu.memory_space<hbm>>) target(%arg6 : memref<250x80xi32, #tpu.memory_space<vmem>>) target_semaphore(%run_scoped3A : memref<!tpu.dma_semaphore, #tpu.memory_space<semaphore_mem>>)
      %dma_wait3A = arith.constant 0 : i32
      %dma_wait3A_68 = arith.constant 0 : i32
      %dma_wait3A_69 = tpu.memref_slice %arg3[%arg1, %dma_wait3A, %dma_wait3A_68] : memref<16x250x80xi32, #tpu.memory_space<hbm>> -> memref<1x250x80xi32, #tpu.memory_space<hbm>>
      %dma_wait3A_70 = tpu.memref_squeeze %dma_wait3A_69 : memref<1x250x80xi32, #tpu.memory_space<hbm>> -> memref<250x80xi32, #tpu.memory_space<hbm>>
      %dma_wait3A_71 = arith.constant 0 : i32
      %dma_wait3A_72 = arith.constant 0 : i32
      %dma_wait3A_73 = tpu.memref_slice %arg3[%arg1, %dma_wait3A_71, %dma_wait3A_72] : memref<16x250x80xi32, #tpu.memory_space<hbm>> -> memref<1x250x80xi32, #tpu.memory_space<hbm>>
      %dma_wait3A_74 = tpu.memref_squeeze %dma_wait3A_73 : memref<1x250x80xi32, #tpu.memory_space<hbm>> -> memref<250x80xi32, #tpu.memory_space<hbm>>
      tpu.wait_dma2 semaphore(%run_scoped3A : memref<!tpu.dma_semaphore, #tpu.memory_space<semaphore_mem>>) src(%dma_wait3A_74 : memref<250x80xi32, #tpu.memory_space<hbm>>) dst(%arg6 : memref<250x80xi32, #tpu.memory_space<vmem>>)
      tpu.yield
    }) : () -> ()
    "tpu.region"() ({
      %run_scoped3A = tpu.sem_alloc : memref<!tpu.dma_semaphore, #tpu.memory_space<semaphore_mem>>
      %dma_start3A_60 = arith.constant 0 : i32
      %dma_start3A_61 = arith.constant 0 : i32
      %dma_start3A_62 = tpu.memref_slice %arg4[%arg1, %dma_start3A_60, %dma_start3A_61] : memref<16x250x80xi32, #tpu.memory_space<hbm>> -> memref<1x250x80xi32, #tpu.memory_space<hbm>>
      %dma_start3A_63 = tpu.memref_squeeze %dma_start3A_62 : memref<1x250x80xi32, #tpu.memory_space<hbm>> -> memref<250x80xi32, #tpu.memory_space<hbm>>
      %dma_start3A_64 = arith.constant 0 : i32
      %dma_start3A_65 = arith.constant 0 : i32
      %dma_start3A_66 = tpu.memref_slice %arg4[%arg1, %dma_start3A_64, %dma_start3A_65] : memref<16x250x80xi32, #tpu.memory_space<hbm>> -> memref<1x250x80xi32, #tpu.memory_space<hbm>>
      %dma_start3A_67 = tpu.memref_squeeze %dma_start3A_66 : memref<1x250x80xi32, #tpu.memory_space<hbm>> -> memref<250x80xi32, #tpu.memory_space<hbm>>
      tpu.enqueue_dma source(%dma_start3A_67 : memref<250x80xi32, #tpu.memory_space<hbm>>) target(%arg7 : memref<250x80xi32, #tpu.memory_space<vmem>>) target_semaphore(%run_scoped3A : memref<!tpu.dma_semaphore, #tpu.memory_space<semaphore_mem>>)
      %dma_wait3A = arith.constant 0 : i32
      %dma_wait3A_68 = arith.constant 0 : i32
      %dma_wait3A_69 = tpu.memref_slice %arg4[%arg1, %dma_wait3A, %dma_wait3A_68] : memref<16x250x80xi32, #tpu.memory_space<hbm>> -> memref<1x250x80xi32, #tpu.memory_space<hbm>>
      %dma_wait3A_70 = tpu.memref_squeeze %dma_wait3A_69 : memref<1x250x80xi32, #tpu.memory_space<hbm>> -> memref<250x80xi32, #tpu.memory_space<hbm>>
      %dma_wait3A_71 = arith.constant 0 : i32
      %dma_wait3A_72 = arith.constant 0 : i32
      %dma_wait3A_73 = tpu.memref_slice %arg4[%arg1, %dma_wait3A_71, %dma_wait3A_72] : memref<16x250x80xi32, #tpu.memory_space<hbm>> -> memref<1x250x80xi32, #tpu.memory_space<hbm>>
      %dma_wait3A_74 = tpu.memref_squeeze %dma_wait3A_73 : memref<1x250x80xi32, #tpu.memory_space<hbm>> -> memref<250x80xi32, #tpu.memory_space<hbm>>
      tpu.wait_dma2 semaphore(%run_scoped3A : memref<!tpu.dma_semaphore, #tpu.memory_space<semaphore_mem>>) src(%dma_wait3A_74 : memref<250x80xi32, #tpu.memory_space<hbm>>) dst(%arg7 : memref<250x80xi32, #tpu.memory_space<vmem>>)
      tpu.yield
    }) : () -> ()
    %mul3A = arith.constant 10000 : i32
    %mul3A_0 = arith.muli %arg0, %mul3A : i32
    %scan3A = arith.constant 0 : i32
    %scan3A_1 = arith.constant 0 : i32
    %scan3A_2 = arith.constant 250 : i32
    %scan3A_3 = arith.addi %scan3A_1, %scan3A_2 : i32
    %scan3A_4 = arith.constant 1 : i32
    scf.for %scan3A_60 = %scan3A_1 to %scan3A_3 step %scan3A_4  : i32 {
      %get3A = arith.index_cast %scan3A_60 : i32 to index
      %get3A_61 = arith.constant 0 : index
      %get3A_62 = tpu.vector_load %arg6[%get3A, %get3A_61] {strides = array<i32>} : memref<250x80xi32, #tpu.memory_space<vmem>>, vector<1x16xi32>,
      %get3A_63 = vector.shape_cast %get3A_62 : vector<1x16xi32> to vector<16xi32>
      %add3A_64 = vector.broadcast %mul3A_0 : i32 to vector<16xi32>
      %add3A_65 = arith.addi %get3A_63, %add3A_64 : vector<16xi32>
      %swap3A = arith.index_cast %scan3A_60 : i32 to index
      %swap3A_66 = arith.constant 0 : index
      %swap3A_67 = tpu.vector_load %arg6[%swap3A, %swap3A_66] {strides = array<i32>} : memref<250x80xi32, #tpu.memory_space<vmem>>, vector<1x16xi32>,
      %swap3A_68 = vector.shape_cast %swap3A_67 : vector<1x16xi32> to vector<16xi32>
      %swap3A_69 = vector.shape_cast %add3A_65 : vector<16xi32> to vector<1x16xi32>
      tpu.vector_store %arg6[%swap3A, %swap3A_66], %swap3A_69 {strides = array<i32>} : memref<250x80xi32, #tpu.memory_space<vmem>>, vector<1x16xi32>,
      %get3A_70 = arith.index_cast %scan3A_60 : i32 to index
      %get3A_71 = arith.constant 16 : index
      %get3A_72 = tpu.vector_load %arg6[%get3A_70, %get3A_71] {strides = array<i32>} : memref<250x80xi32, #tpu.memory_space<vmem>>, vector<1x16xi32>,
      %get3A_73 = vector.shape_cast %get3A_72 : vector<1x16xi32> to vector<16xi32>
      %add3A_74 = vector.broadcast %mul3A_0 : i32 to vector<16xi32>
      %add3A_75 = arith.addi %get3A_73, %add3A_74 : vector<16xi32>
      %swap3A_76 = arith.index_cast %scan3A_60 : i32 to index
      %swap3A_77 = arith.constant 16 : index
      %swap3A_78 = tpu.vector_load %arg6[%swap3A_76, %swap3A_77] {strides = array<i32>} : memref<250x80xi32, #tpu.memory_space<vmem>>, vector<1x16xi32>,
      %swap3A_79 = vector.shape_cast %swap3A_78 : vector<1x16xi32> to vector<16xi32>
      %swap3A_80 = vector.shape_cast %add3A_75 : vector<16xi32> to vector<1x16xi32>
      tpu.vector_store %arg6[%swap3A_76, %swap3A_77], %swap3A_80 {strides = array<i32>} : memref<250x80xi32, #tpu.memory_space<vmem>>, vector<1x16xi32>,
      %get3A_81 = arith.index_cast %scan3A_60 : i32 to index
      %get3A_82 = arith.constant 32 : index
      %get3A_83 = tpu.vector_load %arg6[%get3A_81, %get3A_82] {strides = array<i32>} : memref<250x80xi32, #tpu.memory_space<vmem>>, vector<1x16xi32>,
      %get3A_84 = vector.shape_cast %get3A_83 : vector<1x16xi32> to vector<16xi32>
      %add3A_85 = vector.broadcast %mul3A_0 : i32 to vector<16xi32>
      %add3A_86 = arith.addi %get3A_84, %add3A_85 : vector<16xi32>
      %swap3A_87 = arith.index_cast %scan3A_60 : i32 to index
      %swap3A_88 = arith.constant 32 : index
      %swap3A_89 = tpu.vector_load %arg6[%swap3A_87, %swap3A_88] {strides = array<i32>} : memref<250x80xi32, #tpu.memory_space<vmem>>, vector<1x16xi32>,
      %swap3A_90 = vector.shape_cast %swap3A_89 : vector<1x16xi32> to vector<16xi32>
      %swap3A_91 = vector.shape_cast %add3A_86 : vector<16xi32> to vector<1x16xi32>
      tpu.vector_store %arg6[%swap3A_87, %swap3A_88], %swap3A_91 {strides = array<i32>} : memref<250x80xi32, #tpu.memory_space<vmem>>, vector<1x16xi32>,
      %get3A_92 = arith.index_cast %scan3A_60 : i32 to index
      %get3A_93 = arith.constant 48 : index
      %get3A_94 = tpu.vector_load %arg6[%get3A_92, %get3A_93] {strides = array<i32>} : memref<250x80xi32, #tpu.memory_space<vmem>>, vector<1x16xi32>,
      %get3A_95 = vector.shape_cast %get3A_94 : vector<1x16xi32> to vector<16xi32>
      %add3A_96 = vector.broadcast %mul3A_0 : i32 to vector<16xi32>
      %add3A_97 = arith.addi %get3A_95, %add3A_96 : vector<16xi32>
      %swap3A_98 = arith.index_cast %scan3A_60 : i32 to index
      %swap3A_99 = arith.constant 48 : index
      %swap3A_100 = tpu.vector_load %arg6[%swap3A_98, %swap3A_99] {strides = array<i32>} : memref<250x80xi32, #tpu.memory_space<vmem>>, vector<1x16xi32>,
      %swap3A_101 = vector.shape_cast %swap3A_100 : vector<1x16xi32> to vector<16xi32>
      %swap3A_102 = vector.shape_cast %add3A_97 : vector<16xi32> to vector<1x16xi32>
      tpu.vector_store %arg6[%swap3A_98, %swap3A_99], %swap3A_102 {strides = array<i32>} : memref<250x80xi32, #tpu.memory_space<vmem>>, vector<1x16xi32>,
      %get3A_103 = arith.index_cast %scan3A_60 : i32 to index
      %get3A_104 = arith.constant 64 : index
      %get3A_105 = tpu.vector_load %arg6[%get3A_103, %get3A_104] {strides = array<i32>} : memref<250x80xi32, #tpu.memory_space<vmem>>, vector<1x16xi32>,
      %get3A_106 = vector.shape_cast %get3A_105 : vector<1x16xi32> to vector<16xi32>
      %add3A_107 = vector.broadcast %mul3A_0 : i32 to vector<16xi32>
      %add3A_108 = arith.addi %get3A_106, %add3A_107 : vector<16xi32>
      %swap3A_109 = arith.index_cast %scan3A_60 : i32 to index
      %swap3A_110 = arith.constant 64 : index
      %swap3A_111 = tpu.vector_load %arg6[%swap3A_109, %swap3A_110] {strides = array<i32>} : memref<250x80xi32, #tpu.memory_space<vmem>>, vector<1x16xi32>,
      %swap3A_112 = vector.shape_cast %swap3A_111 : vector<1x16xi32> to vector<16xi32>
      %swap3A_113 = vector.shape_cast %add3A_108 : vector<16xi32> to vector<1x16xi32>
      tpu.vector_store %arg6[%swap3A_109, %swap3A_110], %swap3A_113 {strides = array<i32>} : memref<250x80xi32, #tpu.memory_space<vmem>>, vector<1x16xi32>,
    }
    %scan3A_5 = arith.constant 250 : i32
    %mul3A_6 = arith.constant 10000 : i32
    %mul3A_7 = arith.muli %arg0, %mul3A_6 : i32
    %mul3A_8 = arith.constant 624 : i32
    %mul3A_9 = arith.muli %arg1, %mul3A_8 : i32
    %add3A = arith.addi %mul3A_7, %mul3A_9 : i32
    %mul3A_10 = arith.constant 624 : i32
    %mul3A_11 = arith.muli %arg1, %mul3A_10 : i32
    "tpu.region"() ({
      %run_scoped3A = tpu.sem_alloc : memref<!tpu.dma_semaphore, #tpu.memory_space<semaphore_mem>>
      %dma_start3A_60 = arith.constant 0 : i32
      %dma_start3A_61 = tpu.memref_slice %arg13[%mul3A_11, %dma_start3A_60] : memref<10000x16xf32, #tpu.memory_space<vmem_shared>> -> memref<624x16xf32, #tpu.memory_space<vmem_shared>>
      %dma_start3A_62 = arith.constant 0 : i32
      %dma_start3A_63 = tpu.memref_slice %arg2[%add3A, %dma_start3A_62] : memref<20000x16xf32, #tpu.memory_space<hbm>> -> memref<624x16xf32, #tpu.memory_space<hbm>>
      tpu.enqueue_dma source(%dma_start3A_63 : memref<624x16xf32, #tpu.memory_space<hbm>>) target(%dma_start3A_61 : memref<624x16xf32, #tpu.memory_space<vmem_shared>>) target_semaphore(%run_scoped3A : memref<!tpu.dma_semaphore, #tpu.memory_space<semaphore_mem>>)
      %dma_wait3A = arith.constant 0 : i32
      %dma_wait3A_64 = tpu.memref_slice %arg13[%mul3A_11, %dma_wait3A] : memref<10000x16xf32, #tpu.memory_space<vmem_shared>> -> memref<624x16xf32, #tpu.memory_space<vmem_shared>>
      %dma_wait3A_65 = arith.constant 0 : i32
      %dma_wait3A_66 = tpu.memref_slice %arg2[%add3A, %dma_wait3A_65] : memref<20000x16xf32, #tpu.memory_space<hbm>> -> memref<624x16xf32, #tpu.memory_space<hbm>>
      tpu.wait_dma2 semaphore(%run_scoped3A : memref<!tpu.dma_semaphore, #tpu.memory_space<semaphore_mem>>) src(%dma_wait3A_66 : memref<624x16xf32, #tpu.memory_space<hbm>>) dst(%dma_wait3A_64 : memref<624x16xf32, #tpu.memory_space<vmem_shared>>)
      tpu.yield
    }) : () -> ()
    %eq3A = arith.constant 0 : i32
    %eq3A_12 = arith.cmpi eq, %arg1, %eq3A : i32
    %convert_element_type3A = arith.extui %eq3A_12 : i1 to i32
    %cond3A = arith.constant 0 : i32
    %cond3A_13 = arith.cmpi ne, %convert_element_type3A, %cond3A : i32
    scf.if %cond3A_13 {
      %mul3A_60 = arith.constant 10000 : i32
      %mul3A_61 = arith.muli %arg0, %mul3A_60 : i32
      %add3A_62 = arith.constant 9984 : i32
      %add3A_63 = arith.addi %mul3A_61, %add3A_62 : i32
      "tpu.region"() ({
        %run_scoped3A = tpu.sem_alloc : memref<!tpu.dma_semaphore, #tpu.memory_space<semaphore_mem>>
        %dma_start3A_64 = arith.constant 9984 : i32
        %dma_start3A_65 = arith.constant 0 : i32
        %dma_start3A_66 = tpu.memref_slice %arg13[%dma_start3A_64, %dma_start3A_65] : memref<10000x16xf32, #tpu.memory_space<vmem_shared>> -> memref<16x16xf32, #tpu.memory_space<vmem_shared>>
        %dma_start3A_67 = arith.constant 0 : i32
        %dma_start3A_68 = tpu.memref_slice %arg2[%add3A_63, %dma_start3A_67] : memref<20000x16xf32, #tpu.memory_space<hbm>> -> memref<16x16xf32, #tpu.memory_space<hbm>>
        tpu.enqueue_dma source(%dma_start3A_68 : memref<16x16xf32, #tpu.memory_space<hbm>>) target(%dma_start3A_66 : memref<16x16xf32, #tpu.memory_space<vmem_shared>>) target_semaphore(%run_scoped3A : memref<!tpu.dma_semaphore, #tpu.memory_space<semaphore_mem>>)
        %dma_wait3A = arith.constant 9984 : i32
        %dma_wait3A_69 = arith.constant 0 : i32
        %dma_wait3A_70 = tpu.memref_slice %arg13[%dma_wait3A, %dma_wait3A_69] : memref<10000x16xf32, #tpu.memory_space<vmem_shared>> -> memref<16x16xf32, #tpu.memory_space<vmem_shared>>
        %dma_wait3A_71 = arith.constant 0 : i32
        %dma_wait3A_72 = tpu.memref_slice %arg2[%add3A_63, %dma_wait3A_71] : memref<20000x16xf32, #tpu.memory_space<hbm>> -> memref<16x16xf32, #tpu.memory_space<hbm>>
        tpu.wait_dma2 semaphore(%run_scoped3A : memref<!tpu.dma_semaphore, #tpu.memory_space<semaphore_mem>>) src(%dma_wait3A_72 : memref<16x16xf32, #tpu.memory_space<hbm>>) dst(%dma_wait3A_70 : memref<16x16xf32, #tpu.memory_space<vmem_shared>>)
        tpu.yield
      }) : () -> ()
    } else {
    }
    %barrier3A = arith.constant 0 : index
    tpu.barrier barrier_id(%barrier3A)
    %dma_start3A = arith.constant 0 : i32
    %dma_start3A_14 = arith.constant 0 : i32
    %dma_start3A_15 = tpu.memref_slice %arg6[%dma_start3A, %dma_start3A_14] : memref<250x80xi32, #tpu.memory_space<vmem>> -> memref<1x80xi32, #tpu.memory_space<vmem>>
    %dma_start3A_16 = tpu.memref_squeeze %dma_start3A_15 : memref<1x80xi32, #tpu.memory_space<vmem>> -> memref<80xi32, #tpu.memory_space<vmem>>
    %dma_start3A_17 = arith.constant 0 : i32
    %dma_start3A_18 = arith.constant 0 : i32
    %dma_start3A_19 = tpu.memref_slice %arg2[%dma_start3A_17, %dma_start3A_18] : memref<20000x16xf32, #tpu.memory_space<hbm>> -> memref<20000x16xf32, #tpu.memory_space<hbm>>
    tpu.enqueue_indirect_dma source(%dma_start3A_19 : memref<20000x16xf32, #tpu.memory_space<hbm>>) target(%arg8 : memref<80x16xf32, #tpu.memory_space<vmem>>) offsets(%dma_start3A_16 : memref<80xi32, #tpu.memory_space<vmem>>) semaphore(%arg14 : memref<!tpu.dma_semaphore, #tpu.memory_space<semaphore_mem>>)
    %dma_start3A_20 = arith.constant 1 : i32
    %dma_start3A_21 = arith.constant 0 : i32
    %dma_start3A_22 = tpu.memref_slice %arg6[%dma_start3A_20, %dma_start3A_21] : memref<250x80xi32, #tpu.memory_space<vmem>> -> memref<1x80xi32, #tpu.memory_space<vmem>>
    %dma_start3A_23 = tpu.memref_squeeze %dma_start3A_22 : memref<1x80xi32, #tpu.memory_space<vmem>> -> memref<80xi32, #tpu.memory_space<vmem>>
    %dma_start3A_24 = arith.constant 0 : i32
    %dma_start3A_25 = arith.constant 0 : i32
    %dma_start3A_26 = tpu.memref_slice %arg2[%dma_start3A_24, %dma_start3A_25] : memref<20000x16xf32, #tpu.memory_space<hbm>> -> memref<20000x16xf32, #tpu.memory_space<hbm>>
    tpu.enqueue_indirect_dma source(%dma_start3A_26 : memref<20000x16xf32, #tpu.memory_space<hbm>>) target(%arg9 : memref<80x16xf32, #tpu.memory_space<vmem>>) offsets(%dma_start3A_23 : memref<80xi32, #tpu.memory_space<vmem>>) semaphore(%arg15 : memref<!tpu.dma_semaphore, #tpu.memory_space<semaphore_mem>>)
    %dma_start3A_27 = arith.constant 2 : i32
    %dma_start3A_28 = arith.constant 0 : i32
    %dma_start3A_29 = tpu.memref_slice %arg6[%dma_start3A_27, %dma_start3A_28] : memref<250x80xi32, #tpu.memory_space<vmem>> -> memref<1x80xi32, #tpu.memory_space<vmem>>
    %dma_start3A_30 = tpu.memref_squeeze %dma_start3A_29 : memref<1x80xi32, #tpu.memory_space<vmem>> -> memref<80xi32, #tpu.memory_space<vmem>>
    %dma_start3A_31 = arith.constant 0 : i32
    %dma_start3A_32 = arith.constant 0 : i32
    %dma_start3A_33 = tpu.memref_slice %arg2[%dma_start3A_31, %dma_start3A_32] : memref<20000x16xf32, #tpu.memory_space<hbm>> -> memref<20000x16xf32, #tpu.memory_space<hbm>>
    tpu.enqueue_indirect_dma source(%dma_start3A_33 : memref<20000x16xf32, #tpu.memory_space<hbm>>) target(%arg10 : memref<80x16xf32, #tpu.memory_space<vmem>>) offsets(%dma_start3A_30 : memref<80xi32, #tpu.memory_space<vmem>>) semaphore(%arg16 : memref<!tpu.dma_semaphore, #tpu.memory_space<semaphore_mem>>)
    %dma_start3A_34 = arith.constant 3 : i32
    %dma_start3A_35 = arith.constant 0 : i32
    %dma_start3A_36 = tpu.memref_slice %arg6[%dma_start3A_34, %dma_start3A_35] : memref<250x80xi32, #tpu.memory_space<vmem>> -> memref<1x80xi32, #tpu.memory_space<vmem>>
    %dma_start3A_37 = tpu.memref_squeeze %dma_start3A_36 : memref<1x80xi32, #tpu.memory_space<vmem>> -> memref<80xi32, #tpu.memory_space<vmem>>
    %dma_start3A_38 = arith.constant 0 : i32
    %dma_start3A_39 = arith.constant 0 : i32
    %dma_start3A_40 = tpu.memref_slice %arg2[%dma_start3A_38, %dma_start3A_39] : memref<20000x16xf32, #tpu.memory_space<hbm>> -> memref<20000x16xf32, #tpu.memory_space<hbm>>
    tpu.enqueue_indirect_dma source(%dma_start3A_40 : memref<20000x16xf32, #tpu.memory_space<hbm>>) target(%arg11 : memref<80x16xf32, #tpu.memory_space<vmem>>) offsets(%dma_start3A_37 : memref<80xi32, #tpu.memory_space<vmem>>) semaphore(%arg17 : memref<!tpu.dma_semaphore, #tpu.memory_space<semaphore_mem>>)
    %scan3A_41 = arith.constant 0 : i32
    %scan3A_42 = arith.constant 0 : i32
    %scan3A_43 = arith.constant 50 : i32
    %scan3A_44 = arith.addi %scan3A_42, %scan3A_43 : i32
    %scan3A_45 = arith.constant 1 : i32
    scf.for %scan3A_60 = %scan3A_42 to %scan3A_44 step %scan3A_45  : i32 {
      %mul3A_61 = arith.constant 5 : i32
      %mul3A_62 = arith.muli %scan3A_60, %mul3A_61 : i32
      %dma_wait3A = arith.constant 0 : i32
      %dma_wait3A_63 = arith.constant 0 : i32
      %dma_wait3A_64 = tpu.memref_slice %arg6[%dma_wait3A, %dma_wait3A_63] : memref<250x80xi32, #tpu.memory_space<vmem>> -> memref<1x80xi32, #tpu.memory_space<vmem>>
      %dma_wait3A_65 = tpu.memref_squeeze %dma_wait3A_64 : memref<1x80xi32, #tpu.memory_space<vmem>> -> memref<80xi32, #tpu.memory_space<vmem>>
      %dma_wait3A_66 = arith.constant 0 : i32
      %dma_wait3A_67 = arith.constant 0 : i32
      %dma_wait3A_68 = tpu.memref_slice %arg2[%dma_wait3A_66, %dma_wait3A_67] : memref<20000x16xf32, #tpu.memory_space<hbm>> -> memref<20000x16xf32, #tpu.memory_space<hbm>>
      tpu.wait_indirect_dma semaphore(%arg14 : memref<!tpu.dma_semaphore, #tpu.memory_space<semaphore_mem>>) src(%dma_wait3A_68 : memref<20000x16xf32, #tpu.memory_space<hbm>>) dst(%arg8 : memref<80x16xf32, #tpu.memory_space<vmem>>)
      %add3A_69 = arith.constant 0 : i32
      %add3A_70 = arith.addi %mul3A_62, %add3A_69 : i32
      %add3A_71 = arith.constant 5 : i32
      %add3A_72 = arith.addi %add3A_70, %add3A_71 : i32
      %sub3A = arith.constant 1 : i32
      %sub3A_73 = arith.subi %add3A_72, %sub3A : i32
      %lt3A = arith.constant 250 : i32
      %lt3A_74 = arith.cmpi slt, %sub3A_73, %lt3A : i32
      %convert_element_type3A_75 = arith.extui %lt3A_74 : i1 to i32
      %cond3A_76 = arith.constant 0 : i32
      %cond3A_77 = arith.cmpi ne, %convert_element_type3A_75, %cond3A_76 : i32
      scf.if %cond3A_77 {
        %add3A_160 = arith.constant 0 : i32
        %add3A_161 = arith.addi %mul3A_62, %add3A_160 : i32
        %add3A_162 = arith.constant 5 : i32
        %add3A_163 = arith.addi %add3A_161, %add3A_162 : i32
        %sub3A_164 = arith.constant 1 : i32
        %sub3A_165 = arith.subi %add3A_163, %sub3A_164 : i32
        %dma_start3A_166 = arith.constant 0 : i32
        %dma_start3A_167 = tpu.memref_slice %arg6[%sub3A_165, %dma_start3A_166] : memref<250x80xi32, #tpu.memory_space<vmem>> -> memref<1x80xi32, #tpu.memory_space<vmem>>
        %dma_start3A_168 = tpu.memref_squeeze %dma_start3A_167 : memref<1x80xi32, #tpu.memory_space<vmem>> -> memref<80xi32, #tpu.memory_space<vmem>>
        %dma_start3A_169 = arith.constant 0 : i32
        %dma_start3A_170 = arith.constant 0 : i32
        %dma_start3A_171 = tpu.memref_slice %arg2[%dma_start3A_169, %dma_start3A_170] : memref<20000x16xf32, #tpu.memory_space<hbm>> -> memref<20000x16xf32, #tpu.memory_space<hbm>>
        tpu.enqueue_indirect_dma source(%dma_start3A_171 : memref<20000x16xf32, #tpu.memory_space<hbm>>) target(%arg12 : memref<80x16xf32, #tpu.memory_space<vmem>>) offsets(%dma_start3A_168 : memref<80xi32, #tpu.memory_space<vmem>>) semaphore(%arg18 : memref<!tpu.dma_semaphore, #tpu.memory_space<semaphore_mem>>)
      } else {
      }
      %add3A_78 = arith.constant 0 : i32
      %add3A_79 = arith.addi %mul3A_62, %add3A_78 : i32
      "tpu.region"() ({
        %run_scoped3A = tpu.sem_alloc : memref<!tpu.dma_semaphore, #tpu.memory_space<semaphore_mem>>
        %dma_start3A_160 = arith.constant 0 : i32
        %dma_start3A_161 = tpu.memref_slice %arg7[%add3A_79, %dma_start3A_160] : memref<250x80xi32, #tpu.memory_space<vmem>> -> memref<1x80xi32, #tpu.memory_space<vmem>>
        %dma_start3A_162 = tpu.memref_squeeze %dma_start3A_161 : memref<1x80xi32, #tpu.memory_space<vmem>> -> memref<80xi32, #tpu.memory_space<vmem>>
        %dma_start3A_163 = arith.constant 0 : i32
        %dma_start3A_164 = arith.constant 0 : i32
        %dma_start3A_165 = tpu.memref_slice %arg13[%dma_start3A_163, %dma_start3A_164] : memref<10000x16xf32, #tpu.memory_space<vmem_shared>> -> memref<10000x16xf32, #tpu.memory_space<vmem_shared>>
        tpu.enqueue_indirect_dma source(%arg8 : memref<80x16xf32, #tpu.memory_space<vmem>>) target(%dma_start3A_165 : memref<10000x16xf32, #tpu.memory_space<vmem_shared>>) offsets(%dma_start3A_162 : memref<80xi32, #tpu.memory_space<vmem>>) semaphore(%run_scoped3A : memref<!tpu.dma_semaphore, #tpu.memory_space<semaphore_mem>>) {add = true}
        %dma_wait3A_166 = arith.constant 0 : i32
        %dma_wait3A_167 = tpu.memref_slice %arg7[%add3A_79, %dma_wait3A_166] : memref<250x80xi32, #tpu.memory_space<vmem>> -> memref<1x80xi32, #tpu.memory_space<vmem>>
        %dma_wait3A_168 = tpu.memref_squeeze %dma_wait3A_167 : memref<1x80xi32, #tpu.memory_space<vmem>> -> memref<80xi32, #tpu.memory_space<vmem>>
        %dma_wait3A_169 = arith.constant 0 : i32
        %dma_wait3A_170 = arith.constant 0 : i32
        %dma_wait3A_171 = tpu.memref_slice %arg13[%dma_wait3A_169, %dma_wait3A_170] : memref<10000x16xf32, #tpu.memory_space<vmem_shared>> -> memref<10000x16xf32, #tpu.memory_space<vmem_shared>>
        tpu.wait_indirect_dma semaphore(%run_scoped3A : memref<!tpu.dma_semaphore, #tpu.memory_space<semaphore_mem>>) src(%arg8 : memref<80x16xf32, #tpu.memory_space<vmem>>) dst(%dma_wait3A_171 : memref<10000x16xf32, #tpu.memory_space<vmem_shared>>)
        tpu.yield
      }) : () -> ()
      %dma_wait3A_80 = arith.constant 0 : i32
      %dma_wait3A_81 = arith.constant 0 : i32
      %dma_wait3A_82 = tpu.memref_slice %arg6[%dma_wait3A_80, %dma_wait3A_81] : memref<250x80xi32, #tpu.memory_space<vmem>> -> memref<1x80xi32, #tpu.memory_space<vmem>>
      %dma_wait3A_83 = tpu.memref_squeeze %dma_wait3A_82 : memref<1x80xi32, #tpu.memory_space<vmem>> -> memref<80xi32, #tpu.memory_space<vmem>>
      %dma_wait3A_84 = arith.constant 0 : i32
      %dma_wait3A_85 = arith.constant 0 : i32
      %dma_wait3A_86 = tpu.memref_slice %arg2[%dma_wait3A_84, %dma_wait3A_85] : memref<20000x16xf32, #tpu.memory_space<hbm>> -> memref<20000x16xf32, #tpu.memory_space<hbm>>
      tpu.wait_indirect_dma semaphore(%arg15 : memref<!tpu.dma_semaphore, #tpu.memory_space<semaphore_mem>>) src(%dma_wait3A_86 : memref<20000x16xf32, #tpu.memory_space<hbm>>) dst(%arg9 : memref<80x16xf32, #tpu.memory_space<vmem>>)
      %add3A_87 = arith.constant 1 : i32
      %add3A_88 = arith.addi %mul3A_62, %add3A_87 : i32
      %add3A_89 = arith.constant 5 : i32
      %add3A_90 = arith.addi %add3A_88, %add3A_89 : i32
      %sub3A_91 = arith.constant 1 : i32
      %sub3A_92 = arith.subi %add3A_90, %sub3A_91 : i32
      %lt3A_93 = arith.constant 250 : i32
      %lt3A_94 = arith.cmpi slt, %sub3A_92, %lt3A_93 : i32
      %convert_element_type3A_95 = arith.extui %lt3A_94 : i1 to i32
      %cond3A_96 = arith.constant 0 : i32
      %cond3A_97 = arith.cmpi ne, %convert_element_type3A_95, %cond3A_96 : i32
      scf.if %cond3A_97 {
        %add3A_160 = arith.constant 1 : i32
        %add3A_161 = arith.addi %mul3A_62, %add3A_160 : i32
        %add3A_162 = arith.constant 5 : i32
        %add3A_163 = arith.addi %add3A_161, %add3A_162 : i32
        %sub3A_164 = arith.constant 1 : i32
        %sub3A_165 = arith.subi %add3A_163, %sub3A_164 : i32
        %dma_start3A_166 = arith.constant 0 : i32
        %dma_start3A_167 = tpu.memref_slice %arg6[%sub3A_165, %dma_start3A_166] : memref<250x80xi32, #tpu.memory_space<vmem>> -> memref<1x80xi32, #tpu.memory_space<vmem>>
        %dma_start3A_168 = tpu.memref_squeeze %dma_start3A_167 : memref<1x80xi32, #tpu.memory_space<vmem>> -> memref<80xi32, #tpu.memory_space<vmem>>
        %dma_start3A_169 = arith.constant 0 : i32
        %dma_start3A_170 = arith.constant 0 : i32
        %dma_start3A_171 = tpu.memref_slice %arg2[%dma_start3A_169, %dma_start3A_170] : memref<20000x16xf32, #tpu.memory_space<hbm>> -> memref<20000x16xf32, #tpu.memory_space<hbm>>
        tpu.enqueue_indirect_dma source(%dma_start3A_171 : memref<20000x16xf32, #tpu.memory_space<hbm>>) target(%arg8 : memref<80x16xf32, #tpu.memory_space<vmem>>) offsets(%dma_start3A_168 : memref<80xi32, #tpu.memory_space<vmem>>) semaphore(%arg14 : memref<!tpu.dma_semaphore, #tpu.memory_space<semaphore_mem>>)
      } else {
      }
      %add3A_98 = arith.constant 1 : i32
      %add3A_99 = arith.addi %mul3A_62, %add3A_98 : i32
      "tpu.region"() ({
        %run_scoped3A = tpu.sem_alloc : memref<!tpu.dma_semaphore, #tpu.memory_space<semaphore_mem>>
        %dma_start3A_160 = arith.constant 0 : i32
        %dma_start3A_161 = tpu.memref_slice %arg7[%add3A_99, %dma_start3A_160] : memref<250x80xi32, #tpu.memory_space<vmem>> -> memref<1x80xi32, #tpu.memory_space<vmem>>
        %dma_start3A_162 = tpu.memref_squeeze %dma_start3A_161 : memref<1x80xi32, #tpu.memory_space<vmem>> -> memref<80xi32, #tpu.memory_space<vmem>>
        %dma_start3A_163 = arith.constant 0 : i32
        %dma_start3A_164 = arith.constant 0 : i32
        %dma_start3A_165 = tpu.memref_slice %arg13[%dma_start3A_163, %dma_start3A_164] : memref<10000x16xf32, #tpu.memory_space<vmem_shared>> -> memref<10000x16xf32, #tpu.memory_space<vmem_shared>>
        tpu.enqueue_indirect_dma source(%arg9 : memref<80x16xf32, #tpu.memory_space<vmem>>) target(%dma_start3A_165 : memref<10000x16xf32, #tpu.memory_space<vmem_shared>>) offsets(%dma_start3A_162 : memref<80xi32, #tpu.memory_space<vmem>>) semaphore(%run_scoped3A : memref<!tpu.dma_semaphore, #tpu.memory_space<semaphore_mem>>) {add = true}
        %dma_wait3A_166 = arith.constant 0 : i32
        %dma_wait3A_167 = tpu.memref_slice %arg7[%add3A_99, %dma_wait3A_166] : memref<250x80xi32, #tpu.memory_space<vmem>> -> memref<1x80xi32, #tpu.memory_space<vmem>>
        %dma_wait3A_168 = tpu.memref_squeeze %dma_wait3A_167 : memref<1x80xi32, #tpu.memory_space<vmem>> -> memref<80xi32, #tpu.memory_space<vmem>>
        %dma_wait3A_169 = arith.constant 0 : i32
        %dma_wait3A_170 = arith.constant 0 : i32
        %dma_wait3A_171 = tpu.memref_slice %arg13[%dma_wait3A_169, %dma_wait3A_170] : memref<10000x16xf32, #tpu.memory_space<vmem_shared>> -> memref<10000x16xf32, #tpu.memory_space<vmem_shared>>
        tpu.wait_indirect_dma semaphore(%run_scoped3A : memref<!tpu.dma_semaphore, #tpu.memory_space<semaphore_mem>>) src(%arg9 : memref<80x16xf32, #tpu.memory_space<vmem>>) dst(%dma_wait3A_171 : memref<10000x16xf32, #tpu.memory_space<vmem_shared>>)
        tpu.yield
      }) : () -> ()
      %dma_wait3A_100 = arith.constant 0 : i32
      %dma_wait3A_101 = arith.constant 0 : i32
      %dma_wait3A_102 = tpu.memref_slice %arg6[%dma_wait3A_100, %dma_wait3A_101] : memref<250x80xi32, #tpu.memory_space<vmem>> -> memref<1x80xi32, #tpu.memory_space<vmem>>
      %dma_wait3A_103 = tpu.memref_squeeze %dma_wait3A_102 : memref<1x80xi32, #tpu.memory_space<vmem>> -> memref<80xi32, #tpu.memory_space<vmem>>
      %dma_wait3A_104 = arith.constant 0 : i32
      %dma_wait3A_105 = arith.constant 0 : i32
      %dma_wait3A_106 = tpu.memref_slice %arg2[%dma_wait3A_104, %dma_wait3A_105] : memref<20000x16xf32, #tpu.memory_space<hbm>> -> memref<20000x16xf32, #tpu.memory_space<hbm>>
      tpu.wait_indirect_dma semaphore(%arg16 : memref<!tpu.dma_semaphore, #tpu.memory_space<semaphore_mem>>) src(%dma_wait3A_106 : memref<20000x16xf32, #tpu.memory_space<hbm>>) dst(%arg10 : memref<80x16xf32, #tpu.memory_space<vmem>>)
      %add3A_107 = arith.constant 2 : i32
      %add3A_108 = arith.addi %mul3A_62, %add3A_107 : i32
      %add3A_109 = arith.constant 5 : i32
      %add3A_110 = arith.addi %add3A_108, %add3A_109 : i32
      %sub3A_111 = arith.constant 1 : i32
      %sub3A_112 = arith.subi %add3A_110, %sub3A_111 : i32
      %lt3A_113 = arith.constant 250 : i32
      %lt3A_114 = arith.cmpi slt, %sub3A_112, %lt3A_113 : i32
      %convert_element_type3A_115 = arith.extui %lt3A_114 : i1 to i32
      %cond3A_116 = arith.constant 0 : i32
      %cond3A_117 = arith.cmpi ne, %convert_element_type3A_115, %cond3A_116 : i32
      scf.if %cond3A_117 {
        %add3A_160 = arith.constant 2 : i32
        %add3A_161 = arith.addi %mul3A_62, %add3A_160 : i32
        %add3A_162 = arith.constant 5 : i32
        %add3A_163 = arith.addi %add3A_161, %add3A_162 : i32
        %sub3A_164 = arith.constant 1 : i32
        %sub3A_165 = arith.subi %add3A_163, %sub3A_164 : i32
        %dma_start3A_166 = arith.constant 0 : i32
        %dma_start3A_167 = tpu.memref_slice %arg6[%sub3A_165, %dma_start3A_166] : memref<250x80xi32, #tpu.memory_space<vmem>> -> memref<1x80xi32, #tpu.memory_space<vmem>>
        %dma_start3A_168 = tpu.memref_squeeze %dma_start3A_167 : memref<1x80xi32, #tpu.memory_space<vmem>> -> memref<80xi32, #tpu.memory_space<vmem>>
        %dma_start3A_169 = arith.constant 0 : i32
        %dma_start3A_170 = arith.constant 0 : i32
        %dma_start3A_171 = tpu.memref_slice %arg2[%dma_start3A_169, %dma_start3A_170] : memref<20000x16xf32, #tpu.memory_space<hbm>> -> memref<20000x16xf32, #tpu.memory_space<hbm>>
        tpu.enqueue_indirect_dma source(%dma_start3A_171 : memref<20000x16xf32, #tpu.memory_space<hbm>>) target(%arg9 : memref<80x16xf32, #tpu.memory_space<vmem>>) offsets(%dma_start3A_168 : memref<80xi32, #tpu.memory_space<vmem>>) semaphore(%arg15 : memref<!tpu.dma_semaphore, #tpu.memory_space<semaphore_mem>>)
      } else {
      }
      %add3A_118 = arith.constant 2 : i32
      %add3A_119 = arith.addi %mul3A_62, %add3A_118 : i32
      "tpu.region"() ({
        %run_scoped3A = tpu.sem_alloc : memref<!tpu.dma_semaphore, #tpu.memory_space<semaphore_mem>>
        %dma_start3A_160 = arith.constant 0 : i32
        %dma_start3A_161 = tpu.memref_slice %arg7[%add3A_119, %dma_start3A_160] : memref<250x80xi32, #tpu.memory_space<vmem>> -> memref<1x80xi32, #tpu.memory_space<vmem>>
        %dma_start3A_162 = tpu.memref_squeeze %dma_start3A_161 : memref<1x80xi32, #tpu.memory_space<vmem>> -> memref<80xi32, #tpu.memory_space<vmem>>
        %dma_start3A_163 = arith.constant 0 : i32
        %dma_start3A_164 = arith.constant 0 : i32
        %dma_start3A_165 = tpu.memref_slice %arg13[%dma_start3A_163, %dma_start3A_164] : memref<10000x16xf32, #tpu.memory_space<vmem_shared>> -> memref<10000x16xf32, #tpu.memory_space<vmem_shared>>
        tpu.enqueue_indirect_dma source(%arg10 : memref<80x16xf32, #tpu.memory_space<vmem>>) target(%dma_start3A_165 : memref<10000x16xf32, #tpu.memory_space<vmem_shared>>) offsets(%dma_start3A_162 : memref<80xi32, #tpu.memory_space<vmem>>) semaphore(%run_scoped3A : memref<!tpu.dma_semaphore, #tpu.memory_space<semaphore_mem>>) {add = true}
        %dma_wait3A_166 = arith.constant 0 : i32
        %dma_wait3A_167 = tpu.memref_slice %arg7[%add3A_119, %dma_wait3A_166] : memref<250x80xi32, #tpu.memory_space<vmem>> -> memref<1x80xi32, #tpu.memory_space<vmem>>
        %dma_wait3A_168 = tpu.memref_squeeze %dma_wait3A_167 : memref<1x80xi32, #tpu.memory_space<vmem>> -> memref<80xi32, #tpu.memory_space<vmem>>
        %dma_wait3A_169 = arith.constant 0 : i32
        %dma_wait3A_170 = arith.constant 0 : i32
        %dma_wait3A_171 = tpu.memref_slice %arg13[%dma_wait3A_169, %dma_wait3A_170] : memref<10000x16xf32, #tpu.memory_space<vmem_shared>> -> memref<10000x16xf32, #tpu.memory_space<vmem_shared>>
        tpu.wait_indirect_dma semaphore(%run_scoped3A : memref<!tpu.dma_semaphore, #tpu.memory_space<semaphore_mem>>) src(%arg10 : memref<80x16xf32, #tpu.memory_space<vmem>>) dst(%dma_wait3A_171 : memref<10000x16xf32, #tpu.memory_space<vmem_shared>>)
        tpu.yield
      }) : () -> ()
      %dma_wait3A_120 = arith.constant 0 : i32
      %dma_wait3A_121 = arith.constant 0 : i32
      %dma_wait3A_122 = tpu.memref_slice %arg6[%dma_wait3A_120, %dma_wait3A_121] : memref<250x80xi32, #tpu.memory_space<vmem>> -> memref<1x80xi32, #tpu.memory_space<vmem>>
      %dma_wait3A_123 = tpu.memref_squeeze %dma_wait3A_122 : memref<1x80xi32, #tpu.memory_space<vmem>> -> memref<80xi32, #tpu.memory_space<vmem>>
      %dma_wait3A_124 = arith.constant 0 : i32
      %dma_wait3A_125 = arith.constant 0 : i32
      %dma_wait3A_126 = tpu.memref_slice %arg2[%dma_wait3A_124, %dma_wait3A_125] : memref<20000x16xf32, #tpu.memory_space<hbm>> -> memref<20000x16xf32, #tpu.memory_space<hbm>>
      tpu.wait_indirect_dma semaphore(%arg17 : memref<!tpu.dma_semaphore, #tpu.memory_space<semaphore_mem>>) src(%dma_wait3A_126 : memref<20000x16xf32, #tpu.memory_space<hbm>>) dst(%arg11 : memref<80x16xf32, #tpu.memory_space<vmem>>)
      %add3A_127 = arith.constant 3 : i32
      %add3A_128 = arith.addi %mul3A_62, %add3A_127 : i32
      %add3A_129 = arith.constant 5 : i32
      %add3A_130 = arith.addi %add3A_128, %add3A_129 : i32
      %sub3A_131 = arith.constant 1 : i32
      %sub3A_132 = arith.subi %add3A_130, %sub3A_131 : i32
      %lt3A_133 = arith.constant 250 : i32
      %lt3A_134 = arith.cmpi slt, %sub3A_132, %lt3A_133 : i32
      %convert_element_type3A_135 = arith.extui %lt3A_134 : i1 to i32
      %cond3A_136 = arith.constant 0 : i32
      %cond3A_137 = arith.cmpi ne, %convert_element_type3A_135, %cond3A_136 : i32
      scf.if %cond3A_137 {
        %add3A_160 = arith.constant 3 : i32
        %add3A_161 = arith.addi %mul3A_62, %add3A_160 : i32
        %add3A_162 = arith.constant 5 : i32
        %add3A_163 = arith.addi %add3A_161, %add3A_162 : i32
        %sub3A_164 = arith.constant 1 : i32
        %sub3A_165 = arith.subi %add3A_163, %sub3A_164 : i32
        %dma_start3A_166 = arith.constant 0 : i32
        %dma_start3A_167 = tpu.memref_slice %arg6[%sub3A_165, %dma_start3A_166] : memref<250x80xi32, #tpu.memory_space<vmem>> -> memref<1x80xi32, #tpu.memory_space<vmem>>
        %dma_start3A_168 = tpu.memref_squeeze %dma_start3A_167 : memref<1x80xi32, #tpu.memory_space<vmem>> -> memref<80xi32, #tpu.memory_space<vmem>>
        %dma_start3A_169 = arith.constant 0 : i32
        %dma_start3A_170 = arith.constant 0 : i32
        %dma_start3A_171 = tpu.memref_slice %arg2[%dma_start3A_169, %dma_start3A_170] : memref<20000x16xf32, #tpu.memory_space<hbm>> -> memref<20000x16xf32, #tpu.memory_space<hbm>>
        tpu.enqueue_indirect_dma source(%dma_start3A_171 : memref<20000x16xf32, #tpu.memory_space<hbm>>) target(%arg10 : memref<80x16xf32, #tpu.memory_space<vmem>>) offsets(%dma_start3A_168 : memref<80xi32, #tpu.memory_space<vmem>>) semaphore(%arg16 : memref<!tpu.dma_semaphore, #tpu.memory_space<semaphore_mem>>)
      } else {
      }
      %add3A_138 = arith.constant 3 : i32
      %add3A_139 = arith.addi %mul3A_62, %add3A_138 : i32
      "tpu.region"() ({
        %run_scoped3A = tpu.sem_alloc : memref<!tpu.dma_semaphore, #tpu.memory_space<semaphore_mem>>
        %dma_start3A_160 = arith.constant 0 : i32
        %dma_start3A_161 = tpu.memref_slice %arg7[%add3A_139, %dma_start3A_160] : memref<250x80xi32, #tpu.memory_space<vmem>> -> memref<1x80xi32, #tpu.memory_space<vmem>>
        %dma_start3A_162 = tpu.memref_squeeze %dma_start3A_161 : memref<1x80xi32, #tpu.memory_space<vmem>> -> memref<80xi32, #tpu.memory_space<vmem>>
        %dma_start3A_163 = arith.constant 0 : i32
        %dma_start3A_164 = arith.constant 0 : i32
        %dma_start3A_165 = tpu.memref_slice %arg13[%dma_start3A_163, %dma_start3A_164] : memref<10000x16xf32, #tpu.memory_space<vmem_shared>> -> memref<10000x16xf32, #tpu.memory_space<vmem_shared>>
        tpu.enqueue_indirect_dma source(%arg11 : memref<80x16xf32, #tpu.memory_space<vmem>>) target(%dma_start3A_165 : memref<10000x16xf32, #tpu.memory_space<vmem_shared>>) offsets(%dma_start3A_162 : memref<80xi32, #tpu.memory_space<vmem>>) semaphore(%run_scoped3A : memref<!tpu.dma_semaphore, #tpu.memory_space<semaphore_mem>>) {add = true}
        %dma_wait3A_166 = arith.constant 0 : i32
        %dma_wait3A_167 = tpu.memref_slice %arg7[%add3A_139, %dma_wait3A_166] : memref<250x80xi32, #tpu.memory_space<vmem>> -> memref<1x80xi32, #tpu.memory_space<vmem>>
        %dma_wait3A_168 = tpu.memref_squeeze %dma_wait3A_167 : memref<1x80xi32, #tpu.memory_space<vmem>> -> memref<80xi32, #tpu.memory_space<vmem>>
        %dma_wait3A_169 = arith.constant 0 : i32
        %dma_wait3A_170 = arith.constant 0 : i32
        %dma_wait3A_171 = tpu.memref_slice %arg13[%dma_wait3A_169, %dma_wait3A_170] : memref<10000x16xf32, #tpu.memory_space<vmem_shared>> -> memref<10000x16xf32, #tpu.memory_space<vmem_shared>>
        tpu.wait_indirect_dma semaphore(%run_scoped3A : memref<!tpu.dma_semaphore, #tpu.memory_space<semaphore_mem>>) src(%arg11 : memref<80x16xf32, #tpu.memory_space<vmem>>) dst(%dma_wait3A_171 : memref<10000x16xf32, #tpu.memory_space<vmem_shared>>)
        tpu.yield
      }) : () -> ()
      %dma_wait3A_140 = arith.constant 0 : i32
      %dma_wait3A_141 = arith.constant 0 : i32
      %dma_wait3A_142 = tpu.memref_slice %arg6[%dma_wait3A_140, %dma_wait3A_141] : memref<250x80xi32, #tpu.memory_space<vmem>> -> memref<1x80xi32, #tpu.memory_space<vmem>>
      %dma_wait3A_143 = tpu.memref_squeeze %dma_wait3A_142 : memref<1x80xi32, #tpu.memory_space<vmem>> -> memref<80xi32, #tpu.memory_space<vmem>>
      %dma_wait3A_144 = arith.constant 0 : i32
      %dma_wait3A_145 = arith.constant 0 : i32
      %dma_wait3A_146 = tpu.memref_slice %arg2[%dma_wait3A_144, %dma_wait3A_145] : memref<20000x16xf32, #tpu.memory_space<hbm>> -> memref<20000x16xf32, #tpu.memory_space<hbm>>
      tpu.wait_indirect_dma semaphore(%arg18 : memref<!tpu.dma_semaphore, #tpu.memory_space<semaphore_mem>>) src(%dma_wait3A_146 : memref<20000x16xf32, #tpu.memory_space<hbm>>) dst(%arg12 : memref<80x16xf32, #tpu.memory_space<vmem>>)
      %add3A_147 = arith.constant 4 : i32
      %add3A_148 = arith.addi %mul3A_62, %add3A_147 : i32
      %add3A_149 = arith.constant 5 : i32
      %add3A_150 = arith.addi %add3A_148, %add3A_149 : i32
      %sub3A_151 = arith.constant 1 : i32
      %sub3A_152 = arith.subi %add3A_150, %sub3A_151 : i32
      %lt3A_153 = arith.constant 250 : i32
      %lt3A_154 = arith.cmpi slt, %sub3A_152, %lt3A_153 : i32
      %convert_element_type3A_155 = arith.extui %lt3A_154 : i1 to i32
      %cond3A_156 = arith.constant 0 : i32
      %cond3A_157 = arith.cmpi ne, %convert_element_type3A_155, %cond3A_156 : i32
      scf.if %cond3A_157 {
        %add3A_160 = arith.constant 4 : i32
        %add3A_161 = arith.addi %mul3A_62, %add3A_160 : i32
        %add3A_162 = arith.constant 5 : i32
        %add3A_163 = arith.addi %add3A_161, %add3A_162 : i32
        %sub3A_164 = arith.constant 1 : i32
        %sub3A_165 = arith.subi %add3A_163, %sub3A_164 : i32
        %dma_start3A_166 = arith.constant 0 : i32
        %dma_start3A_167 = tpu.memref_slice %arg6[%sub3A_165, %dma_start3A_166] : memref<250x80xi32, #tpu.memory_space<vmem>> -> memref<1x80xi32, #tpu.memory_space<vmem>>
        %dma_start3A_168 = tpu.memref_squeeze %dma_start3A_167 : memref<1x80xi32, #tpu.memory_space<vmem>> -> memref<80xi32, #tpu.memory_space<vmem>>
        %dma_start3A_169 = arith.constant 0 : i32
        %dma_start3A_170 = arith.constant 0 : i32
        %dma_start3A_171 = tpu.memref_slice %arg2[%dma_start3A_169, %dma_start3A_170] : memref<20000x16xf32, #tpu.memory_space<hbm>> -> memref<20000x16xf32, #tpu.memory_space<hbm>>
        tpu.enqueue_indirect_dma source(%dma_start3A_171 : memref<20000x16xf32, #tpu.memory_space<hbm>>) target(%arg11 : memref<80x16xf32, #tpu.memory_space<vmem>>) offsets(%dma_start3A_168 : memref<80xi32, #tpu.memory_space<vmem>>) semaphore(%arg17 : memref<!tpu.dma_semaphore, #tpu.memory_space<semaphore_mem>>)
      } else {
      }
      %add3A_158 = arith.constant 4 : i32
      %add3A_159 = arith.addi %mul3A_62, %add3A_158 : i32
      "tpu.region"() ({
        %run_scoped3A = tpu.sem_alloc : memref<!tpu.dma_semaphore, #tpu.memory_space<semaphore_mem>>
        %dma_start3A_160 = arith.constant 0 : i32
        %dma_start3A_161 = tpu.memref_slice %arg7[%add3A_159, %dma_start3A_160] : memref<250x80xi32, #tpu.memory_space<vmem>> -> memref<1x80xi32, #tpu.memory_space<vmem>>
        %dma_start3A_162 = tpu.memref_squeeze %dma_start3A_161 : memref<1x80xi32, #tpu.memory_space<vmem>> -> memref<80xi32, #tpu.memory_space<vmem>>
        %dma_start3A_163 = arith.constant 0 : i32
        %dma_start3A_164 = arith.constant 0 : i32
        %dma_start3A_165 = tpu.memref_slice %arg13[%dma_start3A_163, %dma_start3A_164] : memref<10000x16xf32, #tpu.memory_space<vmem_shared>> -> memref<10000x16xf32, #tpu.memory_space<vmem_shared>>
        tpu.enqueue_indirect_dma source(%arg12 : memref<80x16xf32, #tpu.memory_space<vmem>>) target(%dma_start3A_165 : memref<10000x16xf32, #tpu.memory_space<vmem_shared>>) offsets(%dma_start3A_162 : memref<80xi32, #tpu.memory_space<vmem>>) semaphore(%run_scoped3A : memref<!tpu.dma_semaphore, #tpu.memory_space<semaphore_mem>>) {add = true}
        %dma_wait3A_166 = arith.constant 0 : i32
        %dma_wait3A_167 = tpu.memref_slice %arg7[%add3A_159, %dma_wait3A_166] : memref<250x80xi32, #tpu.memory_space<vmem>> -> memref<1x80xi32, #tpu.memory_space<vmem>>
        %dma_wait3A_168 = tpu.memref_squeeze %dma_wait3A_167 : memref<1x80xi32, #tpu.memory_space<vmem>> -> memref<80xi32, #tpu.memory_space<vmem>>
        %dma_wait3A_169 = arith.constant 0 : i32
        %dma_wait3A_170 = arith.constant 0 : i32
        %dma_wait3A_171 = tpu.memref_slice %arg13[%dma_wait3A_169, %dma_wait3A_170] : memref<10000x16xf32, #tpu.memory_space<vmem_shared>> -> memref<10000x16xf32, #tpu.memory_space<vmem_shared>>
        tpu.wait_indirect_dma semaphore(%run_scoped3A : memref<!tpu.dma_semaphore, #tpu.memory_space<semaphore_mem>>) src(%arg12 : memref<80x16xf32, #tpu.memory_space<vmem>>) dst(%dma_wait3A_171 : memref<10000x16xf32, #tpu.memory_space<vmem_shared>>)
        tpu.yield
      }) : () -> ()
    }
    %scan3A_46 = arith.constant 50 : i32
    %barrier3A_47 = arith.constant 0 : index
    tpu.barrier barrier_id(%barrier3A_47)
    %mul3A_48 = arith.constant 624 : i32
    %mul3A_49 = arith.muli %arg1, %mul3A_48 : i32
    %mul3A_50 = arith.constant 10000 : i32
    %mul3A_51 = arith.muli %arg0, %mul3A_50 : i32
    %mul3A_52 = arith.constant 624 : i32
    %mul3A_53 = arith.muli %arg1, %mul3A_52 : i32
    %add3A_54 = arith.addi %mul3A_51, %mul3A_53 : i32
    "tpu.region"() ({
      %run_scoped3A = tpu.sem_alloc : memref<!tpu.dma_semaphore, #tpu.memory_space<semaphore_mem>>
      %dma_start3A_60 = arith.constant 0 : i32
      %dma_start3A_61 = tpu.memref_slice %arg5[%add3A_54, %dma_start3A_60] : memref<20000x16xf32, #tpu.memory_space<hbm>> -> memref<624x16xf32, #tpu.memory_space<hbm>>
      %dma_start3A_62 = arith.constant 0 : i32
      %dma_start3A_63 = tpu.memref_slice %arg13[%mul3A_49, %dma_start3A_62] : memref<10000x16xf32, #tpu.memory_space<vmem_shared>> -> memref<624x16xf32, #tpu.memory_space<vmem_shared>>
      tpu.enqueue_dma source(%dma_start3A_63 : memref<624x16xf32, #tpu.memory_space<vmem_shared>>) target(%dma_start3A_61 : memref<624x16xf32, #tpu.memory_space<hbm>>) target_semaphore(%run_scoped3A : memref<!tpu.dma_semaphore, #tpu.memory_space<semaphore_mem>>)
      %dma_wait3A = arith.constant 0 : i32
      %dma_wait3A_64 = tpu.memref_slice %arg5[%add3A_54, %dma_wait3A] : memref<20000x16xf32, #tpu.memory_space<hbm>> -> memref<624x16xf32, #tpu.memory_space<hbm>>
      %dma_wait3A_65 = arith.constant 0 : i32
      %dma_wait3A_66 = tpu.memref_slice %arg13[%mul3A_49, %dma_wait3A_65] : memref<10000x16xf32, #tpu.memory_space<vmem_shared>> -> memref<624x16xf32, #tpu.memory_space<vmem_shared>>
      tpu.wait_dma2 semaphore(%run_scoped3A : memref<!tpu.dma_semaphore, #tpu.memory_space<semaphore_mem>>) src(%dma_wait3A_66 : memref<624x16xf32, #tpu.memory_space<vmem_shared>>) dst(%dma_wait3A_64 : memref<624x16xf32, #tpu.memory_space<hbm>>)
      tpu.yield
    }) : () -> ()
    %eq3A_55 = arith.constant 0 : i32
    %eq3A_56 = arith.cmpi eq, %arg1, %eq3A_55 : i32
    %convert_element_type3A_57 = arith.extui %eq3A_56 : i1 to i32
    %cond3A_58 = arith.constant 0 : i32
    %cond3A_59 = arith.cmpi ne, %convert_element_type3A_57, %cond3A_58 : i32
    scf.if %cond3A_59 {
      %mul3A_60 = arith.constant 10000 : i32
      %mul3A_61 = arith.muli %arg0, %mul3A_60 : i32
      %add3A_62 = arith.constant 9984 : i32
      %add3A_63 = arith.addi %mul3A_61, %add3A_62 : i32
      "tpu.region"() ({
        %run_scoped3A = tpu.sem_alloc : memref<!tpu.dma_semaphore, #tpu.memory_space<semaphore_mem>>
        %dma_start3A_64 = arith.constant 0 : i32
        %dma_start3A_65 = tpu.memref_slice %arg5[%add3A_63, %dma_start3A_64] : memref<20000x16xf32, #tpu.memory_space<hbm>> -> memref<16x16xf32, #tpu.memory_space<hbm>>
        %dma_start3A_66 = arith.constant 9984 : i32
        %dma_start3A_67 = arith.constant 0 : i32
        %dma_start3A_68 = tpu.memref_slice %arg13[%dma_start3A_66, %dma_start3A_67] : memref<10000x16xf32, #tpu.memory_space<vmem_shared>> -> memref<16x16xf32, #tpu.memory_space<vmem_shared>>
        tpu.enqueue_dma source(%dma_start3A_68 : memref<16x16xf32, #tpu.memory_space<vmem_shared>>) target(%dma_start3A_65 : memref<16x16xf32, #tpu.memory_space<hbm>>) target_semaphore(%run_scoped3A : memref<!tpu.dma_semaphore, #tpu.memory_space<semaphore_mem>>)
        %dma_wait3A = arith.constant 0 : i32
        %dma_wait3A_69 = tpu.memref_slice %arg5[%add3A_63, %dma_wait3A] : memref<20000x16xf32, #tpu.memory_space<hbm>> -> memref<16x16xf32, #tpu.memory_space<hbm>>
        %dma_wait3A_70 = arith.constant 9984 : i32
        %dma_wait3A_71 = arith.constant 0 : i32
        %dma_wait3A_72 = tpu.memref_slice %arg13[%dma_wait3A_70, %dma_wait3A_71] : memref<10000x16xf32, #tpu.memory_space<vmem_shared>> -> memref<16x16xf32, #tpu.memory_space<vmem_shared>>
        tpu.wait_dma2 semaphore(%run_scoped3A : memref<!tpu.dma_semaphore, #tpu.memory_space<semaphore_mem>>) src(%dma_wait3A_72 : memref<16x16xf32, #tpu.memory_space<vmem_shared>>) dst(%dma_wait3A_69 : memref<16x16xf32, #tpu.memory_space<hbm>>)
        tpu.yield
      }) : () -> ()
    } else {
    }
    return
  }
}

module attributes {stable_mosaic.version = 14 : i64} {
  func.func @_scale_body(%arg0: i32, %arg1: memref<1000x128xf32, #tpu.memory_space<vmem>>, %arg2: memref<1000x1xf32, #tpu.memory_space<vmem>>, %arg3: memref<2x1000x64xf32, #tpu.memory_space<vmem>>) attributes {dimension_semantics = [#tpu.dimension_semantics<arbitrary>], iteration_bounds = array<i64: 10>, scalar_prefetch = 0 : i64, scratch_operands = 0 : i64, tpu.core_type = #tpu.core_type<tc>, window_params = [{transform_indices = @transform_0, window_bounds = array<i64: 1000, 128>}, {transform_indices = @transform_1, window_bounds = array<i64: 1000, 1>}, {transform_indices = @transform_2, window_bounds = array<i64: 2, 1000, 64>}]} {
    %get3A = arith.constant 0 : index
    %get3A_0 = arith.constant 0 : index
    %get3A_1 = vector.load %arg2[%get3A, %get3A_0] : memref<1000x1xf32, #tpu.memory_space<vmem>>, vector<1000x1xf32>
    %rsqrt3A = math.rsqrt %get3A_1 : vector<1000x1xf32>
    %get3A_2 = arith.constant 0 : index
    %get3A_3 = arith.constant 0 : index
    %get3A_4 = vector.load %arg1[%get3A_2, %get3A_3] : memref<1000x128xf32, #tpu.memory_space<vmem>>, vector<1000x128xf32>
    %mul3A = vector.broadcast %rsqrt3A : vector<1000x1xf32> to vector<1000x128xf32>
    %mul3A_5 = arith.mulf %get3A_4, %mul3A : vector<1000x128xf32>
    %slice3A = vector.extract_strided_slice %mul3A_5 {offsets = [0, 0], sizes = [1000, 64], strides = [1, 1]} : vector<1000x128xf32> to vector<1000x64xf32>
    %swap3A = arith.constant 0 : index
    %swap3A_6 = arith.constant 0 : index
    %swap3A_7 = arith.constant 0 : index
    %swap3A_8 = vector.load %arg3[%swap3A, %swap3A_6, %swap3A_7] : memref<2x1000x64xf32, #tpu.memory_space<vmem>>, vector<1x1000x64xf32>
    %swap3A_9 = vector.shape_cast %swap3A_8 : vector<1x1000x64xf32> to vector<1000x64xf32>
    %swap3A_10 = vector.shape_cast %slice3A : vector<1000x64xf32> to vector<1x1000x64xf32>
    tpu.vector_store %arg3[%swap3A, %swap3A_6, %swap3A_7], %swap3A_10 {strides = array<i32>} : memref<2x1000x64xf32, #tpu.memory_space<vmem>>, vector<1x1000x64xf32>,
    %slice3A_11 = vector.extract_strided_slice %mul3A_5 {offsets = [0, 64], sizes = [1000, 64], strides = [1, 1]} : vector<1000x128xf32> to vector<1000x64xf32>
    %swap3A_12 = arith.constant 1 : index
    %swap3A_13 = arith.constant 0 : index
    %swap3A_14 = arith.constant 0 : index
    %swap3A_15 = vector.load %arg3[%swap3A_12, %swap3A_13, %swap3A_14] : memref<2x1000x64xf32, #tpu.memory_space<vmem>>, vector<1x1000x64xf32>
    %swap3A_16 = vector.shape_cast %swap3A_15 : vector<1x1000x64xf32> to vector<1000x64xf32>
    %swap3A_17 = vector.shape_cast %slice3A_11 : vector<1000x64xf32> to vector<1x1000x64xf32>
    tpu.vector_store %arg3[%swap3A_12, %swap3A_13, %swap3A_14], %swap3A_17 {strides = array<i32>} : memref<2x1000x64xf32, #tpu.memory_space<vmem>>, vector<1x1000x64xf32>,
    return
  }
  func.func @transform_0(%arg0: i32) -> (i32, i32) {
    %c0_i32 = arith.constant 0 : i32
    %c0_i32_0 = arith.constant 0 : i32
    return %arg0, %c0_i32 : i32, i32
  }
  func.func @transform_1(%arg0: i32) -> (i32, i32) {
    %c0_i32 = arith.constant 0 : i32
    %c0_i32_0 = arith.constant 0 : i32
    return %arg0, %c0_i32 : i32, i32
  }
  func.func @transform_2(%arg0: i32) -> (i32, i32, i32) {
    %c0_i32 = arith.constant 0 : i32
    %c0_i32_0 = arith.constant 0 : i32
    %c0_i32_1 = arith.constant 0 : i32
    return %c0_i32, %arg0, %c0_i32_0 : i32, i32, i32
  }
}

module attributes {stable_mosaic.version = 14 : i64} {
  func.func @_layer12_body(%arg0: i32, %arg1: memref<2x1000x64xf32, #tpu.memory_space<vmem>>, %arg2: memref<1000x1xf32, #tpu.memory_space<vmem>>, %arg3: memref<128x800xf32, #tpu.memory_space<vmem>>, %arg4: memref<1x800xf32, #tpu.memory_space<vmem>>, %arg5: memref<800x400xf32, #tpu.memory_space<vmem>>, %arg6: memref<6x1000x64xf32, #tpu.memory_space<vmem>>, %arg7: memref<2x1000x16xf32, #tpu.memory_space<vmem>>) attributes {dimension_semantics = [#tpu.dimension_semantics<arbitrary>], iteration_bounds = array<i64: 10>, scalar_prefetch = 0 : i64, scratch_operands = 0 : i64, tpu.core_type = #tpu.core_type<tc>, window_params = [{transform_indices = @transform_0, window_bounds = array<i64: 2, 1000, 64>}, {transform_indices = @transform_1, window_bounds = array<i64: 1000, 1>}, {pipeline_mode = #tpu.pipeline_mode<synchronous>, transform_indices = @transform_2, window_bounds = array<i64: 128, 800>}, {pipeline_mode = #tpu.pipeline_mode<synchronous>, transform_indices = @transform_3, window_bounds = array<i64: 1, 800>}, {pipeline_mode = #tpu.pipeline_mode<synchronous>, transform_indices = @transform_4, window_bounds = array<i64: 800, 400>}, {transform_indices = @transform_5, window_bounds = array<i64: 6, 1000, 64>}, {transform_indices = @transform_6, window_bounds = array<i64: 2, 1000, 16>}]} {
    %get3A = arith.constant 0 : index
    %get3A_0 = arith.constant 0 : index
    %get3A_1 = vector.load %arg2[%get3A, %get3A_0] : memref<1000x1xf32, #tpu.memory_space<vmem>>, vector<1000x1xf32>
    %rsqrt3A = math.rsqrt %get3A_1 : vector<1000x1xf32>
    %get3A_2 = arith.constant 0 : index
    %get3A_3 = arith.constant 0 : index
    %get3A_4 = arith.constant 0 : index
    %get3A_5 = vector.load %arg1[%get3A_2, %get3A_3, %get3A_4] : memref<2x1000x64xf32, #tpu.memory_space<vmem>>, vector<1x1000x64xf32>
    %get3A_6 = vector.shape_cast %get3A_5 : vector<1x1000x64xf32> to vector<1000x64xf32>
    %get3A_7 = arith.constant 1 : index
    %get3A_8 = arith.constant 0 : index
    %get3A_9 = arith.constant 0 : index
    %get3A_10 = vector.load %arg1[%get3A_7, %get3A_8, %get3A_9] : memref<2x1000x64xf32, #tpu.memory_space<vmem>>, vector<1x1000x64xf32>
    %get3A_11 = vector.shape_cast %get3A_10 : vector<1x1000x64xf32> to vector<1000x64xf32>
    %concatenate3A = tpu.concatenate %get3A_6, %get3A_11 in 1 : vector<1000x64xf32>, vector<1000x64xf32> -> vector<1000x128xf32>
    %mul3A = vector.broadcast %rsqrt3A : vector<1000x1xf32> to vector<1000x128xf32>
    %mul3A_12 = arith.mulf %concatenate3A, %mul3A : vector<1000x128xf32>
    %get3A_13 = arith.constant 0 : index
    %get3A_14 = arith.constant 0 : index
    %get3A_15 = vector.load %arg3[%get3A_13, %get3A_14] : memref<128x800xf32, #tpu.memory_space<vmem>>, vector<128x800xf32>
    %dot_general3A = arith.constant dense<0.000000e+00> : vector<1000x800xf32>
    %dot_general3A_16 = tpu.matmul %mul3A_12, %get3A_15, %dot_general3A {dimension_numbers = #tpu.dot_dimension_numbers<[1], [0], [0], [1], [0, 0, 1, 1], [], []>, transpose_lhs_hint = false} : vector<1000x128xf32>, vector<128x800xf32>, vector<1000x800xf32> -> vector<1000x800xf32>
    %get3A_17 = arith.constant 0 : index
    %get3A_18 = arith.constant 0 : index
    %get3A_19 = vector.load %arg4[%get3A_17, %get3A_18] : memref<1x800xf32, #tpu.memory_space<vmem>>, vector<1x800xf32>
    %add3A = vector.broadcast %get3A_19 : vector<1x800xf32> to vector<1000x800xf32>
    %add3A_20 = arith.addf %dot_general3A_16, %add3A : vector<1000x800xf32>
    %max3A = arith.constant 0.000000e+00 : f32
    %max3A_21 = vector.broadcast %max3A : f32 to vector<1000x800xf32>
    %max3A_22 = arith.maximumf %add3A_20, %max3A_21 : vector<1000x800xf32>
    %get3A_23 = arith.constant 0 : index
    %get3A_24 = arith.constant 0 : index
    %get3A_25 = vector.load %arg5[%get3A_23, %get3A_24] : memref<800x400xf32, #tpu.memory_space<vmem>>, vector<800x400xf32>
    %dot_general3A_26 = arith.constant dense<0.000000e+00> : vector<1000x400xf32>
    %dot_general3A_27 = tpu.matmul %max3A_22, %get3A_25, %dot_general3A_26 {dimension_numbers = #tpu.dot_dimension_numbers<[1], [0], [0], [1], [0, 0, 1, 1], [], []>, transpose_lhs_hint = false} : vector<1000x800xf32>, vector<800x400xf32>, vector<1000x400xf32> -> vector<1000x400xf32>
    %mul3A_28 = vector.broadcast %rsqrt3A : vector<1000x1xf32> to vector<1000x400xf32>
    %mul3A_29 = arith.mulf %dot_general3A_27, %mul3A_28 : vector<1000x400xf32>
    %slice3A = vector.extract_strided_slice %mul3A_29 {offsets = [0, 0], sizes = [1000, 64], strides = [1, 1]} : vector<1000x400xf32> to vector<1000x64xf32>
    %swap3A = arith.constant 0 : index
    %swap3A_30 = arith.constant 0 : index
    %swap3A_31 = arith.constant 0 : index
    %swap3A_32 = vector.load %arg6[%swap3A, %swap3A_30, %swap3A_31] : memref<6x1000x64xf32, #tpu.memory_space<vmem>>, vector<1x1000x64xf32>
    %swap3A_33 = vector.shape_cast %swap3A_32 : vector<1x1000x64xf32> to vector<1000x64xf32>
    %swap3A_34 = vector.shape_cast %slice3A : vector<1000x64xf32> to vector<1x1000x64xf32>
    tpu.vector_store %arg6[%swap3A, %swap3A_30, %swap3A_31], %swap3A_34 {strides = array<i32>} : memref<6x1000x64xf32, #tpu.memory_space<vmem>>, vector<1x1000x64xf32>,
    %slice3A_35 = vector.extract_strided_slice %mul3A_29 {offsets = [0, 64], sizes = [1000, 64], strides = [1, 1]} : vector<1000x400xf32> to vector<1000x64xf32>
    %swap3A_36 = arith.constant 1 : index
    %swap3A_37 = arith.constant 0 : index
    %swap3A_38 = arith.constant 0 : index
    %swap3A_39 = vector.load %arg6[%swap3A_36, %swap3A_37, %swap3A_38] : memref<6x1000x64xf32, #tpu.memory_space<vmem>>, vector<1x1000x64xf32>
    %swap3A_40 = vector.shape_cast %swap3A_39 : vector<1x1000x64xf32> to vector<1000x64xf32>
    %swap3A_41 = vector.shape_cast %slice3A_35 : vector<1000x64xf32> to vector<1x1000x64xf32>
    tpu.vector_store %arg6[%swap3A_36, %swap3A_37, %swap3A_38], %swap3A_41 {strides = array<i32>} : memref<6x1000x64xf32, #tpu.memory_space<vmem>>, vector<1x1000x64xf32>,
    %slice3A_42 = vector.extract_strided_slice %mul3A_29 {offsets = [0, 128], sizes = [1000, 64], strides = [1, 1]} : vector<1000x400xf32> to vector<1000x64xf32>
    %swap3A_43 = arith.constant 2 : index
    %swap3A_44 = arith.constant 0 : index
    %swap3A_45 = arith.constant 0 : index
    %swap3A_46 = vector.load %arg6[%swap3A_43, %swap3A_44, %swap3A_45] : memref<6x1000x64xf32, #tpu.memory_space<vmem>>, vector<1x1000x64xf32>
    %swap3A_47 = vector.shape_cast %swap3A_46 : vector<1x1000x64xf32> to vector<1000x64xf32>
    %swap3A_48 = vector.shape_cast %slice3A_42 : vector<1000x64xf32> to vector<1x1000x64xf32>
    tpu.vector_store %arg6[%swap3A_43, %swap3A_44, %swap3A_45], %swap3A_48 {strides = array<i32>} : memref<6x1000x64xf32, #tpu.memory_space<vmem>>, vector<1x1000x64xf32>,
    %slice3A_49 = vector.extract_strided_slice %mul3A_29 {offsets = [0, 192], sizes = [1000, 64], strides = [1, 1]} : vector<1000x400xf32> to vector<1000x64xf32>
    %swap3A_50 = arith.constant 3 : index
    %swap3A_51 = arith.constant 0 : index
    %swap3A_52 = arith.constant 0 : index
    %swap3A_53 = vector.load %arg6[%swap3A_50, %swap3A_51, %swap3A_52] : memref<6x1000x64xf32, #tpu.memory_space<vmem>>, vector<1x1000x64xf32>
    %swap3A_54 = vector.shape_cast %swap3A_53 : vector<1x1000x64xf32> to vector<1000x64xf32>
    %swap3A_55 = vector.shape_cast %slice3A_49 : vector<1000x64xf32> to vector<1x1000x64xf32>
    tpu.vector_store %arg6[%swap3A_50, %swap3A_51, %swap3A_52], %swap3A_55 {strides = array<i32>} : memref<6x1000x64xf32, #tpu.memory_space<vmem>>, vector<1x1000x64xf32>,
    %slice3A_56 = vector.extract_strided_slice %mul3A_29 {offsets = [0, 256], sizes = [1000, 64], strides = [1, 1]} : vector<1000x400xf32> to vector<1000x64xf32>
    %swap3A_57 = arith.constant 4 : index
    %swap3A_58 = arith.constant 0 : index
    %swap3A_59 = arith.constant 0 : index
    %swap3A_60 = vector.load %arg6[%swap3A_57, %swap3A_58, %swap3A_59] : memref<6x1000x64xf32, #tpu.memory_space<vmem>>, vector<1x1000x64xf32>
    %swap3A_61 = vector.shape_cast %swap3A_60 : vector<1x1000x64xf32> to vector<1000x64xf32>
    %swap3A_62 = vector.shape_cast %slice3A_56 : vector<1000x64xf32> to vector<1x1000x64xf32>
    tpu.vector_store %arg6[%swap3A_57, %swap3A_58, %swap3A_59], %swap3A_62 {strides = array<i32>} : memref<6x1000x64xf32, #tpu.memory_space<vmem>>, vector<1x1000x64xf32>,
    %slice3A_63 = vector.extract_strided_slice %mul3A_29 {offsets = [0, 320], sizes = [1000, 64], strides = [1, 1]} : vector<1000x400xf32> to vector<1000x64xf32>
    %swap3A_64 = arith.constant 5 : index
    %swap3A_65 = arith.constant 0 : index
    %swap3A_66 = arith.constant 0 : index
    %swap3A_67 = vector.load %arg6[%swap3A_64, %swap3A_65, %swap3A_66] : memref<6x1000x64xf32, #tpu.memory_space<vmem>>, vector<1x1000x64xf32>
    %swap3A_68 = vector.shape_cast %swap3A_67 : vector<1x1000x64xf32> to vector<1000x64xf32>
    %swap3A_69 = vector.shape_cast %slice3A_63 : vector<1000x64xf32> to vector<1x1000x64xf32>
    tpu.vector_store %arg6[%swap3A_64, %swap3A_65, %swap3A_66], %swap3A_69 {strides = array<i32>} : memref<6x1000x64xf32, #tpu.memory_space<vmem>>, vector<1x1000x64xf32>,
    %broadcast_in_dim3A = arith.constant 0.000000e+00 : f32
    %broadcast_in_dim3A_70 = vector.broadcast %broadcast_in_dim3A : f32 to vector<1000x8xf32>
    %slice3A_71 = vector.extract_strided_slice %mul3A_29 {offsets = [0, 384], sizes = [1000, 8], strides = [1, 1]} : vector<1000x400xf32> to vector<1000x8xf32>
    %concatenate3A_72 = tpu.concatenate %slice3A_71, %broadcast_in_dim3A_70 in 1 : vector<1000x8xf32>, vector<1000x8xf32> -> vector<1000x16xf32>
    %swap3A_73 = arith.constant 0 : index
    %swap3A_74 = arith.constant 0 : index
    %swap3A_75 = arith.constant 0 : index
    %swap3A_76 = vector.load %arg7[%swap3A_73, %swap3A_74, %swap3A_75] : memref<2x1000x16xf32, #tpu.memory_space<vmem>>, vector<1x1000x16xf32>
    %swap3A_77 = vector.shape_cast %swap3A_76 : vector<1x1000x16xf32> to vector<1000x16xf32>
    %swap3A_78 = vector.shape_cast %concatenate3A_72 : vector<1000x16xf32> to vector<1x1000x16xf32>
    tpu.vector_store %arg7[%swap3A_73, %swap3A_74, %swap3A_75], %swap3A_78 {strides = array<i32>} : memref<2x1000x16xf32, #tpu.memory_space<vmem>>, vector<1x1000x16xf32>,
    %slice3A_79 = vector.extract_strided_slice %mul3A_29 {offsets = [0, 392], sizes = [1000, 8], strides = [1, 1]} : vector<1000x400xf32> to vector<1000x8xf32>
    %concatenate3A_80 = tpu.concatenate %slice3A_79, %broadcast_in_dim3A_70 in 1 : vector<1000x8xf32>, vector<1000x8xf32> -> vector<1000x16xf32>
    %swap3A_81 = arith.constant 1 : index
    %swap3A_82 = arith.constant 0 : index
    %swap3A_83 = arith.constant 0 : index
    %swap3A_84 = vector.load %arg7[%swap3A_81, %swap3A_82, %swap3A_83] : memref<2x1000x16xf32, #tpu.memory_space<vmem>>, vector<1x1000x16xf32>
    %swap3A_85 = vector.shape_cast %swap3A_84 : vector<1x1000x16xf32> to vector<1000x16xf32>
    %swap3A_86 = vector.shape_cast %concatenate3A_80 : vector<1000x16xf32> to vector<1x1000x16xf32>
    tpu.vector_store %arg7[%swap3A_81, %swap3A_82, %swap3A_83], %swap3A_86 {strides = array<i32>} : memref<2x1000x16xf32, #tpu.memory_space<vmem>>, vector<1x1000x16xf32>,
    return
  }
  func.func @transform_0(%arg0: i32) -> (i32, i32, i32) {
    %c0_i32 = arith.constant 0 : i32
    %c0_i32_0 = arith.constant 0 : i32
    %c0_i32_1 = arith.constant 0 : i32
    return %c0_i32, %arg0, %c0_i32_0 : i32, i32, i32
  }
  func.func @transform_1(%arg0: i32) -> (i32, i32) {
    %c0_i32 = arith.constant 0 : i32
    %c0_i32_0 = arith.constant 0 : i32
    return %arg0, %c0_i32 : i32, i32
  }
  func.func @transform_2(%arg0: i32) -> (i32, i32) {
    %c0_i32 = arith.constant 0 : i32
    %c0_i32_0 = arith.constant 0 : i32
    %c0_i32_1 = arith.constant 0 : i32
    return %c0_i32, %c0_i32_0 : i32, i32
  }
  func.func @transform_3(%arg0: i32) -> (i32, i32) {
    %c0_i32 = arith.constant 0 : i32
    %c0_i32_0 = arith.constant 0 : i32
    %c0_i32_1 = arith.constant 0 : i32
    return %c0_i32, %c0_i32_0 : i32, i32
  }
  func.func @transform_4(%arg0: i32) -> (i32, i32) {
    %c0_i32 = arith.constant 0 : i32
    %c0_i32_0 = arith.constant 0 : i32
    %c0_i32_1 = arith.constant 0 : i32
    return %c0_i32, %c0_i32_0 : i32, i32
  }
  func.func @transform_5(%arg0: i32) -> (i32, i32, i32) {
    %c0_i32 = arith.constant 0 : i32
    %c0_i32_0 = arith.constant 0 : i32
    %c0_i32_1 = arith.constant 0 : i32
    return %c0_i32, %arg0, %c0_i32_0 : i32, i32, i32
  }
  func.func @transform_6(%arg0: i32) -> (i32, i32, i32) {
    %c0_i32 = arith.constant 0 : i32
    %c0_i32_0 = arith.constant 0 : i32
    %c0_i32_1 = arith.constant 0 : i32
    return %c0_i32, %arg0, %c0_i32_0 : i32, i32, i32
  }
}

module attributes {stable_mosaic.version = 14 : i64} {
  func.func @_layer23_body(%arg0: i32, %arg1: memref<6x1000x64xf32, #tpu.memory_space<vmem>>, %arg2: memref<2x1000x16xf32, #tpu.memory_space<vmem>>, %arg3: memref<1000x1xf32, #tpu.memory_space<vmem>>, %arg4: memref<1x400xf32, #tpu.memory_space<vmem>>, %arg5: memref<400x8xf32, #tpu.memory_space<vmem>>, %arg6: memref<2x1000x16xf32, #tpu.memory_space<vmem>>) attributes {dimension_semantics = [#tpu.dimension_semantics<arbitrary>], iteration_bounds = array<i64: 10>, scalar_prefetch = 0 : i64, scratch_operands = 0 : i64, tpu.core_type = #tpu.core_type<tc>, window_params = [{transform_indices = @transform_0, window_bounds = array<i64: 6, 1000, 64>}, {transform_indices = @transform_1, window_bounds = array<i64: 2, 1000, 16>}, {transform_indices = @transform_2, window_bounds = array<i64: 1000, 1>}, {pipeline_mode = #tpu.pipeline_mode<synchronous>, transform_indices = @transform_3, window_bounds = array<i64: 1, 400>}, {pipeline_mode = #tpu.pipeline_mode<synchronous>, transform_indices = @transform_4, window_bounds = array<i64: 400, 8>}, {transform_indices = @transform_5, window_bounds = array<i64: 2, 1000, 16>}]} {
    %get3A = arith.constant 0 : index
    %get3A_0 = arith.constant 0 : index
    %get3A_1 = vector.load %arg3[%get3A, %get3A_0] : memref<1000x1xf32, #tpu.memory_space<vmem>>, vector<1000x1xf32>
    %rsqrt3A = math.rsqrt %get3A_1 : vector<1000x1xf32>
    %get3A_2 = arith.constant 0 : index
    %get3A_3 = arith.constant 0 : index
    %get3A_4 = arith.constant 0 : index
    %get3A_5 = vector.load %arg1[%get3A_2, %get3A_3, %get3A_4] : memref<6x1000x64xf32, #tpu.memory_space<vmem>>, vector<1x1000x64xf32>
    %get3A_6 = vector.shape_cast %get3A_5 : vector<1x1000x64xf32> to vector<1000x64xf32>
    %get3A_7 = arith.constant 1 : index
    %get3A_8 = arith.constant 0 : index
    %get3A_9 = arith.constant 0 : index
    %get3A_10 = vector.load %arg1[%get3A_7, %get3A_8, %get3A_9] : memref<6x1000x64xf32, #tpu.memory_space<vmem>>, vector<1x1000x64xf32>
    %get3A_11 = vector.shape_cast %get3A_10 : vector<1x1000x64xf32> to vector<1000x64xf32>
    %get3A_12 = arith.constant 2 : index
    %get3A_13 = arith.constant 0 : index
    %get3A_14 = arith.constant 0 : index
    %get3A_15 = vector.load %arg1[%get3A_12, %get3A_13, %get3A_14] : memref<6x1000x64xf32, #tpu.memory_space<vmem>>, vector<1x1000x64xf32>
    %get3A_16 = vector.shape_cast %get3A_15 : vector<1x1000x64xf32> to vector<1000x64xf32>
    %get3A_17 = arith.constant 3 : index
    %get3A_18 = arith.constant 0 : index
    %get3A_19 = arith.constant 0 : index
    %get3A_20 = vector.load %arg1[%get3A_17, %get3A_18, %get3A_19] : memref<6x1000x64xf32, #tpu.memory_space<vmem>>, vector<1x1000x64xf32>
    %get3A_21 = vector.shape_cast %get3A_20 : vector<1x1000x64xf32> to vector<1000x64xf32>
    %get3A_22 = arith.constant 4 : index
    %get3A_23 = arith.constant 0 : index
    %get3A_24 = arith.constant 0 : index
    %get3A_25 = vector.load %arg1[%get3A_22, %get3A_23, %get3A_24] : memref<6x1000x64xf32, #tpu.memory_space<vmem>>, vector<1x1000x64xf32>
    %get3A_26 = vector.shape_cast %get3A_25 : vector<1x1000x64xf32> to vector<1000x64xf32>
    %get3A_27 = arith.constant 5 : index
    %get3A_28 = arith.constant 0 : index
    %get3A_29 = arith.constant 0 : index
    %get3A_30 = vector.load %arg1[%get3A_27, %get3A_28, %get3A_29] : memref<6x1000x64xf32, #tpu.memory_space<vmem>>, vector<1x1000x64xf32>
    %get3A_31 = vector.shape_cast %get3A_30 : vector<1x1000x64xf32> to vector<1000x64xf32>
    %get3A_32 = arith.constant 0 : index
    %get3A_33 = arith.constant 0 : index
    %get3A_34 = arith.constant 0 : index
    %get3A_35 = vector.load %arg2[%get3A_32, %get3A_33, %get3A_34] : memref<2x1000x16xf32, #tpu.memory_space<vmem>>, vector<1x1000x16xf32>
    %get3A_36 = vector.shape_cast %get3A_35 : vector<1x1000x16xf32> to vector<1000x16xf32>
    %slice3A = vector.extract_strided_slice %get3A_36 {offsets = [0, 0], sizes = [1000, 8], strides = [1, 1]} : vector<1000x16xf32> to vector<1000x8xf32>
    %get3A_37 = arith.constant 1 : index
    %get3A_38 = arith.constant 0 : index
    %get3A_39 = arith.constant 0 : index
    %get3A_40 = vector.load %arg2[%get3A_37, %get3A_38, %get3A_39] : memref<2x1000x16xf32, #tpu.memory_space<vmem>>, vector<1x1000x16xf32>
    %get3A_41 = vector.shape_cast %get3A_40 : vector<1x1000x16xf32> to vector<1000x16xf32>
    %slice3A_42 = vector.extract_strided_slice %get3A_41 {offsets = [0, 0], sizes = [1000, 8], strides = [1, 1]} : vector<1000x16xf32> to vector<1000x8xf32>
    %concatenate3A = tpu.concatenate %get3A_6, %get3A_11, %get3A_16, %get3A_21, %get3A_26, %get3A_31, %slice3A, %slice3A_42 in 1 : vector<1000x64xf32>, vector<1000x64xf32>, vector<1000x64xf32>, vector<1000x64xf32>, vector<1000x64xf32>, vector<1000x64xf32>, vector<1000x8xf32>, vector<1000x8xf32> -> vector<1000x400xf32>
    %mul3A = vector.broadcast %rsqrt3A : vector<1000x1xf32> to vector<1000x400xf32>
    %mul3A_43 = arith.mulf %concatenate3A, %mul3A : vector<1000x400xf32>
    %get3A_44 = arith.constant 0 : index
    %get3A_45 = arith.constant 0 : index
    %get3A_46 = vector.load %arg4[%get3A_44, %get3A_45] : memref<1x400xf32, #tpu.memory_space<vmem>>, vector<1x400xf32>
    %add3A = vector.broadcast %get3A_46 : vector<1x400xf32> to vector<1000x400xf32>
    %add3A_47 = arith.addf %mul3A_43, %add3A : vector<1000x400xf32>
    %max3A = arith.constant 0.000000e+00 : f32
    %max3A_48 = vector.broadcast %max3A : f32 to vector<1000x400xf32>
    %max3A_49 = arith.maximumf %add3A_47, %max3A_48 : vector<1000x400xf32>
    %get3A_50 = arith.constant 0 : index
    %get3A_51 = arith.constant 0 : index
    %get3A_52 = vector.load %arg5[%get3A_50, %get3A_51] : memref<400x8xf32, #tpu.memory_space<vmem>>, vector<400x8xf32>
    %dot_general3A = arith.constant dense<0.000000e+00> : vector<1000x8xf32>
    %dot_general3A_53 = tpu.matmul %max3A_49, %get3A_52, %dot_general3A {dimension_numbers = #tpu.dot_dimension_numbers<[1], [0], [0], [1], [0, 0, 1, 1], [], []>, transpose_lhs_hint = false} : vector<1000x400xf32>, vector<400x8xf32>, vector<1000x8xf32> -> vector<1000x8xf32>
    %mul3A_54 = vector.broadcast %rsqrt3A : vector<1000x1xf32> to vector<1000x8xf32>
    %mul3A_55 = arith.mulf %dot_general3A_53, %mul3A_54 : vector<1000x8xf32>
    %broadcast_in_dim3A = arith.constant 0.000000e+00 : f32
    %broadcast_in_dim3A_56 = vector.broadcast %broadcast_in_dim3A : f32 to vector<1000x12xf32>
    %slice3A_57 = vector.extract_strided_slice %mul3A_55 {offsets = [0, 0], sizes = [1000, 4], strides = [1, 1]} : vector<1000x8xf32> to vector<1000x4xf32>
    %concatenate3A_58 = tpu.concatenate %slice3A_57, %broadcast_in_dim3A_56 in 1 : vector<1000x4xf32>, vector<1000x12xf32> -> vector<1000x16xf32>
    %swap3A = arith.constant 0 : index
    %swap3A_59 = arith.constant 0 : index
    %swap3A_60 = arith.constant 0 : index
    %swap3A_61 = vector.load %arg6[%swap3A, %swap3A_59, %swap3A_60] : memref<2x1000x16xf32, #tpu.memory_space<vmem>>, vector<1x1000x16xf32>
    %swap3A_62 = vector.shape_cast %swap3A_61 : vector<1x1000x16xf32> to vector<1000x16xf32>
    %swap3A_63 = vector.shape_cast %concatenate3A_58 : vector<1000x16xf32> to vector<1x1000x16xf32>
    tpu.vector_store %arg6[%swap3A, %swap3A_59, %swap3A_60], %swap3A_63 {strides = array<i32>} : memref<2x1000x16xf32, #tpu.memory_space<vmem>>, vector<1x1000x16xf32>,
    %slice3A_64 = vector.extract_strided_slice %mul3A_55 {offsets = [0, 4], sizes = [1000, 4], strides = [1, 1]} : vector<1000x8xf32> to vector<1000x4xf32>
    %concatenate3A_65 = tpu.concatenate %slice3A_64, %broadcast_in_dim3A_56 in 1 : vector<1000x4xf32>, vector<1000x12xf32> -> vector<1000x16xf32>
    %swap3A_66 = arith.constant 1 : index
    %swap3A_67 = arith.constant 0 : index
    %swap3A_68 = arith.constant 0 : index
    %swap3A_69 = vector.load %arg6[%swap3A_66, %swap3A_67, %swap3A_68] : memref<2x1000x16xf32, #tpu.memory_space<vmem>>, vector<1x1000x16xf32>
    %swap3A_70 = vector.shape_cast %swap3A_69 : vector<1x1000x16xf32> to vector<1000x16xf32>
    %swap3A_71 = vector.shape_cast %concatenate3A_65 : vector<1000x16xf32> to vector<1x1000x16xf32>
    tpu.vector_store %arg6[%swap3A_66, %swap3A_67, %swap3A_68], %swap3A_71 {strides = array<i32>} : memref<2x1000x16xf32, #tpu.memory_space<vmem>>, vector<1x1000x16xf32>,
    return
  }
  func.func @transform_0(%arg0: i32) -> (i32, i32, i32) {
    %c0_i32 = arith.constant 0 : i32
    %c0_i32_0 = arith.constant 0 : i32
    %c0_i32_1 = arith.constant 0 : i32
    return %c0_i32, %arg0, %c0_i32_0 : i32, i32, i32
  }
  func.func @transform_1(%arg0: i32) -> (i32, i32, i32) {
    %c0_i32 = arith.constant 0 : i32
    %c0_i32_0 = arith.constant 0 : i32
    %c0_i32_1 = arith.constant 0 : i32
    return %c0_i32, %arg0, %c0_i32_0 : i32, i32, i32
  }
  func.func @transform_2(%arg0: i32) -> (i32, i32) {
    %c0_i32 = arith.constant 0 : i32
    %c0_i32_0 = arith.constant 0 : i32
    return %arg0, %c0_i32 : i32, i32
  }
  func.func @transform_3(%arg0: i32) -> (i32, i32) {
    %c0_i32 = arith.constant 0 : i32
    %c0_i32_0 = arith.constant 0 : i32
    %c0_i32_1 = arith.constant 0 : i32
    return %c0_i32, %c0_i32_0 : i32, i32
  }
  func.func @transform_4(%arg0: i32) -> (i32, i32) {
    %c0_i32 = arith.constant 0 : i32
    %c0_i32_0 = arith.constant 0 : i32
    %c0_i32_1 = arith.constant 0 : i32
    return %c0_i32, %c0_i32_0 : i32, i32
  }
  func.func @transform_5(%arg0: i32) -> (i32, i32, i32) {
    %c0_i32 = arith.constant 0 : i32
    %c0_i32_0 = arith.constant 0 : i32
    %c0_i32_1 = arith.constant 0 : i32
    return %c0_i32, %arg0, %c0_i32_0 : i32, i32, i32
  }
}

module attributes {stable_mosaic.version = 14 : i64} {
  func.func @_final_body(%arg0: i32, %arg1: memref<2x1000x16xf32, #tpu.memory_space<vmem>>, %arg2: memref<1000x1xf32, #tpu.memory_space<vmem>>, %arg3: memref<1x8xf32, #tpu.memory_space<vmem>>, %arg4: memref<1000x8xf32, #tpu.memory_space<vmem>>) attributes {dimension_semantics = [#tpu.dimension_semantics<arbitrary>], iteration_bounds = array<i64: 10>, scalar_prefetch = 0 : i64, scratch_operands = 0 : i64, tpu.core_type = #tpu.core_type<tc>, window_params = [{transform_indices = @transform_0, window_bounds = array<i64: 2, 1000, 16>}, {transform_indices = @transform_1, window_bounds = array<i64: 1000, 1>}, {pipeline_mode = #tpu.pipeline_mode<synchronous>, transform_indices = @transform_2, window_bounds = array<i64: 1, 8>}, {transform_indices = @transform_3, window_bounds = array<i64: 1000, 8>}]} {
    %get3A = arith.constant 0 : index
    %get3A_0 = arith.constant 0 : index
    %get3A_1 = vector.load %arg2[%get3A, %get3A_0] : memref<1000x1xf32, #tpu.memory_space<vmem>>, vector<1000x1xf32>
    %rsqrt3A = math.rsqrt %get3A_1 : vector<1000x1xf32>
    %get3A_2 = arith.constant 0 : index
    %get3A_3 = arith.constant 0 : index
    %get3A_4 = arith.constant 0 : index
    %get3A_5 = vector.load %arg1[%get3A_2, %get3A_3, %get3A_4] : memref<2x1000x16xf32, #tpu.memory_space<vmem>>, vector<1x1000x16xf32>
    %get3A_6 = vector.shape_cast %get3A_5 : vector<1x1000x16xf32> to vector<1000x16xf32>
    %slice3A = vector.extract_strided_slice %get3A_6 {offsets = [0, 0], sizes = [1000, 4], strides = [1, 1]} : vector<1000x16xf32> to vector<1000x4xf32>
    %get3A_7 = arith.constant 1 : index
    %get3A_8 = arith.constant 0 : index
    %get3A_9 = arith.constant 0 : index
    %get3A_10 = vector.load %arg1[%get3A_7, %get3A_8, %get3A_9] : memref<2x1000x16xf32, #tpu.memory_space<vmem>>, vector<1x1000x16xf32>
    %get3A_11 = vector.shape_cast %get3A_10 : vector<1x1000x16xf32> to vector<1000x16xf32>
    %slice3A_12 = vector.extract_strided_slice %get3A_11 {offsets = [0, 0], sizes = [1000, 4], strides = [1, 1]} : vector<1000x16xf32> to vector<1000x4xf32>
    %concatenate3A = tpu.concatenate %slice3A, %slice3A_12 in 1 : vector<1000x4xf32>, vector<1000x4xf32> -> vector<1000x8xf32>
    %mul3A = vector.broadcast %rsqrt3A : vector<1000x1xf32> to vector<1000x8xf32>
    %mul3A_13 = arith.mulf %concatenate3A, %mul3A : vector<1000x8xf32>
    %get3A_14 = arith.constant 0 : index
    %get3A_15 = arith.constant 0 : index
    %get3A_16 = vector.load %arg3[%get3A_14, %get3A_15] : memref<1x8xf32, #tpu.memory_space<vmem>>, vector<1x8xf32>
    %add3A = vector.broadcast %get3A_16 : vector<1x8xf32> to vector<1000x8xf32>
    %add3A_17 = arith.addf %mul3A_13, %add3A : vector<1000x8xf32>
    %max3A = arith.constant 0.000000e+00 : f32
    %max3A_18 = vector.broadcast %max3A : f32 to vector<1000x8xf32>
    %max3A_19 = arith.maximumf %add3A_17, %max3A_18 : vector<1000x8xf32>
    %swap3A = arith.constant 0 : index
    %swap3A_20 = arith.constant 0 : index
    %swap3A_21 = vector.load %arg4[%swap3A, %swap3A_20] : memref<1000x8xf32, #tpu.memory_space<vmem>>, vector<1000x8xf32>
    tpu.vector_store %arg4[%swap3A, %swap3A_20], %max3A_19 {strides = array<i32>} : memref<1000x8xf32, #tpu.memory_space<vmem>>, vector<1000x8xf32>,
    return
  }
  func.func @transform_0(%arg0: i32) -> (i32, i32, i32) {
    %c0_i32 = arith.constant 0 : i32
    %c0_i32_0 = arith.constant 0 : i32
    %c0_i32_1 = arith.constant 0 : i32
    return %c0_i32, %arg0, %c0_i32_0 : i32, i32, i32
  }
  func.func @transform_1(%arg0: i32) -> (i32, i32) {
    %c0_i32 = arith.constant 0 : i32
    %c0_i32_0 = arith.constant 0 : i32
    return %arg0, %c0_i32 : i32, i32
  }
  func.func @transform_2(%arg0: i32) -> (i32, i32) {
    %c0_i32 = arith.constant 0 : i32
    %c0_i32_0 = arith.constant 0 : i32
    %c0_i32_1 = arith.constant 0 : i32
    return %c0_i32, %c0_i32_0 : i32, i32
  }
  func.func @transform_3(%arg0: i32) -> (i32, i32) {
    %c0_i32 = arith.constant 0 : i32
    %c0_i32_0 = arith.constant 0 : i32
    return %arg0, %c0_i32 : i32, i32
  }
}

</mosaic_0001>

<sc_bundles>
// kernel: kernel.10.cloned.1.call-start
scs
__scs_entry_jumppad:
0x0: {  	(pc) =	sbr.rel $0x88, $3  }
0x1: {  	(tag) =	ssettag $0x0;
	lr =	simm.s32 $0x1  }
0x2: {  	[smem:$0x3F99] =	sst lr;
	_ =	strace $0xD0000000  }
0x3: {  	_ = 	snop  }
0x4: {  	_ = 	snop  }
0x5: {  	_ = 	snop  }
0x6: {  	_ = 	snop  }
0x7: {  	_ = 	snop  }
__scs_overlays_trampoline_lowered:
0x8: {  	[smem:$0x3FA8] =	sst s0  }
0x9: {  	[smem:$0x3FA9] =	sst s1  }
0xa: {  	[smem:$0x3FAA] =	sst s2  }
0xb: {  	[smem:$0x3FAB] =	sst s3  }
0xc: {  	[smem:$0x3FAC] =	sst s4  }
0xd: {  	[smem:$0x3FAD] =	sst s5  }
0xe: {  	[smem:$0x3FAE] =	sst s6  }
0xf: {  	[smem:$0x3FAF] =	sst s7  }
0x10: {  	[smem:$0x3FB0] =	sst s8  }
0x11: {  	[smem:$0x3FB1] =	sst s9;
	s0 =	simm.s32 @!p0 $0x0  }
0x12: {  	s1 =	sld [smem:$0x3F97];
	s0 =	simm.s32 @p0 $0x1  }
0x13: {  	[smem:$0x3FB2] =	sst s0;
	s0 =	simm.s32 @!p1 $0x0  }
0x14: {  	s2 =	sld [smem:$0x3F96];
	s0 =	simm.s32 @p1 $0x1  }
0x15: {  	[smem:$0x3FB3] =	sst s0;
	s0 =	simm.s32 @!p2 $0x0  }
0x16: {  	s3 =	sld [smem:$0x3FDB];
	s0 =	simm.s32 @p2 $0x1  }
0x17: {  	s4 =	simm.s32 $0x1BF5;
	[smem:$0x3FB5] =	sst s0  }
0x18: {  	s0 =	sld [smem:$0x3F98];
	_ =	swait.ge [sflag:s4], $0x0  }
0x19: {  	s7 =	sld [smem:$0x3F99]  }
0x1a: {  	s8 =	sadd.s32 $0xFFFFE003, lr  }
0x1b: {  	s9 =	sadd.s32 $0xFFFFFEF7, lr;
	s5 =	simm.s32 $0xFFFFFFFF;
	p2 =	slt.u32 s8, $0xFFFFF086  }
0x1c: {  	p1 =	slt.u32 s9, $0xF7A;
	s5 =	simm.s32 @!p2 $0x0  }
0x1d: {  	s5 =	simm.s32 @p1 $0x1;
	p0 =	seq.s32 s7, s2  }
0x1e: {  	s7 =	smul.u32 @!p0 $0xF7A, s2;
	p2 =	seq.s32 @!p0 s5, $0x0  }
0x1f: {  	s9 =	smul.u32 $0xF7A, s1;
	s8 =	simm.s32 @!p0 $0x1BF5;
	p2 =	por !p2, p0  }
0x20: {  	[sflag:s8] =	ssyncset.s32 @!p0 $0xFFFFF086;
	s6 =	sadd.s32 @!p0 s3, s7;
	s7 =	simm.s32 @!p0 $0x108  }
0x21: {  	s3 =	sadd.s32 s3, s9;
	s6 =	sadd.s32 @!p0 $0x88, s6;
	s7 =	simm.s32 @p2 $0x1082  }
0x22: {  	[simem:s7], [sflag:s8] =	dma.local @!p0 [hbm:s6], $0xF7A  }
0x23: {  	s9 =	sor.u32 $0xD0000000, s2;
	s6 =	simm.s32 $0x108;
	_ =	swait.ge @!p0 [sflag:s8], $0x0  }
0x24: {  	s3 =	sadd.s32 $0x88, s3;
	s6 =	simm.s32 @!p1 $0x1082;
	[sflag:s4] =	ssyncset.s32 $0xFFFFF086  }
0x25: {  	[simem:s6], [sflag:s4] =	dma.local [hbm:s3], $0xF7A  }
0x26: {  	[smem:$0x3F99] =	sst s1;
	(tag) =	ssettag s2;
	_ =	strace s9  }
0x27: {  	s1 =	sld [smem:$0x3FA9]  }
0x28: {  	s2 =	sld [smem:$0x3FAA]  }
0x29: {  	s4 =	sld [smem:$0x3FAC]  }
0x2a: {  	p0 =	seq.s32 s5, $0x0;
	s5 =	sld [smem:$0x3FAD]  }
0x2b: {  	s6 =	sld [smem:$0x3FAE]  }
0x2c: {  	s7 =	sld [smem:$0x3FAF]  }
0x2d: {  	s3 =	simm.s32 $0x108;
	s8 =	sld [smem:$0x3FB0]  }
0x2e: {  	s3 =	simm.s32 @!p0 $0x1082;
	s9 =	sld [smem:$0x3FB1]  }
0x2f: {  	lr =	sadd.s32 s0, s3;
	s0 =	sld [smem:$0x3FA8]  }
0x30: {  	s3 =	sld [smem:$0x3FAB]  }
0x31: {  	[smem:$0x3FB4] =	sst s10  }
0x32: {  	s10 =	sld [smem:$0x3FB2];
	_ =	sdelay $0x3  }
0x33: {  	p0 =	seq.s32 s10, $0x1;
	s10 =	sld [smem:$0x3FB4];
	_ =	sdelay $0x3  }
0x34: {  	[smem:$0x3FB4] =	sst s10  }
0x35: {  	s10 =	sld [smem:$0x3FB3];
	_ =	sdelay $0x3  }
0x36: {  	p1 =	seq.s32 s10, $0x1;
	s10 =	sld [smem:$0x3FB4];
	_ =	sdelay $0x3  }
0x37: {  	[smem:$0x3FB4] =	sst s10  }
0x38: {  	s10 =	sld [smem:$0x3FB5]  }
0x39: {  	_ = 	snop;
	(pc) =	sbr.ind lr, $3  }
0x3a: {  	_ = 	snop  }
0x3b: {  	_ = 	snop  }
0x3c: {  	p2 =	seq.s32 s10, $0x1;
	s10 =	sld [smem:$0x3FB4]  }
0x3d: {  	_ =	shalt  }
0x3e: {  	_ =	shalt  }
0x3f: {  	_ =	shalt  }
0x40: {  	_ =	shalt  }
0x41: {  	_ =	shalt  }
0x42: {  	_ =	shalt  }
0x43: {  	_ =	shalt  }
0x44: {  	_ =	shalt  }
0x45: {  	_ =	shalt  }
0x46: {  	_ =	shalt  }
0x47: {  	_ =	shalt  }
0x48: {  	_ =	shalt  }
0x49: {  	_ =	shalt  }
0x4a: {  	_ =	shalt  }
0x4b: {  	_ =	shalt  }
0x4c: {  	_ =	shalt  }
0x4d: {  	_ =	shalt  }
0x4e: {  	_ =	shalt  }
0x4f: {  	_ =	shalt  }
0x50: {  	_ =	shalt  }
0x51: {  	_ =	shalt  }
0x52: {  	_ =	shalt  }
0x53: {  	_ =	shalt  }
0x54: {  	_ =	shalt  }
0x55: {  	_ =	shalt  }
0x56: {  	_ =	shalt  }
0x57: {  	_ =	shalt  }
0x58: {  	_ =	shalt  }
0x59: {  	_ =	shalt  }
0x5a: {  	_ =	shalt  }
0x5b: {  	_ =	shalt  }
0x5c: {  	_ =	shalt  }
0x5d: {  	_ =	shalt  }
0x5e: {  	_ =	shalt  }
0x5f: {  	_ =	shalt  }
0x60: {  	_ =	shalt  }
0x61: {  	_ =	shalt  }
0x62: {  	_ =	shalt  }
0x63: {  	_ =	shalt  }
0x64: {  	_ =	shalt  }
0x65: {  	_ =	shalt  }
0x66: {  	_ =	shalt  }
0x67: {  	_ =	shalt  }
0x68: {  	_ =	shalt  }
0x69: {  	_ =	shalt  }
0x6a: {  	_ =	shalt  }
0x6b: {  	_ =	shalt  }
0x6c: {  	_ =	shalt  }
0x6d: {  	_ =	shalt  }
0x6e: {  	_ =	shalt  }
0x6f: {  	_ =	shalt  }
0x70: {  	_ =	shalt  }
0x71: {  	_ =	shalt  }
0x72: {  	_ =	shalt  }
0x73: {  	_ =	shalt  }
0x74: {  	_ =	shalt  }
0x75: {  	_ =	shalt  }
0x76: {  	_ =	shalt  }
0x77: {  	_ =	shalt  }
0x78: {  	_ =	shalt  }
0x79: {  	_ =	shalt  }
0x7a: {  	_ =	shalt  }
0x7b: {  	_ =	shalt  }
0x7c: {  	_ =	shalt  }
0x7d: {  	_ =	shalt  }
0x7e: {  	_ =	shalt  }
0x7f: {  	_ =	shalt  }
0x80: {  	_ =	shalt  }
0x81: {  	_ =	shalt  }
0x82: {  	_ =	shalt  }
0x83: {  	_ =	shalt  }
0x84: {  	_ =	shalt  }
0x85: {  	_ =	shalt  }
0x86: {  	_ =	shalt  }
0x87: {  	_ =	shalt  }
.Lfunc_end0:
.L_simem_size_0:
called_computation_lowered:
.L_overlay_start_0:
0x88: {  	s2 =	sld [smem:$0x3FD9]  }
0x89: {  	s3 =	sld [smem:$0x3FFE];
	_ =	sdelay $0x1  }
0x8a: {  	s1 =	srdreg.scid  }
0x8b: {  	s0 =	sand.u32 $0x1, s1  }
0x8c: {  	s16 =	sshll.u32 s0, $0xA;
	s2 =	sadd.s32 s3, s2  }
0x8d: {  	s2 =	sadd.s32 s2, s16  }
0x8e: {  	[smem:$0x3FC0] =	sst s2  }
0x8f: {  	_ = 	snop  }
0x90: {  	(tm) =	ssettm $0x1  }
0x91: {  	s17 =	sld [smem:$0x3FFB];
	_ =	sdelay $0x3  }
0x92: {  	_ =	strace s17  }
0x93: {  	s2 =	sld [smem:$0x3FFC];
	_ =	sdelay $0x3  }
0x94: {  	_ =	strace s2  }
0x95: {  	s2 =	sld [smem:$0x3FFD];
	_ =	sdelay $0x3  }
0x96: {  	_ =	strace s2  }
0x97: {  	_ =	strace $0x8FFFFFFF  }
0x98: {  	s18 =	sld [smem:$0x3FDB];
	_ =	sdelay $0x1  }
0x99: {  	s19 =	simm.s32 $_scs_section_size  }
0x9a: {  	s4 =	simm.s32 $_size__tile_overlayer_lowered;
	s5 =	simm.s32 $_tile_overlayer_lowered  }
0x9b: {  	s22 =	simm.s32 $0x1BFF;
	s21 =	sshll.u32 s5, $0x1;
	s2 =	sadd.s32 s19, s18  }
0x9c: {  	s6 =	simm.s32 $0x0;
	s20 =	sshll.u32 s4, $0x1;
	s4 =	sadd.s32 s21, s2  }
0x9d: {  	[timem:s6], [sflag:s22] =	dma.local [hbm:s4], s20  }
0x9e: {  	_ =	swait.ge [sflag:s22], s20  }
0x9f: {  	s3 =	ssub.s32 $0x0, s20;
	[sflag:s22] =	ssyncset.done $0x0  }
0xa0: {  	[sflag:s22] =	ssyncadd.s32 s3;
	_ =	sdelay $0x1  }
0xa1: {  	s23 =	simm.s32 $0x1B8B  }
0xa2: {  	_ =	swait.ge [sflag:s23], $0x1  }
0xa3: {  	[sflag:s23] =	ssyncset.done $0x0  }
0xa4: {  	s25 =	simm.s32 $0x1B8E;
	s24 =	sld [smem:$0x3FFE];
	[sflag:s23] =	ssyncadd.s32 $0xFFFFFFFF  }
0xa5: {  	s26 =	simm.s32 $execute0_lowered;
	[smem:$0x3FD2] =	sst s25  }
0xa6: {  	s4 =	sshll.u32 s26, $0x1;
	_ =	strace $0x80000046;
	[dreg:$0x1] =	wrdreg $0xFFFFFFFF  }
0xa7: {  	s28 =	simm.s32 $_size_execute0_lowered;
	s2 =	sadd.s32 s2, s4;
	[dreg:$0x0] =	wrdreg $0x0  }
0xa8: {  	s4 =	sshll.u32 s28, $0x1;
	[dreg:$0x2] =	wrdreg s2  }
0xa9: {  	[dreg:$0x3] =	wrdreg s4  }
0xaa: {  	[dreg:$0x4] =	wrdreg $0xC0  }
0xab: {  	_ =	task [dreg:s6], $0x5FFFF  }
0xac: {  	[dreg:$0x1] =	wrdreg $0xFFFFFFFF  }
0xad: {  	[dreg:$0x0] =	wrdreg $0x60  }
0xae: {  	[dreg:$0x2] =	wrdreg s24  }
0xaf: {  	[dreg:$0x3] =	wrdreg $0x53200  }
0xb0: {  	[dreg:$0x4] =	wrdreg $0x9  }
0xb1: {  	_ =	task.clear_ibuf [dreg:s6], $0x5FFFF;
	_ =	strace $0x90000046  }
0xb2: {  	s29 =	simm.s32 $0x9;
	_ =	strace $0x80000048  }
0xb3: {  	_ =	swait.ge [sflag:s29], $0x1  }
0xb4: {  	[sflag:s29] =	ssyncadd.s32 $0xFFFFFFFF  }
0xb5: {  	_ =	strace $0x90000048  }
0xb6: {  	_ =	sfence  }
0xb7: {  	s30 =	sld [smem:$0x0];
	_ =	sdelay $0x2  }
0xb8: {  	s31 =	sshll.u32 s1, $0xD;
	s1 =	sshrl.u32 s1, $0x2  }
0xb9: {  	s3 =	sand.u32 $0x4000, s31;
	s1 =	sadd.s32 s1, s30  }
0xba: {  	s0 =	sor.u32 s3, s0;
	s1 =	sshll.u32 s1, $0x11  }
0xbb: {  	s0 =	sor.u32 s1, s0  }
0xbc: {  	s0 =	sadd.s32 $0x8F2B, s0  }
0xbd: {  	[sflag:s0] =	ssyncadd.remote.s32 $0x1  }
0xbe: {  	_ =	sfence.sel $0xFFFF  }
0xbf: {  	[dreg:$0x0] =	wrdreg $0xFFFFFFFF;
	(pc) =	sbr.abs _section_cstart, $3  }
0xc0: {  	[dreg:$0x1] =	wrdreg $0xFFFFFFFF  }
0xc1: {  	_ =	task.clear_ibuf [dreg:s6], $0x2FFFF;
	_ =	strace $0x9FFFFFFF  }
0xc2: {  	(tm) =	ssettm $0x7FFFFFFF  }
0xc3: {  	_ =	shalt  }
tec
execute0_lowered:
.L_overlay_start_1:
0x0: {  	(tag) =	ssettag $0x1  }
0x1: {  	s6 =	rddreg [dreg:$0x0]  }
0x2: {  	s1 =	rddreg [dreg:$0x1]  }
0x3: {  	s0 =	rddreg [dreg:$0x2];
	s2 =	simm.s32 $0x0;
	s11 =	stileid.u32  }
0x4: {  	s5 =	srdreg.scid;
	s16 =	simm.s32 $0x0;
	s4 =	smul.u32 $0x9C4, s11  }
0x5: {  	[smem:$0x7FF] =	sst s2;
	s3 =	sadd.s32 $0x16000, s6;
	s8 =	smul.u32 $0x4E0, s11  }
0x6: {  	s5 =	sand.u32 $0x1, s5;
	s9 =	sadd.s32 $0x1B000, s6;
	s12 =	smul.u32 $0x2700, s11  }
0x7: {  	s15 =	sadd.s32 $0x27000, s1;
	p0 =	sne.s32 s11, $0x0;
	s31 =	sshll.u32 s11, $0x6  }
0x8: {  	s11 =	simm.s32 $0x4E20;
	_ =	strace $0x80000047;
	s29 =	smul.u32 $0x27100, s5  }
0x9: {  	s7 =	ssub.s32 $0x2, s5;
	s14 =	smul.u32 $0x4E20, s5;
	s4 =	sadd.s32 s4, s6  }
0xa: {  	s10 =	sshrl.u32 s7, $0x1;
	s13 =	sadd.s32 s12, s1;
	s12 =	sshrl.u32 s12, $0x3  }
0xb: {  	s6 =	sadd.s32 $0x1AE00, s6;
	s10 =	ssub.s32 s7, s10;
	s4 =	sadd.s32 $0xC200, s4  }
0xc: {  	s5 =	sadd.s32 s3, s12;
	s7 =	sshrl.u32 s29, $0x3;
	s8 =	sadd.s32 s8, s14  }
0xd: {  	s12 =	sor.u32 $0x1C01, s31;
	s13 =	sshrl.u32 s13, $0x3;
	s14 =	sshrl.u32 @!p0 s15, $0x3  }
0xe: {  	s15 =	simm.s32 $0x50;
	s30 =	sadd.s32 s9, s7;
	s7 =	sadd.s32 s9, s8  }
0xf: {  	s9 =	smax.u32 s10, $0x1;
	s10 =	simm.s32 $0x1;
	s8 =	sadd.s32 $0x4E00, s30  }
.LBB2_1:
0x10: {  	[tilespmem:s2], [sflag:$0x1] =	stream.linear.gather [hbm4b:s4+s2], $0x4E20, $0x38;
	[tilespmem:$0x7A30] =	vst v63  }
0x11: {  	_ =	swait.ge [sflag:s10], $0x4E20  }
0x12: {  	[sflag:s10] =	ssyncset.done $0x0  }
0x13: {  	[sflag:s10] =	ssyncadd.s32 $0xFFFFB1E0  }
0x14: {  	[tilespmem:s11], [sflag:$0x1] =	stream.linear.gather [hbm4b:s3+s2], $0x500, $0x38;
	[tilespmem:$0x7A30] =	vst v63  }
0x15: {  	_ =	swait.ge [sflag:s10], $0x500  }
0x16: {  	[sflag:s10] =	ssyncset.done $0x0  }
0x17: {  	[sflag:s10] =	ssyncadd.s32 $0xFFFFFB00  }
0x18: {  	[spmem:s13], [sflag:s12] =	dma.local [hbm:s5], $0x4E0  }
0x19: {  	_ =	swait.ge [sflag:s10], $0x4E0  }
0x1a: {  	[sflag:s10] =	ssyncset.done $0x0  }
0x1b: {  	s17 =	simm.s32 @!p0 $0x1;
	[sflag:s10] =	ssyncadd.s32 $0xFFFFFB20  }
0x1c: {  	[spmem:s14], [sflag:s12] =	dma.local @!p0 [hbm:s6], $0x20  }
0x1d: {  	_ =	swait.ge @!p0 [sflag:s17], $0x20  }
0x1e: {  	[sflag:s17] =	ssyncset.done @!p0 $0x0  }
0x1f: {  	[sflag:s17] =	ssyncadd.s32 @!p0 $0xFFFFFFE0  }
0x20: {  	s31 =	simm.s32 $0x0;
	[bflag:$0x0] =	sbarrier.arrive $0xFFFF  }
0x21: {  	[spmem:s1] =	stream.indirect.scatter.add.f32 [tilespmem:s11], [sflag:$0x1], $0x10, s31, s15, $0xb8;
	[tilespmem:$0x7A30] =	vst v63  }
0x22: {  	_ =	swait.ge [sflag:s10], $0x500  }
0x23: {  	s17 =	simm.s32 $0x140;
	[sflag:s10] =	ssyncset.done $0x0  }
.LBB2_2:
0x24: {  	s18 =	sshra.s32 s17, $0x2;
	[sflag:s10] =	ssyncadd.s32 $0xFFFFFB00;
	p1 =	sne.s32 s17, $0x13740  }
0x25: {  	[spmem:s1] =	stream.indirect.scatter.add.f32 [tilespmem:s11], [sflag:$0x1], $0x10, s18, s15, $0xb8;
	[tilespmem:$0x7A30] =	vst v63  }
.Ltmp0:
0x26: {  	_ = 	snop;
	(pc) =	sbr.rel @p1 .LBB2_2-.Ltmp0, $4  }
0x27: {  	_ = 	snop  }
0x28: {  	s17 =	sadd.s32 $0x140, s17  }
0x29: {  	_ =	swait.ge [sflag:s10], $0x500  }
0x2a: {  	[sflag:s10] =	ssyncset.done $0x0  }
0x2b: {  	[sflag:s10] =	ssyncadd.s32 $0xFFFFFB00  }
0x2c: {  	[bflag:$0x0] =	sbarrier.arrive $0xFFFF  }
0x2d: {  	[hbm:s7], [sflag:s12] =	dma.local [spmem:s13], $0x4E0  }
0x2e: {  	s16 =	sadd.s32 $0x1, s16;
	_ =	swait.ge [sflag:s10], $0x4E0  }
0x2f: {  	p1 =	sne.s32 s16, s9;
	[sflag:s10] =	ssyncset.done $0x0  }
.Ltmp1:
0x30: {  	s17 =	simm.s32 @!p0 $0x1;
	[sflag:s10] =	ssyncadd.s32 $0xFFFFFB20;
	(pc) =	sbr.rel @p1 .LBB2_1-.Ltmp1, $4  }
0x31: {  	[hbm:s8], [sflag:s12] =	dma.local @!p0 [spmem:s14], $0x20  }
0x32: {  	_ =	swait.ge @!p0 [sflag:s17], $0x20  }
0x33: {  	[sflag:s17] =	ssyncset.done @!p0 $0x0  }
0x34: {  	[sflag:s17] =	ssyncadd.s32 @!p0 $0xFFFFFFE0  }
0x35: {  	_ =	sfence.sel $0x180000  }
0x36: {  	[bflag:$0x0] =	sbarrier.arrive $0xFFFF  }
0x37: {  	_ =	strace $0x90000047  }
0x38: {  	s0 =	sadd.s32 @!p0 $0x100000, s0;
	[bflag:$0x2] =	sbarrier.arrive $0xFFFF  }
0x39: {  	[sflag:s0] =	ssyncadd.tile.s32 @!p0 $0x1;
	_ =	shalt  }
.Lfunc_end2:
_tile_overlayer_lowered:
.L_overlay_start_2:
0x3a: {  	(tag) =	ssettag $0x2  }
0x3b: {  	s0 =	rddreg [dreg:$0x0];
	s2 =	stileid.u32  }
0x3c: {  	s1 =	rddreg [dreg:$0x1];
	p0 =	sne.s32 s2, $0x0  }
0x3d: {  	s3 =	rddreg [dreg:$0x2];
	[bflag:$0x3] =	sbarrier.arrive $0xFFFF;
	s2 =	simm.s32 @!p0 $0x1C01  }
0x3e: {  	[timem:s3], [sflag:s2] =	dma.local @!p0 [hbm:s0], s1  }
0x3f: {  	s0 =	simm.s32 @!p0 $0x1  }
0x40: {  	_ =	swait.ge @!p0 [sflag:s0], s1  }
0x41: {  	s1 =	ssub.s32 @!p0 $0x0, s1;
	[sflag:s0] =	ssyncset.done @!p0 $0x0  }
0x42: {  	[sflag:s0] =	ssyncadd.s32 @!p0 s1  }
0x43: {  	[bflag:$0x3] =	sbarrier.arrive $0xFFFF  }
0x44: {  	_ =	shalt  }

// kernel: kernel.13.cloned.1.call-start
scs
__scs_entry_jumppad:
0x0: {  	(pc) =	sbr.rel $0x88, $3  }
0x1: {  	(tag) =	ssettag $0x0;
	lr =	simm.s32 $0x1  }
0x2: {  	[smem:$0x3F99] =	sst lr;
	_ =	strace $0xD0000000  }
0x3: {  	_ = 	snop  }
0x4: {  	_ = 	snop  }
0x5: {  	_ = 	snop  }
0x6: {  	_ = 	snop  }
0x7: {  	_ = 	snop  }
__scs_overlays_trampoline_lowered:
0x8: {  	[smem:$0x3FA8] =	sst s0  }
0x9: {  	[smem:$0x3FA9] =	sst s1  }
0xa: {  	[smem:$0x3FAA] =	sst s2  }
0xb: {  	[smem:$0x3FAB] =	sst s3  }
0xc: {  	[smem:$0x3FAC] =	sst s4  }
0xd: {  	[smem:$0x3FAD] =	sst s5  }
0xe: {  	[smem:$0x3FAE] =	sst s6  }
0xf: {  	[smem:$0x3FAF] =	sst s7  }
0x10: {  	[smem:$0x3FB0] =	sst s8  }
0x11: {  	[smem:$0x3FB1] =	sst s9;
	s0 =	simm.s32 @!p0 $0x0  }
0x12: {  	s1 =	sld [smem:$0x3F97];
	s0 =	simm.s32 @p0 $0x1  }
0x13: {  	[smem:$0x3FB2] =	sst s0;
	s0 =	simm.s32 @!p1 $0x0  }
0x14: {  	s2 =	sld [smem:$0x3F96];
	s0 =	simm.s32 @p1 $0x1  }
0x15: {  	[smem:$0x3FB3] =	sst s0;
	s0 =	simm.s32 @!p2 $0x0  }
0x16: {  	s3 =	sld [smem:$0x3FDB];
	s0 =	simm.s32 @p2 $0x1  }
0x17: {  	s4 =	simm.s32 $0x1BF5;
	[smem:$0x3FB5] =	sst s0  }
0x18: {  	s0 =	sld [smem:$0x3F98];
	_ =	swait.ge [sflag:s4], $0x0  }
0x19: {  	s7 =	sld [smem:$0x3F99]  }
0x1a: {  	s8 =	sadd.s32 $0xFFFFE003, lr  }
0x1b: {  	s9 =	sadd.s32 $0xFFFFFEF7, lr;
	s5 =	simm.s32 $0xFFFFFFFF;
	p2 =	slt.u32 s8, $0xFFFFF086  }
0x1c: {  	p1 =	slt.u32 s9, $0xF7A;
	s5 =	simm.s32 @!p2 $0x0  }
0x1d: {  	s5 =	simm.s32 @p1 $0x1;
	p0 =	seq.s32 s7, s2  }
0x1e: {  	s7 =	smul.u32 @!p0 $0xF7A, s2;
	p2 =	seq.s32 @!p0 s5, $0x0  }
0x1f: {  	s9 =	smul.u32 $0xF7A, s1;
	s8 =	simm.s32 @!p0 $0x1BF5;
	p2 =	por !p2, p0  }
0x20: {  	[sflag:s8] =	ssyncset.s32 @!p0 $0xFFFFF086;
	s6 =	sadd.s32 @!p0 s3, s7;
	s7 =	simm.s32 @!p0 $0x108  }
0x21: {  	s3 =	sadd.s32 s3, s9;
	s6 =	sadd.s32 @!p0 $0x88, s6;
	s7 =	simm.s32 @p2 $0x1082  }
0x22: {  	[simem:s7], [sflag:s8] =	dma.local @!p0 [hbm:s6], $0xF7A  }
0x23: {  	s9 =	sor.u32 $0xD0000000, s2;
	s6 =	simm.s32 $0x108;
	_ =	swait.ge @!p0 [sflag:s8], $0x0  }
0x24: {  	s3 =	sadd.s32 $0x88, s3;
	s6 =	simm.s32 @!p1 $0x1082;
	[sflag:s4] =	ssyncset.s32 $0xFFFFF086  }
0x25: {  	[simem:s6], [sflag:s4] =	dma.local [hbm:s3], $0xF7A  }
0x26: {  	[smem:$0x3F99] =	sst s1;
	(tag) =	ssettag s2;
	_ =	strace s9  }
0x27: {  	s1 =	sld [smem:$0x3FA9]  }
0x28: {  	s2 =	sld [smem:$0x3FAA]  }
0x29: {  	s4 =	sld [smem:$0x3FAC]  }
0x2a: {  	p0 =	seq.s32 s5, $0x0;
	s5 =	sld [smem:$0x3FAD]  }
0x2b: {  	s6 =	sld [smem:$0x3FAE]  }
0x2c: {  	s7 =	sld [smem:$0x3FAF]  }
0x2d: {  	s3 =	simm.s32 $0x108;
	s8 =	sld [smem:$0x3FB0]  }
0x2e: {  	s3 =	simm.s32 @!p0 $0x1082;
	s9 =	sld [smem:$0x3FB1]  }
0x2f: {  	lr =	sadd.s32 s0, s3;
	s0 =	sld [smem:$0x3FA8]  }
0x30: {  	s3 =	sld [smem:$0x3FAB]  }
0x31: {  	[smem:$0x3FB4] =	sst s10  }
0x32: {  	s10 =	sld [smem:$0x3FB2];
	_ =	sdelay $0x3  }
0x33: {  	p0 =	seq.s32 s10, $0x1;
	s10 =	sld [smem:$0x3FB4];
	_ =	sdelay $0x3  }
0x34: {  	[smem:$0x3FB4] =	sst s10  }
0x35: {  	s10 =	sld [smem:$0x3FB3];
	_ =	sdelay $0x3  }
0x36: {  	p1 =	seq.s32 s10, $0x1;
	s10 =	sld [smem:$0x3FB4];
	_ =	sdelay $0x3  }
0x37: {  	[smem:$0x3FB4] =	sst s10  }
0x38: {  	s10 =	sld [smem:$0x3FB5]  }
0x39: {  	_ = 	snop;
	(pc) =	sbr.ind lr, $3  }
0x3a: {  	_ = 	snop  }
0x3b: {  	_ = 	snop  }
0x3c: {  	p2 =	seq.s32 s10, $0x1;
	s10 =	sld [smem:$0x3FB4]  }
0x3d: {  	_ =	shalt  }
0x3e: {  	_ =	shalt  }
0x3f: {  	_ =	shalt  }
0x40: {  	_ =	shalt  }
0x41: {  	_ =	shalt  }
0x42: {  	_ =	shalt  }
0x43: {  	_ =	shalt  }
0x44: {  	_ =	shalt  }
0x45: {  	_ =	shalt  }
0x46: {  	_ =	shalt  }
0x47: {  	_ =	shalt  }
0x48: {  	_ =	shalt  }
0x49: {  	_ =	shalt  }
0x4a: {  	_ =	shalt  }
0x4b: {  	_ =	shalt  }
0x4c: {  	_ =	shalt  }
0x4d: {  	_ =	shalt  }
0x4e: {  	_ =	shalt  }
0x4f: {  	_ =	shalt  }
0x50: {  	_ =	shalt  }
0x51: {  	_ =	shalt  }
0x52: {  	_ =	shalt  }
0x53: {  	_ =	shalt  }
0x54: {  	_ =	shalt  }
0x55: {  	_ =	shalt  }
0x56: {  	_ =	shalt  }
0x57: {  	_ =	shalt  }
0x58: {  	_ =	shalt  }
0x59: {  	_ =	shalt  }
0x5a: {  	_ =	shalt  }
0x5b: {  	_ =	shalt  }
0x5c: {  	_ =	shalt  }
0x5d: {  	_ =	shalt  }
0x5e: {  	_ =	shalt  }
0x5f: {  	_ =	shalt  }
0x60: {  	_ =	shalt  }
0x61: {  	_ =	shalt  }
0x62: {  	_ =	shalt  }
0x63: {  	_ =	shalt  }
0x64: {  	_ =	shalt  }
0x65: {  	_ =	shalt  }
0x66: {  	_ =	shalt  }
0x67: {  	_ =	shalt  }
0x68: {  	_ =	shalt  }
0x69: {  	_ =	shalt  }
0x6a: {  	_ =	shalt  }
0x6b: {  	_ =	shalt  }
0x6c: {  	_ =	shalt  }
0x6d: {  	_ =	shalt  }
0x6e: {  	_ =	shalt  }
0x6f: {  	_ =	shalt  }
0x70: {  	_ =	shalt  }
0x71: {  	_ =	shalt  }
0x72: {  	_ =	shalt  }
0x73: {  	_ =	shalt  }
0x74: {  	_ =	shalt  }
0x75: {  	_ =	shalt  }
0x76: {  	_ =	shalt  }
0x77: {  	_ =	shalt  }
0x78: {  	_ =	shalt  }
0x79: {  	_ =	shalt  }
0x7a: {  	_ =	shalt  }
0x7b: {  	_ =	shalt  }
0x7c: {  	_ =	shalt  }
0x7d: {  	_ =	shalt  }
0x7e: {  	_ =	shalt  }
0x7f: {  	_ =	shalt  }
0x80: {  	_ =	shalt  }
0x81: {  	_ =	shalt  }
0x82: {  	_ =	shalt  }
0x83: {  	_ =	shalt  }
0x84: {  	_ =	shalt  }
0x85: {  	_ =	shalt  }
0x86: {  	_ =	shalt  }
0x87: {  	_ =	shalt  }
.Lfunc_end0:
.L_simem_size_0:
called_computation.1_lowered:
.L_overlay_start_0:
0x88: {  	s2 =	sld [smem:$0x3FD9]  }
0x89: {  	s3 =	sld [smem:$0x3FFE];
	_ =	sdelay $0x1  }
0x8a: {  	s1 =	srdreg.scid  }
0x8b: {  	s0 =	sand.u32 $0x1, s1  }
0x8c: {  	s16 =	sshll.u32 s0, $0xA;
	s2 =	sadd.s32 s3, s2  }
0x8d: {  	s2 =	sadd.s32 s2, s16  }
0x8e: {  	[smem:$0x3FC0] =	sst s2  }
0x8f: {  	_ = 	snop  }
0x90: {  	(tm) =	ssettm $0x1  }
0x91: {  	s17 =	sld [smem:$0x3FFB];
	_ =	sdelay $0x3  }
0x92: {  	_ =	strace s17  }
0x93: {  	s2 =	sld [smem:$0x3FFC];
	_ =	sdelay $0x3  }
0x94: {  	_ =	strace s2  }
0x95: {  	s2 =	sld [smem:$0x3FFD];
	_ =	sdelay $0x3  }
0x96: {  	_ =	strace s2  }
0x97: {  	_ =	strace $0x8FFFFFFF  }
0x98: {  	s18 =	sld [smem:$0x3FDB];
	_ =	sdelay $0x1  }
0x99: {  	s19 =	simm.s32 $_scs_section_size  }
0x9a: {  	s4 =	simm.s32 $_size__tile_overlayer_lowered;
	s5 =	simm.s32 $_tile_overlayer_lowered  }
0x9b: {  	s22 =	simm.s32 $0x1BFF;
	s21 =	sshll.u32 s5, $0x1;
	s2 =	sadd.s32 s19, s18  }
0x9c: {  	s6 =	simm.s32 $0x0;
	s20 =	sshll.u32 s4, $0x1;
	s4 =	sadd.s32 s21, s2  }
0x9d: {  	[timem:s6], [sflag:s22] =	dma.local [hbm:s4], s20  }
0x9e: {  	_ =	swait.ge [sflag:s22], s20  }
0x9f: {  	s3 =	ssub.s32 $0x0, s20;
	[sflag:s22] =	ssyncset.done $0x0  }
0xa0: {  	[sflag:s22] =	ssyncadd.s32 s3;
	_ =	sdelay $0x1  }
0xa1: {  	s23 =	simm.s32 $0x1B8B  }
0xa2: {  	_ =	swait.ge [sflag:s23], $0x1  }
0xa3: {  	[sflag:s23] =	ssyncset.done $0x0  }
0xa4: {  	s25 =	simm.s32 $0x1B8E;
	s24 =	sld [smem:$0x3FFE];
	[sflag:s23] =	ssyncadd.s32 $0xFFFFFFFF  }
0xa5: {  	s26 =	simm.s32 $execute0_lowered;
	[smem:$0x3FD2] =	sst s25  }
0xa6: {  	s4 =	sshll.u32 s26, $0x1;
	_ =	strace $0x80000049;
	[dreg:$0x1] =	wrdreg $0xFFFFFFFF  }
0xa7: {  	s28 =	simm.s32 $_size_execute0_lowered;
	s2 =	sadd.s32 s2, s4;
	[dreg:$0x0] =	wrdreg $0x0  }
0xa8: {  	s4 =	sshll.u32 s28, $0x1;
	[dreg:$0x2] =	wrdreg s2  }
0xa9: {  	[dreg:$0x3] =	wrdreg s4  }
0xaa: {  	[dreg:$0x4] =	wrdreg $0xC0  }
0xab: {  	_ =	task [dreg:s6], $0x5FFFF  }
0xac: {  	[dreg:$0x1] =	wrdreg $0xFFFFFFFF  }
0xad: {  	[dreg:$0x0] =	wrdreg $0x60  }
0xae: {  	[dreg:$0x2] =	wrdreg s24  }
0xaf: {  	[dreg:$0x3] =	wrdreg $0x100400  }
0xb0: {  	[dreg:$0x4] =	wrdreg $0x9  }
0xb1: {  	_ =	task.clear_ibuf [dreg:s6], $0x5FFFF;
	_ =	strace $0x90000049  }
0xb2: {  	s29 =	simm.s32 $0x9;
	_ =	strace $0x8000004B  }
0xb3: {  	_ =	swait.ge [sflag:s29], $0x1  }
0xb4: {  	[sflag:s29] =	ssyncadd.s32 $0xFFFFFFFF  }
0xb5: {  	_ =	strace $0x9000004B  }
0xb6: {  	_ =	sfence  }
0xb7: {  	s30 =	sld [smem:$0x0];
	_ =	sdelay $0x2  }
0xb8: {  	s31 =	sshll.u32 s1, $0xD;
	s1 =	sshrl.u32 s1, $0x2  }
0xb9: {  	s3 =	sand.u32 $0x4000, s31;
	s1 =	sadd.s32 s1, s30  }
0xba: {  	s0 =	sor.u32 s3, s0;
	s1 =	sshll.u32 s1, $0x11  }
0xbb: {  	s0 =	sor.u32 s1, s0  }
0xbc: {  	s0 =	sadd.s32 $0x8F2B, s0  }
0xbd: {  	[sflag:s0] =	ssyncadd.remote.s32 $0x1  }
0xbe: {  	_ =	sfence.sel $0xFFFF  }
0xbf: {  	[dreg:$0x0] =	wrdreg $0xFFFFFFFF;
	(pc) =	sbr.abs _section_cstart, $3  }
0xc0: {  	[dreg:$0x1] =	wrdreg $0xFFFFFFFF  }
0xc1: {  	_ =	task.clear_ibuf [dreg:s6], $0x2FFFF;
	_ =	strace $0x9FFFFFFF  }
0xc2: {  	(tm) =	ssettm $0x7FFFFFFF  }
0xc3: {  	_ =	shalt  }
tec
execute0_lowered:
.L_overlay_start_1:
0x0: {  	(tag) =	ssettag $0x1  }
0x1: {  	s0 =	rddreg [dreg:$0x0]  }
0x2: {  	s1 =	rddreg [dreg:$0x1]  }
0x3: {  	s12 =	stileid.u32;
	s3 =	srdreg.scid;
	s2 =	simm.s32 $0x0  }
0x4: {  	s16 =	simm.s32 $0x50;
	s17 =	simm.s32 $0x9C40;
	s18 =	simm.s32 $0xB040  }
0x5: {  	s20 =	simm.s32 $0xC440;
	s22 =	simm.s32 $0xD840;
	s28 =	simm.s32 $0x4  }
0x6: {  	s29 =	simm.s32 $0x5;
	s21 =	simm.s32 $0x9BF0;
	s4 =	smul.u32 $0x9C4, s12  }
0x7: {  	s30 =	simm.s32 $0x0;
	s5 =	sand.u32 $0x1, s3;
	s6 =	smul.u32 $0x27000, s12  }
0x8: {  	[smem:$0x7FF] =	sst s2;
	s3 =	sadd.s32 $0x16000, s0;
	s8 =	smul.u32 $0x270, s12  }
0x9: {  	s15 =	sadd.s32 $0x9C000, s1;
	s31 =	sshll.u32 s12, $0x6;
	p0 =	sne.s32 s12, $0x0  }
0xa: {  	s19 =	smul.u32 $0x2710, s5;
	_ =	strace $0x8000004A;
	s23 =	ssub.s32 $0x2, s5  }
0xb: {  	s10 =	smul.u32 $0x9C400, s5;
	s13 =	sor.u32 $0x1C06, s31;
	s15 =	sshrl.u32 @!p0 s15, $0x3  }
0xc: {  	s7 =	sadd.s32 s4, s0;
	s0 =	sadd.s32 $0x3D200, s0;
	s9 =	sshrl.u32 s23, $0x1  }
0xd: {  	s6 =	sshrl.u32 s6, $0x2;
	s11 =	ssub.s32 s23, s9;
	s4 =	sadd.s32 $0x2400, s7  }
0xe: {  	s5 =	sadd.s32 $0xC200, s7;
	s24 =	sadd.s32 s8, s19;
	s25 =	sshrl.u32 s10, $0x3  }
0xf: {  	s14 =	sadd.s32 s6, s1;
	s23 =	simm.s32 $0x1;
	v0 =	vmov s19;
	s19 =	simm.s32 $0x9BA0  }
0x10: {  	s26 =	sshll.u32 s24, $0x3;
	s10 =	sadd.s32 $0x13800, s25;
	s14 =	sshrl.u32 s14, $0x3  }
0x11: {  	s24 =	simm.s32 $0xEC40;
	s25 =	simm.s32 $0x2;
	s6 =	sadd.s32 s3, s26  }
0x12: {  	s7 =	sadd.s32 s3, s10;
	s8 =	sadd.s32 s0, s26;
	s9 =	sadd.s32 s0, s10  }
0x13: {  	s10 =	smax.u32 s11, $0x1;
	s11 =	simm.s32 $0x6;
	s26 =	simm.s32 $0x3  }
.LBB2_1:
0x14: {  	[tilespmem:s2], [sflag:$0x6] =	stream.linear.gather [hbm4b:s4+s2], $0x4E20, $0x38;
	[tilespmem:$0x19C80] =	vst v63  }
0x15: {  	_ =	swait.ge [sflag:s11], $0x4E20  }
0x16: {  	[sflag:s11] =	ssyncset.done $0x0  }
0x17: {  	s0 =	simm.s32 $0x4E20;
	[sflag:s11] =	ssyncadd.s32 $0xFFFFB1E0  }
0x18: {  	[tilespmem:s0], [sflag:$0x6] =	stream.linear.gather [hbm4b:s5+s2], $0x4E20, $0x38;
	[tilespmem:$0x19C80] =	vst v63  }
0x19: {  	_ =	swait.ge [sflag:s11], $0x4E20  }
0x1a: {  	[sflag:s11] =	ssyncset.done $0x0  }
0x1b: {  	s0 =	simm.s32 $0x0;
	[sflag:s11] =	ssyncadd.s32 $0xFFFFB1E0  }
0x1c: {  	v4 =	vld [tilespmem:s0+$0x0]  }
0x1d: {  	v3 =	vld [tilespmem:s0+$0x10]  }
0x1e: {  	v2 =	vld [tilespmem:s0+$0x20]  }
0x1f: {  	s31 =	simm.s32 $0x140;
	v1 =	vld [tilespmem:s0+$0x30]  }
.LBB2_2:
0x20: {  	p1 =	sne.s32 s31, $0x13740;
	v5 =	vld [tilespmem:s0+$0x40]  }
0x21: {  	v4 =	vadd.s32 v0, v4  }
.Ltmp0:
0x22: {  	s12 =	sshra.s32 s31, $0x2;
	[tilespmem:s0+$0x0] =	vst v4;
	v3 =	vadd.s32 v0, v3;
	(pc) =	sbr.rel @p1 .LBB2_2-.Ltmp0, $4  }
0x23: {  	v4 =	vld [tilespmem:s12+$0x0];
	[tilespmem:s0+$0x10] =	vst v3;
	v2 =	vadd.s32 v0, v2  }
0x24: {  	v3 =	vld [tilespmem:s12+$0x10];
	[tilespmem:s0+$0x20] =	vst v2;
	v1 =	vadd.s32 v0, v1  }
0x25: {  	v2 =	vld [tilespmem:s12+$0x20];
	[tilespmem:s0+$0x30] =	vst v1;
	v5 =	vadd.s32 v0, v5  }
0x26: {  	s31 =	sadd.s32 $0x140, s31;
	v1 =	vld [tilespmem:s12+$0x30];
	[tilespmem:s0+$0x40] =	vst v5;
	s0 =	smov.u32 s12  }
0x27: {  	v5 =	vld [tilespmem:s0+$0x40]  }
0x28: {  	v4 =	vadd.s32 v0, v4  }
0x29: {  	[tilespmem:s0+$0x0] =	vst v4;
	v3 =	vadd.s32 v0, v3  }
0x2a: {  	[tilespmem:s0+$0x10] =	vst v3;
	v2 =	vadd.s32 v0, v2  }
0x2b: {  	[tilespmem:s0+$0x20] =	vst v2;
	v1 =	vadd.s32 v0, v1  }
0x2c: {  	[tilespmem:s0+$0x30] =	vst v1;
	v1 =	vadd.s32 v0, v5  }
0x2d: {  	[tilespmem:s0+$0x40] =	vst v1  }
0x2e: {  	[spmem:s14], [sflag:s13] =	dma.local [hbm:s6], $0x1380  }
0x2f: {  	_ =	swait.ge [sflag:s11], $0x1380  }
0x30: {  	[sflag:s11] =	ssyncset.done $0x0  }
0x31: {  	s0 =	simm.s32 @!p0 $0x6;
	[sflag:s11] =	ssyncadd.s32 $0xFFFFEC80  }
0x32: {  	[spmem:s15], [sflag:s13] =	dma.local @!p0 [hbm:s7], $0x80  }
0x33: {  	_ =	swait.ge @!p0 [sflag:s0], $0x80  }
0x34: {  	[sflag:s0] =	ssyncset.done @!p0 $0x0  }
0x35: {  	[sflag:s0] =	ssyncadd.s32 @!p0 $0xFFFFFF80  }
0x36: {  	s12 =	simm.s32 $0x0;
	[bflag:$0x0] =	sbarrier.arrive $0xFFFF  }
0x37: {  	[tilespmem:s17], [sflag:$0x1] =	stream.indirect.gather [hbm4b:s3+s16], $0x40, s12, s16, $0xb8;
	[tilespmem:$0x19C80] =	vst v63  }
0x38: {  	_ = 	snop  }
0x39: {  	[tilespmem:s18], [sflag:$0x2] =	stream.indirect.gather [hbm4b:s3+s16], $0x40, s16, s16, $0xb8;
	[tilespmem:$0x19C80] =	vst v63  }
0x3a: {  	s12 =	simm.s32 $0xA0  }
0x3b: {  	[tilespmem:s20], [sflag:$0x3] =	stream.indirect.gather [hbm4b:s3+s16], $0x40, s12, s16, $0xb8;
	[tilespmem:$0x19C80] =	vst v63  }
0x3c: {  	s12 =	simm.s32 $0xF0  }
0x3d: {  	[tilespmem:s22], [sflag:$0x4] =	stream.indirect.gather [hbm4b:s3+s16], $0x40, s12, s16, $0xb8;
	[tilespmem:$0x19C80] =	vst v63  }
0x3e: {  	_ =	swait.ge [sflag:s23], $0x1400  }
0x3f: {  	[sflag:s23] =	ssyncset.done $0x0  }
0x40: {  	s12 =	simm.s32 $0x140;
	[sflag:s23] =	ssyncadd.s32 $0xFFFFEC00  }
0x41: {  	[tilespmem:s24], [sflag:$0x5] =	stream.indirect.gather [hbm4b:s3+s16], $0x40, s12, s16, $0xb8;
	[tilespmem:$0x19C80] =	vst v63  }
0x42: {  	s12 =	simm.s32 $0x4E20  }
0x43: {  	[spmem:s1] =	stream.indirect.scatter.add.f32 [tilespmem:s17], [sflag:$0x6], $0x40, s12, s16, $0xb8;
	[tilespmem:$0x19C80] =	vst v63  }
0x44: {  	_ =	swait.ge [sflag:s11], $0x1400  }
0x45: {  	[sflag:s11] =	ssyncset.done $0x0  }
0x46: {  	[sflag:s11] =	ssyncadd.s32 $0xFFFFEC00  }
0x47: {  	_ =	swait.ge [sflag:s25], $0x1400  }
0x48: {  	[sflag:s25] =	ssyncset.done $0x0  }
0x49: {  	s12 =	simm.s32 $0x190;
	[sflag:s25] =	ssyncadd.s32 $0xFFFFEC00  }
0x4a: {  	[tilespmem:s17], [sflag:$0x1] =	stream.indirect.gather [hbm4b:s3+s16], $0x40, s12, s16, $0xb8;
	[tilespmem:$0x19C80] =	vst v63  }
0x4b: {  	s12 =	simm.s32 $0x4E70  }
0x4c: {  	[spmem:s1] =	stream.indirect.scatter.add.f32 [tilespmem:s18], [sflag:$0x6], $0x40, s12, s16, $0xb8;
	[tilespmem:$0x19C80] =	vst v63  }
0x4d: {  	_ =	swait.ge [sflag:s11], $0x1400  }
0x4e: {  	[sflag:s11] =	ssyncset.done $0x0  }
0x4f: {  	[sflag:s11] =	ssyncadd.s32 $0xFFFFEC00  }
0x50: {  	_ =	swait.ge [sflag:s26], $0x1400  }
0x51: {  	[sflag:s26] =	ssyncset.done $0x0  }
0x52: {  	s12 =	simm.s32 $0x1E0;
	[sflag:s26] =	ssyncadd.s32 $0xFFFFEC00  }
0x53: {  	[tilespmem:s18], [sflag:$0x2] =	stream.indirect.gather [hbm4b:s3+s16], $0x40, s12, s16, $0xb8;
	[tilespmem:$0x19C80] =	vst v63  }
0x54: {  	s12 =	simm.s32 $0x4EC0  }
0x55: {  	[spmem:s1] =	stream.indirect.scatter.add.f32 [tilespmem:s20], [sflag:$0x6], $0x40, s12, s16, $0xb8;
	[tilespmem:$0x19C80] =	vst v63  }
0x56: {  	_ =	swait.ge [sflag:s11], $0x1400  }
0x57: {  	[sflag:s11] =	ssyncset.done $0x0  }
0x58: {  	[sflag:s11] =	ssyncadd.s32 $0xFFFFEC00  }
0x59: {  	_ =	swait.ge [sflag:s28], $0x1400  }
0x5a: {  	[sflag:s28] =	ssyncset.done $0x0  }
0x5b: {  	s12 =	simm.s32 $0x230;
	[sflag:s28] =	ssyncadd.s32 $0xFFFFEC00  }
0x5c: {  	[tilespmem:s20], [sflag:$0x3] =	stream.indirect.gather [hbm4b:s3+s16], $0x40, s12, s16, $0xb8;
	[tilespmem:$0x19C80] =	vst v63  }
0x5d: {  	s12 =	simm.s32 $0x4F10  }
0x5e: {  	[spmem:s1] =	stream.indirect.scatter.add.f32 [tilespmem:s22], [sflag:$0x6], $0x40, s12, s16, $0xb8;
	[tilespmem:$0x19C80] =	vst v63  }
0x5f: {  	_ =	swait.ge [sflag:s11], $0x1400  }
0x60: {  	[sflag:s11] =	ssyncset.done $0x0  }
0x61: {  	[sflag:s11] =	ssyncadd.s32 $0xFFFFEC00  }
0x62: {  	_ =	swait.ge [sflag:s29], $0x1400  }
0x63: {  	[sflag:s29] =	ssyncset.done $0x0  }
0x64: {  	s12 =	simm.s32 $0x280;
	[sflag:s29] =	ssyncadd.s32 $0xFFFFEC00  }
0x65: {  	[tilespmem:s22], [sflag:$0x4] =	stream.indirect.gather [hbm4b:s3+s16], $0x40, s12, s16, $0xb8;
	[tilespmem:$0x19C80] =	vst v63  }
0x66: {  	s12 =	simm.s32 $0x4F60  }
0x67: {  	[spmem:s1] =	stream.indirect.scatter.add.f32 [tilespmem:s24], [sflag:$0x6], $0x40, s12, s16, $0xb8;
	[tilespmem:$0x19C80] =	vst v63  }
0x68: {  	_ =	swait.ge [sflag:s11], $0x1400  }
0x69: {  	s31 =	simm.s32 $0x640;
	[sflag:s11] =	ssyncset.done $0x0  }
.LBB2_4:
0x6a: {  	p1 =	sne.s32 s31, $0x12C00  }
0x6b: {  	[sflag:s11] =	ssyncadd.s32 $0xFFFFEC00;
	s0 =	smov.u32 s31;
	s31 =	sadd.s32 $0x640, s31  }
0x6c: {  	_ = 	snop  }
0x6d: {  	_ =	swait.ge [sflag:s23], $0x1400  }
0x6e: {  	s0 =	sshra.s32 s0, $0x2;
	[sflag:s23] =	ssyncset.done $0x0  }
0x6f: {  	s12 =	sadd.s32 $0x140, s0;
	[sflag:s23] =	ssyncadd.s32 $0xFFFFEC00  }
0x70: {  	[tilespmem:s24], [sflag:$0x5] =	stream.indirect.gather [hbm4b:s3+s16], $0x40, s12, s16, $0xb8;
	[tilespmem:$0x19C80] =	vst v63  }
0x71: {  	s12 =	sadd.s32 $0x4E20, s0  }
0x72: {  	[spmem:s1] =	stream.indirect.scatter.add.f32 [tilespmem:s17], [sflag:$0x6], $0x40, s12, s16, $0xb8;
	[tilespmem:$0x19C80] =	vst v63  }
0x73: {  	_ =	swait.ge [sflag:s11], $0x1400  }
0x74: {  	[sflag:s11] =	ssyncset.done $0x0  }
0x75: {  	[sflag:s11] =	ssyncadd.s32 $0xFFFFEC00  }
0x76: {  	_ =	swait.ge [sflag:s25], $0x1400  }
0x77: {  	[sflag:s25] =	ssyncset.done $0x0  }
0x78: {  	s12 =	sadd.s32 $0x190, s0;
	[sflag:s25] =	ssyncadd.s32 $0xFFFFEC00  }
0x79: {  	[tilespmem:s17], [sflag:$0x1] =	stream.indirect.gather [hbm4b:s3+s16], $0x40, s12, s16, $0xb8;
	[tilespmem:$0x19C80] =	vst v63  }
0x7a: {  	s12 =	sadd.s32 $0x4E70, s0  }
0x7b: {  	[spmem:s1] =	stream.indirect.scatter.add.f32 [tilespmem:s18], [sflag:$0x6], $0x40, s12, s16, $0xb8;
	[tilespmem:$0x19C80] =	vst v63  }
0x7c: {  	_ =	swait.ge [sflag:s11], $0x1400  }
0x7d: {  	[sflag:s11] =	ssyncset.done $0x0  }
0x7e: {  	[sflag:s11] =	ssyncadd.s32 $0xFFFFEC00  }
0x7f: {  	_ =	swait.ge [sflag:s26], $0x1400  }
0x80: {  	[sflag:s26] =	ssyncset.done $0x0  }
0x81: {  	s12 =	sadd.s32 $0x1E0, s0;
	[sflag:s26] =	ssyncadd.s32 $0xFFFFEC00  }
0x82: {  	[tilespmem:s18], [sflag:$0x2] =	stream.indirect.gather [hbm4b:s3+s16], $0x40, s12, s16, $0xb8;
	[tilespmem:$0x19C80] =	vst v63  }
0x83: {  	s12 =	sadd.s32 $0x4EC0, s0  }
0x84: {  	[spmem:s1] =	stream.indirect.scatter.add.f32 [tilespmem:s20], [sflag:$0x6], $0x40, s12, s16, $0xb8;
	[tilespmem:$0x19C80] =	vst v63  }
0x85: {  	_ =	swait.ge [sflag:s11], $0x1400  }
0x86: {  	[sflag:s11] =	ssyncset.done $0x0  }
0x87: {  	[sflag:s11] =	ssyncadd.s32 $0xFFFFEC00  }
0x88: {  	_ =	swait.ge [sflag:s28], $0x1400  }
0x89: {  	[sflag:s28] =	ssyncset.done $0x0  }
0x8a: {  	s12 =	sadd.s32 $0x230, s0;
	[sflag:s28] =	ssyncadd.s32 $0xFFFFEC00  }
0x8b: {  	[tilespmem:s20], [sflag:$0x3] =	stream.indirect.gather [hbm4b:s3+s16], $0x40, s12, s16, $0xb8;
	[tilespmem:$0x19C80] =	vst v63  }
0x8c: {  	s12 =	sadd.s32 $0x4F10, s0  }
0x8d: {  	[spmem:s1] =	stream.indirect.scatter.add.f32 [tilespmem:s22], [sflag:$0x6], $0x40, s12, s16, $0xb8;
	[tilespmem:$0x19C80] =	vst v63  }
0x8e: {  	_ =	swait.ge [sflag:s11], $0x1400  }
0x8f: {  	[sflag:s11] =	ssyncset.done $0x0  }
0x90: {  	[sflag:s11] =	ssyncadd.s32 $0xFFFFEC00  }
0x91: {  	_ =	swait.ge [sflag:s29], $0x1400  }
0x92: {  	[sflag:s29] =	ssyncset.done $0x0  }
0x93: {  	s12 =	sadd.s32 $0x280, s0;
	[sflag:s29] =	ssyncadd.s32 $0xFFFFEC00  }
0x94: {  	[tilespmem:s22], [sflag:$0x4] =	stream.indirect.gather [hbm4b:s3+s16], $0x40, s12, s16, $0xb8;
	[tilespmem:$0x19C80] =	vst v63  }
.Ltmp1:
0x95: {  	_ = 	snop;
	(pc) =	sbr.rel @p1 .LBB2_4-.Ltmp1, $4  }
0x96: {  	s0 =	sadd.s32 $0x4F60, s0  }
0x97: {  	[spmem:s1] =	stream.indirect.scatter.add.f32 [tilespmem:s24], [sflag:$0x6], $0x40, s0, s16, $0xb8;
	[tilespmem:$0x19C80] =	vst v63  }
0x98: {  	_ =	swait.ge [sflag:s11], $0x1400  }
0x99: {  	[sflag:s11] =	ssyncset.done $0x0  }
0x9a: {  	[sflag:s11] =	ssyncadd.s32 $0xFFFFEC00  }
0x9b: {  	_ =	swait.ge [sflag:s23], $0x1400  }
0x9c: {  	[sflag:s23] =	ssyncset.done $0x0  }
0x9d: {  	s0 =	simm.s32 $0x4DD0;
	[sflag:s23] =	ssyncadd.s32 $0xFFFFEC00  }
0x9e: {  	[tilespmem:s24], [sflag:$0x5] =	stream.indirect.gather [hbm4b:s3+s16], $0x40, s0, s16, $0xb8;
	[tilespmem:$0x19C80] =	vst v63  }
0x9f: {  	s31 =	simm.s32 $0x9AB0  }
0xa0: {  	[spmem:s1] =	stream.indirect.scatter.add.f32 [tilespmem:s17], [sflag:$0x6], $0x40, s31, s16, $0xb8;
	[tilespmem:$0x19C80] =	vst v63  }
0xa1: {  	_ =	swait.ge [sflag:s11], $0x1400  }
0xa2: {  	[sflag:s11] =	ssyncset.done $0x0  }
0xa3: {  	[sflag:s11] =	ssyncadd.s32 $0xFFFFEC00  }
0xa4: {  	_ =	swait.ge [sflag:s25], $0x1400  }
0xa5: {  	[sflag:s25] =	ssyncset.done $0x0  }
0xa6: {  	s12 =	simm.s32 $0x9B00;
	[sflag:s25] =	ssyncadd.s32 $0xFFFFEC00  }
0xa7: {  	[spmem:s1] =	stream.indirect.scatter.add.f32 [tilespmem:s18], [sflag:$0x6], $0x40, s12, s16, $0xb8;
	[tilespmem:$0x19C80] =	vst v63  }
0xa8: {  	_ =	swait.ge [sflag:s11], $0x1400  }
0xa9: {  	[sflag:s11] =	ssyncset.done $0x0  }
0xaa: {  	[sflag:s11] =	ssyncadd.s32 $0xFFFFEC00  }
0xab: {  	_ =	swait.ge [sflag:s26], $0x1400  }
0xac: {  	[sflag:s26] =	ssyncset.done $0x0  }
0xad: {  	s31 =	simm.s32 $0x9B50;
	[sflag:s26] =	ssyncadd.s32 $0xFFFFEC00  }
0xae: {  	[spmem:s1] =	stream.indirect.scatter.add.f32 [tilespmem:s20], [sflag:$0x6], $0x40, s31, s16, $0xb8;
	[tilespmem:$0x19C80] =	vst v63  }
0xaf: {  	_ =	swait.ge [sflag:s11], $0x1400  }
0xb0: {  	[sflag:s11] =	ssyncset.done $0x0  }
0xb1: {  	[sflag:s11] =	ssyncadd.s32 $0xFFFFEC00  }
0xb2: {  	_ =	swait.ge [sflag:s28], $0x1400  }
0xb3: {  	[sflag:s28] =	ssyncset.done $0x0  }
0xb4: {  	[sflag:s28] =	ssyncadd.s32 $0xFFFFEC00  }
0xb5: {  	[spmem:s1] =	stream.indirect.scatter.add.f32 [tilespmem:s22], [sflag:$0x6], $0x40, s19, s16, $0xb8;
	[tilespmem:$0x19C80] =	vst v63  }
0xb6: {  	_ =	swait.ge [sflag:s11], $0x1400  }
0xb7: {  	[sflag:s11] =	ssyncset.done $0x0  }
0xb8: {  	[sflag:s11] =	ssyncadd.s32 $0xFFFFEC00  }
0xb9: {  	_ =	swait.ge [sflag:s29], $0x1400  }
0xba: {  	[sflag:s29] =	ssyncset.done $0x0  }
0xbb: {  	[sflag:s29] =	ssyncadd.s32 $0xFFFFEC00  }
0xbc: {  	[spmem:s1] =	stream.indirect.scatter.add.f32 [tilespmem:s24], [sflag:$0x6], $0x40, s21, s16, $0xb8;
	[tilespmem:$0x19C80] =	vst v63  }
0xbd: {  	_ =	swait.ge [sflag:s11], $0x1400  }
0xbe: {  	[sflag:s11] =	ssyncset.done $0x0  }
0xbf: {  	[sflag:s11] =	ssyncadd.s32 $0xFFFFEC00  }
0xc0: {  	[bflag:$0x0] =	sbarrier.arrive $0xFFFF  }
0xc1: {  	[hbm:s8], [sflag:s13] =	dma.local [spmem:s14], $0x1380  }
0xc2: {  	s30 =	sadd.s32 $0x1, s30;
	_ =	swait.ge [sflag:s11], $0x1380  }
0xc3: {  	p1 =	sne.s32 s30, s10;
	[sflag:s11] =	ssyncset.done $0x0  }
.Ltmp2:
0xc4: {  	s0 =	simm.s32 @!p0 $0x6;
	[sflag:s11] =	ssyncadd.s32 $0xFFFFEC80;
	(pc) =	sbr.rel @p1 .LBB2_1-.Ltmp2, $4  }
0xc5: {  	[hbm:s9], [sflag:s13] =	dma.local @!p0 [spmem:s15], $0x80  }
0xc6: {  	_ =	swait.ge @!p0 [sflag:s0], $0x80  }
0xc7: {  	[sflag:s0] =	ssyncset.done @!p0 $0x0  }
0xc8: {  	[sflag:s0] =	ssyncadd.s32 @!p0 $0xFFFFFF80  }
0xc9: {  	_ =	sfence.sel $0x180000  }
0xca: {  	[bflag:$0x0] =	sbarrier.arrive $0xFFFF  }
0xcb: {  	_ =	strace $0x9000004A  }
0xcc: {  	[bflag:$0x2] =	sbarrier.arrive $0xFFFF  }
0xcd: {  	s0 =	rddreg [dreg:$0x2]  }
0xce: {  	s0 =	sadd.s32 @!p0 $0x100000, s0  }
0xcf: {  	[sflag:s0] =	ssyncadd.tile.s32 @!p0 $0x1;
	_ =	shalt  }
.Lfunc_end2:
_tile_overlayer_lowered:
.L_overlay_start_2:
0xd0: {  	(tag) =	ssettag $0x2  }
0xd1: {  	s0 =	rddreg [dreg:$0x0];
	s2 =	stileid.u32  }
0xd2: {  	s1 =	rddreg [dreg:$0x1];
	p0 =	sne.s32 s2, $0x0  }
0xd3: {  	s3 =	rddreg [dreg:$0x2];
	[bflag:$0x3] =	sbarrier.arrive $0xFFFF;
	s2 =	simm.s32 @!p0 $0x1C06  }
0xd4: {  	[timem:s3], [sflag:s2] =	dma.local @!p0 [hbm:s0], s1  }
0xd5: {  	s0 =	simm.s32 @!p0 $0x6  }
0xd6: {  	_ =	swait.ge @!p0 [sflag:s0], s1  }
0xd7: {  	s1 =	ssub.s32 @!p0 $0x0, s1;
	[sflag:s0] =	ssyncset.done @!p0 $0x0  }
0xd8: {  	[sflag:s0] =	ssyncadd.s32 @!p0 s1  }
0xd9: {  	[bflag:$0x3] =	sbarrier.arrive $0xFFFF  }
0xda: {  	_ =	shalt  }

// kernel: kernel.16.cloned.1.call-start
scs
__scs_entry_jumppad:
0x0: {  	(pc) =	sbr.rel $0x88, $3  }
0x1: {  	(tag) =	ssettag $0x0;
	lr =	simm.s32 $0x1  }
0x2: {  	[smem:$0x3F99] =	sst lr;
	_ =	strace $0xD0000000  }
0x3: {  	_ = 	snop  }
0x4: {  	_ = 	snop  }
0x5: {  	_ = 	snop  }
0x6: {  	_ = 	snop  }
0x7: {  	_ = 	snop  }
__scs_overlays_trampoline_lowered:
0x8: {  	[smem:$0x3FA8] =	sst s0  }
0x9: {  	[smem:$0x3FA9] =	sst s1  }
0xa: {  	[smem:$0x3FAA] =	sst s2  }
0xb: {  	[smem:$0x3FAB] =	sst s3  }
0xc: {  	[smem:$0x3FAC] =	sst s4  }
0xd: {  	[smem:$0x3FAD] =	sst s5  }
0xe: {  	[smem:$0x3FAE] =	sst s6  }
0xf: {  	[smem:$0x3FAF] =	sst s7  }
0x10: {  	[smem:$0x3FB0] =	sst s8  }
0x11: {  	[smem:$0x3FB1] =	sst s9;
	s0 =	simm.s32 @!p0 $0x0  }
0x12: {  	s1 =	sld [smem:$0x3F97];
	s0 =	simm.s32 @p0 $0x1  }
0x13: {  	[smem:$0x3FB2] =	sst s0;
	s0 =	simm.s32 @!p1 $0x0  }
0x14: {  	s2 =	sld [smem:$0x3F96];
	s0 =	simm.s32 @p1 $0x1  }
0x15: {  	[smem:$0x3FB3] =	sst s0;
	s0 =	simm.s32 @!p2 $0x0  }
0x16: {  	s3 =	sld [smem:$0x3FDB];
	s0 =	simm.s32 @p2 $0x1  }
0x17: {  	s4 =	simm.s32 $0x1BF5;
	[smem:$0x3FB5] =	sst s0  }
0x18: {  	s0 =	sld [smem:$0x3F98];
	_ =	swait.ge [sflag:s4], $0x0  }
0x19: {  	s7 =	sld [smem:$0x3F99]  }
0x1a: {  	s8 =	sadd.s32 $0xFFFFE003, lr  }
0x1b: {  	s9 =	sadd.s32 $0xFFFFFEF7, lr;
	s5 =	simm.s32 $0xFFFFFFFF;
	p2 =	slt.u32 s8, $0xFFFFF086  }
0x1c: {  	p1 =	slt.u32 s9, $0xF7A;
	s5 =	simm.s32 @!p2 $0x0  }
0x1d: {  	s5 =	simm.s32 @p1 $0x1;
	p0 =	seq.s32 s7, s2  }
0x1e: {  	s7 =	smul.u32 @!p0 $0xF7A, s2;
	p2 =	seq.s32 @!p0 s5, $0x0  }
0x1f: {  	s9 =	smul.u32 $0xF7A, s1;
	s8 =	simm.s32 @!p0 $0x1BF5;
	p2 =	por !p2, p0  }
0x20: {  	[sflag:s8] =	ssyncset.s32 @!p0 $0xFFFFF086;
	s6 =	sadd.s32 @!p0 s3, s7;
	s7 =	simm.s32 @!p0 $0x108  }
0x21: {  	s3 =	sadd.s32 s3, s9;
	s6 =	sadd.s32 @!p0 $0x88, s6;
	s7 =	simm.s32 @p2 $0x1082  }
0x22: {  	[simem:s7], [sflag:s8] =	dma.local @!p0 [hbm:s6], $0xF7A  }
0x23: {  	s9 =	sor.u32 $0xD0000000, s2;
	s6 =	simm.s32 $0x108;
	_ =	swait.ge @!p0 [sflag:s8], $0x0  }
0x24: {  	s3 =	sadd.s32 $0x88, s3;
	s6 =	simm.s32 @!p1 $0x1082;
	[sflag:s4] =	ssyncset.s32 $0xFFFFF086  }
0x25: {  	[simem:s6], [sflag:s4] =	dma.local [hbm:s3], $0xF7A  }
0x26: {  	[smem:$0x3F99] =	sst s1;
	(tag) =	ssettag s2;
	_ =	strace s9  }
0x27: {  	s1 =	sld [smem:$0x3FA9]  }
0x28: {  	s2 =	sld [smem:$0x3FAA]  }
0x29: {  	s4 =	sld [smem:$0x3FAC]  }
0x2a: {  	p0 =	seq.s32 s5, $0x0;
	s5 =	sld [smem:$0x3FAD]  }
0x2b: {  	s6 =	sld [smem:$0x3FAE]  }
0x2c: {  	s7 =	sld [smem:$0x3FAF]  }
0x2d: {  	s3 =	simm.s32 $0x108;
	s8 =	sld [smem:$0x3FB0]  }
0x2e: {  	s3 =	simm.s32 @!p0 $0x1082;
	s9 =	sld [smem:$0x3FB1]  }
0x2f: {  	lr =	sadd.s32 s0, s3;
	s0 =	sld [smem:$0x3FA8]  }
0x30: {  	s3 =	sld [smem:$0x3FAB]  }
0x31: {  	[smem:$0x3FB4] =	sst s10  }
0x32: {  	s10 =	sld [smem:$0x3FB2];
	_ =	sdelay $0x3  }
0x33: {  	p0 =	seq.s32 s10, $0x1;
	s10 =	sld [smem:$0x3FB4];
	_ =	sdelay $0x3  }
0x34: {  	[smem:$0x3FB4] =	sst s10  }
0x35: {  	s10 =	sld [smem:$0x3FB3];
	_ =	sdelay $0x3  }
0x36: {  	p1 =	seq.s32 s10, $0x1;
	s10 =	sld [smem:$0x3FB4];
	_ =	sdelay $0x3  }
0x37: {  	[smem:$0x3FB4] =	sst s10  }
0x38: {  	s10 =	sld [smem:$0x3FB5]  }
0x39: {  	_ = 	snop;
	(pc) =	sbr.ind lr, $3  }
0x3a: {  	_ = 	snop  }
0x3b: {  	_ = 	snop  }
0x3c: {  	p2 =	seq.s32 s10, $0x1;
	s10 =	sld [smem:$0x3FB4]  }
0x3d: {  	_ =	shalt  }
0x3e: {  	_ =	shalt  }
0x3f: {  	_ =	shalt  }
0x40: {  	_ =	shalt  }
0x41: {  	_ =	shalt  }
0x42: {  	_ =	shalt  }
0x43: {  	_ =	shalt  }
0x44: {  	_ =	shalt  }
0x45: {  	_ =	shalt  }
0x46: {  	_ =	shalt  }
0x47: {  	_ =	shalt  }
0x48: {  	_ =	shalt  }
0x49: {  	_ =	shalt  }
0x4a: {  	_ =	shalt  }
0x4b: {  	_ =	shalt  }
0x4c: {  	_ =	shalt  }
0x4d: {  	_ =	shalt  }
0x4e: {  	_ =	shalt  }
0x4f: {  	_ =	shalt  }
0x50: {  	_ =	shalt  }
0x51: {  	_ =	shalt  }
0x52: {  	_ =	shalt  }
0x53: {  	_ =	shalt  }
0x54: {  	_ =	shalt  }
0x55: {  	_ =	shalt  }
0x56: {  	_ =	shalt  }
0x57: {  	_ =	shalt  }
0x58: {  	_ =	shalt  }
0x59: {  	_ =	shalt  }
0x5a: {  	_ =	shalt  }
0x5b: {  	_ =	shalt  }
0x5c: {  	_ =	shalt  }
0x5d: {  	_ =	shalt  }
0x5e: {  	_ =	shalt  }
0x5f: {  	_ =	shalt  }
0x60: {  	_ =	shalt  }
0x61: {  	_ =	shalt  }
0x62: {  	_ =	shalt  }
0x63: {  	_ =	shalt  }
0x64: {  	_ =	shalt  }
0x65: {  	_ =	shalt  }
0x66: {  	_ =	shalt  }
0x67: {  	_ =	shalt  }
0x68: {  	_ =	shalt  }
0x69: {  	_ =	shalt  }
0x6a: {  	_ =	shalt  }
0x6b: {  	_ =	shalt  }
0x6c: {  	_ =	shalt  }
0x6d: {  	_ =	shalt  }
0x6e: {  	_ =	shalt  }
0x6f: {  	_ =	shalt  }
0x70: {  	_ =	shalt  }
0x71: {  	_ =	shalt  }
0x72: {  	_ =	shalt  }
0x73: {  	_ =	shalt  }
0x74: {  	_ =	shalt  }
0x75: {  	_ =	shalt  }
0x76: {  	_ =	shalt  }
0x77: {  	_ =	shalt  }
0x78: {  	_ =	shalt  }
0x79: {  	_ =	shalt  }
0x7a: {  	_ =	shalt  }
0x7b: {  	_ =	shalt  }
0x7c: {  	_ =	shalt  }
0x7d: {  	_ =	shalt  }
0x7e: {  	_ =	shalt  }
0x7f: {  	_ =	shalt  }
0x80: {  	_ =	shalt  }
0x81: {  	_ =	shalt  }
0x82: {  	_ =	shalt  }
0x83: {  	_ =	shalt  }
0x84: {  	_ =	shalt  }
0x85: {  	_ =	shalt  }
0x86: {  	_ =	shalt  }
0x87: {  	_ =	shalt  }
.Lfunc_end0:
.L_simem_size_0:
called_computation.2_lowered:
.L_overlay_start_0:
0x88: {  	s2 =	sld [smem:$0x3FD9]  }
0x89: {  	s3 =	sld [smem:$0x3FFE];
	_ =	sdelay $0x1  }
0x8a: {  	s1 =	srdreg.scid  }
0x8b: {  	s0 =	sand.u32 $0x1, s1  }
0x8c: {  	s16 =	sshll.u32 s0, $0xA;
	s2 =	sadd.s32 s3, s2  }
0x8d: {  	s2 =	sadd.s32 s2, s16  }
0x8e: {  	[smem:$0x3FC0] =	sst s2  }
0x8f: {  	_ = 	snop  }
0x90: {  	(tm) =	ssettm $0x1  }
0x91: {  	s17 =	sld [smem:$0x3FFB];
	_ =	sdelay $0x3  }
0x92: {  	_ =	strace s17  }
0x93: {  	s2 =	sld [smem:$0x3FFC];
	_ =	sdelay $0x3  }
0x94: {  	_ =	strace s2  }
0x95: {  	s2 =	sld [smem:$0x3FFD];
	_ =	sdelay $0x3  }
0x96: {  	_ =	strace s2  }
0x97: {  	_ =	strace $0x8FFFFFFF  }
0x98: {  	s18 =	sld [smem:$0x3FDB];
	_ =	sdelay $0x1  }
0x99: {  	s19 =	simm.s32 $_scs_section_size  }
0x9a: {  	s4 =	simm.s32 $_size__tile_overlayer_lowered;
	s5 =	simm.s32 $_tile_overlayer_lowered  }
0x9b: {  	s22 =	simm.s32 $0x1BFF;
	s21 =	sshll.u32 s5, $0x1;
	s2 =	sadd.s32 s19, s18  }
0x9c: {  	s6 =	simm.s32 $0x0;
	s20 =	sshll.u32 s4, $0x1;
	s4 =	sadd.s32 s21, s2  }
0x9d: {  	[timem:s6], [sflag:s22] =	dma.local [hbm:s4], s20  }
0x9e: {  	_ =	swait.ge [sflag:s22], s20  }
0x9f: {  	s3 =	ssub.s32 $0x0, s20;
	[sflag:s22] =	ssyncset.done $0x0  }
0xa0: {  	[sflag:s22] =	ssyncadd.s32 s3;
	_ =	sdelay $0x1  }
0xa1: {  	s23 =	simm.s32 $0x1B8B  }
0xa2: {  	_ =	swait.ge [sflag:s23], $0x1  }
0xa3: {  	[sflag:s23] =	ssyncset.done $0x0  }
0xa4: {  	s25 =	simm.s32 $0x1B8E;
	s24 =	sld [smem:$0x3FFE];
	[sflag:s23] =	ssyncadd.s32 $0xFFFFFFFF  }
0xa5: {  	s26 =	simm.s32 $execute0_lowered;
	[smem:$0x3FD2] =	sst s25  }
0xa6: {  	s4 =	sshll.u32 s26, $0x1;
	_ =	strace $0x8000004C;
	[dreg:$0x1] =	wrdreg $0xFFFFFFFF  }
0xa7: {  	s28 =	simm.s32 $_size_execute0_lowered;
	s2 =	sadd.s32 s2, s4;
	[dreg:$0x0] =	wrdreg $0x0  }
0xa8: {  	s4 =	sshll.u32 s28, $0x1;
	[dreg:$0x2] =	wrdreg s2  }
0xa9: {  	[dreg:$0x3] =	wrdreg s4  }
0xaa: {  	[dreg:$0x4] =	wrdreg $0xC0  }
0xab: {  	_ =	task [dreg:s6], $0x5FFFF  }
0xac: {  	[dreg:$0x1] =	wrdreg $0xFFFFFFFF  }
0xad: {  	[dreg:$0x0] =	wrdreg $0x60  }
0xae: {  	[dreg:$0x2] =	wrdreg s24  }
0xaf: {  	[dreg:$0x3] =	wrdreg $0x119400  }
0xb0: {  	[dreg:$0x4] =	wrdreg $0x1B5800  }
0xb1: {  	[dreg:$0x5] =	wrdreg $0x9  }
0xb2: {  	_ =	task.clear_ibuf [dreg:s6], $0x6FFFF;
	_ =	strace $0x9000004C  }
0xb3: {  	s29 =	simm.s32 $0x9;
	_ =	strace $0x8000004E  }
0xb4: {  	_ =	swait.ge [sflag:s29], $0x1  }
0xb5: {  	[sflag:s29] =	ssyncadd.s32 $0xFFFFFFFF  }
0xb6: {  	_ =	strace $0x9000004E  }
0xb7: {  	_ =	sfence  }
0xb8: {  	s30 =	sld [smem:$0x0];
	_ =	sdelay $0x2  }
0xb9: {  	s31 =	sshll.u32 s1, $0xD;
	s1 =	sshrl.u32 s1, $0x2  }
0xba: {  	s3 =	sand.u32 $0x4000, s31;
	s1 =	sadd.s32 s1, s30  }
0xbb: {  	s0 =	sor.u32 s3, s0;
	s1 =	sshll.u32 s1, $0x11  }
0xbc: {  	s0 =	sor.u32 s1, s0  }
0xbd: {  	s0 =	sadd.s32 $0x8F2B, s0  }
0xbe: {  	[sflag:s0] =	ssyncadd.remote.s32 $0x1  }
0xbf: {  	_ =	sfence.sel $0xFFFF  }
0xc0: {  	[dreg:$0x0] =	wrdreg $0xFFFFFFFF;
	(pc) =	sbr.abs _section_cstart, $3  }
0xc1: {  	[dreg:$0x1] =	wrdreg $0xFFFFFFFF  }
0xc2: {  	_ =	task.clear_ibuf [dreg:s6], $0x2FFFF;
	_ =	strace $0x9FFFFFFF  }
0xc3: {  	(tm) =	ssettm $0x7FFFFFFF  }
tec
execute0_lowered:
.L_overlay_start_1:
0x0: {  	(tag) =	ssettag $0x1  }
0x1: {  	s3 =	rddreg [dreg:$0x0]  }
0x2: {  	s1 =	rddreg [dreg:$0x1]  }
0x3: {  	s2 =	rddreg [dreg:$0x2]  }
0x4: {  	s0 =	simm.s32 $0x0;
	s15 =	stileid.u32;
	s21 =	srdreg.scid  }
0x5: {  	[smem:$0x7FF] =	sst s0;
	s5 =	smul.u32 $0x9C4, s15  }
0x6: {  	s4 =	sadd.s32 $0x95200, s3;
	s6 =	sadd.s32 $0x1FE00, s3;
	s11 =	smul.u32 $0x270, s15  }
0x7: {  	s9 =	sand.u32 $0x1, s21;
	s7 =	sadd.s32 $0x6E000, s3;
	s14 =	smul.u32 $0x27000, s15  }
0x8: {  	s8 =	sadd.s32 $0x16000, s3;
	s12 =	sadd.s32 $0xBC400, s3;
	s18 =	smul.u32 $0x9C00, s15  }
0x9: {  	p0 =	sne.s32 s15, $0x0;
	s15 =	simm.s32 $0x11440;
	s0 =	smul.u32 $0x2710, s9  }
0xa: {  	_ =	strace $0x8000004D;
	s10 =	ssub.s32 $0x2, s9;
	s22 =	smul.u32 $0x9C400, s9  }
0xb: {  	s5 =	sadd.s32 s5, s3;
	s13 =	sshrl.u32 s10, $0x1;
	s24 =	sshrl.u32 s14, $0x2  }
0xc: {  	s10 =	ssub.s32 s10, s13;
	s16 =	sadd.s32 $0x2400, s5;
	s5 =	sadd.s32 $0xC200, s5  }
0xd: {  	s23 =	sadd.s32 s11, s0;
	s13 =	sshrl.u32 s22, $0x3;
	[dreg:$0x4] =	wrdreg s16  }
0xe: {  	s22 =	sadd.s32 s24, s1;
	[dreg:$0x5] =	wrdreg s5;
	s25 =	sshll.u32 s23, $0x3  }
0xf: {  	s28 =	sadd.s32 $0x13800, s13;
	[dreg:$0x6] =	wrdreg s22;
	s26 =	sadd.s32 s4, s25  }
0x10: {  	s9 =	smul.u32 $0x27100, s9;
	s29 =	sadd.s32 s4, s28;
	[dreg:$0x7] =	wrdreg s26  }
0x11: {  	s3 =	sadd.s32 $0x47000, s3;
	s17 =	sadd.s32 s12, s28;
	[dreg:$0x8] =	wrdreg s29  }
0x12: {  	s21 =	sshrl.u32 s18, $0x2;
	s30 =	sadd.s32 s6, s25;
	[dreg:$0xa] =	wrdreg s17  }
0x13: {  	s18 =	simm.s32 $0x10540;
	s31 =	sadd.s32 s6, s28;
	[dreg:$0xb] =	wrdreg s30  }
0x14: {  	s5 =	sshll.u32 s23, $0x1;
	s11 =	sadd.s32 s7, s28;
	[dreg:$0xc] =	wrdreg s31  }
0x15: {  	s9 =	sshrl.u32 s9, $0x3;
	s23 =	sadd.s32 s8, s5;
	[dreg:$0xe] =	wrdreg s11  }
0x16: {  	s9 =	sadd.s32 $0x4E00, s9;
	s5 =	sadd.s32 s3, s5;
	[dreg:$0x12] =	wrdreg s23  }
0x17: {  	s14 =	simm.s32 $0x0;
	s3 =	sadd.s32 s3, s9;
	[dreg:$0x13] =	wrdreg s5  }
0x18: {  	s16 =	sadd.s32 s12, s25;
	s24 =	sadd.s32 s8, s9;
	[dreg:$0x14] =	wrdreg s3  }
0x19: {  	s12 =	sadd.s32 s12, s13;
	s28 =	sadd.s32 s21, s2;
	[dreg:$0x15] =	wrdreg s24  }
0x1a: {  	s9 =	simm.s32 $0x9C40;
	s13 =	simm.s32 $0xC440;
	[dreg:$0x9] =	wrdreg s16  }
0x1b: {  	s21 =	simm.s32 $0x2;
	s17 =	sadd.s32 s7, s25;
	[dreg:$0x11] =	wrdreg s28  }
0x1c: {  	s19 =	sadd.s32 $0x3A900, s12;
	s20 =	sadd.s32 $0x61A00, s12;
	[dreg:$0xd] =	wrdreg s17  }
0x1d: {  	s25 =	smax.u32 s10, $0x1;
	s26 =	sadd.s32 $0x9C000, s1;
	[dreg:$0xf] =	wrdreg s19  }
0x1e: {  	s29 =	sadd.s32 $0x27100, s16;
	s30 =	sadd.s32 $0x4E200, s16;
	[dreg:$0x10] =	wrdreg s20  }
0x1f: {  	s31 =	sadd.s32 $0x27000, s2;
	s5 =	simm.s32 $0x6;
	[dreg:$0x16] =	wrdreg s25  }
0x20: {  	s3 =	simm.s32 $0x50;
	s10 =	simm.s32 $0xB040;
	[dreg:$0x17] =	wrdreg s26  }
0x21: {  	s24 =	simm.s32 $0x3;
	s16 =	simm.s32 $0x10040;
	[dreg:$0x18] =	wrdreg s29  }
0x22: {  	s23 =	simm.s32 $0x10A40;
	s12 =	simm.s32 $0x10F40;
	[dreg:$0x19] =	wrdreg s30  }
0x23: {  	[dreg:$0x1a] =	wrdreg s31;
	s17 =	simm.s32 $0xD840;
	s19 =	simm.s32 $0x1  }
0x24: {  	v0 =	vmov s0;
	s20 =	simm.s32 $0xEC40;
	s25 =	simm.s32 $0x4;
	s26 =	simm.s32 $0x5  }
.LBB2_1:
0x25: {  	[dreg:$0x1b] =	wrdreg s14  }
0x26: {  	s0 =	simm.s32 $0x0;
	s11 =	rddreg [dreg:$0x4]  }
0x27: {  	[tilespmem:s0], [sflag:$0x6] =	stream.linear.gather [hbm4b:s11+s0], $0x4E20, $0x38;
	[tilespmem:$0x1DC90] =	vst v63  }
0x28: {  	_ =	swait.ge [sflag:s5], $0x4E20  }
0x29: {  	[sflag:s5] =	ssyncset.done $0x0  }
0x2a: {  	s31 =	simm.s32 $0x4E20;
	s30 =	rddreg [dreg:$0x5];
	[sflag:s5] =	ssyncadd.s32 $0xFFFFB1E0  }
0x2b: {  	[tilespmem:s31], [sflag:$0x6] =	stream.linear.gather [hbm4b:s30+s0], $0x4E20, $0x38;
	[tilespmem:$0x1DC90] =	vst v63  }
0x2c: {  	_ =	swait.ge [sflag:s5], $0x4E20  }
0x2d: {  	[sflag:s5] =	ssyncset.done $0x0  }
0x2e: {  	s0 =	simm.s32 $0x0;
	[sflag:s5] =	ssyncadd.s32 $0xFFFFB1E0  }
0x2f: {  	v4 =	vld [tilespmem:s0+$0x0]  }
0x30: {  	v3 =	vld [tilespmem:s0+$0x10]  }
0x31: {  	v2 =	vld [tilespmem:s0+$0x20]  }
0x32: {  	s11 =	simm.s32 $0x140;
	v1 =	vld [tilespmem:s0+$0x30]  }
.LBB2_2:
0x33: {  	p1 =	sne.s32 s11, $0x13740;
	v5 =	vld [tilespmem:s0+$0x40]  }
0x34: {  	v4 =	vadd.s32 v0, v4  }
.Ltmp0:
0x35: {  	s14 =	sshra.s32 s11, $0x2;
	[tilespmem:s0+$0x0] =	vst v4;
	v3 =	vadd.s32 v0, v3;
	(pc) =	sbr.rel @p1 .LBB2_2-.Ltmp0, $4  }
0x36: {  	v4 =	vld [tilespmem:s14+$0x0];
	[tilespmem:s0+$0x10] =	vst v3;
	v2 =	vadd.s32 v0, v2  }
0x37: {  	v3 =	vld [tilespmem:s14+$0x10];
	[tilespmem:s0+$0x20] =	vst v2;
	v1 =	vadd.s32 v0, v1  }
0x38: {  	v2 =	vld [tilespmem:s14+$0x20];
	[tilespmem:s0+$0x30] =	vst v1;
	v5 =	vadd.s32 v0, v5  }
0x39: {  	s11 =	sadd.s32 $0x140, s11;
	v1 =	vld [tilespmem:s14+$0x30];
	[tilespmem:s0+$0x40] =	vst v5;
	s0 =	smov.u32 s14  }
0x3a: {  	v5 =	vld [tilespmem:s0+$0x40]  }
0x3b: {  	v4 =	vadd.s32 v0, v4  }
0x3c: {  	[tilespmem:s0+$0x0] =	vst v4;
	v3 =	vadd.s32 v0, v3  }
0x3d: {  	[tilespmem:s0+$0x10] =	vst v3;
	v2 =	vadd.s32 v0, v2  }
0x3e: {  	s11 =	stileid.u32;
	[tilespmem:s0+$0x20] =	vst v2;
	v1 =	vadd.s32 v0, v1  }
0x3f: {  	s11 =	sshll.u32 s11, $0x6;
	[tilespmem:s0+$0x30] =	vst v1;
	v1 =	vadd.s32 v0, v5  }
0x40: {  	s31 =	sshrl.u32 s22, $0x3;
	s14 =	rddreg [dreg:$0x7];
	s29 =	sor.u32 $0x1C06, s11;
	[tilespmem:s0+$0x40] =	vst v1  }
0x41: {  	[spmem:s31], [sflag:s29] =	dma.local [hbm:s14], $0x1380  }
0x42: {  	_ =	swait.ge [sflag:s5], $0x1380  }
0x43: {  	[sflag:s5] =	ssyncset.done $0x0;
	s0 =	rddreg [dreg:$0x17]  }
0x44: {  	[sflag:s5] =	ssyncadd.s32 $0xFFFFEC80;
	s30 =	sshrl.u32 @!p0 s0, $0x3;
	s0 =	rddreg [dreg:$0x8]  }
0x45: {  	[spmem:s30], [sflag:s29] =	dma.local @!p0 [hbm:s0], $0x80  }
0x46: {  	s0 =	simm.s32 @!p0 $0x6  }
0x47: {  	_ =	swait.ge @!p0 [sflag:s0], $0x80  }
0x48: {  	[sflag:s0] =	ssyncset.done @!p0 $0x0  }
0x49: {  	[sflag:s0] =	ssyncadd.s32 @!p0 $0xFFFFFF80  }
0x4a: {  	s28 =	simm.s32 $0x0;
	[bflag:$0x0] =	sbarrier.arrive $0xFFFF  }
0x4b: {  	[tilespmem:s9], [sflag:$0x1] =	stream.indirect.gather [hbm4b:s4+s3], $0x40, s28, s3, $0xb8;
	[tilespmem:$0x1DC90] =	vst v63  }
0x4c: {  	_ = 	snop  }
0x4d: {  	[tilespmem:s10], [sflag:$0x2] =	stream.indirect.gather [hbm4b:s4+s3], $0x40, s3, s3, $0xb8;
	[tilespmem:$0x1DC90] =	vst v63  }
0x4e: {  	s11 =	simm.s32 $0xA0  }
0x4f: {  	[tilespmem:s13], [sflag:$0x3] =	stream.indirect.gather [hbm4b:s4+s3], $0x40, s11, s3, $0xb8;
	[tilespmem:$0x1DC90] =	vst v63  }
0x50: {  	s14 =	simm.s32 $0xF0  }
0x51: {  	[tilespmem:s17], [sflag:$0x4] =	stream.indirect.gather [hbm4b:s4+s3], $0x40, s14, s3, $0xb8;
	[tilespmem:$0x1DC90] =	vst v63  }
0x52: {  	_ =	swait.ge [sflag:s19], $0x1400  }
0x53: {  	[sflag:s19] =	ssyncset.done $0x0  }
0x54: {  	s28 =	simm.s32 $0x140;
	[sflag:s19] =	ssyncadd.s32 $0xFFFFEC00  }
0x55: {  	[tilespmem:s20], [sflag:$0x5] =	stream.indirect.gather [hbm4b:s4+s3], $0x40, s28, s3, $0xb8;
	[tilespmem:$0x1DC90] =	vst v63  }
0x56: {  	s11 =	simm.s32 $0x4E20  }
0x57: {  	[spmem:s1] =	stream.indirect.scatter.add.f32 [tilespmem:s9], [sflag:$0x6], $0x40, s11, s3, $0xb8;
	[tilespmem:$0x1DC90] =	vst v63  }
0x58: {  	_ =	swait.ge [sflag:s5], $0x1400  }
0x59: {  	[sflag:s5] =	ssyncset.done $0x0  }
0x5a: {  	[sflag:s5] =	ssyncadd.s32 $0xFFFFEC00  }
0x5b: {  	_ =	swait.ge [sflag:s21], $0x1400  }
0x5c: {  	[sflag:s21] =	ssyncset.done $0x0  }
0x5d: {  	s14 =	simm.s32 $0x190;
	[sflag:s21] =	ssyncadd.s32 $0xFFFFEC00  }
0x5e: {  	[tilespmem:s9], [sflag:$0x1] =	stream.indirect.gather [hbm4b:s4+s3], $0x40, s14, s3, $0xb8;
	[tilespmem:$0x1DC90] =	vst v63  }
0x5f: {  	s28 =	simm.s32 $0x4E70  }
0x60: {  	[spmem:s1] =	stream.indirect.scatter.add.f32 [tilespmem:s10], [sflag:$0x6], $0x40, s28, s3, $0xb8;
	[tilespmem:$0x1DC90] =	vst v63  }
0x61: {  	_ =	swait.ge [sflag:s5], $0x1400  }
0x62: {  	[sflag:s5] =	ssyncset.done $0x0  }
0x63: {  	[sflag:s5] =	ssyncadd.s32 $0xFFFFEC00  }
0x64: {  	_ =	swait.ge [sflag:s24], $0x1400  }
0x65: {  	[sflag:s24] =	ssyncset.done $0x0  }
0x66: {  	s11 =	simm.s32 $0x1E0;
	[sflag:s24] =	ssyncadd.s32 $0xFFFFEC00  }
0x67: {  	[tilespmem:s10], [sflag:$0x2] =	stream.indirect.gather [hbm4b:s4+s3], $0x40, s11, s3, $0xb8;
	[tilespmem:$0x1DC90] =	vst v63  }
0x68: {  	s14 =	simm.s32 $0x4EC0  }
0x69: {  	[spmem:s1] =	stream.indirect.scatter.add.f32 [tilespmem:s13], [sflag:$0x6], $0x40, s14, s3, $0xb8;
	[tilespmem:$0x1DC90] =	vst v63  }
0x6a: {  	_ =	swait.ge [sflag:s5], $0x1400  }
0x6b: {  	[sflag:s5] =	ssyncset.done $0x0  }
0x6c: {  	[sflag:s5] =	ssyncadd.s32 $0xFFFFEC00  }
0x6d: {  	_ =	swait.ge [sflag:s25], $0x1400  }
0x6e: {  	[sflag:s25] =	ssyncset.done $0x0  }
0x6f: {  	s28 =	simm.s32 $0x230;
	[sflag:s25] =	ssyncadd.s32 $0xFFFFEC00  }
0x70: {  	[tilespmem:s13], [sflag:$0x3] =	stream.indirect.gather [hbm4b:s4+s3], $0x40, s28, s3, $0xb8;
	[tilespmem:$0x1DC90] =	vst v63  }
0x71: {  	s11 =	simm.s32 $0x4F10  }
0x72: {  	[spmem:s1] =	stream.indirect.scatter.add.f32 [tilespmem:s17], [sflag:$0x6], $0x40, s11, s3, $0xb8;
	[tilespmem:$0x1DC90] =	vst v63  }
0x73: {  	_ =	swait.ge [sflag:s5], $0x1400  }
0x74: {  	[sflag:s5] =	ssyncset.done $0x0  }
0x75: {  	[sflag:s5] =	ssyncadd.s32 $0xFFFFEC00  }
0x76: {  	_ =	swait.ge [sflag:s26], $0x1400  }
0x77: {  	[sflag:s26] =	ssyncset.done $0x0  }
0x78: {  	s14 =	simm.s32 $0x280;
	[sflag:s26] =	ssyncadd.s32 $0xFFFFEC00  }
0x79: {  	[tilespmem:s17], [sflag:$0x4] =	stream.indirect.gather [hbm4b:s4+s3], $0x40, s14, s3, $0xb8;
	[tilespmem:$0x1DC90] =	vst v63  }
0x7a: {  	s28 =	simm.s32 $0x4F60  }
0x7b: {  	[spmem:s1] =	stream.indirect.scatter.add.f32 [tilespmem:s20], [sflag:$0x6], $0x40, s28, s3, $0xb8;
	[tilespmem:$0x1DC90] =	vst v63  }
0x7c: {  	_ =	swait.ge [sflag:s5], $0x1400  }
0x7d: {  	s0 =	simm.s32 $0x640;
	[sflag:s5] =	ssyncset.done $0x0  }
.LBB2_4:
0x7e: {  	p1 =	sne.s32 s0, $0x12C00  }
0x7f: {  	[sflag:s5] =	ssyncadd.s32 $0xFFFFEC00;
	s11 =	smov.u32 s0;
	s0 =	sadd.s32 $0x640, s0  }
0x80: {  	_ = 	snop  }
0x81: {  	_ =	swait.ge [sflag:s19], $0x1400  }
0x82: {  	s11 =	sshra.s32 s11, $0x2;
	[sflag:s19] =	ssyncset.done $0x0  }
0x83: {  	s14 =	sadd.s32 $0x140, s11;
	[sflag:s19] =	ssyncadd.s32 $0xFFFFEC00  }
0x84: {  	[tilespmem:s20], [sflag:$0x5] =	stream.indirect.gather [hbm4b:s4+s3], $0x40, s14, s3, $0xb8;
	[tilespmem:$0x1DC90] =	vst v63  }
0x85: {  	s14 =	sadd.s32 $0x4E20, s11  }
0x86: {  	[spmem:s1] =	stream.indirect.scatter.add.f32 [tilespmem:s9], [sflag:$0x6], $0x40, s14, s3, $0xb8;
	[tilespmem:$0x1DC90] =	vst v63  }
0x87: {  	_ =	swait.ge [sflag:s5], $0x1400  }
0x88: {  	[sflag:s5] =	ssyncset.done $0x0  }
0x89: {  	[sflag:s5] =	ssyncadd.s32 $0xFFFFEC00  }
0x8a: {  	_ =	swait.ge [sflag:s21], $0x1400  }
0x8b: {  	[sflag:s21] =	ssyncset.done $0x0  }
0x8c: {  	s14 =	sadd.s32 $0x190, s11;
	[sflag:s21] =	ssyncadd.s32 $0xFFFFEC00  }
0x8d: {  	[tilespmem:s9], [sflag:$0x1] =	stream.indirect.gather [hbm4b:s4+s3], $0x40, s14, s3, $0xb8;
	[tilespmem:$0x1DC90] =	vst v63  }
0x8e: {  	s14 =	sadd.s32 $0x4E70, s11  }
0x8f: {  	[spmem:s1] =	stream.indirect.scatter.add.f32 [tilespmem:s10], [sflag:$0x6], $0x40, s14, s3, $0xb8;
	[tilespmem:$0x1DC90] =	vst v63  }
0x90: {  	_ =	swait.ge [sflag:s5], $0x1400  }
0x91: {  	[sflag:s5] =	ssyncset.done $0x0  }
0x92: {  	[sflag:s5] =	ssyncadd.s32 $0xFFFFEC00  }
0x93: {  	_ =	swait.ge [sflag:s24], $0x1400  }
0x94: {  	[sflag:s24] =	ssyncset.done $0x0  }
0x95: {  	s14 =	sadd.s32 $0x1E0, s11;
	[sflag:s24] =	ssyncadd.s32 $0xFFFFEC00  }
0x96: {  	[tilespmem:s10], [sflag:$0x2] =	stream.indirect.gather [hbm4b:s4+s3], $0x40, s14, s3, $0xb8;
	[tilespmem:$0x1DC90] =	vst v63  }
0x97: {  	s14 =	sadd.s32 $0x4EC0, s11  }
0x98: {  	[spmem:s1] =	stream.indirect.scatter.add.f32 [tilespmem:s13], [sflag:$0x6], $0x40, s14, s3, $0xb8;
	[tilespmem:$0x1DC90] =	vst v63  }
0x99: {  	_ =	swait.ge [sflag:s5], $0x1400  }
0x9a: {  	[sflag:s5] =	ssyncset.done $0x0  }
0x9b: {  	[sflag:s5] =	ssyncadd.s32 $0xFFFFEC00  }
0x9c: {  	_ =	swait.ge [sflag:s25], $0x1400  }
0x9d: {  	[sflag:s25] =	ssyncset.done $0x0  }
0x9e: {  	s14 =	sadd.s32 $0x230, s11;
	[sflag:s25] =	ssyncadd.s32 $0xFFFFEC00  }
0x9f: {  	[tilespmem:s13], [sflag:$0x3] =	stream.indirect.gather [hbm4b:s4+s3], $0x40, s14, s3, $0xb8;
	[tilespmem:$0x1DC90] =	vst v63  }
0xa0: {  	s14 =	sadd.s32 $0x4F10, s11  }
0xa1: {  	[spmem:s1] =	stream.indirect.scatter.add.f32 [tilespmem:s17], [sflag:$0x6], $0x40, s14, s3, $0xb8;
	[tilespmem:$0x1DC90] =	vst v63  }
0xa2: {  	_ =	swait.ge [sflag:s5], $0x1400  }
0xa3: {  	[sflag:s5] =	ssyncset.done $0x0  }
0xa4: {  	[sflag:s5] =	ssyncadd.s32 $0xFFFFEC00  }
0xa5: {  	_ =	swait.ge [sflag:s26], $0x1400  }
0xa6: {  	[sflag:s26] =	ssyncset.done $0x0  }
0xa7: {  	s14 =	sadd.s32 $0x280, s11;
	[sflag:s26] =	ssyncadd.s32 $0xFFFFEC00  }
0xa8: {  	[tilespmem:s17], [sflag:$0x4] =	stream.indirect.gather [hbm4b:s4+s3], $0x40, s14, s3, $0xb8;
	[tilespmem:$0x1DC90] =	vst v63  }
.Ltmp1:
0xa9: {  	_ = 	snop;
	(pc) =	sbr.rel @p1 .LBB2_4-.Ltmp1, $4  }
0xaa: {  	s11 =	sadd.s32 $0x4F60, s11  }
0xab: {  	[spmem:s1] =	stream.indirect.scatter.add.f32 [tilespmem:s20], [sflag:$0x6], $0x40, s11, s3, $0xb8;
	[tilespmem:$0x1DC90] =	vst v63  }
0xac: {  	_ =	swait.ge [sflag:s5], $0x1400  }
0xad: {  	[sflag:s5] =	ssyncset.done $0x0  }
0xae: {  	[sflag:s5] =	ssyncadd.s32 $0xFFFFEC00  }
0xaf: {  	_ =	swait.ge [sflag:s19], $0x1400  }
0xb0: {  	[sflag:s19] =	ssyncset.done $0x0  }
0xb1: {  	s0 =	simm.s32 $0x4DD0;
	[sflag:s19] =	ssyncadd.s32 $0xFFFFEC00  }
0xb2: {  	[tilespmem:s20], [sflag:$0x5] =	stream.indirect.gather [hbm4b:s4+s3], $0x40, s0, s3, $0xb8;
	[tilespmem:$0x1DC90] =	vst v63  }
0xb3: {  	s28 =	simm.s32 $0x9AB0  }
0xb4: {  	[spmem:s1] =	stream.indirect.scatter.add.f32 [tilespmem:s9], [sflag:$0x6], $0x40, s28, s3, $0xb8;
	[tilespmem:$0x1DC90] =	vst v63  }
0xb5: {  	_ =	swait.ge [sflag:s5], $0x1400  }
0xb6: {  	[sflag:s5] =	ssyncset.done $0x0  }
0xb7: {  	[sflag:s5] =	ssyncadd.s32 $0xFFFFEC00  }
0xb8: {  	_ =	swait.ge [sflag:s21], $0x1400  }
0xb9: {  	[sflag:s21] =	ssyncset.done $0x0  }
0xba: {  	s11 =	simm.s32 $0x9B00;
	[sflag:s21] =	ssyncadd.s32 $0xFFFFEC00  }
0xbb: {  	[spmem:s1] =	stream.indirect.scatter.add.f32 [tilespmem:s10], [sflag:$0x6], $0x40, s11, s3, $0xb8;
	[tilespmem:$0x1DC90] =	vst v63  }
0xbc: {  	_ =	swait.ge [sflag:s5], $0x1400  }
0xbd: {  	[sflag:s5] =	ssyncset.done $0x0  }
0xbe: {  	[sflag:s5] =	ssyncadd.s32 $0xFFFFEC00  }
0xbf: {  	_ =	swait.ge [sflag:s24], $0x1400  }
0xc0: {  	[sflag:s24] =	ssyncset.done $0x0  }
0xc1: {  	s14 =	simm.s32 $0x9B50;
	[sflag:s24] =	ssyncadd.s32 $0xFFFFEC00  }
0xc2: {  	[spmem:s1] =	stream.indirect.scatter.add.f32 [tilespmem:s13], [sflag:$0x6], $0x40, s14, s3, $0xb8;
	[tilespmem:$0x1DC90] =	vst v63  }
0xc3: {  	_ =	swait.ge [sflag:s5], $0x1400  }
0xc4: {  	[sflag:s5] =	ssyncset.done $0x0  }
0xc5: {  	[sflag:s5] =	ssyncadd.s32 $0xFFFFEC00  }
0xc6: {  	_ =	swait.ge [sflag:s25], $0x1400  }
0xc7: {  	[sflag:s25] =	ssyncset.done $0x0  }
0xc8: {  	s28 =	simm.s32 $0x9BA0;
	[sflag:s25] =	ssyncadd.s32 $0xFFFFEC00  }
0xc9: {  	[spmem:s1] =	stream.indirect.scatter.add.f32 [tilespmem:s17], [sflag:$0x6], $0x40, s28, s3, $0xb8;
	[tilespmem:$0x1DC90] =	vst v63  }
0xca: {  	_ =	swait.ge [sflag:s5], $0x1400  }
0xcb: {  	[sflag:s5] =	ssyncset.done $0x0  }
0xcc: {  	[sflag:s5] =	ssyncadd.s32 $0xFFFFEC00  }
0xcd: {  	_ =	swait.ge [sflag:s26], $0x1400  }
0xce: {  	[sflag:s26] =	ssyncset.done $0x0  }
0xcf: {  	s11 =	simm.s32 $0x9BF0;
	[sflag:s26] =	ssyncadd.s32 $0xFFFFEC00  }
0xd0: {  	[spmem:s1] =	stream.indirect.scatter.add.f32 [tilespmem:s20], [sflag:$0x6], $0x40, s11, s3, $0xb8;
	[tilespmem:$0x1DC90] =	vst v63  }
0xd1: {  	_ =	swait.ge [sflag:s5], $0x1400  }
0xd2: {  	[sflag:s5] =	ssyncset.done $0x0  }
0xd3: {  	[sflag:s5] =	ssyncadd.s32 $0xFFFFEC00  }
0xd4: {  	[bflag:$0x0] =	sbarrier.arrive $0xFFFF  }
0xd5: {  	s14 =	rddreg [dreg:$0x9]  }
0xd6: {  	[hbm:s14], [sflag:s29] =	dma.local [spmem:s31], $0x1380  }
0xd7: {  	_ =	swait.ge [sflag:s5], $0x1380  }
0xd8: {  	s0 =	sshrl.u32 @p0 s22, $0x3;
	[sflag:s5] =	ssyncset.done $0x0  }
0xd9: {  	s11 =	simm.s32 @p0 $0x6;
	s28 =	rddreg [dreg:$0xb];
	[sflag:s5] =	ssyncadd.s32 $0xFFFFEC80  }
0xda: {  	[spmem:s0], [sflag:s29] =	dma.local @p0 [hbm:s28], $0x1380  }
0xdb: {  	_ =	swait.ge @p0 [sflag:s11], $0x1380  }
0xdc: {  	[sflag:s11] =	ssyncset.done @p0 $0x0  }
0xdd: {  	[sflag:s11] =	ssyncadd.s32 @p0 $0xFFFFEC80;
	s11 =	rddreg [dreg:$0xa]  }
0xde: {  	[hbm:s11], [sflag:s29] =	dma.local @!p0 [spmem:s30], $0x80  }
0xdf: {  	s11 =	simm.s32 @!p0 $0x6  }
0xe0: {  	_ =	swait.ge @!p0 [sflag:s11], $0x80  }
0xe1: {  	[sflag:s11] =	ssyncset.done @!p0 $0x0  }
0xe2: {  	s14 =	sshrl.u32 @!p0 s22, $0x3;
	[sflag:s11] =	ssyncadd.s32 @!p0 $0xFFFFFF80  }
0xe3: {  	[spmem:s14], [sflag:s29] =	dma.local @!p0 [hbm:s28], $0x1380  }
0xe4: {  	_ =	swait.ge @!p0 [sflag:s11], $0x1380  }
0xe5: {  	[sflag:s11] =	ssyncset.done @!p0 $0x0  }
0xe6: {  	s22 =	rddreg [dreg:$0xc];
	[sflag:s11] =	ssyncadd.s32 @!p0 $0xFFFFEC80  }
0xe7: {  	[spmem:s30], [sflag:s29] =	dma.local @!p0 [hbm:s22], $0x80  }
0xe8: {  	_ =	swait.ge @!p0 [sflag:s11], $0x80  }
0xe9: {  	[sflag:s11] =	ssyncset.done @!p0 $0x0  }
0xea: {  	[sflag:s11] =	ssyncadd.s32 @!p0 $0xFFFFFF80  }
0xeb: {  	s28 =	simm.s32 $0x0;
	[bflag:$0x0] =	sbarrier.arrive $0xFFFF  }
0xec: {  	[tilespmem:s9], [sflag:$0x1] =	stream.indirect.gather [hbm4b:s6+s3], $0x40, s28, s3, $0xb8;
	[tilespmem:$0x1DC90] =	vst v63  }
0xed: {  	_ = 	snop  }
0xee: {  	[tilespmem:s10], [sflag:$0x2] =	stream.indirect.gather [hbm4b:s6+s3], $0x40, s3, s3, $0xb8;
	[tilespmem:$0x1DC90] =	vst v63  }
0xef: {  	s22 =	simm.s32 $0xA0  }
0xf0: {  	[tilespmem:s13], [sflag:$0x3] =	stream.indirect.gather [hbm4b:s6+s3], $0x40, s22, s3, $0xb8;
	[tilespmem:$0x1DC90] =	vst v63  }
0xf1: {  	s28 =	simm.s32 $0xF0  }
0xf2: {  	[tilespmem:s17], [sflag:$0x4] =	stream.indirect.gather [hbm4b:s6+s3], $0x40, s28, s3, $0xb8;
	[tilespmem:$0x1DC90] =	vst v63  }
0xf3: {  	_ =	swait.ge [sflag:s19], $0x1400  }
0xf4: {  	[sflag:s19] =	ssyncset.done $0x0  }
0xf5: {  	s22 =	simm.s32 $0x140;
	[sflag:s19] =	ssyncadd.s32 $0xFFFFEC00  }
0xf6: {  	[tilespmem:s20], [sflag:$0x5] =	stream.indirect.gather [hbm4b:s6+s3], $0x40, s22, s3, $0xb8;
	[tilespmem:$0x1DC90] =	vst v63  }
0xf7: {  	s28 =	simm.s32 $0x4E20  }
0xf8: {  	[spmem:s1] =	stream.indirect.scatter.add.f32 [tilespmem:s9], [sflag:$0x6], $0x40, s28, s3, $0xb8;
	[tilespmem:$0x1DC90] =	vst v63  }
0xf9: {  	_ =	swait.ge [sflag:s5], $0x1400  }
0xfa: {  	[sflag:s5] =	ssyncset.done $0x0  }
0xfb: {  	[sflag:s5] =	ssyncadd.s32 $0xFFFFEC00  }
0xfc: {  	_ =	swait.ge [sflag:s21], $0x1400  }
0xfd: {  	[sflag:s21] =	ssyncset.done $0x0  }
0xfe: {  	s22 =	simm.s32 $0x190;
	[sflag:s21] =	ssyncadd.s32 $0xFFFFEC00  }
0xff: {  	[tilespmem:s9], [sflag:$0x1] =	stream.indirect.gather [hbm4b:s6+s3], $0x40, s22, s3, $0xb8;
	[tilespmem:$0x1DC90] =	vst v63  }
0x100: {  	s28 =	simm.s32 $0x4E70  }
0x101: {  	[spmem:s1] =	stream.indirect.scatter.add.f32 [tilespmem:s10], [sflag:$0x6], $0x40, s28, s3, $0xb8;
	[tilespmem:$0x1DC90] =	vst v63  }
0x102: {  	_ =	swait.ge [sflag:s5], $0x1400  }
0x103: {  	[sflag:s5] =	ssyncset.done $0x0  }
0x104: {  	[sflag:s5] =	ssyncadd.s32 $0xFFFFEC00  }
0x105: {  	_ =	swait.ge [sflag:s24], $0x1400  }
0x106: {  	[sflag:s24] =	ssyncset.done $0x0  }
0x107: {  	s22 =	simm.s32 $0x1E0;
	[sflag:s24] =	ssyncadd.s32 $0xFFFFEC00  }
0x108: {  	[tilespmem:s10], [sflag:$0x2] =	stream.indirect.gather [hbm4b:s6+s3], $0x40, s22, s3, $0xb8;
	[tilespmem:$0x1DC90] =	vst v63  }
0x109: {  	s28 =	simm.s32 $0x4EC0  }
0x10a: {  	[spmem:s1] =	stream.indirect.scatter.add.f32 [tilespmem:s13], [sflag:$0x6], $0x40, s28, s3, $0xb8;
	[tilespmem:$0x1DC90] =	vst v63  }
0x10b: {  	_ =	swait.ge [sflag:s5], $0x1400  }
0x10c: {  	[sflag:s5] =	ssyncset.done $0x0  }
0x10d: {  	[sflag:s5] =	ssyncadd.s32 $0xFFFFEC00  }
0x10e: {  	_ =	swait.ge [sflag:s25], $0x1400  }
0x10f: {  	[sflag:s25] =	ssyncset.done $0x0  }
0x110: {  	s22 =	simm.s32 $0x230;
	[sflag:s25] =	ssyncadd.s32 $0xFFFFEC00  }
0x111: {  	[tilespmem:s13], [sflag:$0x3] =	stream.indirect.gather [hbm4b:s6+s3], $0x40, s22, s3, $0xb8;
	[tilespmem:$0x1DC90] =	vst v63  }
0x112: {  	s28 =	simm.s32 $0x4F10  }
0x113: {  	[spmem:s1] =	stream.indirect.scatter.add.f32 [tilespmem:s17], [sflag:$0x6], $0x40, s28, s3, $0xb8;
	[tilespmem:$0x1DC90] =	vst v63  }
0x114: {  	_ =	swait.ge [sflag:s5], $0x1400  }
0x115: {  	[sflag:s5] =	ssyncset.done $0x0  }
0x116: {  	[sflag:s5] =	ssyncadd.s32 $0xFFFFEC00  }
0x117: {  	_ =	swait.ge [sflag:s26], $0x1400  }
0x118: {  	[sflag:s26] =	ssyncset.done $0x0  }
0x119: {  	s22 =	simm.s32 $0x280;
	[sflag:s26] =	ssyncadd.s32 $0xFFFFEC00  }
0x11a: {  	[tilespmem:s17], [sflag:$0x4] =	stream.indirect.gather [hbm4b:s6+s3], $0x40, s22, s3, $0xb8;
	[tilespmem:$0x1DC90] =	vst v63  }
0x11b: {  	s28 =	simm.s32 $0x4F60  }
0x11c: {  	[spmem:s1] =	stream.indirect.scatter.add.f32 [tilespmem:s20], [sflag:$0x6], $0x40, s28, s3, $0xb8;
	[tilespmem:$0x1DC90] =	vst v63  }
0x11d: {  	_ =	swait.ge [sflag:s5], $0x1400  }
0x11e: {  	s11 =	simm.s32 $0x640;
	[sflag:s5] =	ssyncset.done $0x0  }
.LBB2_6:
0x11f: {  	p1 =	sne.s32 s11, $0x12C00  }
0x120: {  	[sflag:s5] =	ssyncadd.s32 $0xFFFFEC00;
	s22 =	smov.u32 s11;
	s11 =	sadd.s32 $0x640, s11  }
0x121: {  	_ = 	snop  }
0x122: {  	_ =	swait.ge [sflag:s19], $0x1400  }
0x123: {  	s22 =	sshra.s32 s22, $0x2;
	[sflag:s19] =	ssyncset.done $0x0  }
0x124: {  	s28 =	sadd.s32 $0x140, s22;
	[sflag:s19] =	ssyncadd.s32 $0xFFFFEC00  }
0x125: {  	[tilespmem:s20], [sflag:$0x5] =	stream.indirect.gather [hbm4b:s6+s3], $0x40, s28, s3, $0xb8;
	[tilespmem:$0x1DC90] =	vst v63  }
0x126: {  	s28 =	sadd.s32 $0x4E20, s22  }
0x127: {  	[spmem:s1] =	stream.indirect.scatter.add.f32 [tilespmem:s9], [sflag:$0x6], $0x40, s28, s3, $0xb8;
	[tilespmem:$0x1DC90] =	vst v63  }
0x128: {  	_ =	swait.ge [sflag:s5], $0x1400  }
0x129: {  	[sflag:s5] =	ssyncset.done $0x0  }
0x12a: {  	[sflag:s5] =	ssyncadd.s32 $0xFFFFEC00  }
0x12b: {  	_ =	swait.ge [sflag:s21], $0x1400  }
0x12c: {  	[sflag:s21] =	ssyncset.done $0x0  }
0x12d: {  	s28 =	sadd.s32 $0x190, s22;
	[sflag:s21] =	ssyncadd.s32 $0xFFFFEC00  }
0x12e: {  	[tilespmem:s9], [sflag:$0x1] =	stream.indirect.gather [hbm4b:s6+s3], $0x40, s28, s3, $0xb8;
	[tilespmem:$0x1DC90] =	vst v63  }
0x12f: {  	s28 =	sadd.s32 $0x4E70, s22  }
0x130: {  	[spmem:s1] =	stream.indirect.scatter.add.f32 [tilespmem:s10], [sflag:$0x6], $0x40, s28, s3, $0xb8;
	[tilespmem:$0x1DC90] =	vst v63  }
0x131: {  	_ =	swait.ge [sflag:s5], $0x1400  }
0x132: {  	[sflag:s5] =	ssyncset.done $0x0  }
0x133: {  	[sflag:s5] =	ssyncadd.s32 $0xFFFFEC00  }
0x134: {  	_ =	swait.ge [sflag:s24], $0x1400  }
0x135: {  	[sflag:s24] =	ssyncset.done $0x0  }
0x136: {  	s28 =	sadd.s32 $0x1E0, s22;
	[sflag:s24] =	ssyncadd.s32 $0xFFFFEC00  }
0x137: {  	[tilespmem:s10], [sflag:$0x2] =	stream.indirect.gather [hbm4b:s6+s3], $0x40, s28, s3, $0xb8;
	[tilespmem:$0x1DC90] =	vst v63  }
0x138: {  	s28 =	sadd.s32 $0x4EC0, s22  }
0x139: {  	[spmem:s1] =	stream.indirect.scatter.add.f32 [tilespmem:s13], [sflag:$0x6], $0x40, s28, s3, $0xb8;
	[tilespmem:$0x1DC90] =	vst v63  }
0x13a: {  	_ =	swait.ge [sflag:s5], $0x1400  }
0x13b: {  	[sflag:s5] =	ssyncset.done $0x0  }
0x13c: {  	[sflag:s5] =	ssyncadd.s32 $0xFFFFEC00  }
0x13d: {  	_ =	swait.ge [sflag:s25], $0x1400  }
0x13e: {  	[sflag:s25] =	ssyncset.done $0x0  }
0x13f: {  	s28 =	sadd.s32 $0x230, s22;
	[sflag:s25] =	ssyncadd.s32 $0xFFFFEC00  }
0x140: {  	[tilespmem:s13], [sflag:$0x3] =	stream.indirect.gather [hbm4b:s6+s3], $0x40, s28, s3, $0xb8;
	[tilespmem:$0x1DC90] =	vst v63  }
0x141: {  	s28 =	sadd.s32 $0x4F10, s22  }
0x142: {  	[spmem:s1] =	stream.indirect.scatter.add.f32 [tilespmem:s17], [sflag:$0x6], $0x40, s28, s3, $0xb8;
	[tilespmem:$0x1DC90] =	vst v63  }
0x143: {  	_ =	swait.ge [sflag:s5], $0x1400  }
0x144: {  	[sflag:s5] =	ssyncset.done $0x0  }
0x145: {  	[sflag:s5] =	ssyncadd.s32 $0xFFFFEC00  }
0x146: {  	_ =	swait.ge [sflag:s26], $0x1400  }
0x147: {  	[sflag:s26] =	ssyncset.done $0x0  }
0x148: {  	s28 =	sadd.s32 $0x280, s22;
	[sflag:s26] =	ssyncadd.s32 $0xFFFFEC00  }
0x149: {  	[tilespmem:s17], [sflag:$0x4] =	stream.indirect.gather [hbm4b:s6+s3], $0x40, s28, s3, $0xb8;
	[tilespmem:$0x1DC90] =	vst v63  }
.Ltmp2:
0x14a: {  	_ = 	snop;
	(pc) =	sbr.rel @p1 .LBB2_6-.Ltmp2, $4  }
0x14b: {  	s22 =	sadd.s32 $0x4F60, s22  }
0x14c: {  	[spmem:s1] =	stream.indirect.scatter.add.f32 [tilespmem:s20], [sflag:$0x6], $0x40, s22, s3, $0xb8;
	[tilespmem:$0x1DC90] =	vst v63  }
0x14d: {  	_ =	swait.ge [sflag:s5], $0x1400  }
0x14e: {  	[sflag:s5] =	ssyncset.done $0x0  }
0x14f: {  	[sflag:s5] =	ssyncadd.s32 $0xFFFFEC00  }
0x150: {  	_ =	swait.ge [sflag:s19], $0x1400  }
0x151: {  	[sflag:s19] =	ssyncset.done $0x0  }
0x152: {  	s11 =	simm.s32 $0x4DD0;
	[sflag:s19] =	ssyncadd.s32 $0xFFFFEC00  }
0x153: {  	[tilespmem:s20], [sflag:$0x5] =	stream.indirect.gather [hbm4b:s6+s3], $0x40, s11, s3, $0xb8;
	[tilespmem:$0x1DC90] =	vst v63  }
0x154: {  	s28 =	simm.s32 $0x9AB0  }
0x155: {  	[spmem:s1] =	stream.indirect.scatter.add.f32 [tilespmem:s9], [sflag:$0x6], $0x40, s28, s3, $0xb8;
	[tilespmem:$0x1DC90] =	vst v63  }
0x156: {  	_ =	swait.ge [sflag:s5], $0x1400  }
0x157: {  	[sflag:s5] =	ssyncset.done $0x0  }
0x158: {  	[sflag:s5] =	ssyncadd.s32 $0xFFFFEC00  }
0x159: {  	_ =	swait.ge [sflag:s21], $0x1400  }
0x15a: {  	[sflag:s21] =	ssyncset.done $0x0  }
0x15b: {  	s22 =	simm.s32 $0x9B00;
	[sflag:s21] =	ssyncadd.s32 $0xFFFFEC00  }
0x15c: {  	[spmem:s1] =	stream.indirect.scatter.add.f32 [tilespmem:s10], [sflag:$0x6], $0x40, s22, s3, $0xb8;
	[tilespmem:$0x1DC90] =	vst v63  }
0x15d: {  	_ =	swait.ge [sflag:s5], $0x1400  }
0x15e: {  	[sflag:s5] =	ssyncset.done $0x0  }
0x15f: {  	[sflag:s5] =	ssyncadd.s32 $0xFFFFEC00  }
0x160: {  	_ =	swait.ge [sflag:s24], $0x1400  }
0x161: {  	[sflag:s24] =	ssyncset.done $0x0  }
0x162: {  	s28 =	simm.s32 $0x9B50;
	[sflag:s24] =	ssyncadd.s32 $0xFFFFEC00  }
0x163: {  	[spmem:s1] =	stream.indirect.scatter.add.f32 [tilespmem:s13], [sflag:$0x6], $0x40, s28, s3, $0xb8;
	[tilespmem:$0x1DC90] =	vst v63  }
0x164: {  	_ =	swait.ge [sflag:s5], $0x1400  }
0x165: {  	[sflag:s5] =	ssyncset.done $0x0  }
0x166: {  	[sflag:s5] =	ssyncadd.s32 $0xFFFFEC00  }
0x167: {  	_ =	swait.ge [sflag:s25], $0x1400  }
0x168: {  	[sflag:s25] =	ssyncset.done $0x0  }
0x169: {  	s22 =	simm.s32 $0x9BA0;
	[sflag:s25] =	ssyncadd.s32 $0xFFFFEC00  }
0x16a: {  	[spmem:s1] =	stream.indirect.scatter.add.f32 [tilespmem:s17], [sflag:$0x6], $0x40, s22, s3, $0xb8;
	[tilespmem:$0x1DC90] =	vst v63  }
0x16b: {  	_ =	swait.ge [sflag:s5], $0x1400  }
0x16c: {  	[sflag:s5] =	ssyncset.done $0x0  }
0x16d: {  	[sflag:s5] =	ssyncadd.s32 $0xFFFFEC00  }
0x16e: {  	_ =	swait.ge [sflag:s26], $0x1400  }
0x16f: {  	[sflag:s26] =	ssyncset.done $0x0  }
0x170: {  	s28 =	simm.s32 $0x9BF0;
	[sflag:s26] =	ssyncadd.s32 $0xFFFFEC00  }
0x171: {  	[spmem:s1] =	stream.indirect.scatter.add.f32 [tilespmem:s20], [sflag:$0x6], $0x40, s28, s3, $0xb8;
	[tilespmem:$0x1DC90] =	vst v63  }
0x172: {  	_ =	swait.ge [sflag:s5], $0x1400  }
0x173: {  	[sflag:s5] =	ssyncset.done $0x0  }
0x174: {  	[sflag:s5] =	ssyncadd.s32 $0xFFFFEC00  }
0x175: {  	[bflag:$0x0] =	sbarrier.arrive $0xFFFF  }
0x176: {  	s22 =	rddreg [dreg:$0x18]  }
0x177: {  	[hbm:s22], [sflag:s29] =	dma.local [spmem:s31], $0x1380  }
0x178: {  	_ =	swait.ge [sflag:s5], $0x1380  }
0x179: {  	[sflag:s5] =	ssyncset.done $0x0  }
0x17a: {  	s11 =	rddreg [dreg:$0xd];
	[sflag:s5] =	ssyncadd.s32 $0xFFFFEC80  }
0x17b: {  	[spmem:s0], [sflag:s29] =	dma.local @p0 [hbm:s11], $0x1380  }
0x17c: {  	s0 =	simm.s32 @p0 $0x6  }
0x17d: {  	_ =	swait.ge @p0 [sflag:s0], $0x1380  }
0x17e: {  	[sflag:s0] =	ssyncset.done @p0 $0x0  }
0x17f: {  	[sflag:s0] =	ssyncadd.s32 @p0 $0xFFFFEC80;
	s0 =	rddreg [dreg:$0xf]  }
0x180: {  	[hbm:s0], [sflag:s29] =	dma.local @!p0 [spmem:s30], $0x80  }
0x181: {  	s0 =	simm.s32 @!p0 $0x6  }
0x182: {  	_ =	swait.ge @!p0 [sflag:s0], $0x80  }
0x183: {  	[sflag:s0] =	ssyncset.done @!p0 $0x0  }
0x184: {  	[sflag:s0] =	ssyncadd.s32 @!p0 $0xFFFFFF80  }
0x185: {  	[spmem:s14], [sflag:s29] =	dma.local @!p0 [hbm:s11], $0x1380  }
0x186: {  	_ =	swait.ge @!p0 [sflag:s0], $0x1380  }
0x187: {  	[sflag:s0] =	ssyncset.done @!p0 $0x0  }
0x188: {  	s11 =	rddreg [dreg:$0xe];
	[sflag:s0] =	ssyncadd.s32 @!p0 $0xFFFFEC80  }
0x189: {  	[spmem:s30], [sflag:s29] =	dma.local @!p0 [hbm:s11], $0x80  }
0x18a: {  	_ =	swait.ge @!p0 [sflag:s0], $0x80  }
0x18b: {  	[sflag:s0] =	ssyncset.done @!p0 $0x0  }
0x18c: {  	[sflag:s0] =	ssyncadd.s32 @!p0 $0xFFFFFF80  }
0x18d: {  	s28 =	simm.s32 $0x0;
	[bflag:$0x0] =	sbarrier.arrive $0xFFFF  }
0x18e: {  	[tilespmem:s9], [sflag:$0x1] =	stream.indirect.gather [hbm4b:s7+s3], $0x40, s28, s3, $0xb8;
	[tilespmem:$0x1DC90] =	vst v63  }
0x18f: {  	_ = 	snop  }
0x190: {  	[tilespmem:s10], [sflag:$0x2] =	stream.indirect.gather [hbm4b:s7+s3], $0x40, s3, s3, $0xb8;
	[tilespmem:$0x1DC90] =	vst v63  }
0x191: {  	s11 =	simm.s32 $0xA0  }
0x192: {  	[tilespmem:s13], [sflag:$0x3] =	stream.indirect.gather [hbm4b:s7+s3], $0x40, s11, s3, $0xb8;
	[tilespmem:$0x1DC90] =	vst v63  }
0x193: {  	s14 =	simm.s32 $0xF0  }
0x194: {  	[tilespmem:s17], [sflag:$0x4] =	stream.indirect.gather [hbm4b:s7+s3], $0x40, s14, s3, $0xb8;
	[tilespmem:$0x1DC90] =	vst v63  }
0x195: {  	_ =	swait.ge [sflag:s19], $0x1400  }
0x196: {  	[sflag:s19] =	ssyncset.done $0x0  }
0x197: {  	s22 =	simm.s32 $0x140;
	[sflag:s19] =	ssyncadd.s32 $0xFFFFEC00  }
0x198: {  	[tilespmem:s20], [sflag:$0x5] =	stream.indirect.gather [hbm4b:s7+s3], $0x40, s22, s3, $0xb8;
	[tilespmem:$0x1DC90] =	vst v63  }
0x199: {  	s28 =	simm.s32 $0x4E20  }
0x19a: {  	[spmem:s1] =	stream.indirect.scatter.add.f32 [tilespmem:s9], [sflag:$0x6], $0x40, s28, s3, $0xb8;
	[tilespmem:$0x1DC90] =	vst v63  }
0x19b: {  	_ =	swait.ge [sflag:s5], $0x1400  }
0x19c: {  	[sflag:s5] =	ssyncset.done $0x0  }
0x19d: {  	[sflag:s5] =	ssyncadd.s32 $0xFFFFEC00  }
0x19e: {  	_ =	swait.ge [sflag:s21], $0x1400  }
0x19f: {  	[sflag:s21] =	ssyncset.done $0x0  }
0x1a0: {  	s11 =	simm.s32 $0x190;
	[sflag:s21] =	ssyncadd.s32 $0xFFFFEC00  }
0x1a1: {  	[tilespmem:s9], [sflag:$0x1] =	stream.indirect.gather [hbm4b:s7+s3], $0x40, s11, s3, $0xb8;
	[tilespmem:$0x1DC90] =	vst v63  }
0x1a2: {  	s14 =	simm.s32 $0x4E70  }
0x1a3: {  	[spmem:s1] =	stream.indirect.scatter.add.f32 [tilespmem:s10], [sflag:$0x6], $0x40, s14, s3, $0xb8;
	[tilespmem:$0x1DC90] =	vst v63  }
0x1a4: {  	_ =	swait.ge [sflag:s5], $0x1400  }
0x1a5: {  	[sflag:s5] =	ssyncset.done $0x0  }
0x1a6: {  	[sflag:s5] =	ssyncadd.s32 $0xFFFFEC00  }
0x1a7: {  	_ =	swait.ge [sflag:s24], $0x1400  }
0x1a8: {  	[sflag:s24] =	ssyncset.done $0x0  }
0x1a9: {  	s22 =	simm.s32 $0x1E0;
	[sflag:s24] =	ssyncadd.s32 $0xFFFFEC00  }
0x1aa: {  	[tilespmem:s10], [sflag:$0x2] =	stream.indirect.gather [hbm4b:s7+s3], $0x40, s22, s3, $0xb8;
	[tilespmem:$0x1DC90] =	vst v63  }
0x1ab: {  	s28 =	simm.s32 $0x4EC0  }
0x1ac: {  	[spmem:s1] =	stream.indirect.scatter.add.f32 [tilespmem:s13], [sflag:$0x6], $0x40, s28, s3, $0xb8;
	[tilespmem:$0x1DC90] =	vst v63  }
0x1ad: {  	_ =	swait.ge [sflag:s5], $0x1400  }
0x1ae: {  	[sflag:s5] =	ssyncset.done $0x0  }
0x1af: {  	[sflag:s5] =	ssyncadd.s32 $0xFFFFEC00  }
0x1b0: {  	_ =	swait.ge [sflag:s25], $0x1400  }
0x1b1: {  	[sflag:s25] =	ssyncset.done $0x0  }
0x1b2: {  	s11 =	simm.s32 $0x230;
	[sflag:s25] =	ssyncadd.s32 $0xFFFFEC00  }
0x1b3: {  	[tilespmem:s13], [sflag:$0x3] =	stream.indirect.gather [hbm4b:s7+s3], $0x40, s11, s3, $0xb8;
	[tilespmem:$0x1DC90] =	vst v63  }
0x1b4: {  	s14 =	simm.s32 $0x4F10  }
0x1b5: {  	[spmem:s1] =	stream.indirect.scatter.add.f32 [tilespmem:s17], [sflag:$0x6], $0x40, s14, s3, $0xb8;
	[tilespmem:$0x1DC90] =	vst v63  }
0x1b6: {  	_ =	swait.ge [sflag:s5], $0x1400  }
0x1b7: {  	[sflag:s5] =	ssyncset.done $0x0  }
0x1b8: {  	[sflag:s5] =	ssyncadd.s32 $0xFFFFEC00  }
0x1b9: {  	_ =	swait.ge [sflag:s26], $0x1400  }
0x1ba: {  	[sflag:s26] =	ssyncset.done $0x0  }
0x1bb: {  	s22 =	simm.s32 $0x280;
	[sflag:s26] =	ssyncadd.s32 $0xFFFFEC00  }
0x1bc: {  	[tilespmem:s17], [sflag:$0x4] =	stream.indirect.gather [hbm4b:s7+s3], $0x40, s22, s3, $0xb8;
	[tilespmem:$0x1DC90] =	vst v63  }
0x1bd: {  	s28 =	simm.s32 $0x4F60  }
0x1be: {  	[spmem:s1] =	stream.indirect.scatter.add.f32 [tilespmem:s20], [sflag:$0x6], $0x40, s28, s3, $0xb8;
	[tilespmem:$0x1DC90] =	vst v63  }
0x1bf: {  	_ =	swait.ge [sflag:s5], $0x1400  }
0x1c0: {  	s0 =	simm.s32 $0x640;
	[sflag:s5] =	ssyncset.done $0x0  }
.LBB2_8:
0x1c1: {  	p1 =	sne.s32 s0, $0x12C00  }
0x1c2: {  	[sflag:s5] =	ssyncadd.s32 $0xFFFFEC00;
	s11 =	smov.u32 s0;
	s0 =	sadd.s32 $0x640, s0  }
0x1c3: {  	_ = 	snop  }
0x1c4: {  	_ =	swait.ge [sflag:s19], $0x1400  }
0x1c5: {  	s11 =	sshra.s32 s11, $0x2;
	[sflag:s19] =	ssyncset.done $0x0  }
0x1c6: {  	s14 =	sadd.s32 $0x140, s11;
	[sflag:s19] =	ssyncadd.s32 $0xFFFFEC00  }
0x1c7: {  	[tilespmem:s20], [sflag:$0x5] =	stream.indirect.gather [hbm4b:s7+s3], $0x40, s14, s3, $0xb8;
	[tilespmem:$0x1DC90] =	vst v63  }
0x1c8: {  	s14 =	sadd.s32 $0x4E20, s11  }
0x1c9: {  	[spmem:s1] =	stream.indirect.scatter.add.f32 [tilespmem:s9], [sflag:$0x6], $0x40, s14, s3, $0xb8;
	[tilespmem:$0x1DC90] =	vst v63  }
0x1ca: {  	_ =	swait.ge [sflag:s5], $0x1400  }
0x1cb: {  	[sflag:s5] =	ssyncset.done $0x0  }
0x1cc: {  	[sflag:s5] =	ssyncadd.s32 $0xFFFFEC00  }
0x1cd: {  	_ =	swait.ge [sflag:s21], $0x1400  }
0x1ce: {  	[sflag:s21] =	ssyncset.done $0x0  }
0x1cf: {  	s14 =	sadd.s32 $0x190, s11;
	[sflag:s21] =	ssyncadd.s32 $0xFFFFEC00  }
0x1d0: {  	[tilespmem:s9], [sflag:$0x1] =	stream.indirect.gather [hbm4b:s7+s3], $0x40, s14, s3, $0xb8;
	[tilespmem:$0x1DC90] =	vst v63  }
0x1d1: {  	s14 =	sadd.s32 $0x4E70, s11  }
0x1d2: {  	[spmem:s1] =	stream.indirect.scatter.add.f32 [tilespmem:s10], [sflag:$0x6], $0x40, s14, s3, $0xb8;
	[tilespmem:$0x1DC90] =	vst v63  }
0x1d3: {  	_ =	swait.ge [sflag:s5], $0x1400  }
0x1d4: {  	[sflag:s5] =	ssyncset.done $0x0  }
0x1d5: {  	[sflag:s5] =	ssyncadd.s32 $0xFFFFEC00  }
0x1d6: {  	_ =	swait.ge [sflag:s24], $0x1400  }
0x1d7: {  	[sflag:s24] =	ssyncset.done $0x0  }
0x1d8: {  	s14 =	sadd.s32 $0x1E0, s11;
	[sflag:s24] =	ssyncadd.s32 $0xFFFFEC00  }
0x1d9: {  	[tilespmem:s10], [sflag:$0x2] =	stream.indirect.gather [hbm4b:s7+s3], $0x40, s14, s3, $0xb8;
	[tilespmem:$0x1DC90] =	vst v63  }
0x1da: {  	s14 =	sadd.s32 $0x4EC0, s11  }
0x1db: {  	[spmem:s1] =	stream.indirect.scatter.add.f32 [tilespmem:s13], [sflag:$0x6], $0x40, s14, s3, $0xb8;
	[tilespmem:$0x1DC90] =	vst v63  }
0x1dc: {  	_ =	swait.ge [sflag:s5], $0x1400  }
0x1dd: {  	[sflag:s5] =	ssyncset.done $0x0  }
0x1de: {  	[sflag:s5] =	ssyncadd.s32 $0xFFFFEC00  }
0x1df: {  	_ =	swait.ge [sflag:s25], $0x1400  }
0x1e0: {  	[sflag:s25] =	ssyncset.done $0x0  }
0x1e1: {  	s14 =	sadd.s32 $0x230, s11;
	[sflag:s25] =	ssyncadd.s32 $0xFFFFEC00  }
0x1e2: {  	[tilespmem:s13], [sflag:$0x3] =	stream.indirect.gather [hbm4b:s7+s3], $0x40, s14, s3, $0xb8;
	[tilespmem:$0x1DC90] =	vst v63  }
0x1e3: {  	s14 =	sadd.s32 $0x4F10, s11  }
0x1e4: {  	[spmem:s1] =	stream.indirect.scatter.add.f32 [tilespmem:s17], [sflag:$0x6], $0x40, s14, s3, $0xb8;
	[tilespmem:$0x1DC90] =	vst v63  }
0x1e5: {  	_ =	swait.ge [sflag:s5], $0x1400  }
0x1e6: {  	[sflag:s5] =	ssyncset.done $0x0  }
0x1e7: {  	[sflag:s5] =	ssyncadd.s32 $0xFFFFEC00  }
0x1e8: {  	_ =	swait.ge [sflag:s26], $0x1400  }
0x1e9: {  	[sflag:s26] =	ssyncset.done $0x0  }
0x1ea: {  	s14 =	sadd.s32 $0x280, s11;
	[sflag:s26] =	ssyncadd.s32 $0xFFFFEC00  }
0x1eb: {  	[tilespmem:s17], [sflag:$0x4] =	stream.indirect.gather [hbm4b:s7+s3], $0x40, s14, s3, $0xb8;
	[tilespmem:$0x1DC90] =	vst v63  }
.Ltmp3:
0x1ec: {  	_ = 	snop;
	(pc) =	sbr.rel @p1 .LBB2_8-.Ltmp3, $4  }
0x1ed: {  	s11 =	sadd.s32 $0x4F60, s11  }
0x1ee: {  	[spmem:s1] =	stream.indirect.scatter.add.f32 [tilespmem:s20], [sflag:$0x6], $0x40, s11, s3, $0xb8;
	[tilespmem:$0x1DC90] =	vst v63  }
0x1ef: {  	_ =	swait.ge [sflag:s5], $0x1400  }
0x1f0: {  	[sflag:s5] =	ssyncset.done $0x0  }
0x1f1: {  	[sflag:s5] =	ssyncadd.s32 $0xFFFFEC00  }
0x1f2: {  	_ =	swait.ge [sflag:s19], $0x1400  }
0x1f3: {  	[sflag:s19] =	ssyncset.done $0x0  }
0x1f4: {  	s0 =	simm.s32 $0x4DD0;
	[sflag:s19] =	ssyncadd.s32 $0xFFFFEC00  }
0x1f5: {  	[tilespmem:s20], [sflag:$0x5] =	stream.indirect.gather [hbm4b:s7+s3], $0x40, s0, s3, $0xb8;
	[tilespmem:$0x1DC90] =	vst v63  }
0x1f6: {  	s11 =	simm.s32 $0x9AB0  }
0x1f7: {  	[spmem:s1] =	stream.indirect.scatter.add.f32 [tilespmem:s9], [sflag:$0x6], $0x40, s11, s3, $0xb8;
	[tilespmem:$0x1DC90] =	vst v63  }
0x1f8: {  	_ =	swait.ge [sflag:s5], $0x1400  }
0x1f9: {  	[sflag:s5] =	ssyncset.done $0x0  }
0x1fa: {  	[sflag:s5] =	ssyncadd.s32 $0xFFFFEC00  }
0x1fb: {  	_ =	swait.ge [sflag:s21], $0x1400  }
0x1fc: {  	[sflag:s21] =	ssyncset.done $0x0  }
0x1fd: {  	s14 =	simm.s32 $0x9B00;
	[sflag:s21] =	ssyncadd.s32 $0xFFFFEC00  }
0x1fe: {  	[spmem:s1] =	stream.indirect.scatter.add.f32 [tilespmem:s10], [sflag:$0x6], $0x40, s14, s3, $0xb8;
	[tilespmem:$0x1DC90] =	vst v63  }
0x1ff: {  	_ =	swait.ge [sflag:s5], $0x1400  }
0x200: {  	[sflag:s5] =	ssyncset.done $0x0  }
0x201: {  	[sflag:s5] =	ssyncadd.s32 $0xFFFFEC00  }
0x202: {  	_ =	swait.ge [sflag:s24], $0x1400  }
0x203: {  	[sflag:s24] =	ssyncset.done $0x0  }
0x204: {  	s22 =	simm.s32 $0x9B50;
	[sflag:s24] =	ssyncadd.s32 $0xFFFFEC00  }
0x205: {  	[spmem:s1] =	stream.indirect.scatter.add.f32 [tilespmem:s13], [sflag:$0x6], $0x40, s22, s3, $0xb8;
	[tilespmem:$0x1DC90] =	vst v63  }
0x206: {  	_ =	swait.ge [sflag:s5], $0x1400  }
0x207: {  	[sflag:s5] =	ssyncset.done $0x0  }
0x208: {  	[sflag:s5] =	ssyncadd.s32 $0xFFFFEC00  }
0x209: {  	_ =	swait.ge [sflag:s25], $0x1400  }
0x20a: {  	[sflag:s25] =	ssyncset.done $0x0  }
0x20b: {  	s11 =	simm.s32 $0x9BA0;
	[sflag:s25] =	ssyncadd.s32 $0xFFFFEC00  }
0x20c: {  	[spmem:s1] =	stream.indirect.scatter.add.f32 [tilespmem:s17], [sflag:$0x6], $0x40, s11, s3, $0xb8;
	[tilespmem:$0x1DC90] =	vst v63  }
0x20d: {  	_ =	swait.ge [sflag:s5], $0x1400  }
0x20e: {  	[sflag:s5] =	ssyncset.done $0x0  }
0x20f: {  	[sflag:s5] =	ssyncadd.s32 $0xFFFFEC00  }
0x210: {  	_ =	swait.ge [sflag:s26], $0x1400  }
0x211: {  	[sflag:s26] =	ssyncset.done $0x0  }
0x212: {  	s14 =	simm.s32 $0x9BF0;
	[sflag:s26] =	ssyncadd.s32 $0xFFFFEC00  }
0x213: {  	[spmem:s1] =	stream.indirect.scatter.add.f32 [tilespmem:s20], [sflag:$0x6], $0x40, s14, s3, $0xb8;
	[tilespmem:$0x1DC90] =	vst v63  }
0x214: {  	_ =	swait.ge [sflag:s5], $0x1400  }
0x215: {  	[sflag:s5] =	ssyncset.done $0x0  }
0x216: {  	[sflag:s5] =	ssyncadd.s32 $0xFFFFEC00  }
0x217: {  	[bflag:$0x0] =	sbarrier.arrive $0xFFFF  }
0x218: {  	s22 =	rddreg [dreg:$0x19]  }
0x219: {  	[hbm:s22], [sflag:s29] =	dma.local [spmem:s31], $0x1380  }
0x21a: {  	_ =	swait.ge [sflag:s5], $0x1380  }
0x21b: {  	[sflag:s5] =	ssyncset.done $0x0;
	s28 =	rddreg [dreg:$0x11]  }
0x21c: {  	s14 =	rddreg [dreg:$0x12];
	[sflag:s5] =	ssyncadd.s32 $0xFFFFEC80;
	s0 =	sshrl.u32 @p0 s28, $0x3  }
0x21d: {  	[spmem:s0], [sflag:s29] =	dma.local @p0 [hbm:s14], $0x4E0  }
0x21e: {  	s0 =	simm.s32 @p0 $0x6  }
0x21f: {  	_ =	swait.ge @p0 [sflag:s0], $0x4E0  }
0x220: {  	[sflag:s0] =	ssyncset.done @p0 $0x0  }
0x221: {  	s11 =	simm.s32 @!p0 $0x6;
	[sflag:s0] =	ssyncadd.s32 @p0 $0xFFFFFB20;
	s0 =	rddreg [dreg:$0x10]  }
0x222: {  	[hbm:s0], [sflag:s29] =	dma.local @!p0 [spmem:s30], $0x80  }
0x223: {  	_ =	swait.ge @!p0 [sflag:s11], $0x80  }
0x224: {  	[sflag:s11] =	ssyncset.done @!p0 $0x0  }
0x225: {  	s0 =	sshrl.u32 @!p0 s28, $0x3;
	[sflag:s11] =	ssyncadd.s32 @!p0 $0xFFFFFF80  }
0x226: {  	[spmem:s0], [sflag:s29] =	dma.local @!p0 [hbm:s14], $0x4E0  }
0x227: {  	_ =	swait.ge @!p0 [sflag:s11], $0x4E0  }
0x228: {  	[sflag:s11] =	ssyncset.done @!p0 $0x0;
	s0 =	rddreg [dreg:$0x1a]  }
0x229: {  	s14 =	rddreg [dreg:$0x15];
	[sflag:s11] =	ssyncadd.s32 @!p0 $0xFFFFFB20;
	s0 =	sshrl.u32 @!p0 s0, $0x3  }
0x22a: {  	[spmem:s0], [sflag:s29] =	dma.local @!p0 [hbm:s14], $0x20  }
0x22b: {  	_ =	swait.ge @!p0 [sflag:s11], $0x20  }
0x22c: {  	[sflag:s11] =	ssyncset.done @!p0 $0x0  }
0x22d: {  	[sflag:s11] =	ssyncadd.s32 @!p0 $0xFFFFFFE0  }
0x22e: {  	s31 =	simm.s32 $0x0;
	[bflag:$0x0] =	sbarrier.arrive $0xFFFF  }
0x22f: {  	[tilespmem:s16], [sflag:$0x1] =	stream.indirect.gather [hbm4b:s8+s3], $0x10, s31, s3, $0xb8;
	[tilespmem:$0x1DC90] =	vst v63  }
0x230: {  	_ = 	snop  }
0x231: {  	[tilespmem:s18], [sflag:$0x2] =	stream.indirect.gather [hbm4b:s8+s3], $0x10, s3, s3, $0xb8;
	[tilespmem:$0x1DC90] =	vst v63  }
0x232: {  	s14 =	simm.s32 $0xA0  }
0x233: {  	[tilespmem:s23], [sflag:$0x3] =	stream.indirect.gather [hbm4b:s8+s3], $0x10, s14, s3, $0xb8;
	[tilespmem:$0x1DC90] =	vst v63  }
0x234: {  	s22 =	simm.s32 $0xF0  }
0x235: {  	[tilespmem:s12], [sflag:$0x4] =	stream.indirect.gather [hbm4b:s8+s3], $0x10, s22, s3, $0xb8;
	[tilespmem:$0x1DC90] =	vst v63  }
0x236: {  	_ =	swait.ge [sflag:s19], $0x500  }
0x237: {  	[sflag:s19] =	ssyncset.done $0x0  }
0x238: {  	s30 =	simm.s32 $0x140;
	[sflag:s19] =	ssyncadd.s32 $0xFFFFFB00  }
0x239: {  	[tilespmem:s15], [sflag:$0x5] =	stream.indirect.gather [hbm4b:s8+s3], $0x10, s30, s3, $0xb8;
	[tilespmem:$0x1DC90] =	vst v63  }
0x23a: {  	s31 =	simm.s32 $0x4E20  }
0x23b: {  	[spmem:s2] =	stream.indirect.scatter.add.f32 [tilespmem:s16], [sflag:$0x6], $0x10, s31, s3, $0xb8;
	[tilespmem:$0x1DC90] =	vst v63  }
0x23c: {  	_ =	swait.ge [sflag:s5], $0x500  }
0x23d: {  	[sflag:s5] =	ssyncset.done $0x0  }
0x23e: {  	[sflag:s5] =	ssyncadd.s32 $0xFFFFFB00  }
0x23f: {  	_ =	swait.ge [sflag:s21], $0x500  }
0x240: {  	[sflag:s21] =	ssyncset.done $0x0  }
0x241: {  	s14 =	simm.s32 $0x190;
	[sflag:s21] =	ssyncadd.s32 $0xFFFFFB00  }
0x242: {  	[tilespmem:s16], [sflag:$0x1] =	stream.indirect.gather [hbm4b:s8+s3], $0x10, s14, s3, $0xb8;
	[tilespmem:$0x1DC90] =	vst v63  }
0x243: {  	s22 =	simm.s32 $0x4E70  }
0x244: {  	[spmem:s2] =	stream.indirect.scatter.add.f32 [tilespmem:s18], [sflag:$0x6], $0x10, s22, s3, $0xb8;
	[tilespmem:$0x1DC90] =	vst v63  }
0x245: {  	_ =	swait.ge [sflag:s5], $0x500  }
0x246: {  	[sflag:s5] =	ssyncset.done $0x0  }
0x247: {  	[sflag:s5] =	ssyncadd.s32 $0xFFFFFB00  }
0x248: {  	_ =	swait.ge [sflag:s24], $0x500  }
0x249: {  	[sflag:s24] =	ssyncset.done $0x0  }
0x24a: {  	s30 =	simm.s32 $0x1E0;
	[sflag:s24] =	ssyncadd.s32 $0xFFFFFB00  }
0x24b: {  	[tilespmem:s18], [sflag:$0x2] =	stream.indirect.gather [hbm4b:s8+s3], $0x10, s30, s3, $0xb8;
	[tilespmem:$0x1DC90] =	vst v63  }
0x24c: {  	s31 =	simm.s32 $0x4EC0  }
0x24d: {  	[spmem:s2] =	stream.indirect.scatter.add.f32 [tilespmem:s23], [sflag:$0x6], $0x10, s31, s3, $0xb8;
	[tilespmem:$0x1DC90] =	vst v63  }
0x24e: {  	_ =	swait.ge [sflag:s5], $0x500  }
0x24f: {  	[sflag:s5] =	ssyncset.done $0x0  }
0x250: {  	[sflag:s5] =	ssyncadd.s32 $0xFFFFFB00  }
0x251: {  	_ =	swait.ge [sflag:s25], $0x500  }
0x252: {  	[sflag:s25] =	ssyncset.done $0x0  }
0x253: {  	s14 =	simm.s32 $0x230;
	[sflag:s25] =	ssyncadd.s32 $0xFFFFFB00  }
0x254: {  	[tilespmem:s23], [sflag:$0x3] =	stream.indirect.gather [hbm4b:s8+s3], $0x10, s14, s3, $0xb8;
	[tilespmem:$0x1DC90] =	vst v63  }
0x255: {  	s22 =	simm.s32 $0x4F10  }
0x256: {  	[spmem:s2] =	stream.indirect.scatter.add.f32 [tilespmem:s12], [sflag:$0x6], $0x10, s22, s3, $0xb8;
	[tilespmem:$0x1DC90] =	vst v63  }
0x257: {  	_ =	swait.ge [sflag:s5], $0x500  }
0x258: {  	[sflag:s5] =	ssyncset.done $0x0  }
0x259: {  	[sflag:s5] =	ssyncadd.s32 $0xFFFFFB00  }
0x25a: {  	_ =	swait.ge [sflag:s26], $0x500  }
0x25b: {  	[sflag:s26] =	ssyncset.done $0x0  }
0x25c: {  	s30 =	simm.s32 $0x280;
	[sflag:s26] =	ssyncadd.s32 $0xFFFFFB00  }
0x25d: {  	[tilespmem:s12], [sflag:$0x4] =	stream.indirect.gather [hbm4b:s8+s3], $0x10, s30, s3, $0xb8;
	[tilespmem:$0x1DC90] =	vst v63  }
0x25e: {  	s31 =	simm.s32 $0x4F60  }
0x25f: {  	[spmem:s2] =	stream.indirect.scatter.add.f32 [tilespmem:s15], [sflag:$0x6], $0x10, s31, s3, $0xb8;
	[tilespmem:$0x1DC90] =	vst v63  }
0x260: {  	_ =	swait.ge [sflag:s5], $0x500  }
0x261: {  	s11 =	simm.s32 $0x640;
	[sflag:s5] =	ssyncset.done $0x0  }
.LBB2_10:
0x262: {  	p1 =	sne.s32 s11, $0x12C00  }
0x263: {  	[sflag:s5] =	ssyncadd.s32 $0xFFFFFB00;
	s14 =	smov.u32 s11;
	s11 =	sadd.s32 $0x640, s11  }
0x264: {  	_ = 	snop  }
0x265: {  	_ =	swait.ge [sflag:s19], $0x500  }
0x266: {  	s14 =	sshra.s32 s14, $0x2;
	[sflag:s19] =	ssyncset.done $0x0  }
0x267: {  	s22 =	sadd.s32 $0x140, s14;
	[sflag:s19] =	ssyncadd.s32 $0xFFFFFB00  }
0x268: {  	[tilespmem:s15], [sflag:$0x5] =	stream.indirect.gather [hbm4b:s8+s3], $0x10, s22, s3, $0xb8;
	[tilespmem:$0x1DC90] =	vst v63  }
0x269: {  	s22 =	sadd.s32 $0x4E20, s14  }
0x26a: {  	[spmem:s2] =	stream.indirect.scatter.add.f32 [tilespmem:s16], [sflag:$0x6], $0x10, s22, s3, $0xb8;
	[tilespmem:$0x1DC90] =	vst v63  }
0x26b: {  	_ =	swait.ge [sflag:s5], $0x500  }
0x26c: {  	[sflag:s5] =	ssyncset.done $0x0  }
0x26d: {  	[sflag:s5] =	ssyncadd.s32 $0xFFFFFB00  }
0x26e: {  	_ =	swait.ge [sflag:s21], $0x500  }
0x26f: {  	[sflag:s21] =	ssyncset.done $0x0  }
0x270: {  	s22 =	sadd.s32 $0x190, s14;
	[sflag:s21] =	ssyncadd.s32 $0xFFFFFB00  }
0x271: {  	[tilespmem:s16], [sflag:$0x1] =	stream.indirect.gather [hbm4b:s8+s3], $0x10, s22, s3, $0xb8;
	[tilespmem:$0x1DC90] =	vst v63  }
0x272: {  	s22 =	sadd.s32 $0x4E70, s14  }
0x273: {  	[spmem:s2] =	stream.indirect.scatter.add.f32 [tilespmem:s18], [sflag:$0x6], $0x10, s22, s3, $0xb8;
	[tilespmem:$0x1DC90] =	vst v63  }
0x274: {  	_ =	swait.ge [sflag:s5], $0x500  }
0x275: {  	[sflag:s5] =	ssyncset.done $0x0  }
0x276: {  	[sflag:s5] =	ssyncadd.s32 $0xFFFFFB00  }
0x277: {  	_ =	swait.ge [sflag:s24], $0x500  }
0x278: {  	[sflag:s24] =	ssyncset.done $0x0  }
0x279: {  	s22 =	sadd.s32 $0x1E0, s14;
	[sflag:s24] =	ssyncadd.s32 $0xFFFFFB00  }
0x27a: {  	[tilespmem:s18], [sflag:$0x2] =	stream.indirect.gather [hbm4b:s8+s3], $0x10, s22, s3, $0xb8;
	[tilespmem:$0x1DC90] =	vst v63  }
0x27b: {  	s22 =	sadd.s32 $0x4EC0, s14  }
0x27c: {  	[spmem:s2] =	stream.indirect.scatter.add.f32 [tilespmem:s23], [sflag:$0x6], $0x10, s22, s3, $0xb8;
	[tilespmem:$0x1DC90] =	vst v63  }
0x27d: {  	_ =	swait.ge [sflag:s5], $0x500  }
0x27e: {  	[sflag:s5] =	ssyncset.done $0x0  }
0x27f: {  	[sflag:s5] =	ssyncadd.s32 $0xFFFFFB00  }
0x280: {  	_ =	swait.ge [sflag:s25], $0x500  }
0x281: {  	[sflag:s25] =	ssyncset.done $0x0  }
0x282: {  	s22 =	sadd.s32 $0x230, s14;
	[sflag:s25] =	ssyncadd.s32 $0xFFFFFB00  }
0x283: {  	[tilespmem:s23], [sflag:$0x3] =	stream.indirect.gather [hbm4b:s8+s3], $0x10, s22, s3, $0xb8;
	[tilespmem:$0x1DC90] =	vst v63  }
0x284: {  	s22 =	sadd.s32 $0x4F10, s14  }
0x285: {  	[spmem:s2] =	stream.indirect.scatter.add.f32 [tilespmem:s12], [sflag:$0x6], $0x10, s22, s3, $0xb8;
	[tilespmem:$0x1DC90] =	vst v63  }
0x286: {  	_ =	swait.ge [sflag:s5], $0x500  }
0x287: {  	[sflag:s5] =	ssyncset.done $0x0  }
0x288: {  	[sflag:s5] =	ssyncadd.s32 $0xFFFFFB00  }
0x289: {  	_ =	swait.ge [sflag:s26], $0x500  }
0x28a: {  	[sflag:s26] =	ssyncset.done $0x0  }
0x28b: {  	s22 =	sadd.s32 $0x280, s14;
	[sflag:s26] =	ssyncadd.s32 $0xFFFFFB00  }
0x28c: {  	[tilespmem:s12], [sflag:$0x4] =	stream.indirect.gather [hbm4b:s8+s3], $0x10, s22, s3, $0xb8;
	[tilespmem:$0x1DC90] =	vst v63  }
.Ltmp4:
0x28d: {  	_ = 	snop;
	(pc) =	sbr.rel @p1 .LBB2_10-.Ltmp4, $4  }
0x28e: {  	s14 =	sadd.s32 $0x4F60, s14  }
0x28f: {  	[spmem:s2] =	stream.indirect.scatter.add.f32 [tilespmem:s15], [sflag:$0x6], $0x10, s14, s3, $0xb8;
	[tilespmem:$0x1DC90] =	vst v63  }
0x290: {  	_ =	swait.ge [sflag:s5], $0x500  }
0x291: {  	[sflag:s5] =	ssyncset.done $0x0  }
0x292: {  	[sflag:s5] =	ssyncadd.s32 $0xFFFFFB00  }
0x293: {  	_ =	swait.ge [sflag:s19], $0x500  }
0x294: {  	[sflag:s19] =	ssyncset.done $0x0  }
0x295: {  	s11 =	simm.s32 $0x4DD0;
	[sflag:s19] =	ssyncadd.s32 $0xFFFFFB00  }
0x296: {  	[tilespmem:s15], [sflag:$0x5] =	stream.indirect.gather [hbm4b:s8+s3], $0x10, s11, s3, $0xb8;
	[tilespmem:$0x1DC90] =	vst v63  }
0x297: {  	s22 =	simm.s32 $0x9AB0  }
0x298: {  	[spmem:s2] =	stream.indirect.scatter.add.f32 [tilespmem:s16], [sflag:$0x6], $0x10, s22, s3, $0xb8;
	[tilespmem:$0x1DC90] =	vst v63  }
0x299: {  	_ =	swait.ge [sflag:s5], $0x500  }
0x29a: {  	[sflag:s5] =	ssyncset.done $0x0  }
0x29b: {  	[sflag:s5] =	ssyncadd.s32 $0xFFFFFB00  }
0x29c: {  	_ =	swait.ge [sflag:s21], $0x500  }
0x29d: {  	[sflag:s21] =	ssyncset.done $0x0  }
0x29e: {  	s30 =	simm.s32 $0x9B00;
	[sflag:s21] =	ssyncadd.s32 $0xFFFFFB00  }
0x29f: {  	[spmem:s2] =	stream.indirect.scatter.add.f32 [tilespmem:s18], [sflag:$0x6], $0x10, s30, s3, $0xb8;
	[tilespmem:$0x1DC90] =	vst v63  }
0x2a0: {  	_ =	swait.ge [sflag:s5], $0x500  }
0x2a1: {  	[sflag:s5] =	ssyncset.done $0x0  }
0x2a2: {  	[sflag:s5] =	ssyncadd.s32 $0xFFFFFB00  }
0x2a3: {  	_ =	swait.ge [sflag:s24], $0x500  }
0x2a4: {  	[sflag:s24] =	ssyncset.done $0x0  }
0x2a5: {  	s31 =	simm.s32 $0x9B50;
	[sflag:s24] =	ssyncadd.s32 $0xFFFFFB00  }
0x2a6: {  	[spmem:s2] =	stream.indirect.scatter.add.f32 [tilespmem:s23], [sflag:$0x6], $0x10, s31, s3, $0xb8;
	[tilespmem:$0x1DC90] =	vst v63  }
0x2a7: {  	_ =	swait.ge [sflag:s5], $0x500  }
0x2a8: {  	[sflag:s5] =	ssyncset.done $0x0  }
0x2a9: {  	[sflag:s5] =	ssyncadd.s32 $0xFFFFFB00  }
0x2aa: {  	_ =	swait.ge [sflag:s25], $0x500  }
0x2ab: {  	[sflag:s25] =	ssyncset.done $0x0  }
0x2ac: {  	s14 =	simm.s32 $0x9BA0;
	[sflag:s25] =	ssyncadd.s32 $0xFFFFFB00  }
0x2ad: {  	[spmem:s2] =	stream.indirect.scatter.add.f32 [tilespmem:s12], [sflag:$0x6], $0x10, s14, s3, $0xb8;
	[tilespmem:$0x1DC90] =	vst v63  }
0x2ae: {  	_ =	swait.ge [sflag:s5], $0x500  }
0x2af: {  	[sflag:s5] =	ssyncset.done $0x0  }
0x2b0: {  	[sflag:s5] =	ssyncadd.s32 $0xFFFFFB00  }
0x2b1: {  	_ =	swait.ge [sflag:s26], $0x500  }
0x2b2: {  	[sflag:s26] =	ssyncset.done $0x0  }
0x2b3: {  	s22 =	simm.s32 $0x9BF0;
	[sflag:s26] =	ssyncadd.s32 $0xFFFFFB00  }
0x2b4: {  	[spmem:s2] =	stream.indirect.scatter.add.f32 [tilespmem:s15], [sflag:$0x6], $0x10, s22, s3, $0xb8;
	[tilespmem:$0x1DC90] =	vst v63  }
0x2b5: {  	_ =	swait.ge [sflag:s5], $0x500  }
0x2b6: {  	[sflag:s5] =	ssyncset.done $0x0  }
0x2b7: {  	[sflag:s5] =	ssyncadd.s32 $0xFFFFFB00  }
0x2b8: {  	[bflag:$0x0] =	sbarrier.arrive $0xFFFF  }
0x2b9: {  	s28 =	sshrl.u32 s28, $0x3;
	s14 =	rddreg [dreg:$0x13]  }
0x2ba: {  	[hbm:s14], [sflag:s29] =	dma.local [spmem:s28], $0x4E0  }
0x2bb: {  	_ =	swait.ge [sflag:s5], $0x4E0  }
0x2bc: {  	[sflag:s5] =	ssyncset.done $0x0  }
0x2bd: {  	s11 =	rddreg [dreg:$0x14];
	[sflag:s5] =	ssyncadd.s32 $0xFFFFFB20  }
0x2be: {  	[hbm:s11], [sflag:s29] =	dma.local @!p0 [spmem:s0], $0x20  }
0x2bf: {  	s0 =	simm.s32 @!p0 $0x6  }
0x2c0: {  	_ =	swait.ge @!p0 [sflag:s0], $0x20  }
0x2c1: {  	s30 =	rddreg [dreg:$0x1b]  }
0x2c2: {  	s31 =	rddreg [dreg:$0x16];
	s14 =	sadd.s32 $0x1, s30  }
0x2c3: {  	p1 =	sne.s32 s14, s31  }
.Ltmp5:
0x2c4: {  	_ = 	snop;
	(pc) =	sbr.rel @p1 .LBB2_1-.Ltmp5, $3  }
0x2c5: {  	_ =	sdelay $0x1  }
0x2c6: {  	[sflag:s0] =	ssyncset.done @!p0 $0x0  }
0x2c7: {  	s22 =	rddreg [dreg:$0x6];
	[sflag:s0] =	ssyncadd.s32 @!p0 $0xFFFFFFE0  }
0x2c8: {  	_ =	sfence.sel $0x180000  }
0x2c9: {  	[bflag:$0x0] =	sbarrier.arrive $0xFFFF  }
0x2ca: {  	_ =	strace $0x9000004D  }
0x2cb: {  	[bflag:$0x2] =	sbarrier.arrive $0xFFFF  }
0x2cc: {  	s0 =	rddreg [dreg:$0x3]  }
0x2cd: {  	s0 =	sadd.s32 @!p0 $0x100000, s0  }
0x2ce: {  	[sflag:s0] =	ssyncadd.tile.s32 @!p0 $0x1;
	_ =	shalt  }
.Lfunc_end2:
_tile_overlayer_lowered:
.L_overlay_start_2:
0x2cf: {  	(tag) =	ssettag $0x2  }
0x2d0: {  	s0 =	rddreg [dreg:$0x0];
	s2 =	stileid.u32  }
0x2d1: {  	s1 =	rddreg [dreg:$0x1];
	p0 =	sne.s32 s2, $0x0  }
0x2d2: {  	s3 =	rddreg [dreg:$0x2];
	[bflag:$0x3] =	sbarrier.arrive $0xFFFF;
	s2 =	simm.s32 @!p0 $0x1C06  }
0x2d3: {  	[timem:s3], [sflag:s2] =	dma.local @!p0 [hbm:s0], s1  }
0x2d4: {  	s0 =	simm.s32 @!p0 $0x6  }
0x2d5: {  	_ =	swait.ge @!p0 [sflag:s0], s1  }
0x2d6: {  	s1 =	ssub.s32 @!p0 $0x0, s1;
	[sflag:s0] =	ssyncset.done @!p0 $0x0  }
0x2d7: {  	[sflag:s0] =	ssyncadd.s32 @!p0 s1  }
0x2d8: {  	[bflag:$0x3] =	sbarrier.arrive $0xFFFF  }
0x2d9: {  	_ =	shalt  }

// kernel: kernel.19.cloned.1.call-start
scs
__scs_entry_jumppad:
0x0: {  	(pc) =	sbr.rel $0x88, $3  }
0x1: {  	(tag) =	ssettag $0x0;
	lr =	simm.s32 $0x1  }
0x2: {  	[smem:$0x3F99] =	sst lr;
	_ =	strace $0xD0000000  }
0x3: {  	_ = 	snop  }
0x4: {  	_ = 	snop  }
0x5: {  	_ = 	snop  }
0x6: {  	_ = 	snop  }
0x7: {  	_ = 	snop  }
__scs_overlays_trampoline_lowered:
0x8: {  	[smem:$0x3FA8] =	sst s0  }
0x9: {  	[smem:$0x3FA9] =	sst s1  }
0xa: {  	[smem:$0x3FAA] =	sst s2  }
0xb: {  	[smem:$0x3FAB] =	sst s3  }
0xc: {  	[smem:$0x3FAC] =	sst s4  }
0xd: {  	[smem:$0x3FAD] =	sst s5  }
0xe: {  	[smem:$0x3FAE] =	sst s6  }
0xf: {  	[smem:$0x3FAF] =	sst s7  }
0x10: {  	[smem:$0x3FB0] =	sst s8  }
0x11: {  	[smem:$0x3FB1] =	sst s9;
	s0 =	simm.s32 @!p0 $0x0  }
0x12: {  	s1 =	sld [smem:$0x3F97];
	s0 =	simm.s32 @p0 $0x1  }
0x13: {  	[smem:$0x3FB2] =	sst s0;
	s0 =	simm.s32 @!p1 $0x0  }
0x14: {  	s2 =	sld [smem:$0x3F96];
	s0 =	simm.s32 @p1 $0x1  }
0x15: {  	[smem:$0x3FB3] =	sst s0;
	s0 =	simm.s32 @!p2 $0x0  }
0x16: {  	s3 =	sld [smem:$0x3FDB];
	s0 =	simm.s32 @p2 $0x1  }
0x17: {  	s4 =	simm.s32 $0x1BF5;
	[smem:$0x3FB5] =	sst s0  }
0x18: {  	s0 =	sld [smem:$0x3F98];
	_ =	swait.ge [sflag:s4], $0x0  }
0x19: {  	s7 =	sld [smem:$0x3F99]  }
0x1a: {  	s8 =	sadd.s32 $0xFFFFE003, lr  }
0x1b: {  	s9 =	sadd.s32 $0xFFFFFEF7, lr;
	s5 =	simm.s32 $0xFFFFFFFF;
	p2 =	slt.u32 s8, $0xFFFFF086  }
0x1c: {  	p1 =	slt.u32 s9, $0xF7A;
	s5 =	simm.s32 @!p2 $0x0  }
0x1d: {  	s5 =	simm.s32 @p1 $0x1;
	p0 =	seq.s32 s7, s2  }
0x1e: {  	s7 =	smul.u32 @!p0 $0xF7A, s2;
	p2 =	seq.s32 @!p0 s5, $0x0  }
0x1f: {  	s9 =	smul.u32 $0xF7A, s1;
	s8 =	simm.s32 @!p0 $0x1BF5;
	p2 =	por !p2, p0  }
0x20: {  	[sflag:s8] =	ssyncset.s32 @!p0 $0xFFFFF086;
	s6 =	sadd.s32 @!p0 s3, s7;
	s7 =	simm.s32 @!p0 $0x108  }
0x21: {  	s3 =	sadd.s32 s3, s9;
	s6 =	sadd.s32 @!p0 $0x88, s6;
	s7 =	simm.s32 @p2 $0x1082  }
0x22: {  	[simem:s7], [sflag:s8] =	dma.local @!p0 [hbm:s6], $0xF7A  }
0x23: {  	s9 =	sor.u32 $0xD0000000, s2;
	s6 =	simm.s32 $0x108;
	_ =	swait.ge @!p0 [sflag:s8], $0x0  }
0x24: {  	s3 =	sadd.s32 $0x88, s3;
	s6 =	simm.s32 @!p1 $0x1082;
	[sflag:s4] =	ssyncset.s32 $0xFFFFF086  }
0x25: {  	[simem:s6], [sflag:s4] =	dma.local [hbm:s3], $0xF7A  }
0x26: {  	[smem:$0x3F99] =	sst s1;
	(tag) =	ssettag s2;
	_ =	strace s9  }
0x27: {  	s1 =	sld [smem:$0x3FA9]  }
0x28: {  	s2 =	sld [smem:$0x3FAA]  }
0x29: {  	s4 =	sld [smem:$0x3FAC]  }
0x2a: {  	p0 =	seq.s32 s5, $0x0;
	s5 =	sld [smem:$0x3FAD]  }
0x2b: {  	s6 =	sld [smem:$0x3FAE]  }
0x2c: {  	s7 =	sld [smem:$0x3FAF]  }
0x2d: {  	s3 =	simm.s32 $0x108;
	s8 =	sld [smem:$0x3FB0]  }
0x2e: {  	s3 =	simm.s32 @!p0 $0x1082;
	s9 =	sld [smem:$0x3FB1]  }
0x2f: {  	lr =	sadd.s32 s0, s3;
	s0 =	sld [smem:$0x3FA8]  }
0x30: {  	s3 =	sld [smem:$0x3FAB]  }
0x31: {  	[smem:$0x3FB4] =	sst s10  }
0x32: {  	s10 =	sld [smem:$0x3FB2];
	_ =	sdelay $0x3  }
0x33: {  	p0 =	seq.s32 s10, $0x1;
	s10 =	sld [smem:$0x3FB4];
	_ =	sdelay $0x3  }
0x34: {  	[smem:$0x3FB4] =	sst s10  }
0x35: {  	s10 =	sld [smem:$0x3FB3];
	_ =	sdelay $0x3  }
0x36: {  	p1 =	seq.s32 s10, $0x1;
	s10 =	sld [smem:$0x3FB4];
	_ =	sdelay $0x3  }
0x37: {  	[smem:$0x3FB4] =	sst s10  }
0x38: {  	s10 =	sld [smem:$0x3FB5]  }
0x39: {  	_ = 	snop;
	(pc) =	sbr.ind lr, $3  }
0x3a: {  	_ = 	snop  }
0x3b: {  	_ = 	snop  }
0x3c: {  	p2 =	seq.s32 s10, $0x1;
	s10 =	sld [smem:$0x3FB4]  }
0x3d: {  	_ =	shalt  }
0x3e: {  	_ =	shalt  }
0x3f: {  	_ =	shalt  }
0x40: {  	_ =	shalt  }
0x41: {  	_ =	shalt  }
0x42: {  	_ =	shalt  }
0x43: {  	_ =	shalt  }
0x44: {  	_ =	shalt  }
0x45: {  	_ =	shalt  }
0x46: {  	_ =	shalt  }
0x47: {  	_ =	shalt  }
0x48: {  	_ =	shalt  }
0x49: {  	_ =	shalt  }
0x4a: {  	_ =	shalt  }
0x4b: {  	_ =	shalt  }
0x4c: {  	_ =	shalt  }
0x4d: {  	_ =	shalt  }
0x4e: {  	_ =	shalt  }
0x4f: {  	_ =	shalt  }
0x50: {  	_ =	shalt  }
0x51: {  	_ =	shalt  }
0x52: {  	_ =	shalt  }
0x53: {  	_ =	shalt  }
0x54: {  	_ =	shalt  }
0x55: {  	_ =	shalt  }
0x56: {  	_ =	shalt  }
0x57: {  	_ =	shalt  }
0x58: {  	_ =	shalt  }
0x59: {  	_ =	shalt  }
0x5a: {  	_ =	shalt  }
0x5b: {  	_ =	shalt  }
0x5c: {  	_ =	shalt  }
0x5d: {  	_ =	shalt  }
0x5e: {  	_ =	shalt  }
0x5f: {  	_ =	shalt  }
0x60: {  	_ =	shalt  }
0x61: {  	_ =	shalt  }
0x62: {  	_ =	shalt  }
0x63: {  	_ =	shalt  }
0x64: {  	_ =	shalt  }
0x65: {  	_ =	shalt  }
0x66: {  	_ =	shalt  }
0x67: {  	_ =	shalt  }
0x68: {  	_ =	shalt  }
0x69: {  	_ =	shalt  }
0x6a: {  	_ =	shalt  }
0x6b: {  	_ =	shalt  }
0x6c: {  	_ =	shalt  }
0x6d: {  	_ =	shalt  }
0x6e: {  	_ =	shalt  }
0x6f: {  	_ =	shalt  }
0x70: {  	_ =	shalt  }
0x71: {  	_ =	shalt  }
0x72: {  	_ =	shalt  }
0x73: {  	_ =	shalt  }
0x74: {  	_ =	shalt  }
0x75: {  	_ =	shalt  }
0x76: {  	_ =	shalt  }
0x77: {  	_ =	shalt  }
0x78: {  	_ =	shalt  }
0x79: {  	_ =	shalt  }
0x7a: {  	_ =	shalt  }
0x7b: {  	_ =	shalt  }
0x7c: {  	_ =	shalt  }
0x7d: {  	_ =	shalt  }
0x7e: {  	_ =	shalt  }
0x7f: {  	_ =	shalt  }
0x80: {  	_ =	shalt  }
0x81: {  	_ =	shalt  }
0x82: {  	_ =	shalt  }
0x83: {  	_ =	shalt  }
0x84: {  	_ =	shalt  }
0x85: {  	_ =	shalt  }
0x86: {  	_ =	shalt  }
0x87: {  	_ =	shalt  }
.Lfunc_end0:
.L_simem_size_0:
called_computation.3_lowered:
.L_overlay_start_0:
0x88: {  	s2 =	sld [smem:$0x3FD9]  }
0x89: {  	s3 =	sld [smem:$0x3FFE];
	_ =	sdelay $0x1  }
0x8a: {  	s1 =	srdreg.scid  }
0x8b: {  	s0 =	sand.u32 $0x1, s1  }
0x8c: {  	s16 =	sshll.u32 s0, $0xA;
	s2 =	sadd.s32 s3, s2  }
0x8d: {  	s2 =	sadd.s32 s2, s16  }
0x8e: {  	[smem:$0x3FC0] =	sst s2  }
0x8f: {  	_ = 	snop  }
0x90: {  	(tm) =	ssettm $0x1  }
0x91: {  	s17 =	sld [smem:$0x3FFB];
	_ =	sdelay $0x3  }
0x92: {  	_ =	strace s17  }
0x93: {  	s2 =	sld [smem:$0x3FFC];
	_ =	sdelay $0x3  }
0x94: {  	_ =	strace s2  }
0x95: {  	s2 =	sld [smem:$0x3FFD];
	_ =	sdelay $0x3  }
0x96: {  	_ =	strace s2  }
0x97: {  	_ =	strace $0x8FFFFFFF  }
0x98: {  	s18 =	sld [smem:$0x3FDB];
	_ =	sdelay $0x1  }
0x99: {  	s19 =	simm.s32 $_scs_section_size  }
0x9a: {  	s4 =	simm.s32 $_size__tile_overlayer_lowered;
	s5 =	simm.s32 $_tile_overlayer_lowered  }
0x9b: {  	s22 =	simm.s32 $0x1BFF;
	s21 =	sshll.u32 s5, $0x1;
	s2 =	sadd.s32 s19, s18  }
0x9c: {  	s6 =	simm.s32 $0x0;
	s20 =	sshll.u32 s4, $0x1;
	s4 =	sadd.s32 s21, s2  }
0x9d: {  	[timem:s6], [sflag:s22] =	dma.local [hbm:s4], s20  }
0x9e: {  	_ =	swait.ge [sflag:s22], s20  }
0x9f: {  	s3 =	ssub.s32 $0x0, s20;
	[sflag:s22] =	ssyncset.done $0x0  }
0xa0: {  	[sflag:s22] =	ssyncadd.s32 s3;
	_ =	sdelay $0x1  }
0xa1: {  	s23 =	simm.s32 $0x1B8B  }
0xa2: {  	_ =	swait.ge [sflag:s23], $0x1  }
0xa3: {  	[sflag:s23] =	ssyncset.done $0x0  }
0xa4: {  	s25 =	simm.s32 $0x1B8E;
	s24 =	sld [smem:$0x3FFE];
	[sflag:s23] =	ssyncadd.s32 $0xFFFFFFFF  }
0xa5: {  	s26 =	simm.s32 $execute0_lowered;
	[smem:$0x3FD2] =	sst s25  }
0xa6: {  	s4 =	sshll.u32 s26, $0x1;
	_ =	strace $0x8000004F;
	[dreg:$0x1] =	wrdreg $0xFFFFFFFF  }
0xa7: {  	s28 =	simm.s32 $_size_execute0_lowered;
	s2 =	sadd.s32 s2, s4;
	[dreg:$0x0] =	wrdreg $0x0  }
0xa8: {  	s4 =	sshll.u32 s28, $0x1;
	[dreg:$0x2] =	wrdreg s2  }
0xa9: {  	[dreg:$0x3] =	wrdreg s4  }
0xaa: {  	[dreg:$0x4] =	wrdreg $0xC0  }
0xab: {  	_ =	task [dreg:s6], $0x5FFFF  }
0xac: {  	[dreg:$0x1] =	wrdreg $0xFFFFFFFF  }
0xad: {  	[dreg:$0x0] =	wrdreg $0x60  }
0xae: {  	[dreg:$0x2] =	wrdreg s24  }
0xaf: {  	[dreg:$0x3] =	wrdreg $0xB5400  }
0xb0: {  	[dreg:$0x4] =	wrdreg $0x9  }
0xb1: {  	_ =	task.clear_ibuf [dreg:s6], $0x5FFFF;
	_ =	strace $0x9000004F  }
0xb2: {  	s29 =	simm.s32 $0x9;
	_ =	strace $0x80000051  }
0xb3: {  	_ =	swait.ge [sflag:s29], $0x1  }
0xb4: {  	[sflag:s29] =	ssyncadd.s32 $0xFFFFFFFF  }
0xb5: {  	_ =	strace $0x90000051  }
0xb6: {  	_ =	sfence  }
0xb7: {  	s30 =	sld [smem:$0x0];
	_ =	sdelay $0x2  }
0xb8: {  	s31 =	sshll.u32 s1, $0xD;
	s1 =	sshrl.u32 s1, $0x2  }
0xb9: {  	s3 =	sand.u32 $0x4000, s31;
	s1 =	sadd.s32 s1, s30  }
0xba: {  	s0 =	sor.u32 s3, s0;
	s1 =	sshll.u32 s1, $0x11  }
0xbb: {  	s0 =	sor.u32 s1, s0  }
0xbc: {  	s0 =	sadd.s32 $0x8F2B, s0  }
0xbd: {  	[sflag:s0] =	ssyncadd.remote.s32 $0x1  }
0xbe: {  	_ =	sfence.sel $0xFFFF  }
0xbf: {  	[dreg:$0x0] =	wrdreg $0xFFFFFFFF;
	(pc) =	sbr.abs _section_cstart, $3  }
0xc0: {  	[dreg:$0x1] =	wrdreg $0xFFFFFFFF  }
0xc1: {  	_ =	task.clear_ibuf [dreg:s6], $0x2FFFF;
	_ =	strace $0x9FFFFFFF  }
0xc2: {  	(tm) =	ssettm $0x7FFFFFFF  }
0xc3: {  	_ =	shalt  }
tec
execute0_lowered:
.L_overlay_start_1:
0x0: {  	(tag) =	ssettag $0x1  }
0x1: {  	s0 =	rddreg [dreg:$0x0]  }
0x2: {  	s1 =	rddreg [dreg:$0x1]  }
0x3: {  	s12 =	stileid.u32;
	s3 =	srdreg.scid;
	s2 =	simm.s32 $0x0  }
0x4: {  	s16 =	simm.s32 $0x50;
	s17 =	simm.s32 $0x9C40;
	s18 =	simm.s32 $0xA140  }
0x5: {  	s20 =	simm.s32 $0xA640;
	s22 =	simm.s32 $0xAB40;
	s28 =	simm.s32 $0x4  }
0x6: {  	s29 =	simm.s32 $0x5;
	s21 =	simm.s32 $0x9BF0;
	s4 =	smul.u32 $0x9C4, s12  }
0x7: {  	s30 =	simm.s32 $0x0;
	s5 =	sand.u32 $0x1, s3;
	s6 =	smul.u32 $0x9C00, s12  }
0x8: {  	[smem:$0x7FF] =	sst s2;
	s3 =	sadd.s32 $0x16000, s0;
	s8 =	smul.u32 $0x270, s12  }
0x9: {  	s15 =	sadd.s32 $0x27000, s1;
	s31 =	sshll.u32 s12, $0x6;
	p0 =	sne.s32 s12, $0x0  }
0xa: {  	s19 =	smul.u32 $0x2710, s5;
	_ =	strace $0x80000050;
	s23 =	ssub.s32 $0x2, s5  }
0xb: {  	s10 =	smul.u32 $0x27100, s5;
	s13 =	sor.u32 $0x1C06, s31;
	s15 =	sshrl.u32 @!p0 s15, $0x3  }
0xc: {  	s7 =	sadd.s32 s4, s0;
	s0 =	sadd.s32 $0x1FE00, s0;
	s9 =	sshrl.u32 s23, $0x1  }
0xd: {  	s6 =	sshrl.u32 s6, $0x2;
	s11 =	ssub.s32 s23, s9;
	s4 =	sadd.s32 $0x2400, s7  }
0xe: {  	s5 =	sadd.s32 $0xC200, s7;
	s24 =	sadd.s32 s8, s19;
	s25 =	sshrl.u32 s10, $0x3  }
0xf: {  	s14 =	sadd.s32 s6, s1;
	s23 =	simm.s32 $0x1;
	v0 =	vmov s19;
	s19 =	simm.s32 $0x9BA0  }
0x10: {  	s26 =	sshll.u32 s24, $0x1;
	s10 =	sadd.s32 $0x4E00, s25;
	s14 =	sshrl.u32 s14, $0x3  }
0x11: {  	s24 =	simm.s32 $0xB040;
	s25 =	simm.s32 $0x2;
	s6 =	sadd.s32 s3, s26  }
0x12: {  	s7 =	sadd.s32 s3, s10;
	s8 =	sadd.s32 s0, s26;
	s9 =	sadd.s32 s0, s10  }
0x13: {  	s10 =	smax.u32 s11, $0x1;
	s11 =	simm.s32 $0x6;
	s26 =	simm.s32 $0x3  }
.LBB2_1:
0x14: {  	[tilespmem:s2], [sflag:$0x6] =	stream.linear.gather [hbm4b:s4+s2], $0x4E20, $0x38;
	[tilespmem:$0xDC50] =	vst v63  }
0x15: {  	_ =	swait.ge [sflag:s11], $0x4E20  }
0x16: {  	[sflag:s11] =	ssyncset.done $0x0  }
0x17: {  	s0 =	simm.s32 $0x4E20;
	[sflag:s11] =	ssyncadd.s32 $0xFFFFB1E0  }
0x18: {  	[tilespmem:s0], [sflag:$0x6] =	stream.linear.gather [hbm4b:s5+s2], $0x4E20, $0x38;
	[tilespmem:$0xDC50] =	vst v63  }
0x19: {  	_ =	swait.ge [sflag:s11], $0x4E20  }
0x1a: {  	[sflag:s11] =	ssyncset.done $0x0  }
0x1b: {  	s0 =	simm.s32 $0x0;
	[sflag:s11] =	ssyncadd.s32 $0xFFFFB1E0  }
0x1c: {  	v4 =	vld [tilespmem:s0+$0x0]  }
0x1d: {  	v3 =	vld [tilespmem:s0+$0x10]  }
0x1e: {  	v2 =	vld [tilespmem:s0+$0x20]  }
0x1f: {  	s31 =	simm.s32 $0x140;
	v1 =	vld [tilespmem:s0+$0x30]  }
.LBB2_2:
0x20: {  	p1 =	sne.s32 s31, $0x13740;
	v5 =	vld [tilespmem:s0+$0x40]  }
0x21: {  	v4 =	vadd.s32 v0, v4  }
.Ltmp0:
0x22: {  	s12 =	sshra.s32 s31, $0x2;
	[tilespmem:s0+$0x0] =	vst v4;
	v3 =	vadd.s32 v0, v3;
	(pc) =	sbr.rel @p1 .LBB2_2-.Ltmp0, $4  }
0x23: {  	v4 =	vld [tilespmem:s12+$0x0];
	[tilespmem:s0+$0x10] =	vst v3;
	v2 =	vadd.s32 v0, v2  }
0x24: {  	v3 =	vld [tilespmem:s12+$0x10];
	[tilespmem:s0+$0x20] =	vst v2;
	v1 =	vadd.s32 v0, v1  }
0x25: {  	v2 =	vld [tilespmem:s12+$0x20];
	[tilespmem:s0+$0x30] =	vst v1;
	v5 =	vadd.s32 v0, v5  }
0x26: {  	s31 =	sadd.s32 $0x140, s31;
	v1 =	vld [tilespmem:s12+$0x30];
	[tilespmem:s0+$0x40] =	vst v5;
	s0 =	smov.u32 s12  }
0x27: {  	v5 =	vld [tilespmem:s0+$0x40]  }
0x28: {  	v4 =	vadd.s32 v0, v4  }
0x29: {  	[tilespmem:s0+$0x0] =	vst v4;
	v3 =	vadd.s32 v0, v3  }
0x2a: {  	[tilespmem:s0+$0x10] =	vst v3;
	v2 =	vadd.s32 v0, v2  }
0x2b: {  	[tilespmem:s0+$0x20] =	vst v2;
	v1 =	vadd.s32 v0, v1  }
0x2c: {  	[tilespmem:s0+$0x30] =	vst v1;
	v1 =	vadd.s32 v0, v5  }
0x2d: {  	[tilespmem:s0+$0x40] =	vst v1  }
0x2e: {  	[spmem:s14], [sflag:s13] =	dma.local [hbm:s6], $0x4E0  }
0x2f: {  	_ =	swait.ge [sflag:s11], $0x4E0  }
0x30: {  	[sflag:s11] =	ssyncset.done $0x0  }
0x31: {  	s0 =	simm.s32 @!p0 $0x6;
	[sflag:s11] =	ssyncadd.s32 $0xFFFFFB20  }
0x32: {  	[spmem:s15], [sflag:s13] =	dma.local @!p0 [hbm:s7], $0x20  }
0x33: {  	_ =	swait.ge @!p0 [sflag:s0], $0x20  }
0x34: {  	[sflag:s0] =	ssyncset.done @!p0 $0x0  }
0x35: {  	[sflag:s0] =	ssyncadd.s32 @!p0 $0xFFFFFFE0  }
0x36: {  	s12 =	simm.s32 $0x0;
	[bflag:$0x0] =	sbarrier.arrive $0xFFFF  }
0x37: {  	[tilespmem:s17], [sflag:$0x1] =	stream.indirect.gather [hbm4b:s3+s16], $0x10, s12, s16, $0xb8;
	[tilespmem:$0xDC50] =	vst v63  }
0x38: {  	_ = 	snop  }
0x39: {  	[tilespmem:s18], [sflag:$0x2] =	stream.indirect.gather [hbm4b:s3+s16], $0x10, s16, s16, $0xb8;
	[tilespmem:$0xDC50] =	vst v63  }
0x3a: {  	s12 =	simm.s32 $0xA0  }
0x3b: {  	[tilespmem:s20], [sflag:$0x3] =	stream.indirect.gather [hbm4b:s3+s16], $0x10, s12, s16, $0xb8;
	[tilespmem:$0xDC50] =	vst v63  }
0x3c: {  	s12 =	simm.s32 $0xF0  }
0x3d: {  	[tilespmem:s22], [sflag:$0x4] =	stream.indirect.gather [hbm4b:s3+s16], $0x10, s12, s16, $0xb8;
	[tilespmem:$0xDC50] =	vst v63  }
0x3e: {  	_ =	swait.ge [sflag:s23], $0x500  }
0x3f: {  	[sflag:s23] =	ssyncset.done $0x0  }
0x40: {  	s12 =	simm.s32 $0x140;
	[sflag:s23] =	ssyncadd.s32 $0xFFFFFB00  }
0x41: {  	[tilespmem:s24], [sflag:$0x5] =	stream.indirect.gather [hbm4b:s3+s16], $0x10, s12, s16, $0xb8;
	[tilespmem:$0xDC50] =	vst v63  }
0x42: {  	s12 =	simm.s32 $0x4E20  }
0x43: {  	[spmem:s1] =	stream.indirect.scatter.add.f32 [tilespmem:s17], [sflag:$0x6], $0x10, s12, s16, $0xb8;
	[tilespmem:$0xDC50] =	vst v63  }
0x44: {  	_ =	swait.ge [sflag:s11], $0x500  }
0x45: {  	[sflag:s11] =	ssyncset.done $0x0  }
0x46: {  	[sflag:s11] =	ssyncadd.s32 $0xFFFFFB00  }
0x47: {  	_ =	swait.ge [sflag:s25], $0x500  }
0x48: {  	[sflag:s25] =	ssyncset.done $0x0  }
0x49: {  	s12 =	simm.s32 $0x190;
	[sflag:s25] =	ssyncadd.s32 $0xFFFFFB00  }
0x4a: {  	[tilespmem:s17], [sflag:$0x1] =	stream.indirect.gather [hbm4b:s3+s16], $0x10, s12, s16, $0xb8;
	[tilespmem:$0xDC50] =	vst v63  }
0x4b: {  	s12 =	simm.s32 $0x4E70  }
0x4c: {  	[spmem:s1] =	stream.indirect.scatter.add.f32 [tilespmem:s18], [sflag:$0x6], $0x10, s12, s16, $0xb8;
	[tilespmem:$0xDC50] =	vst v63  }
0x4d: {  	_ =	swait.ge [sflag:s11], $0x500  }
0x4e: {  	[sflag:s11] =	ssyncset.done $0x0  }
0x4f: {  	[sflag:s11] =	ssyncadd.s32 $0xFFFFFB00  }
0x50: {  	_ =	swait.ge [sflag:s26], $0x500  }
0x51: {  	[sflag:s26] =	ssyncset.done $0x0  }
0x52: {  	s12 =	simm.s32 $0x1E0;
	[sflag:s26] =	ssyncadd.s32 $0xFFFFFB00  }
0x53: {  	[tilespmem:s18], [sflag:$0x2] =	stream.indirect.gather [hbm4b:s3+s16], $0x10, s12, s16, $0xb8;
	[tilespmem:$0xDC50] =	vst v63  }
0x54: {  	s12 =	simm.s32 $0x4EC0  }
0x55: {  	[spmem:s1] =	stream.indirect.scatter.add.f32 [tilespmem:s20], [sflag:$0x6], $0x10, s12, s16, $0xb8;
	[tilespmem:$0xDC50] =	vst v63  }
0x56: {  	_ =	swait.ge [sflag:s11], $0x500  }
0x57: {  	[sflag:s11] =	ssyncset.done $0x0  }
0x58: {  	[sflag:s11] =	ssyncadd.s32 $0xFFFFFB00  }
0x59: {  	_ =	swait.ge [sflag:s28], $0x500  }
0x5a: {  	[sflag:s28] =	ssyncset.done $0x0  }
0x5b: {  	s12 =	simm.s32 $0x230;
	[sflag:s28] =	ssyncadd.s32 $0xFFFFFB00  }
0x5c: {  	[tilespmem:s20], [sflag:$0x3] =	stream.indirect.gather [hbm4b:s3+s16], $0x10, s12, s16, $0xb8;
	[tilespmem:$0xDC50] =	vst v63  }
0x5d: {  	s12 =	simm.s32 $0x4F10  }
0x5e: {  	[spmem:s1] =	stream.indirect.scatter.add.f32 [tilespmem:s22], [sflag:$0x6], $0x10, s12, s16, $0xb8;
	[tilespmem:$0xDC50] =	vst v63  }
0x5f: {  	_ =	swait.ge [sflag:s11], $0x500  }
0x60: {  	[sflag:s11] =	ssyncset.done $0x0  }
0x61: {  	[sflag:s11] =	ssyncadd.s32 $0xFFFFFB00  }
0x62: {  	_ =	swait.ge [sflag:s29], $0x500  }
0x63: {  	[sflag:s29] =	ssyncset.done $0x0  }
0x64: {  	s12 =	simm.s32 $0x280;
	[sflag:s29] =	ssyncadd.s32 $0xFFFFFB00  }
0x65: {  	[tilespmem:s22], [sflag:$0x4] =	stream.indirect.gather [hbm4b:s3+s16], $0x10, s12, s16, $0xb8;
	[tilespmem:$0xDC50] =	vst v63  }
0x66: {  	s12 =	simm.s32 $0x4F60  }
0x67: {  	[spmem:s1] =	stream.indirect.scatter.add.f32 [tilespmem:s24], [sflag:$0x6], $0x10, s12, s16, $0xb8;
	[tilespmem:$0xDC50] =	vst v63  }
0x68: {  	_ =	swait.ge [sflag:s11], $0x500  }
0x69: {  	s31 =	simm.s32 $0x640;
	[sflag:s11] =	ssyncset.done $0x0  }
.LBB2_4:
0x6a: {  	p1 =	sne.s32 s31, $0x12C00  }
0x6b: {  	[sflag:s11] =	ssyncadd.s32 $0xFFFFFB00;
	s0 =	smov.u32 s31;
	s31 =	sadd.s32 $0x640, s31  }
0x6c: {  	_ = 	snop  }
0x6d: {  	_ =	swait.ge [sflag:s23], $0x500  }
0x6e: {  	s0 =	sshra.s32 s0, $0x2;
	[sflag:s23] =	ssyncset.done $0x0  }
0x6f: {  	s12 =	sadd.s32 $0x140, s0;
	[sflag:s23] =	ssyncadd.s32 $0xFFFFFB00  }
0x70: {  	[tilespmem:s24], [sflag:$0x5] =	stream.indirect.gather [hbm4b:s3+s16], $0x10, s12, s16, $0xb8;
	[tilespmem:$0xDC50] =	vst v63  }
0x71: {  	s12 =	sadd.s32 $0x4E20, s0  }
0x72: {  	[spmem:s1] =	stream.indirect.scatter.add.f32 [tilespmem:s17], [sflag:$0x6], $0x10, s12, s16, $0xb8;
	[tilespmem:$0xDC50] =	vst v63  }
0x73: {  	_ =	swait.ge [sflag:s11], $0x500  }
0x74: {  	[sflag:s11] =	ssyncset.done $0x0  }
0x75: {  	[sflag:s11] =	ssyncadd.s32 $0xFFFFFB00  }
0x76: {  	_ =	swait.ge [sflag:s25], $0x500  }
0x77: {  	[sflag:s25] =	ssyncset.done $0x0  }
0x78: {  	s12 =	sadd.s32 $0x190, s0;
	[sflag:s25] =	ssyncadd.s32 $0xFFFFFB00  }
0x79: {  	[tilespmem:s17], [sflag:$0x1] =	stream.indirect.gather [hbm4b:s3+s16], $0x10, s12, s16, $0xb8;
	[tilespmem:$0xDC50] =	vst v63  }
0x7a: {  	s12 =	sadd.s32 $0x4E70, s0  }
0x7b: {  	[spmem:s1] =	stream.indirect.scatter.add.f32 [tilespmem:s18], [sflag:$0x6], $0x10, s12, s16, $0xb8;
	[tilespmem:$0xDC50] =	vst v63  }
0x7c: {  	_ =	swait.ge [sflag:s11], $0x500  }
0x7d: {  	[sflag:s11] =	ssyncset.done $0x0  }
0x7e: {  	[sflag:s11] =	ssyncadd.s32 $0xFFFFFB00  }
0x7f: {  	_ =	swait.ge [sflag:s26], $0x500  }
0x80: {  	[sflag:s26] =	ssyncset.done $0x0  }
0x81: {  	s12 =	sadd.s32 $0x1E0, s0;
	[sflag:s26] =	ssyncadd.s32 $0xFFFFFB00  }
0x82: {  	[tilespmem:s18], [sflag:$0x2] =	stream.indirect.gather [hbm4b:s3+s16], $0x10, s12, s16, $0xb8;
	[tilespmem:$0xDC50] =	vst v63  }
0x83: {  	s12 =	sadd.s32 $0x4EC0, s0  }
0x84: {  	[spmem:s1] =	stream.indirect.scatter.add.f32 [tilespmem:s20], [sflag:$0x6], $0x10, s12, s16, $0xb8;
	[tilespmem:$0xDC50] =	vst v63  }
0x85: {  	_ =	swait.ge [sflag:s11], $0x500  }
0x86: {  	[sflag:s11] =	ssyncset.done $0x0  }
0x87: {  	[sflag:s11] =	ssyncadd.s32 $0xFFFFFB00  }
0x88: {  	_ =	swait.ge [sflag:s28], $0x500  }
0x89: {  	[sflag:s28] =	ssyncset.done $0x0  }
0x8a: {  	s12 =	sadd.s32 $0x230, s0;
	[sflag:s28] =	ssyncadd.s32 $0xFFFFFB00  }
0x8b: {  	[tilespmem:s20], [sflag:$0x3] =	stream.indirect.gather [hbm4b:s3+s16], $0x10, s12, s16, $0xb8;
	[tilespmem:$0xDC50] =	vst v63  }
0x8c: {  	s12 =	sadd.s32 $0x4F10, s0  }
0x8d: {  	[spmem:s1] =	stream.indirect.scatter.add.f32 [tilespmem:s22], [sflag:$0x6], $0x10, s12, s16, $0xb8;
	[tilespmem:$0xDC50] =	vst v63  }
0x8e: {  	_ =	swait.ge [sflag:s11], $0x500  }
0x8f: {  	[sflag:s11] =	ssyncset.done $0x0  }
0x90: {  	[sflag:s11] =	ssyncadd.s32 $0xFFFFFB00  }
0x91: {  	_ =	swait.ge [sflag:s29], $0x500  }
0x92: {  	[sflag:s29] =	ssyncset.done $0x0  }
0x93: {  	s12 =	sadd.s32 $0x280, s0;
	[sflag:s29] =	ssyncadd.s32 $0xFFFFFB00  }
0x94: {  	[tilespmem:s22], [sflag:$0x4] =	stream.indirect.gather [hbm4b:s3+s16], $0x10, s12, s16, $0xb8;
	[tilespmem:$0xDC50] =	vst v63  }
.Ltmp1:
0x95: {  	_ = 	snop;
	(pc) =	sbr.rel @p1 .LBB2_4-.Ltmp1, $4  }
0x96: {  	s0 =	sadd.s32 $0x4F60, s0  }
0x97: {  	[spmem:s1] =	stream.indirect.scatter.add.f32 [tilespmem:s24], [sflag:$0x6], $0x10, s0, s16, $0xb8;
	[tilespmem:$0xDC50] =	vst v63  }
0x98: {  	_ =	swait.ge [sflag:s11], $0x500  }
0x99: {  	[sflag:s11] =	ssyncset.done $0x0  }
0x9a: {  	[sflag:s11] =	ssyncadd.s32 $0xFFFFFB00  }
0x9b: {  	_ =	swait.ge [sflag:s23], $0x500  }
0x9c: {  	[sflag:s23] =	ssyncset.done $0x0  }
0x9d: {  	s0 =	simm.s32 $0x4DD0;
	[sflag:s23] =	ssyncadd.s32 $0xFFFFFB00  }
0x9e: {  	[tilespmem:s24], [sflag:$0x5] =	stream.indirect.gather [hbm4b:s3+s16], $0x10, s0, s16, $0xb8;
	[tilespmem:$0xDC50] =	vst v63  }
0x9f: {  	s31 =	simm.s32 $0x9AB0  }
0xa0: {  	[spmem:s1] =	stream.indirect.scatter.add.f32 [tilespmem:s17], [sflag:$0x6], $0x10, s31, s16, $0xb8;
	[tilespmem:$0xDC50] =	vst v63  }
0xa1: {  	_ =	swait.ge [sflag:s11], $0x500  }
0xa2: {  	[sflag:s11] =	ssyncset.done $0x0  }
0xa3: {  	[sflag:s11] =	ssyncadd.s32 $0xFFFFFB00  }
0xa4: {  	_ =	swait.ge [sflag:s25], $0x500  }
0xa5: {  	[sflag:s25] =	ssyncset.done $0x0  }
0xa6: {  	s12 =	simm.s32 $0x9B00;
	[sflag:s25] =	ssyncadd.s32 $0xFFFFFB00  }
0xa7: {  	[spmem:s1] =	stream.indirect.scatter.add.f32 [tilespmem:s18], [sflag:$0x6], $0x10, s12, s16, $0xb8;
	[tilespmem:$0xDC50] =	vst v63  }
0xa8: {  	_ =	swait.ge [sflag:s11], $0x500  }
0xa9: {  	[sflag:s11] =	ssyncset.done $0x0  }
0xaa: {  	[sflag:s11] =	ssyncadd.s32 $0xFFFFFB00  }
0xab: {  	_ =	swait.ge [sflag:s26], $0x500  }
0xac: {  	[sflag:s26] =	ssyncset.done $0x0  }
0xad: {  	s31 =	simm.s32 $0x9B50;
	[sflag:s26] =	ssyncadd.s32 $0xFFFFFB00  }
0xae: {  	[spmem:s1] =	stream.indirect.scatter.add.f32 [tilespmem:s20], [sflag:$0x6], $0x10, s31, s16, $0xb8;
	[tilespmem:$0xDC50] =	vst v63  }
0xaf: {  	_ =	swait.ge [sflag:s11], $0x500  }
0xb0: {  	[sflag:s11] =	ssyncset.done $0x0  }
0xb1: {  	[sflag:s11] =	ssyncadd.s32 $0xFFFFFB00  }
0xb2: {  	_ =	swait.ge [sflag:s28], $0x500  }
0xb3: {  	[sflag:s28] =	ssyncset.done $0x0  }
0xb4: {  	[sflag:s28] =	ssyncadd.s32 $0xFFFFFB00  }
0xb5: {  	[spmem:s1] =	stream.indirect.scatter.add.f32 [tilespmem:s22], [sflag:$0x6], $0x10, s19, s16, $0xb8;
	[tilespmem:$0xDC50] =	vst v63  }
0xb6: {  	_ =	swait.ge [sflag:s11], $0x500  }
0xb7: {  	[sflag:s11] =	ssyncset.done $0x0  }
0xb8: {  	[sflag:s11] =	ssyncadd.s32 $0xFFFFFB00  }
0xb9: {  	_ =	swait.ge [sflag:s29], $0x500  }
0xba: {  	[sflag:s29] =	ssyncset.done $0x0  }
0xbb: {  	[sflag:s29] =	ssyncadd.s32 $0xFFFFFB00  }
0xbc: {  	[spmem:s1] =	stream.indirect.scatter.add.f32 [tilespmem:s24], [sflag:$0x6], $0x10, s21, s16, $0xb8;
	[tilespmem:$0xDC50] =	vst v63  }
0xbd: {  	_ =	swait.ge [sflag:s11], $0x500  }
0xbe: {  	[sflag:s11] =	ssyncset.done $0x0  }
0xbf: {  	[sflag:s11] =	ssyncadd.s32 $0xFFFFFB00  }
0xc0: {  	[bflag:$0x0] =	sbarrier.arrive $0xFFFF  }
0xc1: {  	[hbm:s8], [sflag:s13] =	dma.local [spmem:s14], $0x4E0  }
0xc2: {  	s30 =	sadd.s32 $0x1, s30;
	_ =	swait.ge [sflag:s11], $0x4E0  }
0xc3: {  	p1 =	sne.s32 s30, s10;
	[sflag:s11] =	ssyncset.done $0x0  }
.Ltmp2:
0xc4: {  	s0 =	simm.s32 @!p0 $0x6;
	[sflag:s11] =	ssyncadd.s32 $0xFFFFFB20;
	(pc) =	sbr.rel @p1 .LBB2_1-.Ltmp2, $4  }
0xc5: {  	[hbm:s9], [sflag:s13] =	dma.local @!p0 [spmem:s15], $0x20  }
0xc6: {  	_ =	swait.ge @!p0 [sflag:s0], $0x20  }
0xc7: {  	[sflag:s0] =	ssyncset.done @!p0 $0x0  }
0xc8: {  	[sflag:s0] =	ssyncadd.s32 @!p0 $0xFFFFFFE0  }
0xc9: {  	_ =	sfence.sel $0x180000  }
0xca: {  	[bflag:$0x0] =	sbarrier.arrive $0xFFFF  }
0xcb: {  	_ =	strace $0x90000050  }
0xcc: {  	[bflag:$0x2] =	sbarrier.arrive $0xFFFF  }
0xcd: {  	s0 =	rddreg [dreg:$0x2]  }
0xce: {  	s0 =	sadd.s32 @!p0 $0x100000, s0  }
0xcf: {  	[sflag:s0] =	ssyncadd.tile.s32 @!p0 $0x1;
	_ =	shalt  }
.Lfunc_end2:
_tile_overlayer_lowered:
.L_overlay_start_2:
0xd0: {  	(tag) =	ssettag $0x2  }
0xd1: {  	s0 =	rddreg [dreg:$0x0];
	s2 =	stileid.u32  }
0xd2: {  	s1 =	rddreg [dreg:$0x1];
	p0 =	sne.s32 s2, $0x0  }
0xd3: {  	s3 =	rddreg [dreg:$0x2];
	[bflag:$0x3] =	sbarrier.arrive $0xFFFF;
	s2 =	simm.s32 @!p0 $0x1C06  }
0xd4: {  	[timem:s3], [sflag:s2] =	dma.local @!p0 [hbm:s0], s1  }
0xd5: {  	s0 =	simm.s32 @!p0 $0x6  }
0xd6: {  	_ =	swait.ge @!p0 [sflag:s0], s1  }
0xd7: {  	s1 =	ssub.s32 @!p0 $0x0, s1;
	[sflag:s0] =	ssyncset.done @!p0 $0x0  }
0xd8: {  	[sflag:s0] =	ssyncadd.s32 @!p0 s1  }
0xd9: {  	[bflag:$0x3] =	sbarrier.arrive $0xFFFF  }
0xda: {  	_ =	shalt  }

</sc_bundles>
